<compile_context>
chip_gen: v7x
topology: tpu7x:2x2x1
jax: 0.10.2.dev20260603
libtpu: 0.0.44.dev20260713+nightly
codegen_flags: <defaults>
</compile_context>

<pallas_src>
import functools
import math

import jax
import jax.numpy as jnp
from jax import lax
from jax.experimental import pallas as pl
from jax.experimental.pallas import tpu as pltpu
from jax.experimental.pallas import tpu_sc as plsc

N = 50000
D = 256
B = 1024

NC = 2
NS = 16
L = 16
NW = NC * NS
NJ = D // L

BLK = 80
NBLK = N // BLK
KMAX = math.ceil(NBLK / NW)
KMAX_ALL = KMAX + 2
SENT = B
BASE_BLKS = NBLK // NW
EXTRA = NBLK - BASE_BLKS * NW
SEG_PER_TILE = B // NS

RB = 2000
HALF0 = 26000


def _gate_body(x_ref, w_ref, b_ref, o_ref):
    x = x_ref[...]
    w = w_ref[...]
    s = jnp.sum(x * w, axis=1) + b_ref[0, 0]
    o_ref[...] = jax.nn.sigmoid(s)[None, None, :]


def _sc_body(row_lo, nblk):
  def _sc_pool_body(feats_hbm, w_hbm, seg_hbm, part_hbm, brow_hbm, bid_hbm,
                    rows_a, rows_b, w_a, w_b, idx_a, idx_b,
                    stage_v, bnd_v, ids_v, zbuf, acc_sh, sem_a, sem_b):
      cid = lax.axis_index("c")
      sid = lax.axis_index("s")
      wid = cid * NS + sid

      rows_bufs = (rows_a, rows_b)
      w_bufs = (w_a, w_b)
      idx_bufs = (idx_a, idx_b)
      sems = (sem_a, sem_b)

      def zchunk(i, carry):
          zbuf[pl.ds(i * L, L)] = jnp.zeros((L,), jnp.float32)
          return carry

      lax.fori_loop(0, (SEG_PER_TILE * D) // L, zchunk, 0)
      for j in range(2 * NJ):
          bnd_v[pl.ds(j * L, L)] = jnp.zeros((L,), jnp.float32)
      pltpu.sync_copy(zbuf, acc_sh.at[pl.ds(sid * SEG_PER_TILE * D,
                                            SEG_PER_TILE * D)])
      plsc.subcore_barrier()

      base_blks = nblk // NW
      extra = nblk - base_blks * NW
      start = wid * base_blks + jnp.minimum(wid, extra)
      count = base_blks + jnp.where(wid < extra, 1, 0)

      def fire(k, p):
          lbase = (start + k) * BLK
          base = row_lo + lbase

          @pl.when(k < count)
          def _():
              pltpu.async_copy(feats_hbm.at[pl.ds(base, BLK)], rows_bufs[p],
                               sems[p])
              pltpu.async_copy(w_hbm.at[pl.ds(lbase, BLK)],
                               w_bufs[p].at[pl.ds(0, BLK)], sems[p])
              pltpu.async_copy(seg_hbm.at[pl.ds(base, BLK)],
                               idx_bufs[p].at[pl.ds(0, BLK)], sems[p])

      def wait_blk(k, p):
          lbase = (start + k) * BLK
          base = row_lo + lbase

          @pl.when(k < count)
          def _():
              pltpu.make_async_copy(feats_hbm.at[pl.ds(base, BLK)],
                                    rows_bufs[p], sems[p]).wait()
              pltpu.make_async_copy(w_hbm.at[pl.ds(lbase, BLK)],
                                    w_bufs[p].at[pl.ds(0, BLK)], sems[p]).wait()
              pltpu.make_async_copy(seg_hbm.at[pl.ds(base, BLK)],
                                    idx_bufs[p].at[pl.ds(0, BLK)], sems[p]).wait()

          @pl.when(k >= count)
          def _():
              for c in range((BLK + L) // L):
                  w_bufs[p][pl.ds(c * L, L)] = jnp.zeros((L,), jnp.float32)
                  idx_bufs[p][pl.ds(c * L, L)] = jnp.full((L,), SENT, jnp.int32)

      def process_block(p, carry):
          rv, wv_ref, iv = rows_bufs[p], w_bufs[p], idx_bufs[p]

          def row_body(r, c2):
              prev, seg0 = c2[0], c2[1]
              acc = c2[2:]
              gate = lax.broadcast(wv_ref[pl.ds(r, L)][0], (L,))
              sid_r = iv[pl.ds(r, L)][0]
              rows = [rv[r, pl.ds(j * L, L)] for j in range(NJ)]

              same = sid_r == prev
              do_flush = jnp.logical_and(jnp.logical_not(same), prev >= 0)

              @pl.when(do_flush)
              def _():
                  @pl.when(prev == seg0)
                  def _():
                      for j in range(NJ):
                          bnd_v[pl.ds(j * L, L)] = acc[j]

                  @pl.when(jnp.logical_and(prev != seg0, sid_r >= SENT))
                  def _():
                      for j in range(NJ):
                          bnd_v[pl.ds(D + j * L, L)] = acc[j]
                      ids_v[pl.ds(0, L)] = jnp.where(
                          lax.iota(jnp.int32, L) == 1, prev, 0)

                  @pl.when(jnp.logical_and(prev != seg0, sid_r < SENT))
                  def _():
                      for j in range(NJ):
                          stage_v[pl.ds(j * L, L)] = acc[j]
                      pltpu.sync_copy(stage_v, acc_sh.at[pl.ds(prev * D, D)])

              keep_v = lax.broadcast(
                  jnp.where(same, 1.0, 0.0).astype(jnp.float32), (L,))
              new_acc = tuple(acc[j] * keep_v + gate * rows[j]
                              for j in range(NJ))
              return (sid_r, jnp.where(prev < 0, sid_r, seg0)) + new_acc

          return lax.fori_loop(0, BLK, row_body, carry)

      ids_v[pl.ds(0, L)] = jnp.zeros((L,), jnp.int32)
      zero_acc = tuple(jnp.zeros((L,), jnp.float32) for _ in range(NJ))
      carry = (jnp.int32(-1), jnp.int32(-1)) + zero_acc

      fire(0, 0)
      fire(1, 1)

      def pair_body(k2, carry):
          k = k2 * 2
          wait_blk(k, 0)
          carry = process_block(0, carry)
          fire(k + 2, 0)
          wait_blk(k + 1, 1)
          carry = process_block(1, carry)
          fire(k + 3, 1)
          return carry

      kall = -2 * (-(nblk // NW + 3) // 2)
      carry = lax.fori_loop(0, kall // 2, pair_body, carry)

      seg0 = carry[1]
      lanes = lax.iota(jnp.int32, L)
      ids_v[pl.ds(0, L)] = jnp.where(lanes == 0, seg0, ids_v[pl.ds(0, L)])

      pltpu.sync_copy(bnd_v, brow_hbm.at[pl.ds(wid * 2 * D, 2 * D)])
      pltpu.sync_copy(ids_v, bid_hbm.at[wid])

      plsc.subcore_barrier()
      pltpu.sync_copy(
          acc_sh.at[pl.ds(sid * SEG_PER_TILE * D, SEG_PER_TILE * D)],
          part_hbm.at[cid, pl.ds(sid * SEG_PER_TILE * D, SEG_PER_TILE * D)],
      )


  return _sc_pool_body


def _make_sc_pool(row_lo, nblk):
    return pl.kernel(
        _sc_body(row_lo, nblk),
        out_type=(
            jax.ShapeDtypeStruct((NC, B * D), jnp.float32),
            jax.ShapeDtypeStruct((NW * 2 * D,), jnp.float32),
            jax.ShapeDtypeStruct((NW, L), jnp.int32),
        ),
        mesh=plsc.VectorSubcoreMesh(
            core_axis_name="c", subcore_axis_name="s", num_cores=NC,
            num_subcores=NS,
        ),
        scratch_types=[
            pltpu.VMEM((BLK, D), jnp.float32),
            pltpu.VMEM((BLK, D), jnp.float32),
            pltpu.VMEM((BLK + L,), jnp.float32),
            pltpu.VMEM((BLK + L,), jnp.float32),
            pltpu.VMEM((BLK + L,), jnp.int32),
            pltpu.VMEM((BLK + L,), jnp.int32),
            pltpu.VMEM((D,), jnp.float32),
            pltpu.VMEM((2 * D,), jnp.float32),
            pltpu.VMEM((L,), jnp.int32),
            pltpu.VMEM((SEG_PER_TILE * D,), jnp.float32),
            pltpu.VMEM_SHARED((B * D,), jnp.float32),
            pltpu.SemaphoreType.DMA,
            pltpu.SemaphoreType.DMA,
        ],
    )


def _combine_body(p0_ref, p1_ref, rows0_ref, rows1_ref, ids0_ref, ids1_ref,
                  o_ref):
    iota_b = lax.broadcasted_iota(jnp.int32, (B, 2 * NW), 0)
    oh0 = (iota_b == ids0_ref[...]).astype(jnp.float32)
    oh1 = (iota_b == ids1_ref[...]).astype(jnp.float32)
    bnd = (jnp.dot(oh0, rows0_ref[...], preferred_element_type=jnp.float32)
           + jnp.dot(oh1, rows1_ref[...], preferred_element_type=jnp.float32))
    o_ref[...] = p0_ref[0] + p0_ref[1] + p1_ref[0] + p1_ref[1] + bnd


def kernel(feats, segment_ids, W, b):
    seg_i32 = segment_ids.astype(jnp.int32)
    w_r = W.reshape(1, D)
    b_r = b.reshape(1, 1)

    def gate_half(off, nb):
        return pl.pallas_call(
            _gate_body,
            grid=(nb,),
            in_specs=[
                pl.BlockSpec((RB, D), lambda i: (i + off, 0)),
                pl.BlockSpec((1, D), lambda i: (0, 0)),
                pl.BlockSpec((1, 1), lambda i: (0, 0)),
            ],
            out_specs=pl.BlockSpec((1, 1, RB), lambda i: (i, 0, 0)),
            out_shape=jax.ShapeDtypeStruct((nb, 1, RB), jnp.float32),
        )(feats, w_r, b_r)

    nb0 = HALF0 // RB
    nb1 = (N - HALF0) // RB
    w0 = gate_half(0, nb0).reshape(HALF0)
    w1 = gate_half(nb0, nb1).reshape(N - HALF0)

    p0, brow0, bid0 = _make_sc_pool(0, HALF0 // BLK)(feats, w0, seg_i32)
    p1, brow1, bid1 = _make_sc_pool(HALF0, (N - HALF0) // BLK)(
        feats, w1, seg_i32)

    out = pl.pallas_call(
        _combine_body,
        out_shape=jax.ShapeDtypeStruct((B, D), jnp.float32),
    )(p0.reshape(NC, B, D), p1.reshape(NC, B, D),
      brow0.reshape(NW * 2, D), brow1.reshape(NW * 2, D),
      bid0[:, :2].reshape(1, 2 * NW), bid1[:, :2].reshape(1, 2 * NW))
    return out

# --- scband reference (transcript-rebuilt; emitter-appended) ---
"""Pipeline reference for scband-weight-and-sum-88708254531843 (READ-ONLY COPY).

The authoritative reference and input builder live on the scoring server;
editing this copy changes nothing except your own understanding.
"""

import jax, jax.numpy as jnp
import numpy as np

N = 50000
D = 256
B = 1024

def setup_inputs(seed: int = 0) -> dict:
    key = jax.random.key(seed)
    k1, k2, k3, k4 = jax.random.split(key, 4)
    feats = jax.random.normal(k1, (N, D), dtype=jnp.float32)
    segment_ids = jnp.sort(jax.random.randint(k2, (N,), 0, B, dtype=jnp.int64))
    # Parameters of nn.Linear(in_feats, 1): weight [1, D], bias [1]
    bound = 1.0 / np.sqrt(D)
    W = jax.random.uniform(k3, (D, 1), dtype=jnp.float32, minval=-bound, maxval=bound)
    b = jax.random.uniform(k4, (1,), dtype=jnp.float32, minval=-bound, maxval=bound)
    return {"feats": feats, "segment_ids": segment_ids, "W": W, "b": b}

def reference(feats, segment_ids, W, b):
    # atom_weighting: Linear(in_feats, 1) followed by Sigmoid
    w = jax.nn.sigmoid(feats @ W + b)  # [N, 1]
    # dgl.sum_nodes(bg, 'h', 'w'): weighted sum of node feats per graph
    weighted = feats * w  # [N, D]
    h_g_sum = jax.ops.segment_sum(weighted, segment_ids, num_segments=B)  # [B, D]
    return h_g_sum

if __name__ == "__main__":
    import jax
    _d = setup_inputs()
    print(jax.jit(kernel)(*tuple(_d.values())))

</pallas_src>

<mosaic_0001>
#map = affine_map<(d0, d1) -> (0, 0)>
#map1 = affine_map<(d0, d1) -> (0)>
module attributes {stable_mosaic.version = 14 : i64} {
  func.func @_sc_pool_body(%arg0: i32, %arg1: i32, %arg2: memref<50000x256xf32, #tpu.memory_space<hbm>>, %arg3: memref<24000xf32, #tpu.memory_space<hbm>>, %arg4: memref<50000xi32, #tpu.memory_space<hbm>>, %arg5: memref<2x262144xf32, #tpu.memory_space<hbm>>, %arg6: memref<16384xf32, #tpu.memory_space<hbm>>, %arg7: memref<32x16xi32, #tpu.memory_space<hbm>>, %arg8: memref<80x256xf32, #tpu.memory_space<vmem>>, %arg9: memref<80x256xf32, #tpu.memory_space<vmem>>, %arg10: memref<96xf32, #tpu.memory_space<vmem>>, %arg11: memref<96xf32, #tpu.memory_space<vmem>>, %arg12: memref<96xi32, #tpu.memory_space<vmem>>, %arg13: memref<96xi32, #tpu.memory_space<vmem>>, %arg14: memref<256xf32, #tpu.memory_space<vmem>>, %arg15: memref<512xf32, #tpu.memory_space<vmem>>, %arg16: memref<16xi32, #tpu.memory_space<vmem>>, %arg17: memref<16384xf32, #tpu.memory_space<vmem>>, %arg18: memref<262144xf32, #tpu.memory_space<vmem_shared>>, %arg19: memref<!tpu.dma_semaphore, #tpu.memory_space<semaphore_mem>>, %arg20: memref<!tpu.dma_semaphore, #tpu.memory_space<semaphore_mem>>) attributes {dimension_semantics = [#tpu.dimension_semantics<core_parallel>, #tpu.dimension_semantics<subcore_parallel>], iteration_bounds = array<i64: 2, 16>, scalar_prefetch = 0 : i64, scratch_operands = 13 : i64, tpu.core_type = #tpu.core_type<sc_vector_subcore>, window_params = [{transform_indices = #map}, {transform_indices = #map1}, {transform_indices = #map1}, {transform_indices = #map}, {transform_indices = #map1}, {transform_indices = #map}]} {
    %mul3A = arith.constant 16 : i32
    %mul3A_0 = arith.muli %arg0, %mul3A : i32
    %add3A = arith.addi %mul3A_0, %arg1 : i32
    %scan3A = arith.constant 0 : i32
    %scan3A_1 = arith.constant 0 : i32
    %scan3A_2 = arith.constant 1024 : i32
    %scan3A_3 = arith.addi %scan3A_1, %scan3A_2 : i32
    %scan3A_4 = arith.constant 1 : i32
    scf.for %scan3A_296 = %scan3A_1 to %scan3A_3 step %scan3A_4  : i32 {
      %broadcast_in_dim3A_297 = arith.constant 0.000000e+00 : f32
      %broadcast_in_dim3A_298 = vector.broadcast %broadcast_in_dim3A_297 : f32 to vector<16xf32>
      %mul3A_299 = arith.constant 16 : i32
      %mul3A_300 = arith.muli %scan3A_296, %mul3A_299 : i32
      %swap3A_301 = arith.index_cast %mul3A_300 : i32 to index
      %swap3A_302 = tpu.vector_load %arg17[%swap3A_301] {strides = array<i32>} : memref<16384xf32, #tpu.memory_space<vmem>>, vector<16xf32>,
      %swap3A_303 = vector.shape_cast %swap3A_302 : vector<16xf32> to vector<16xf32>
      %swap3A_304 = vector.shape_cast %broadcast_in_dim3A_298 : vector<16xf32> to vector<16xf32>
      tpu.vector_store %arg17[%swap3A_301], %swap3A_304 {strides = array<i32>} : memref<16384xf32, #tpu.memory_space<vmem>>, vector<16xf32>,
    }
    %scan3A_5 = arith.constant 1024 : i32
    %broadcast_in_dim3A = arith.constant 0.000000e+00 : f32
    %broadcast_in_dim3A_6 = vector.broadcast %broadcast_in_dim3A : f32 to vector<16xf32>
    %swap3A = arith.constant 0 : index
    %swap3A_7 = tpu.vector_load %arg15[%swap3A] {strides = array<i32>} : memref<512xf32, #tpu.memory_space<vmem>>, vector<16xf32>,
    %swap3A_8 = vector.shape_cast %swap3A_7 : vector<16xf32> to vector<16xf32>
    %swap3A_9 = vector.shape_cast %broadcast_in_dim3A_6 : vector<16xf32> to vector<16xf32>
    tpu.vector_store %arg15[%swap3A], %swap3A_9 {strides = array<i32>} : memref<512xf32, #tpu.memory_space<vmem>>, vector<16xf32>,
    %broadcast_in_dim3A_10 = arith.constant 0.000000e+00 : f32
    %broadcast_in_dim3A_11 = vector.broadcast %broadcast_in_dim3A_10 : f32 to vector<16xf32>
    %swap3A_12 = arith.constant 16 : index
    %swap3A_13 = tpu.vector_load %arg15[%swap3A_12] {strides = array<i32>} : memref<512xf32, #tpu.memory_space<vmem>>, vector<16xf32>,
    %swap3A_14 = vector.shape_cast %swap3A_13 : vector<16xf32> to vector<16xf32>
    %swap3A_15 = vector.shape_cast %broadcast_in_dim3A_11 : vector<16xf32> to vector<16xf32>
    tpu.vector_store %arg15[%swap3A_12], %swap3A_15 {strides = array<i32>} : memref<512xf32, #tpu.memory_space<vmem>>, vector<16xf32>,
    %broadcast_in_dim3A_16 = arith.constant 0.000000e+00 : f32
    %broadcast_in_dim3A_17 = vector.broadcast %broadcast_in_dim3A_16 : f32 to vector<16xf32>
    %swap3A_18 = arith.constant 32 : index
    %swap3A_19 = tpu.vector_load %arg15[%swap3A_18] {strides = array<i32>} : memref<512xf32, #tpu.memory_space<vmem>>, vector<16xf32>,
    %swap3A_20 = vector.shape_cast %swap3A_19 : vector<16xf32> to vector<16xf32>
    %swap3A_21 = vector.shape_cast %broadcast_in_dim3A_17 : vector<16xf32> to vector<16xf32>
    tpu.vector_store %arg15[%swap3A_18], %swap3A_21 {strides = array<i32>} : memref<512xf32, #tpu.memory_space<vmem>>, vector<16xf32>,
    %broadcast_in_dim3A_22 = arith.constant 0.000000e+00 : f32
    %broadcast_in_dim3A_23 = vector.broadcast %broadcast_in_dim3A_22 : f32 to vector<16xf32>
    %swap3A_24 = arith.constant 48 : index
    %swap3A_25 = tpu.vector_load %arg15[%swap3A_24] {strides = array<i32>} : memref<512xf32, #tpu.memory_space<vmem>>, vector<16xf32>,
    %swap3A_26 = vector.shape_cast %swap3A_25 : vector<16xf32> to vector<16xf32>
    %swap3A_27 = vector.shape_cast %broadcast_in_dim3A_23 : vector<16xf32> to vector<16xf32>
    tpu.vector_store %arg15[%swap3A_24], %swap3A_27 {strides = array<i32>} : memref<512xf32, #tpu.memory_space<vmem>>, vector<16xf32>,
    %broadcast_in_dim3A_28 = arith.constant 0.000000e+00 : f32
    %broadcast_in_dim3A_29 = vector.broadcast %broadcast_in_dim3A_28 : f32 to vector<16xf32>
    %swap3A_30 = arith.constant 64 : index
    %swap3A_31 = tpu.vector_load %arg15[%swap3A_30] {strides = array<i32>} : memref<512xf32, #tpu.memory_space<vmem>>, vector<16xf32>,
    %swap3A_32 = vector.shape_cast %swap3A_31 : vector<16xf32> to vector<16xf32>
    %swap3A_33 = vector.shape_cast %broadcast_in_dim3A_29 : vector<16xf32> to vector<16xf32>
    tpu.vector_store %arg15[%swap3A_30], %swap3A_33 {strides = array<i32>} : memref<512xf32, #tpu.memory_space<vmem>>, vector<16xf32>,
    %broadcast_in_dim3A_34 = arith.constant 0.000000e+00 : f32
    %broadcast_in_dim3A_35 = vector.broadcast %broadcast_in_dim3A_34 : f32 to vector<16xf32>
    %swap3A_36 = arith.constant 80 : index
    %swap3A_37 = tpu.vector_load %arg15[%swap3A_36] {strides = array<i32>} : memref<512xf32, #tpu.memory_space<vmem>>, vector<16xf32>,
    %swap3A_38 = vector.shape_cast %swap3A_37 : vector<16xf32> to vector<16xf32>
    %swap3A_39 = vector.shape_cast %broadcast_in_dim3A_35 : vector<16xf32> to vector<16xf32>
    tpu.vector_store %arg15[%swap3A_36], %swap3A_39 {strides = array<i32>} : memref<512xf32, #tpu.memory_space<vmem>>, vector<16xf32>,
    %broadcast_in_dim3A_40 = arith.constant 0.000000e+00 : f32
    %broadcast_in_dim3A_41 = vector.broadcast %broadcast_in_dim3A_40 : f32 to vector<16xf32>
    %swap3A_42 = arith.constant 96 : index
    %swap3A_43 = tpu.vector_load %arg15[%swap3A_42] {strides = array<i32>} : memref<512xf32, #tpu.memory_space<vmem>>, vector<16xf32>,
    %swap3A_44 = vector.shape_cast %swap3A_43 : vector<16xf32> to vector<16xf32>
    %swap3A_45 = vector.shape_cast %broadcast_in_dim3A_41 : vector<16xf32> to vector<16xf32>
    tpu.vector_store %arg15[%swap3A_42], %swap3A_45 {strides = array<i32>} : memref<512xf32, #tpu.memory_space<vmem>>, vector<16xf32>,
    %broadcast_in_dim3A_46 = arith.constant 0.000000e+00 : f32
    %broadcast_in_dim3A_47 = vector.broadcast %broadcast_in_dim3A_46 : f32 to vector<16xf32>
    %swap3A_48 = arith.constant 112 : index
    %swap3A_49 = tpu.vector_load %arg15[%swap3A_48] {strides = array<i32>} : memref<512xf32, #tpu.memory_space<vmem>>, vector<16xf32>,
    %swap3A_50 = vector.shape_cast %swap3A_49 : vector<16xf32> to vector<16xf32>
    %swap3A_51 = vector.shape_cast %broadcast_in_dim3A_47 : vector<16xf32> to vector<16xf32>
    tpu.vector_store %arg15[%swap3A_48], %swap3A_51 {strides = array<i32>} : memref<512xf32, #tpu.memory_space<vmem>>, vector<16xf32>,
    %broadcast_in_dim3A_52 = arith.constant 0.000000e+00 : f32
    %broadcast_in_dim3A_53 = vector.broadcast %broadcast_in_dim3A_52 : f32 to vector<16xf32>
    %swap3A_54 = arith.constant 128 : index
    %swap3A_55 = tpu.vector_load %arg15[%swap3A_54] {strides = array<i32>} : memref<512xf32, #tpu.memory_space<vmem>>, vector<16xf32>,
    %swap3A_56 = vector.shape_cast %swap3A_55 : vector<16xf32> to vector<16xf32>
    %swap3A_57 = vector.shape_cast %broadcast_in_dim3A_53 : vector<16xf32> to vector<16xf32>
    tpu.vector_store %arg15[%swap3A_54], %swap3A_57 {strides = array<i32>} : memref<512xf32, #tpu.memory_space<vmem>>, vector<16xf32>,
    %broadcast_in_dim3A_58 = arith.constant 0.000000e+00 : f32
    %broadcast_in_dim3A_59 = vector.broadcast %broadcast_in_dim3A_58 : f32 to vector<16xf32>
    %swap3A_60 = arith.constant 144 : index
    %swap3A_61 = tpu.vector_load %arg15[%swap3A_60] {strides = array<i32>} : memref<512xf32, #tpu.memory_space<vmem>>, vector<16xf32>,
    %swap3A_62 = vector.shape_cast %swap3A_61 : vector<16xf32> to vector<16xf32>
    %swap3A_63 = vector.shape_cast %broadcast_in_dim3A_59 : vector<16xf32> to vector<16xf32>
    tpu.vector_store %arg15[%swap3A_60], %swap3A_63 {strides = array<i32>} : memref<512xf32, #tpu.memory_space<vmem>>, vector<16xf32>,
    %broadcast_in_dim3A_64 = arith.constant 0.000000e+00 : f32
    %broadcast_in_dim3A_65 = vector.broadcast %broadcast_in_dim3A_64 : f32 to vector<16xf32>
    %swap3A_66 = arith.constant 160 : index
    %swap3A_67 = tpu.vector_load %arg15[%swap3A_66] {strides = array<i32>} : memref<512xf32, #tpu.memory_space<vmem>>, vector<16xf32>,
    %swap3A_68 = vector.shape_cast %swap3A_67 : vector<16xf32> to vector<16xf32>
    %swap3A_69 = vector.shape_cast %broadcast_in_dim3A_65 : vector<16xf32> to vector<16xf32>
    tpu.vector_store %arg15[%swap3A_66], %swap3A_69 {strides = array<i32>} : memref<512xf32, #tpu.memory_space<vmem>>, vector<16xf32>,
    %broadcast_in_dim3A_70 = arith.constant 0.000000e+00 : f32
    %broadcast_in_dim3A_71 = vector.broadcast %broadcast_in_dim3A_70 : f32 to vector<16xf32>
    %swap3A_72 = arith.constant 176 : index
    %swap3A_73 = tpu.vector_load %arg15[%swap3A_72] {strides = array<i32>} : memref<512xf32, #tpu.memory_space<vmem>>, vector<16xf32>,
    %swap3A_74 = vector.shape_cast %swap3A_73 : vector<16xf32> to vector<16xf32>
    %swap3A_75 = vector.shape_cast %broadcast_in_dim3A_71 : vector<16xf32> to vector<16xf32>
    tpu.vector_store %arg15[%swap3A_72], %swap3A_75 {strides = array<i32>} : memref<512xf32, #tpu.memory_space<vmem>>, vector<16xf32>,
    %broadcast_in_dim3A_76 = arith.constant 0.000000e+00 : f32
    %broadcast_in_dim3A_77 = vector.broadcast %broadcast_in_dim3A_76 : f32 to vector<16xf32>
    %swap3A_78 = arith.constant 192 : index
    %swap3A_79 = tpu.vector_load %arg15[%swap3A_78] {strides = array<i32>} : memref<512xf32, #tpu.memory_space<vmem>>, vector<16xf32>,
    %swap3A_80 = vector.shape_cast %swap3A_79 : vector<16xf32> to vector<16xf32>
    %swap3A_81 = vector.shape_cast %broadcast_in_dim3A_77 : vector<16xf32> to vector<16xf32>
    tpu.vector_store %arg15[%swap3A_78], %swap3A_81 {strides = array<i32>} : memref<512xf32, #tpu.memory_space<vmem>>, vector<16xf32>,
    %broadcast_in_dim3A_82 = arith.constant 0.000000e+00 : f32
    %broadcast_in_dim3A_83 = vector.broadcast %broadcast_in_dim3A_82 : f32 to vector<16xf32>
    %swap3A_84 = arith.constant 208 : index
    %swap3A_85 = tpu.vector_load %arg15[%swap3A_84] {strides = array<i32>} : memref<512xf32, #tpu.memory_space<vmem>>, vector<16xf32>,
    %swap3A_86 = vector.shape_cast %swap3A_85 : vector<16xf32> to vector<16xf32>
    %swap3A_87 = vector.shape_cast %broadcast_in_dim3A_83 : vector<16xf32> to vector<16xf32>
    tpu.vector_store %arg15[%swap3A_84], %swap3A_87 {strides = array<i32>} : memref<512xf32, #tpu.memory_space<vmem>>, vector<16xf32>,
    %broadcast_in_dim3A_88 = arith.constant 0.000000e+00 : f32
    %broadcast_in_dim3A_89 = vector.broadcast %broadcast_in_dim3A_88 : f32 to vector<16xf32>
    %swap3A_90 = arith.constant 224 : index
    %swap3A_91 = tpu.vector_load %arg15[%swap3A_90] {strides = array<i32>} : memref<512xf32, #tpu.memory_space<vmem>>, vector<16xf32>,
    %swap3A_92 = vector.shape_cast %swap3A_91 : vector<16xf32> to vector<16xf32>
    %swap3A_93 = vector.shape_cast %broadcast_in_dim3A_89 : vector<16xf32> to vector<16xf32>
    tpu.vector_store %arg15[%swap3A_90], %swap3A_93 {strides = array<i32>} : memref<512xf32, #tpu.memory_space<vmem>>, vector<16xf32>,
    %broadcast_in_dim3A_94 = arith.constant 0.000000e+00 : f32
    %broadcast_in_dim3A_95 = vector.broadcast %broadcast_in_dim3A_94 : f32 to vector<16xf32>
    %swap3A_96 = arith.constant 240 : index
    %swap3A_97 = tpu.vector_load %arg15[%swap3A_96] {strides = array<i32>} : memref<512xf32, #tpu.memory_space<vmem>>, vector<16xf32>,
    %swap3A_98 = vector.shape_cast %swap3A_97 : vector<16xf32> to vector<16xf32>
    %swap3A_99 = vector.shape_cast %broadcast_in_dim3A_95 : vector<16xf32> to vector<16xf32>
    tpu.vector_store %arg15[%swap3A_96], %swap3A_99 {strides = array<i32>} : memref<512xf32, #tpu.memory_space<vmem>>, vector<16xf32>,
    %broadcast_in_dim3A_100 = arith.constant 0.000000e+00 : f32
    %broadcast_in_dim3A_101 = vector.broadcast %broadcast_in_dim3A_100 : f32 to vector<16xf32>
    %swap3A_102 = arith.constant 256 : index
    %swap3A_103 = tpu.vector_load %arg15[%swap3A_102] {strides = array<i32>} : memref<512xf32, #tpu.memory_space<vmem>>, vector<16xf32>,
    %swap3A_104 = vector.shape_cast %swap3A_103 : vector<16xf32> to vector<16xf32>
    %swap3A_105 = vector.shape_cast %broadcast_in_dim3A_101 : vector<16xf32> to vector<16xf32>
    tpu.vector_store %arg15[%swap3A_102], %swap3A_105 {strides = array<i32>} : memref<512xf32, #tpu.memory_space<vmem>>, vector<16xf32>,
    %broadcast_in_dim3A_106 = arith.constant 0.000000e+00 : f32
    %broadcast_in_dim3A_107 = vector.broadcast %broadcast_in_dim3A_106 : f32 to vector<16xf32>
    %swap3A_108 = arith.constant 272 : index
    %swap3A_109 = tpu.vector_load %arg15[%swap3A_108] {strides = array<i32>} : memref<512xf32, #tpu.memory_space<vmem>>, vector<16xf32>,
    %swap3A_110 = vector.shape_cast %swap3A_109 : vector<16xf32> to vector<16xf32>
    %swap3A_111 = vector.shape_cast %broadcast_in_dim3A_107 : vector<16xf32> to vector<16xf32>
    tpu.vector_store %arg15[%swap3A_108], %swap3A_111 {strides = array<i32>} : memref<512xf32, #tpu.memory_space<vmem>>, vector<16xf32>,
    %broadcast_in_dim3A_112 = arith.constant 0.000000e+00 : f32
    %broadcast_in_dim3A_113 = vector.broadcast %broadcast_in_dim3A_112 : f32 to vector<16xf32>
    %swap3A_114 = arith.constant 288 : index
    %swap3A_115 = tpu.vector_load %arg15[%swap3A_114] {strides = array<i32>} : memref<512xf32, #tpu.memory_space<vmem>>, vector<16xf32>,
    %swap3A_116 = vector.shape_cast %swap3A_115 : vector<16xf32> to vector<16xf32>
    %swap3A_117 = vector.shape_cast %broadcast_in_dim3A_113 : vector<16xf32> to vector<16xf32>
    tpu.vector_store %arg15[%swap3A_114], %swap3A_117 {strides = array<i32>} : memref<512xf32, #tpu.memory_space<vmem>>, vector<16xf32>,
    %broadcast_in_dim3A_118 = arith.constant 0.000000e+00 : f32
    %broadcast_in_dim3A_119 = vector.broadcast %broadcast_in_dim3A_118 : f32 to vector<16xf32>
    %swap3A_120 = arith.constant 304 : index
    %swap3A_121 = tpu.vector_load %arg15[%swap3A_120] {strides = array<i32>} : memref<512xf32, #tpu.memory_space<vmem>>, vector<16xf32>,
    %swap3A_122 = vector.shape_cast %swap3A_121 : vector<16xf32> to vector<16xf32>
    %swap3A_123 = vector.shape_cast %broadcast_in_dim3A_119 : vector<16xf32> to vector<16xf32>
    tpu.vector_store %arg15[%swap3A_120], %swap3A_123 {strides = array<i32>} : memref<512xf32, #tpu.memory_space<vmem>>, vector<16xf32>,
    %broadcast_in_dim3A_124 = arith.constant 0.000000e+00 : f32
    %broadcast_in_dim3A_125 = vector.broadcast %broadcast_in_dim3A_124 : f32 to vector<16xf32>
    %swap3A_126 = arith.constant 320 : index
    %swap3A_127 = tpu.vector_load %arg15[%swap3A_126] {strides = array<i32>} : memref<512xf32, #tpu.memory_space<vmem>>, vector<16xf32>,
    %swap3A_128 = vector.shape_cast %swap3A_127 : vector<16xf32> to vector<16xf32>
    %swap3A_129 = vector.shape_cast %broadcast_in_dim3A_125 : vector<16xf32> to vector<16xf32>
    tpu.vector_store %arg15[%swap3A_126], %swap3A_129 {strides = array<i32>} : memref<512xf32, #tpu.memory_space<vmem>>, vector<16xf32>,
    %broadcast_in_dim3A_130 = arith.constant 0.000000e+00 : f32
    %broadcast_in_dim3A_131 = vector.broadcast %broadcast_in_dim3A_130 : f32 to vector<16xf32>
    %swap3A_132 = arith.constant 336 : index
    %swap3A_133 = tpu.vector_load %arg15[%swap3A_132] {strides = array<i32>} : memref<512xf32, #tpu.memory_space<vmem>>, vector<16xf32>,
    %swap3A_134 = vector.shape_cast %swap3A_133 : vector<16xf32> to vector<16xf32>
    %swap3A_135 = vector.shape_cast %broadcast_in_dim3A_131 : vector<16xf32> to vector<16xf32>
    tpu.vector_store %arg15[%swap3A_132], %swap3A_135 {strides = array<i32>} : memref<512xf32, #tpu.memory_space<vmem>>, vector<16xf32>,
    %broadcast_in_dim3A_136 = arith.constant 0.000000e+00 : f32
    %broadcast_in_dim3A_137 = vector.broadcast %broadcast_in_dim3A_136 : f32 to vector<16xf32>
    %swap3A_138 = arith.constant 352 : index
    %swap3A_139 = tpu.vector_load %arg15[%swap3A_138] {strides = array<i32>} : memref<512xf32, #tpu.memory_space<vmem>>, vector<16xf32>,
    %swap3A_140 = vector.shape_cast %swap3A_139 : vector<16xf32> to vector<16xf32>
    %swap3A_141 = vector.shape_cast %broadcast_in_dim3A_137 : vector<16xf32> to vector<16xf32>
    tpu.vector_store %arg15[%swap3A_138], %swap3A_141 {strides = array<i32>} : memref<512xf32, #tpu.memory_space<vmem>>, vector<16xf32>,
    %broadcast_in_dim3A_142 = arith.constant 0.000000e+00 : f32
    %broadcast_in_dim3A_143 = vector.broadcast %broadcast_in_dim3A_142 : f32 to vector<16xf32>
    %swap3A_144 = arith.constant 368 : index
    %swap3A_145 = tpu.vector_load %arg15[%swap3A_144] {strides = array<i32>} : memref<512xf32, #tpu.memory_space<vmem>>, vector<16xf32>,
    %swap3A_146 = vector.shape_cast %swap3A_145 : vector<16xf32> to vector<16xf32>
    %swap3A_147 = vector.shape_cast %broadcast_in_dim3A_143 : vector<16xf32> to vector<16xf32>
    tpu.vector_store %arg15[%swap3A_144], %swap3A_147 {strides = array<i32>} : memref<512xf32, #tpu.memory_space<vmem>>, vector<16xf32>,
    %broadcast_in_dim3A_148 = arith.constant 0.000000e+00 : f32
    %broadcast_in_dim3A_149 = vector.broadcast %broadcast_in_dim3A_148 : f32 to vector<16xf32>
    %swap3A_150 = arith.constant 384 : index
    %swap3A_151 = tpu.vector_load %arg15[%swap3A_150] {strides = array<i32>} : memref<512xf32, #tpu.memory_space<vmem>>, vector<16xf32>,
    %swap3A_152 = vector.shape_cast %swap3A_151 : vector<16xf32> to vector<16xf32>
    %swap3A_153 = vector.shape_cast %broadcast_in_dim3A_149 : vector<16xf32> to vector<16xf32>
    tpu.vector_store %arg15[%swap3A_150], %swap3A_153 {strides = array<i32>} : memref<512xf32, #tpu.memory_space<vmem>>, vector<16xf32>,
    %broadcast_in_dim3A_154 = arith.constant 0.000000e+00 : f32
    %broadcast_in_dim3A_155 = vector.broadcast %broadcast_in_dim3A_154 : f32 to vector<16xf32>
    %swap3A_156 = arith.constant 400 : index
    %swap3A_157 = tpu.vector_load %arg15[%swap3A_156] {strides = array<i32>} : memref<512xf32, #tpu.memory_space<vmem>>, vector<16xf32>,
    %swap3A_158 = vector.shape_cast %swap3A_157 : vector<16xf32> to vector<16xf32>
    %swap3A_159 = vector.shape_cast %broadcast_in_dim3A_155 : vector<16xf32> to vector<16xf32>
    tpu.vector_store %arg15[%swap3A_156], %swap3A_159 {strides = array<i32>} : memref<512xf32, #tpu.memory_space<vmem>>, vector<16xf32>,
    %broadcast_in_dim3A_160 = arith.constant 0.000000e+00 : f32
    %broadcast_in_dim3A_161 = vector.broadcast %broadcast_in_dim3A_160 : f32 to vector<16xf32>
    %swap3A_162 = arith.constant 416 : index
    %swap3A_163 = tpu.vector_load %arg15[%swap3A_162] {strides = array<i32>} : memref<512xf32, #tpu.memory_space<vmem>>, vector<16xf32>,
    %swap3A_164 = vector.shape_cast %swap3A_163 : vector<16xf32> to vector<16xf32>
    %swap3A_165 = vector.shape_cast %broadcast_in_dim3A_161 : vector<16xf32> to vector<16xf32>
    tpu.vector_store %arg15[%swap3A_162], %swap3A_165 {strides = array<i32>} : memref<512xf32, #tpu.memory_space<vmem>>, vector<16xf32>,
    %broadcast_in_dim3A_166 = arith.constant 0.000000e+00 : f32
    %broadcast_in_dim3A_167 = vector.broadcast %broadcast_in_dim3A_166 : f32 to vector<16xf32>
    %swap3A_168 = arith.constant 432 : index
    %swap3A_169 = tpu.vector_load %arg15[%swap3A_168] {strides = array<i32>} : memref<512xf32, #tpu.memory_space<vmem>>, vector<16xf32>,
    %swap3A_170 = vector.shape_cast %swap3A_169 : vector<16xf32> to vector<16xf32>
    %swap3A_171 = vector.shape_cast %broadcast_in_dim3A_167 : vector<16xf32> to vector<16xf32>
    tpu.vector_store %arg15[%swap3A_168], %swap3A_171 {strides = array<i32>} : memref<512xf32, #tpu.memory_space<vmem>>, vector<16xf32>,
    %broadcast_in_dim3A_172 = arith.constant 0.000000e+00 : f32
    %broadcast_in_dim3A_173 = vector.broadcast %broadcast_in_dim3A_172 : f32 to vector<16xf32>
    %swap3A_174 = arith.constant 448 : index
    %swap3A_175 = tpu.vector_load %arg15[%swap3A_174] {strides = array<i32>} : memref<512xf32, #tpu.memory_space<vmem>>, vector<16xf32>,
    %swap3A_176 = vector.shape_cast %swap3A_175 : vector<16xf32> to vector<16xf32>
    %swap3A_177 = vector.shape_cast %broadcast_in_dim3A_173 : vector<16xf32> to vector<16xf32>
    tpu.vector_store %arg15[%swap3A_174], %swap3A_177 {strides = array<i32>} : memref<512xf32, #tpu.memory_space<vmem>>, vector<16xf32>,
    %broadcast_in_dim3A_178 = arith.constant 0.000000e+00 : f32
    %broadcast_in_dim3A_179 = vector.broadcast %broadcast_in_dim3A_178 : f32 to vector<16xf32>
    %swap3A_180 = arith.constant 464 : index
    %swap3A_181 = tpu.vector_load %arg15[%swap3A_180] {strides = array<i32>} : memref<512xf32, #tpu.memory_space<vmem>>, vector<16xf32>,
    %swap3A_182 = vector.shape_cast %swap3A_181 : vector<16xf32> to vector<16xf32>
    %swap3A_183 = vector.shape_cast %broadcast_in_dim3A_179 : vector<16xf32> to vector<16xf32>
    tpu.vector_store %arg15[%swap3A_180], %swap3A_183 {strides = array<i32>} : memref<512xf32, #tpu.memory_space<vmem>>, vector<16xf32>,
    %broadcast_in_dim3A_184 = arith.constant 0.000000e+00 : f32
    %broadcast_in_dim3A_185 = vector.broadcast %broadcast_in_dim3A_184 : f32 to vector<16xf32>
    %swap3A_186 = arith.constant 480 : index
    %swap3A_187 = tpu.vector_load %arg15[%swap3A_186] {strides = array<i32>} : memref<512xf32, #tpu.memory_space<vmem>>, vector<16xf32>,
    %swap3A_188 = vector.shape_cast %swap3A_187 : vector<16xf32> to vector<16xf32>
    %swap3A_189 = vector.shape_cast %broadcast_in_dim3A_185 : vector<16xf32> to vector<16xf32>
    tpu.vector_store %arg15[%swap3A_186], %swap3A_189 {strides = array<i32>} : memref<512xf32, #tpu.memory_space<vmem>>, vector<16xf32>,
    %broadcast_in_dim3A_190 = arith.constant 0.000000e+00 : f32
    %broadcast_in_dim3A_191 = vector.broadcast %broadcast_in_dim3A_190 : f32 to vector<16xf32>
    %swap3A_192 = arith.constant 496 : index
    %swap3A_193 = tpu.vector_load %arg15[%swap3A_192] {strides = array<i32>} : memref<512xf32, #tpu.memory_space<vmem>>, vector<16xf32>,
    %swap3A_194 = vector.shape_cast %swap3A_193 : vector<16xf32> to vector<16xf32>
    %swap3A_195 = vector.shape_cast %broadcast_in_dim3A_191 : vector<16xf32> to vector<16xf32>
    tpu.vector_store %arg15[%swap3A_192], %swap3A_195 {strides = array<i32>} : memref<512xf32, #tpu.memory_space<vmem>>, vector<16xf32>,
    %mul3A_196 = arith.constant 64 : i32
    %mul3A_197 = arith.muli %arg1, %mul3A_196 : i32
    %mul3A_198 = arith.constant 256 : i32
    %mul3A_199 = arith.muli %mul3A_197, %mul3A_198 : i32
    "tpu.region"() ({
      %run_scoped3A = tpu.sem_alloc : memref<!tpu.dma_semaphore, #tpu.memory_space<semaphore_mem>>
      %dma_start3A = tpu.memref_slice %arg18[%mul3A_199] : memref<262144xf32, #tpu.memory_space<vmem_shared>> -> memref<16384xf32, #tpu.memory_space<vmem_shared>>
      %dma_start3A_296 = tpu.memref_slice %arg18[%mul3A_199] : memref<262144xf32, #tpu.memory_space<vmem_shared>> -> memref<16384xf32, #tpu.memory_space<vmem_shared>>
      tpu.enqueue_dma source(%arg17 : memref<16384xf32, #tpu.memory_space<vmem>>) target(%dma_start3A_296 : memref<16384xf32, #tpu.memory_space<vmem_shared>>) target_semaphore(%run_scoped3A : memref<!tpu.dma_semaphore, #tpu.memory_space<semaphore_mem>>)
      %dma_wait3A = tpu.memref_slice %arg18[%mul3A_199] : memref<262144xf32, #tpu.memory_space<vmem_shared>> -> memref<16384xf32, #tpu.memory_space<vmem_shared>>
      %dma_wait3A_297 = tpu.memref_slice %arg18[%mul3A_199] : memref<262144xf32, #tpu.memory_space<vmem_shared>> -> memref<16384xf32, #tpu.memory_space<vmem_shared>>
      tpu.wait_dma2 semaphore(%run_scoped3A : memref<!tpu.dma_semaphore, #tpu.memory_space<semaphore_mem>>) src(%arg17 : memref<16384xf32, #tpu.memory_space<vmem>>) dst(%dma_wait3A_297 : memref<16384xf32, #tpu.memory_space<vmem_shared>>)
      tpu.yield
    }) : () -> ()
    %barrier3A = arith.constant 0 : index
    tpu.barrier barrier_id(%barrier3A)
    %mul3A_200 = arith.constant 9 : i32
    %mul3A_201 = arith.muli %add3A, %mul3A_200 : i32
    %min3A = arith.constant 12 : i32
    %min3A_202 = arith.minsi %add3A, %min3A : i32
    %add3A_203 = arith.addi %mul3A_201, %min3A_202 : i32
    %lt3A = arith.constant 12 : i32
    %lt3A_204 = arith.cmpi slt, %add3A, %lt3A : i32
    %jit3A = arith.constant 1 : i32
    %jit3A_205 = arith.constant 0 : i32
    %select_n3A = arith.select %lt3A_204, %jit3A, %jit3A_205 : i32
    %add3A_206 = arith.constant 9 : i32
    %add3A_207 = arith.addi %add3A_206, %select_n3A : i32
    %broadcast_in_dim3A_208 = arith.constant 0 : i32
    %broadcast_in_dim3A_209 = vector.broadcast %broadcast_in_dim3A_208 : i32 to vector<16xi32>
    %swap3A_210 = arith.constant 0 : index
    %swap3A_211 = tpu.vector_load %arg16[%swap3A_210] {strides = array<i32>} : memref<16xi32, #tpu.memory_space<vmem>>, vector<16xi32>,
    %swap3A_212 = vector.shape_cast %swap3A_211 : vector<16xi32> to vector<16xi32>
    %swap3A_213 = vector.shape_cast %broadcast_in_dim3A_209 : vector<16xi32> to vector<16xi32>
    tpu.vector_store %arg16[%swap3A_210], %swap3A_213 {strides = array<i32>} : memref<16xi32, #tpu.memory_space<vmem>>, vector<16xi32>,
    %broadcast_in_dim3A_214 = arith.constant 0.000000e+00 : f32
    %broadcast_in_dim3A_215 = vector.broadcast %broadcast_in_dim3A_214 : f32 to vector<16xf32>
    %broadcast_in_dim3A_216 = arith.constant 0.000000e+00 : f32
    %broadcast_in_dim3A_217 = vector.broadcast %broadcast_in_dim3A_216 : f32 to vector<16xf32>
    %broadcast_in_dim3A_218 = arith.constant 0.000000e+00 : f32
    %broadcast_in_dim3A_219 = vector.broadcast %broadcast_in_dim3A_218 : f32 to vector<16xf32>
    %broadcast_in_dim3A_220 = arith.constant 0.000000e+00 : f32
    %broadcast_in_dim3A_221 = vector.broadcast %broadcast_in_dim3A_220 : f32 to vector<16xf32>
    %broadcast_in_dim3A_222 = arith.constant 0.000000e+00 : f32
    %broadcast_in_dim3A_223 = vector.broadcast %broadcast_in_dim3A_222 : f32 to vector<16xf32>
    %broadcast_in_dim3A_224 = arith.constant 0.000000e+00 : f32
    %broadcast_in_dim3A_225 = vector.broadcast %broadcast_in_dim3A_224 : f32 to vector<16xf32>
    %broadcast_in_dim3A_226 = arith.constant 0.000000e+00 : f32
    %broadcast_in_dim3A_227 = vector.broadcast %broadcast_in_dim3A_226 : f32 to vector<16xf32>
    %broadcast_in_dim3A_228 = arith.constant 0.000000e+00 : f32
    %broadcast_in_dim3A_229 = vector.broadcast %broadcast_in_dim3A_228 : f32 to vector<16xf32>
    %broadcast_in_dim3A_230 = arith.constant 0.000000e+00 : f32
    %broadcast_in_dim3A_231 = vector.broadcast %broadcast_in_dim3A_230 : f32 to vector<16xf32>
    %broadcast_in_dim3A_232 = arith.constant 0.000000e+00 : f32
    %broadcast_in_dim3A_233 = vector.broadcast %broadcast_in_dim3A_232 : f32 to vector<16xf32>
    %broadcast_in_dim3A_234 = arith.constant 0.000000e+00 : f32
    %broadcast_in_dim3A_235 = vector.broadcast %broadcast_in_dim3A_234 : f32 to vector<16xf32>
    %broadcast_in_dim3A_236 = arith.constant 0.000000e+00 : f32
    %broadcast_in_dim3A_237 = vector.broadcast %broadcast_in_dim3A_236 : f32 to vector<16xf32>
    %broadcast_in_dim3A_238 = arith.constant 0.000000e+00 : f32
    %broadcast_in_dim3A_239 = vector.broadcast %broadcast_in_dim3A_238 : f32 to vector<16xf32>
    %broadcast_in_dim3A_240 = arith.constant 0.000000e+00 : f32
    %broadcast_in_dim3A_241 = vector.broadcast %broadcast_in_dim3A_240 : f32 to vector<16xf32>
    %broadcast_in_dim3A_242 = arith.constant 0.000000e+00 : f32
    %broadcast_in_dim3A_243 = vector.broadcast %broadcast_in_dim3A_242 : f32 to vector<16xf32>
    %broadcast_in_dim3A_244 = arith.constant 0.000000e+00 : f32
    %broadcast_in_dim3A_245 = vector.broadcast %broadcast_in_dim3A_244 : f32 to vector<16xf32>
    %add3A_246 = arith.constant 0 : i32
    %add3A_247 = arith.addi %add3A_203, %add3A_246 : i32
    %mul3A_248 = arith.constant 80 : i32
    %mul3A_249 = arith.muli %add3A_247, %mul3A_248 : i32
    %add3A_250 = arith.constant 26000 : i32
    %add3A_251 = arith.addi %add3A_250, %mul3A_249 : i32
    %gt3A = arith.constant 0 : i32
    %gt3A_252 = arith.cmpi sgt, %add3A_207, %gt3A : i32
    %convert_element_type3A = arith.extui %gt3A_252 : i1 to i32
    %cond3A = arith.constant 0 : i32
    %cond3A_253 = arith.cmpi ne, %convert_element_type3A, %cond3A : i32
    scf.if %cond3A_253 {
      %dma_start3A = arith.constant 0 : i32
      %dma_start3A_296 = tpu.memref_slice %arg2[%add3A_251, %dma_start3A] : memref<50000x256xf32, #tpu.memory_space<hbm>> -> memref<80x256xf32, #tpu.memory_space<hbm>>
      %dma_start3A_297 = arith.constant 0 : i32
      %dma_start3A_298 = tpu.memref_slice %arg2[%add3A_251, %dma_start3A_297] : memref<50000x256xf32, #tpu.memory_space<hbm>> -> memref<80x256xf32, #tpu.memory_space<hbm>>
      tpu.enqueue_dma source(%dma_start3A_298 : memref<80x256xf32, #tpu.memory_space<hbm>>) target(%arg8 : memref<80x256xf32, #tpu.memory_space<vmem>>) target_semaphore(%arg19 : memref<!tpu.dma_semaphore, #tpu.memory_space<semaphore_mem>>)
      %dma_start3A_299 = arith.constant 0 : i32
      %dma_start3A_300 = tpu.memref_slice %arg10[%dma_start3A_299] : memref<96xf32, #tpu.memory_space<vmem>> -> memref<80xf32, #tpu.memory_space<vmem>>
      %dma_start3A_301 = tpu.memref_slice %arg3[%mul3A_249] : memref<24000xf32, #tpu.memory_space<hbm>> -> memref<80xf32, #tpu.memory_space<hbm>>
      %dma_start3A_302 = arith.constant 0 : i32
      %dma_start3A_303 = tpu.memref_slice %arg10[%dma_start3A_302] : memref<96xf32, #tpu.memory_space<vmem>> -> memref<80xf32, #tpu.memory_space<vmem>>
      %dma_start3A_304 = tpu.memref_slice %arg3[%mul3A_249] : memref<24000xf32, #tpu.memory_space<hbm>> -> memref<80xf32, #tpu.memory_space<hbm>>
      tpu.enqueue_dma source(%dma_start3A_304 : memref<80xf32, #tpu.memory_space<hbm>>) target(%dma_start3A_303 : memref<80xf32, #tpu.memory_space<vmem>>) target_semaphore(%arg19 : memref<!tpu.dma_semaphore, #tpu.memory_space<semaphore_mem>>)
      %dma_start3A_305 = arith.constant 0 : i32
      %dma_start3A_306 = tpu.memref_slice %arg12[%dma_start3A_305] : memref<96xi32, #tpu.memory_space<vmem>> -> memref<80xi32, #tpu.memory_space<vmem>>
      %dma_start3A_307 = tpu.memref_slice %arg4[%add3A_251] : memref<50000xi32, #tpu.memory_space<hbm>> -> memref<80xi32, #tpu.memory_space<hbm>>
      %dma_start3A_308 = arith.constant 0 : i32
      %dma_start3A_309 = tpu.memref_slice %arg12[%dma_start3A_308] : memref<96xi32, #tpu.memory_space<vmem>> -> memref<80xi32, #tpu.memory_space<vmem>>
      %dma_start3A_310 = tpu.memref_slice %arg4[%add3A_251] : memref<50000xi32, #tpu.memory_space<hbm>> -> memref<80xi32, #tpu.memory_space<hbm>>
      tpu.enqueue_dma source(%dma_start3A_310 : memref<80xi32, #tpu.memory_space<hbm>>) target(%dma_start3A_309 : memref<80xi32, #tpu.memory_space<vmem>>) target_semaphore(%arg19 : memref<!tpu.dma_semaphore, #tpu.memory_space<semaphore_mem>>)
    } else {
    }
    %add3A_254 = arith.constant 1 : i32
    %add3A_255 = arith.addi %add3A_203, %add3A_254 : i32
    %mul3A_256 = arith.constant 80 : i32
    %mul3A_257 = arith.muli %add3A_255, %mul3A_256 : i32
    %add3A_258 = arith.constant 26000 : i32
    %add3A_259 = arith.addi %add3A_258, %mul3A_257 : i32
    %gt3A_260 = arith.constant 1 : i32
    %gt3A_261 = arith.cmpi sgt, %add3A_207, %gt3A_260 : i32
    %convert_element_type3A_262 = arith.extui %gt3A_261 : i1 to i32
    %cond3A_263 = arith.constant 0 : i32
    %cond3A_264 = arith.cmpi ne, %convert_element_type3A_262, %cond3A_263 : i32
    scf.if %cond3A_264 {
      %dma_start3A = arith.constant 0 : i32
      %dma_start3A_296 = tpu.memref_slice %arg2[%add3A_259, %dma_start3A] : memref<50000x256xf32, #tpu.memory_space<hbm>> -> memref<80x256xf32, #tpu.memory_space<hbm>>
      %dma_start3A_297 = arith.constant 0 : i32
      %dma_start3A_298 = tpu.memref_slice %arg2[%add3A_259, %dma_start3A_297] : memref<50000x256xf32, #tpu.memory_space<hbm>> -> memref<80x256xf32, #tpu.memory_space<hbm>>
      tpu.enqueue_dma source(%dma_start3A_298 : memref<80x256xf32, #tpu.memory_space<hbm>>) target(%arg9 : memref<80x256xf32, #tpu.memory_space<vmem>>) target_semaphore(%arg20 : memref<!tpu.dma_semaphore, #tpu.memory_space<semaphore_mem>>)
      %dma_start3A_299 = arith.constant 0 : i32
      %dma_start3A_300 = tpu.memref_slice %arg11[%dma_start3A_299] : memref<96xf32, #tpu.memory_space<vmem>> -> memref<80xf32, #tpu.memory_space<vmem>>
      %dma_start3A_301 = tpu.memref_slice %arg3[%mul3A_257] : memref<24000xf32, #tpu.memory_space<hbm>> -> memref<80xf32, #tpu.memory_space<hbm>>
      %dma_start3A_302 = arith.constant 0 : i32
      %dma_start3A_303 = tpu.memref_slice %arg11[%dma_start3A_302] : memref<96xf32, #tpu.memory_space<vmem>> -> memref<80xf32, #tpu.memory_space<vmem>>
      %dma_start3A_304 = tpu.memref_slice %arg3[%mul3A_257] : memref<24000xf32, #tpu.memory_space<hbm>> -> memref<80xf32, #tpu.memory_space<hbm>>
      tpu.enqueue_dma source(%dma_start3A_304 : memref<80xf32, #tpu.memory_space<hbm>>) target(%dma_start3A_303 : memref<80xf32, #tpu.memory_space<vmem>>) target_semaphore(%arg20 : memref<!tpu.dma_semaphore, #tpu.memory_space<semaphore_mem>>)
      %dma_start3A_305 = arith.constant 0 : i32
      %dma_start3A_306 = tpu.memref_slice %arg13[%dma_start3A_305] : memref<96xi32, #tpu.memory_space<vmem>> -> memref<80xi32, #tpu.memory_space<vmem>>
      %dma_start3A_307 = tpu.memref_slice %arg4[%add3A_259] : memref<50000xi32, #tpu.memory_space<hbm>> -> memref<80xi32, #tpu.memory_space<hbm>>
      %dma_start3A_308 = arith.constant 0 : i32
      %dma_start3A_309 = tpu.memref_slice %arg13[%dma_start3A_308] : memref<96xi32, #tpu.memory_space<vmem>> -> memref<80xi32, #tpu.memory_space<vmem>>
      %dma_start3A_310 = tpu.memref_slice %arg4[%add3A_259] : memref<50000xi32, #tpu.memory_space<hbm>> -> memref<80xi32, #tpu.memory_space<hbm>>
      tpu.enqueue_dma source(%dma_start3A_310 : memref<80xi32, #tpu.memory_space<hbm>>) target(%dma_start3A_309 : memref<80xi32, #tpu.memory_space<vmem>>) target_semaphore(%arg20 : memref<!tpu.dma_semaphore, #tpu.memory_space<semaphore_mem>>)
    } else {
    }
    %scan3A_265 = arith.constant -1 : i32
    %scan3A_266 = arith.constant -1 : i32
    %scan3A_267 = arith.constant 0 : i32
    %scan3A_268 = arith.constant 6 : i32
    %scan3A_269 = arith.addi %scan3A_267, %scan3A_268 : i32
    %scan3A_270 = arith.constant 1 : i32
    %scan3A_271:18 = scf.for %scan3A_296 = %scan3A_267 to %scan3A_269 step %scan3A_270 iter_args(%scan3A_297 = %scan3A_265, %scan3A_298 = %scan3A_266, %scan3A_299 = %broadcast_in_dim3A_215, %scan3A_300 = %broadcast_in_dim3A_217, %scan3A_301 = %broadcast_in_dim3A_219, %scan3A_302 = %broadcast_in_dim3A_221, %scan3A_303 = %broadcast_in_dim3A_223, %scan3A_304 = %broadcast_in_dim3A_225, %scan3A_305 = %broadcast_in_dim3A_227, %scan3A_306 = %broadcast_in_dim3A_229, %scan3A_307 = %broadcast_in_dim3A_231, %scan3A_308 = %broadcast_in_dim3A_233, %scan3A_309 = %broadcast_in_dim3A_235, %scan3A_310 = %broadcast_in_dim3A_237, %scan3A_311 = %broadcast_in_dim3A_239, %scan3A_312 = %broadcast_in_dim3A_241, %scan3A_313 = %broadcast_in_dim3A_243, %scan3A_314 = %broadcast_in_dim3A_245) -> (i32, i32, vector<16xf32>, vector<16xf32>, vector<16xf32>, vector<16xf32>, vector<16xf32>, vector<16xf32>, vector<16xf32>, vector<16xf32>, vector<16xf32>, vector<16xf32>, vector<16xf32>, vector<16xf32>, vector<16xf32>, vector<16xf32>, vector<16xf32>, vector<16xf32>)  : i32 {
      %mul3A_315 = arith.constant 2 : i32
      %mul3A_316 = arith.muli %scan3A_296, %mul3A_315 : i32
      %add3A_317 = arith.addi %add3A_203, %mul3A_316 : i32
      %mul3A_318 = arith.constant 80 : i32
      %mul3A_319 = arith.muli %add3A_317, %mul3A_318 : i32
      %add3A_320 = arith.constant 26000 : i32
      %add3A_321 = arith.addi %add3A_320, %mul3A_319 : i32
      %lt3A_322 = arith.cmpi slt, %mul3A_316, %add3A_207 : i32
      %convert_element_type3A_323 = arith.extui %lt3A_322 : i1 to i32
      %cond3A_324 = arith.constant 0 : i32
      %cond3A_325 = arith.cmpi ne, %convert_element_type3A_323, %cond3A_324 : i32
      scf.if %cond3A_325 {
        %dma_wait3A = arith.constant 0 : i32
        %dma_wait3A_378 = tpu.memref_slice %arg2[%add3A_321, %dma_wait3A] : memref<50000x256xf32, #tpu.memory_space<hbm>> -> memref<80x256xf32, #tpu.memory_space<hbm>>
        %dma_wait3A_379 = arith.constant 0 : i32
        %dma_wait3A_380 = tpu.memref_slice %arg2[%add3A_321, %dma_wait3A_379] : memref<50000x256xf32, #tpu.memory_space<hbm>> -> memref<80x256xf32, #tpu.memory_space<hbm>>
        tpu.wait_dma2 semaphore(%arg19 : memref<!tpu.dma_semaphore, #tpu.memory_space<semaphore_mem>>) src(%dma_wait3A_380 : memref<80x256xf32, #tpu.memory_space<hbm>>) dst(%arg8 : memref<80x256xf32, #tpu.memory_space<vmem>>)
        %dma_wait3A_381 = arith.constant 0 : i32
        %dma_wait3A_382 = tpu.memref_slice %arg10[%dma_wait3A_381] : memref<96xf32, #tpu.memory_space<vmem>> -> memref<80xf32, #tpu.memory_space<vmem>>
        %dma_wait3A_383 = tpu.memref_slice %arg3[%mul3A_319] : memref<24000xf32, #tpu.memory_space<hbm>> -> memref<80xf32, #tpu.memory_space<hbm>>
        %dma_wait3A_384 = arith.constant 0 : i32
        %dma_wait3A_385 = tpu.memref_slice %arg10[%dma_wait3A_384] : memref<96xf32, #tpu.memory_space<vmem>> -> memref<80xf32, #tpu.memory_space<vmem>>
        %dma_wait3A_386 = tpu.memref_slice %arg3[%mul3A_319] : memref<24000xf32, #tpu.memory_space<hbm>> -> memref<80xf32, #tpu.memory_space<hbm>>
        tpu.wait_dma2 semaphore(%arg19 : memref<!tpu.dma_semaphore, #tpu.memory_space<semaphore_mem>>) src(%dma_wait3A_386 : memref<80xf32, #tpu.memory_space<hbm>>) dst(%dma_wait3A_385 : memref<80xf32, #tpu.memory_space<vmem>>)
        %dma_wait3A_387 = arith.constant 0 : i32
        %dma_wait3A_388 = tpu.memref_slice %arg12[%dma_wait3A_387] : memref<96xi32, #tpu.memory_space<vmem>> -> memref<80xi32, #tpu.memory_space<vmem>>
        %dma_wait3A_389 = tpu.memref_slice %arg4[%add3A_321] : memref<50000xi32, #tpu.memory_space<hbm>> -> memref<80xi32, #tpu.memory_space<hbm>>
        %dma_wait3A_390 = arith.constant 0 : i32
        %dma_wait3A_391 = tpu.memref_slice %arg12[%dma_wait3A_390] : memref<96xi32, #tpu.memory_space<vmem>> -> memref<80xi32, #tpu.memory_space<vmem>>
        %dma_wait3A_392 = tpu.memref_slice %arg4[%add3A_321] : memref<50000xi32, #tpu.memory_space<hbm>> -> memref<80xi32, #tpu.memory_space<hbm>>
        tpu.wait_dma2 semaphore(%arg19 : memref<!tpu.dma_semaphore, #tpu.memory_space<semaphore_mem>>) src(%dma_wait3A_392 : memref<80xi32, #tpu.memory_space<hbm>>) dst(%dma_wait3A_391 : memref<80xi32, #tpu.memory_space<vmem>>)
      } else {
      }
      %ge3A = arith.cmpi sge, %mul3A_316, %add3A_207 : i32
      %convert_element_type3A_326 = arith.extui %ge3A : i1 to i32
      %cond3A_327 = arith.constant 0 : i32
      %cond3A_328 = arith.cmpi ne, %convert_element_type3A_326, %cond3A_327 : i32
      scf.if %cond3A_328 {
        %broadcast_in_dim3A_378 = arith.constant 0.000000e+00 : f32
        %broadcast_in_dim3A_379 = vector.broadcast %broadcast_in_dim3A_378 : f32 to vector<16xf32>
        %swap3A_380 = arith.constant 0 : index
        %swap3A_381 = tpu.vector_load %arg10[%swap3A_380] {strides = array<i32>} : memref<96xf32, #tpu.memory_space<vmem>>, vector<16xf32>,
        %swap3A_382 = vector.shape_cast %swap3A_381 : vector<16xf32> to vector<16xf32>
        %swap3A_383 = vector.shape_cast %broadcast_in_dim3A_379 : vector<16xf32> to vector<16xf32>
        tpu.vector_store %arg10[%swap3A_380], %swap3A_383 {strides = array<i32>} : memref<96xf32, #tpu.memory_space<vmem>>, vector<16xf32>,
        %broadcast_in_dim3A_384 = arith.constant 1024 : i32
        %broadcast_in_dim3A_385 = vector.broadcast %broadcast_in_dim3A_384 : i32 to vector<16xi32>
        %swap3A_386 = arith.constant 0 : index
        %swap3A_387 = tpu.vector_load %arg12[%swap3A_386] {strides = array<i32>} : memref<96xi32, #tpu.memory_space<vmem>>, vector<16xi32>,
        %swap3A_388 = vector.shape_cast %swap3A_387 : vector<16xi32> to vector<16xi32>
        %swap3A_389 = vector.shape_cast %broadcast_in_dim3A_385 : vector<16xi32> to vector<16xi32>
        tpu.vector_store %arg12[%swap3A_386], %swap3A_389 {strides = array<i32>} : memref<96xi32, #tpu.memory_space<vmem>>, vector<16xi32>,
        %broadcast_in_dim3A_390 = arith.constant 0.000000e+00 : f32
        %broadcast_in_dim3A_391 = vector.broadcast %broadcast_in_dim3A_390 : f32 to vector<16xf32>
        %swap3A_392 = arith.constant 16 : index
        %swap3A_393 = tpu.vector_load %arg10[%swap3A_392] {strides = array<i32>} : memref<96xf32, #tpu.memory_space<vmem>>, vector<16xf32>,
        %swap3A_394 = vector.shape_cast %swap3A_393 : vector<16xf32> to vector<16xf32>
        %swap3A_395 = vector.shape_cast %broadcast_in_dim3A_391 : vector<16xf32> to vector<16xf32>
        tpu.vector_store %arg10[%swap3A_392], %swap3A_395 {strides = array<i32>} : memref<96xf32, #tpu.memory_space<vmem>>, vector<16xf32>,
        %broadcast_in_dim3A_396 = arith.constant 1024 : i32
        %broadcast_in_dim3A_397 = vector.broadcast %broadcast_in_dim3A_396 : i32 to vector<16xi32>
        %swap3A_398 = arith.constant 16 : index
        %swap3A_399 = tpu.vector_load %arg12[%swap3A_398] {strides = array<i32>} : memref<96xi32, #tpu.memory_space<vmem>>, vector<16xi32>,
        %swap3A_400 = vector.shape_cast %swap3A_399 : vector<16xi32> to vector<16xi32>
        %swap3A_401 = vector.shape_cast %broadcast_in_dim3A_397 : vector<16xi32> to vector<16xi32>
        tpu.vector_store %arg12[%swap3A_398], %swap3A_401 {strides = array<i32>} : memref<96xi32, #tpu.memory_space<vmem>>, vector<16xi32>,
        %broadcast_in_dim3A_402 = arith.constant 0.000000e+00 : f32
        %broadcast_in_dim3A_403 = vector.broadcast %broadcast_in_dim3A_402 : f32 to vector<16xf32>
        %swap3A_404 = arith.constant 32 : index
        %swap3A_405 = tpu.vector_load %arg10[%swap3A_404] {strides = array<i32>} : memref<96xf32, #tpu.memory_space<vmem>>, vector<16xf32>,
        %swap3A_406 = vector.shape_cast %swap3A_405 : vector<16xf32> to vector<16xf32>
        %swap3A_407 = vector.shape_cast %broadcast_in_dim3A_403 : vector<16xf32> to vector<16xf32>
        tpu.vector_store %arg10[%swap3A_404], %swap3A_407 {strides = array<i32>} : memref<96xf32, #tpu.memory_space<vmem>>, vector<16xf32>,
        %broadcast_in_dim3A_408 = arith.constant 1024 : i32
        %broadcast_in_dim3A_409 = vector.broadcast %broadcast_in_dim3A_408 : i32 to vector<16xi32>
        %swap3A_410 = arith.constant 32 : index
        %swap3A_411 = tpu.vector_load %arg12[%swap3A_410] {strides = array<i32>} : memref<96xi32, #tpu.memory_space<vmem>>, vector<16xi32>,
        %swap3A_412 = vector.shape_cast %swap3A_411 : vector<16xi32> to vector<16xi32>
        %swap3A_413 = vector.shape_cast %broadcast_in_dim3A_409 : vector<16xi32> to vector<16xi32>
        tpu.vector_store %arg12[%swap3A_410], %swap3A_413 {strides = array<i32>} : memref<96xi32, #tpu.memory_space<vmem>>, vector<16xi32>,
        %broadcast_in_dim3A_414 = arith.constant 0.000000e+00 : f32
        %broadcast_in_dim3A_415 = vector.broadcast %broadcast_in_dim3A_414 : f32 to vector<16xf32>
        %swap3A_416 = arith.constant 48 : index
        %swap3A_417 = tpu.vector_load %arg10[%swap3A_416] {strides = array<i32>} : memref<96xf32, #tpu.memory_space<vmem>>, vector<16xf32>,
        %swap3A_418 = vector.shape_cast %swap3A_417 : vector<16xf32> to vector<16xf32>
        %swap3A_419 = vector.shape_cast %broadcast_in_dim3A_415 : vector<16xf32> to vector<16xf32>
        tpu.vector_store %arg10[%swap3A_416], %swap3A_419 {strides = array<i32>} : memref<96xf32, #tpu.memory_space<vmem>>, vector<16xf32>,
        %broadcast_in_dim3A_420 = arith.constant 1024 : i32
        %broadcast_in_dim3A_421 = vector.broadcast %broadcast_in_dim3A_420 : i32 to vector<16xi32>
        %swap3A_422 = arith.constant 48 : index
        %swap3A_423 = tpu.vector_load %arg12[%swap3A_422] {strides = array<i32>} : memref<96xi32, #tpu.memory_space<vmem>>, vector<16xi32>,
        %swap3A_424 = vector.shape_cast %swap3A_423 : vector<16xi32> to vector<16xi32>
        %swap3A_425 = vector.shape_cast %broadcast_in_dim3A_421 : vector<16xi32> to vector<16xi32>
        tpu.vector_store %arg12[%swap3A_422], %swap3A_425 {strides = array<i32>} : memref<96xi32, #tpu.memory_space<vmem>>, vector<16xi32>,
        %broadcast_in_dim3A_426 = arith.constant 0.000000e+00 : f32
        %broadcast_in_dim3A_427 = vector.broadcast %broadcast_in_dim3A_426 : f32 to vector<16xf32>
        %swap3A_428 = arith.constant 64 : index
        %swap3A_429 = tpu.vector_load %arg10[%swap3A_428] {strides = array<i32>} : memref<96xf32, #tpu.memory_space<vmem>>, vector<16xf32>,
        %swap3A_430 = vector.shape_cast %swap3A_429 : vector<16xf32> to vector<16xf32>
        %swap3A_431 = vector.shape_cast %broadcast_in_dim3A_427 : vector<16xf32> to vector<16xf32>
        tpu.vector_store %arg10[%swap3A_428], %swap3A_431 {strides = array<i32>} : memref<96xf32, #tpu.memory_space<vmem>>, vector<16xf32>,
        %broadcast_in_dim3A_432 = arith.constant 1024 : i32
        %broadcast_in_dim3A_433 = vector.broadcast %broadcast_in_dim3A_432 : i32 to vector<16xi32>
        %swap3A_434 = arith.constant 64 : index
        %swap3A_435 = tpu.vector_load %arg12[%swap3A_434] {strides = array<i32>} : memref<96xi32, #tpu.memory_space<vmem>>, vector<16xi32>,
        %swap3A_436 = vector.shape_cast %swap3A_435 : vector<16xi32> to vector<16xi32>
        %swap3A_437 = vector.shape_cast %broadcast_in_dim3A_433 : vector<16xi32> to vector<16xi32>
        tpu.vector_store %arg12[%swap3A_434], %swap3A_437 {strides = array<i32>} : memref<96xi32, #tpu.memory_space<vmem>>, vector<16xi32>,
        %broadcast_in_dim3A_438 = arith.constant 0.000000e+00 : f32
        %broadcast_in_dim3A_439 = vector.broadcast %broadcast_in_dim3A_438 : f32 to vector<16xf32>
        %swap3A_440 = arith.constant 80 : index
        %swap3A_441 = tpu.vector_load %arg10[%swap3A_440] {strides = array<i32>} : memref<96xf32, #tpu.memory_space<vmem>>, vector<16xf32>,
        %swap3A_442 = vector.shape_cast %swap3A_441 : vector<16xf32> to vector<16xf32>
        %swap3A_443 = vector.shape_cast %broadcast_in_dim3A_439 : vector<16xf32> to vector<16xf32>
        tpu.vector_store %arg10[%swap3A_440], %swap3A_443 {strides = array<i32>} : memref<96xf32, #tpu.memory_space<vmem>>, vector<16xf32>,
        %broadcast_in_dim3A_444 = arith.constant 1024 : i32
        %broadcast_in_dim3A_445 = vector.broadcast %broadcast_in_dim3A_444 : i32 to vector<16xi32>
        %swap3A_446 = arith.constant 80 : index
        %swap3A_447 = tpu.vector_load %arg12[%swap3A_446] {strides = array<i32>} : memref<96xi32, #tpu.memory_space<vmem>>, vector<16xi32>,
        %swap3A_448 = vector.shape_cast %swap3A_447 : vector<16xi32> to vector<16xi32>
        %swap3A_449 = vector.shape_cast %broadcast_in_dim3A_445 : vector<16xi32> to vector<16xi32>
        tpu.vector_store %arg12[%swap3A_446], %swap3A_449 {strides = array<i32>} : memref<96xi32, #tpu.memory_space<vmem>>, vector<16xi32>,
      } else {
      }
      %scan3A_329 = arith.constant 0 : i32
      %scan3A_330 = arith.constant 80 : i32
      %scan3A_331 = arith.addi %scan3A_329, %scan3A_330 : i32
      %scan3A_332 = arith.constant 1 : i32
      %scan3A_333:18 = scf.for %scan3A_378 = %scan3A_329 to %scan3A_331 step %scan3A_332 iter_args(%scan3A_379 = %scan3A_297, %scan3A_380 = %scan3A_298, %scan3A_381 = %scan3A_299, %scan3A_382 = %scan3A_300, %scan3A_383 = %scan3A_301, %scan3A_384 = %scan3A_302, %scan3A_385 = %scan3A_303, %scan3A_386 = %scan3A_304, %scan3A_387 = %scan3A_305, %scan3A_388 = %scan3A_306, %scan3A_389 = %scan3A_307, %scan3A_390 = %scan3A_308, %scan3A_391 = %scan3A_309, %scan3A_392 = %scan3A_310, %scan3A_393 = %scan3A_311, %scan3A_394 = %scan3A_312, %scan3A_395 = %scan3A_313, %scan3A_396 = %scan3A_314) -> (i32, i32, vector<16xf32>, vector<16xf32>, vector<16xf32>, vector<16xf32>, vector<16xf32>, vector<16xf32>, vector<16xf32>, vector<16xf32>, vector<16xf32>, vector<16xf32>, vector<16xf32>, vector<16xf32>, vector<16xf32>, vector<16xf32>, vector<16xf32>, vector<16xf32>)  : i32 {
        %get3A_397 = arith.index_cast %scan3A_378 : i32 to index
        %get3A_398 = tpu.vector_load %arg10[%get3A_397] {strides = array<i32>} : memref<96xf32, #tpu.memory_space<vmem>>, vector<16xf32>,
        %get3A_399 = vector.shape_cast %get3A_398 : vector<16xf32> to vector<16xf32>
        %slice3A = vector.extract_strided_slice %get3A_399 {offsets = [0], sizes = [1], strides = [1]} : vector<16xf32> to vector<1xf32>
        %squeeze3A = vector.extract %slice3A[0] : f32 from vector<1xf32>
        %broadcast_in_dim3A_400 = vector.broadcast %squeeze3A : f32 to vector<16xf32>
        %get3A_401 = arith.index_cast %scan3A_378 : i32 to index
        %get3A_402 = tpu.vector_load %arg12[%get3A_401] {strides = array<i32>} : memref<96xi32, #tpu.memory_space<vmem>>, vector<16xi32>,
        %get3A_403 = vector.shape_cast %get3A_402 : vector<16xi32> to vector<16xi32>
        %slice3A_404 = vector.extract_strided_slice %get3A_403 {offsets = [0], sizes = [1], strides = [1]} : vector<16xi32> to vector<1xi32>
        %squeeze3A_405 = vector.extract %slice3A_404[0] : i32 from vector<1xi32>
        %get3A_406 = arith.index_cast %scan3A_378 : i32 to index
        %get3A_407 = arith.constant 0 : index
        %get3A_408 = tpu.vector_load %arg8[%get3A_406, %get3A_407] {strides = array<i32>} : memref<80x256xf32, #tpu.memory_space<vmem>>, vector<1x16xf32>,
        %get3A_409 = vector.shape_cast %get3A_408 : vector<1x16xf32> to vector<16xf32>
        %get3A_410 = arith.index_cast %scan3A_378 : i32 to index
        %get3A_411 = arith.constant 16 : index
        %get3A_412 = tpu.vector_load %arg8[%get3A_410, %get3A_411] {strides = array<i32>} : memref<80x256xf32, #tpu.memory_space<vmem>>, vector<1x16xf32>,
        %get3A_413 = vector.shape_cast %get3A_412 : vector<1x16xf32> to vector<16xf32>
        %get3A_414 = arith.index_cast %scan3A_378 : i32 to index
        %get3A_415 = arith.constant 32 : index
        %get3A_416 = tpu.vector_load %arg8[%get3A_414, %get3A_415] {strides = array<i32>} : memref<80x256xf32, #tpu.memory_space<vmem>>, vector<1x16xf32>,
        %get3A_417 = vector.shape_cast %get3A_416 : vector<1x16xf32> to vector<16xf32>
        %get3A_418 = arith.index_cast %scan3A_378 : i32 to index
        %get3A_419 = arith.constant 48 : index
        %get3A_420 = tpu.vector_load %arg8[%get3A_418, %get3A_419] {strides = array<i32>} : memref<80x256xf32, #tpu.memory_space<vmem>>, vector<1x16xf32>,
        %get3A_421 = vector.shape_cast %get3A_420 : vector<1x16xf32> to vector<16xf32>
        %get3A_422 = arith.index_cast %scan3A_378 : i32 to index
        %get3A_423 = arith.constant 64 : index
        %get3A_424 = tpu.vector_load %arg8[%get3A_422, %get3A_423] {strides = array<i32>} : memref<80x256xf32, #tpu.memory_space<vmem>>, vector<1x16xf32>,
        %get3A_425 = vector.shape_cast %get3A_424 : vector<1x16xf32> to vector<16xf32>
        %get3A_426 = arith.index_cast %scan3A_378 : i32 to index
        %get3A_427 = arith.constant 80 : index
        %get3A_428 = tpu.vector_load %arg8[%get3A_426, %get3A_427] {strides = array<i32>} : memref<80x256xf32, #tpu.memory_space<vmem>>, vector<1x16xf32>,
        %get3A_429 = vector.shape_cast %get3A_428 : vector<1x16xf32> to vector<16xf32>
        %get3A_430 = arith.index_cast %scan3A_378 : i32 to index
        %get3A_431 = arith.constant 96 : index
        %get3A_432 = tpu.vector_load %arg8[%get3A_430, %get3A_431] {strides = array<i32>} : memref<80x256xf32, #tpu.memory_space<vmem>>, vector<1x16xf32>,
        %get3A_433 = vector.shape_cast %get3A_432 : vector<1x16xf32> to vector<16xf32>
        %get3A_434 = arith.index_cast %scan3A_378 : i32 to index
        %get3A_435 = arith.constant 112 : index
        %get3A_436 = tpu.vector_load %arg8[%get3A_434, %get3A_435] {strides = array<i32>} : memref<80x256xf32, #tpu.memory_space<vmem>>, vector<1x16xf32>,
        %get3A_437 = vector.shape_cast %get3A_436 : vector<1x16xf32> to vector<16xf32>
        %get3A_438 = arith.index_cast %scan3A_378 : i32 to index
        %get3A_439 = arith.constant 128 : index
        %get3A_440 = tpu.vector_load %arg8[%get3A_438, %get3A_439] {strides = array<i32>} : memref<80x256xf32, #tpu.memory_space<vmem>>, vector<1x16xf32>,
        %get3A_441 = vector.shape_cast %get3A_440 : vector<1x16xf32> to vector<16xf32>
        %get3A_442 = arith.index_cast %scan3A_378 : i32 to index
        %get3A_443 = arith.constant 144 : index
        %get3A_444 = tpu.vector_load %arg8[%get3A_442, %get3A_443] {strides = array<i32>} : memref<80x256xf32, #tpu.memory_space<vmem>>, vector<1x16xf32>,
        %get3A_445 = vector.shape_cast %get3A_444 : vector<1x16xf32> to vector<16xf32>
        %get3A_446 = arith.index_cast %scan3A_378 : i32 to index
        %get3A_447 = arith.constant 160 : index
        %get3A_448 = tpu.vector_load %arg8[%get3A_446, %get3A_447] {strides = array<i32>} : memref<80x256xf32, #tpu.memory_space<vmem>>, vector<1x16xf32>,
        %get3A_449 = vector.shape_cast %get3A_448 : vector<1x16xf32> to vector<16xf32>
        %get3A_450 = arith.index_cast %scan3A_378 : i32 to index
        %get3A_451 = arith.constant 176 : index
        %get3A_452 = tpu.vector_load %arg8[%get3A_450, %get3A_451] {strides = array<i32>} : memref<80x256xf32, #tpu.memory_space<vmem>>, vector<1x16xf32>,
        %get3A_453 = vector.shape_cast %get3A_452 : vector<1x16xf32> to vector<16xf32>
        %get3A_454 = arith.index_cast %scan3A_378 : i32 to index
        %get3A_455 = arith.constant 192 : index
        %get3A_456 = tpu.vector_load %arg8[%get3A_454, %get3A_455] {strides = array<i32>} : memref<80x256xf32, #tpu.memory_space<vmem>>, vector<1x16xf32>,
        %get3A_457 = vector.shape_cast %get3A_456 : vector<1x16xf32> to vector<16xf32>
        %get3A_458 = arith.index_cast %scan3A_378 : i32 to index
        %get3A_459 = arith.constant 208 : index
        %get3A_460 = tpu.vector_load %arg8[%get3A_458, %get3A_459] {strides = array<i32>} : memref<80x256xf32, #tpu.memory_space<vmem>>, vector<1x16xf32>,
        %get3A_461 = vector.shape_cast %get3A_460 : vector<1x16xf32> to vector<16xf32>
        %get3A_462 = arith.index_cast %scan3A_378 : i32 to index
        %get3A_463 = arith.constant 224 : index
        %get3A_464 = tpu.vector_load %arg8[%get3A_462, %get3A_463] {strides = array<i32>} : memref<80x256xf32, #tpu.memory_space<vmem>>, vector<1x16xf32>,
        %get3A_465 = vector.shape_cast %get3A_464 : vector<1x16xf32> to vector<16xf32>
        %get3A_466 = arith.index_cast %scan3A_378 : i32 to index
        %get3A_467 = arith.constant 240 : index
        %get3A_468 = tpu.vector_load %arg8[%get3A_466, %get3A_467] {strides = array<i32>} : memref<80x256xf32, #tpu.memory_space<vmem>>, vector<1x16xf32>,
        %get3A_469 = vector.shape_cast %get3A_468 : vector<1x16xf32> to vector<16xf32>
        %eq3A_470 = arith.cmpi eq, %squeeze3A_405, %scan3A_379 : i32
        %not3A = arith.constant true
        %not3A_471 = arith.xori %eq3A_470, %not3A : i1
        %ge3A_472 = arith.constant 0 : i32
        %ge3A_473 = arith.cmpi sge, %scan3A_379, %ge3A_472 : i32
        %and3A = arith.andi %not3A_471, %ge3A_473 : i1
        %convert_element_type3A_474 = arith.extui %and3A : i1 to i32
        %cond3A_475 = arith.constant 0 : i32
        %cond3A_476 = arith.cmpi ne, %convert_element_type3A_474, %cond3A_475 : i32
        scf.if %cond3A_476 {
          %eq3A_532 = arith.cmpi eq, %scan3A_379, %scan3A_380 : i32
          %convert_element_type3A_533 = arith.extui %eq3A_532 : i1 to i32
          %cond3A_534 = arith.constant 0 : i32
          %cond3A_535 = arith.cmpi ne, %convert_element_type3A_533, %cond3A_534 : i32
          scf.if %cond3A_535 {
            %swap3A_549 = arith.constant 0 : index
            %swap3A_550 = tpu.vector_load %arg15[%swap3A_549] {strides = array<i32>} : memref<512xf32, #tpu.memory_space<vmem>>, vector<16xf32>,
            %swap3A_551 = vector.shape_cast %swap3A_550 : vector<16xf32> to vector<16xf32>
            %swap3A_552 = vector.shape_cast %scan3A_381 : vector<16xf32> to vector<16xf32>
            tpu.vector_store %arg15[%swap3A_549], %swap3A_552 {strides = array<i32>} : memref<512xf32, #tpu.memory_space<vmem>>, vector<16xf32>,
            %swap3A_553 = arith.constant 16 : index
            %swap3A_554 = tpu.vector_load %arg15[%swap3A_553] {strides = array<i32>} : memref<512xf32, #tpu.memory_space<vmem>>, vector<16xf32>,
            %swap3A_555 = vector.shape_cast %swap3A_554 : vector<16xf32> to vector<16xf32>
            %swap3A_556 = vector.shape_cast %scan3A_382 : vector<16xf32> to vector<16xf32>
            tpu.vector_store %arg15[%swap3A_553], %swap3A_556 {strides = array<i32>} : memref<512xf32, #tpu.memory_space<vmem>>, vector<16xf32>,
            %swap3A_557 = arith.constant 32 : index
            %swap3A_558 = tpu.vector_load %arg15[%swap3A_557] {strides = array<i32>} : memref<512xf32, #tpu.memory_space<vmem>>, vector<16xf32>,
            %swap3A_559 = vector.shape_cast %swap3A_558 : vector<16xf32> to vector<16xf32>
            %swap3A_560 = vector.shape_cast %scan3A_383 : vector<16xf32> to vector<16xf32>
            tpu.vector_store %arg15[%swap3A_557], %swap3A_560 {strides = array<i32>} : memref<512xf32, #tpu.memory_space<vmem>>, vector<16xf32>,
            %swap3A_561 = arith.constant 48 : index
            %swap3A_562 = tpu.vector_load %arg15[%swap3A_561] {strides = array<i32>} : memref<512xf32, #tpu.memory_space<vmem>>, vector<16xf32>,
            %swap3A_563 = vector.shape_cast %swap3A_562 : vector<16xf32> to vector<16xf32>
            %swap3A_564 = vector.shape_cast %scan3A_384 : vector<16xf32> to vector<16xf32>
            tpu.vector_store %arg15[%swap3A_561], %swap3A_564 {strides = array<i32>} : memref<512xf32, #tpu.memory_space<vmem>>, vector<16xf32>,
            %swap3A_565 = arith.constant 64 : index
            %swap3A_566 = tpu.vector_load %arg15[%swap3A_565] {strides = array<i32>} : memref<512xf32, #tpu.memory_space<vmem>>, vector<16xf32>,
            %swap3A_567 = vector.shape_cast %swap3A_566 : vector<16xf32> to vector<16xf32>
            %swap3A_568 = vector.shape_cast %scan3A_385 : vector<16xf32> to vector<16xf32>
            tpu.vector_store %arg15[%swap3A_565], %swap3A_568 {strides = array<i32>} : memref<512xf32, #tpu.memory_space<vmem>>, vector<16xf32>,
            %swap3A_569 = arith.constant 80 : index
            %swap3A_570 = tpu.vector_load %arg15[%swap3A_569] {strides = array<i32>} : memref<512xf32, #tpu.memory_space<vmem>>, vector<16xf32>,
            %swap3A_571 = vector.shape_cast %swap3A_570 : vector<16xf32> to vector<16xf32>
            %swap3A_572 = vector.shape_cast %scan3A_386 : vector<16xf32> to vector<16xf32>
            tpu.vector_store %arg15[%swap3A_569], %swap3A_572 {strides = array<i32>} : memref<512xf32, #tpu.memory_space<vmem>>, vector<16xf32>,
            %swap3A_573 = arith.constant 96 : index
            %swap3A_574 = tpu.vector_load %arg15[%swap3A_573] {strides = array<i32>} : memref<512xf32, #tpu.memory_space<vmem>>, vector<16xf32>,
            %swap3A_575 = vector.shape_cast %swap3A_574 : vector<16xf32> to vector<16xf32>
            %swap3A_576 = vector.shape_cast %scan3A_387 : vector<16xf32> to vector<16xf32>
            tpu.vector_store %arg15[%swap3A_573], %swap3A_576 {strides = array<i32>} : memref<512xf32, #tpu.memory_space<vmem>>, vector<16xf32>,
            %swap3A_577 = arith.constant 112 : index
            %swap3A_578 = tpu.vector_load %arg15[%swap3A_577] {strides = array<i32>} : memref<512xf32, #tpu.memory_space<vmem>>, vector<16xf32>,
            %swap3A_579 = vector.shape_cast %swap3A_578 : vector<16xf32> to vector<16xf32>
            %swap3A_580 = vector.shape_cast %scan3A_388 : vector<16xf32> to vector<16xf32>
            tpu.vector_store %arg15[%swap3A_577], %swap3A_580 {strides = array<i32>} : memref<512xf32, #tpu.memory_space<vmem>>, vector<16xf32>,
            %swap3A_581 = arith.constant 128 : index
            %swap3A_582 = tpu.vector_load %arg15[%swap3A_581] {strides = array<i32>} : memref<512xf32, #tpu.memory_space<vmem>>, vector<16xf32>,
            %swap3A_583 = vector.shape_cast %swap3A_582 : vector<16xf32> to vector<16xf32>
            %swap3A_584 = vector.shape_cast %scan3A_389 : vector<16xf32> to vector<16xf32>
            tpu.vector_store %arg15[%swap3A_581], %swap3A_584 {strides = array<i32>} : memref<512xf32, #tpu.memory_space<vmem>>, vector<16xf32>,
            %swap3A_585 = arith.constant 144 : index
            %swap3A_586 = tpu.vector_load %arg15[%swap3A_585] {strides = array<i32>} : memref<512xf32, #tpu.memory_space<vmem>>, vector<16xf32>,
            %swap3A_587 = vector.shape_cast %swap3A_586 : vector<16xf32> to vector<16xf32>
            %swap3A_588 = vector.shape_cast %scan3A_390 : vector<16xf32> to vector<16xf32>
            tpu.vector_store %arg15[%swap3A_585], %swap3A_588 {strides = array<i32>} : memref<512xf32, #tpu.memory_space<vmem>>, vector<16xf32>,
            %swap3A_589 = arith.constant 160 : index
            %swap3A_590 = tpu.vector_load %arg15[%swap3A_589] {strides = array<i32>} : memref<512xf32, #tpu.memory_space<vmem>>, vector<16xf32>,
            %swap3A_591 = vector.shape_cast %swap3A_590 : vector<16xf32> to vector<16xf32>
            %swap3A_592 = vector.shape_cast %scan3A_391 : vector<16xf32> to vector<16xf32>
            tpu.vector_store %arg15[%swap3A_589], %swap3A_592 {strides = array<i32>} : memref<512xf32, #tpu.memory_space<vmem>>, vector<16xf32>,
            %swap3A_593 = arith.constant 176 : index
            %swap3A_594 = tpu.vector_load %arg15[%swap3A_593] {strides = array<i32>} : memref<512xf32, #tpu.memory_space<vmem>>, vector<16xf32>,
            %swap3A_595 = vector.shape_cast %swap3A_594 : vector<16xf32> to vector<16xf32>
            %swap3A_596 = vector.shape_cast %scan3A_392 : vector<16xf32> to vector<16xf32>
            tpu.vector_store %arg15[%swap3A_593], %swap3A_596 {strides = array<i32>} : memref<512xf32, #tpu.memory_space<vmem>>, vector<16xf32>,
            %swap3A_597 = arith.constant 192 : index
            %swap3A_598 = tpu.vector_load %arg15[%swap3A_597] {strides = array<i32>} : memref<512xf32, #tpu.memory_space<vmem>>, vector<16xf32>,
            %swap3A_599 = vector.shape_cast %swap3A_598 : vector<16xf32> to vector<16xf32>
            %swap3A_600 = vector.shape_cast %scan3A_393 : vector<16xf32> to vector<16xf32>
            tpu.vector_store %arg15[%swap3A_597], %swap3A_600 {strides = array<i32>} : memref<512xf32, #tpu.memory_space<vmem>>, vector<16xf32>,
            %swap3A_601 = arith.constant 208 : index
            %swap3A_602 = tpu.vector_load %arg15[%swap3A_601] {strides = array<i32>} : memref<512xf32, #tpu.memory_space<vmem>>, vector<16xf32>,
            %swap3A_603 = vector.shape_cast %swap3A_602 : vector<16xf32> to vector<16xf32>
            %swap3A_604 = vector.shape_cast %scan3A_394 : vector<16xf32> to vector<16xf32>
            tpu.vector_store %arg15[%swap3A_601], %swap3A_604 {strides = array<i32>} : memref<512xf32, #tpu.memory_space<vmem>>, vector<16xf32>,
            %swap3A_605 = arith.constant 224 : index
            %swap3A_606 = tpu.vector_load %arg15[%swap3A_605] {strides = array<i32>} : memref<512xf32, #tpu.memory_space<vmem>>, vector<16xf32>,
            %swap3A_607 = vector.shape_cast %swap3A_606 : vector<16xf32> to vector<16xf32>
            %swap3A_608 = vector.shape_cast %scan3A_395 : vector<16xf32> to vector<16xf32>
            tpu.vector_store %arg15[%swap3A_605], %swap3A_608 {strides = array<i32>} : memref<512xf32, #tpu.memory_space<vmem>>, vector<16xf32>,
            %swap3A_609 = arith.constant 240 : index
            %swap3A_610 = tpu.vector_load %arg15[%swap3A_609] {strides = array<i32>} : memref<512xf32, #tpu.memory_space<vmem>>, vector<16xf32>,
            %swap3A_611 = vector.shape_cast %swap3A_610 : vector<16xf32> to vector<16xf32>
            %swap3A_612 = vector.shape_cast %scan3A_396 : vector<16xf32> to vector<16xf32>
            tpu.vector_store %arg15[%swap3A_609], %swap3A_612 {strides = array<i32>} : memref<512xf32, #tpu.memory_space<vmem>>, vector<16xf32>,
          } else {
          }
          %ne3A = arith.cmpi ne, %scan3A_379, %scan3A_380 : i32
          %ge3A_536 = arith.constant 1024 : i32
          %ge3A_537 = arith.cmpi sge, %squeeze3A_405, %ge3A_536 : i32
          %and3A_538 = arith.andi %ne3A, %ge3A_537 : i1
          %convert_element_type3A_539 = arith.extui %and3A_538 : i1 to i32
          %cond3A_540 = arith.constant 0 : i32
          %cond3A_541 = arith.cmpi ne, %convert_element_type3A_539, %cond3A_540 : i32
          scf.if %cond3A_541 {
            %swap3A_549 = arith.constant 256 : index
            %swap3A_550 = tpu.vector_load %arg15[%swap3A_549] {strides = array<i32>} : memref<512xf32, #tpu.memory_space<vmem>>, vector<16xf32>,
            %swap3A_551 = vector.shape_cast %swap3A_550 : vector<16xf32> to vector<16xf32>
            %swap3A_552 = vector.shape_cast %scan3A_381 : vector<16xf32> to vector<16xf32>
            tpu.vector_store %arg15[%swap3A_549], %swap3A_552 {strides = array<i32>} : memref<512xf32, #tpu.memory_space<vmem>>, vector<16xf32>,
            %swap3A_553 = arith.constant 272 : index
            %swap3A_554 = tpu.vector_load %arg15[%swap3A_553] {strides = array<i32>} : memref<512xf32, #tpu.memory_space<vmem>>, vector<16xf32>,
            %swap3A_555 = vector.shape_cast %swap3A_554 : vector<16xf32> to vector<16xf32>
            %swap3A_556 = vector.shape_cast %scan3A_382 : vector<16xf32> to vector<16xf32>
            tpu.vector_store %arg15[%swap3A_553], %swap3A_556 {strides = array<i32>} : memref<512xf32, #tpu.memory_space<vmem>>, vector<16xf32>,
            %swap3A_557 = arith.constant 288 : index
            %swap3A_558 = tpu.vector_load %arg15[%swap3A_557] {strides = array<i32>} : memref<512xf32, #tpu.memory_space<vmem>>, vector<16xf32>,
            %swap3A_559 = vector.shape_cast %swap3A_558 : vector<16xf32> to vector<16xf32>
            %swap3A_560 = vector.shape_cast %scan3A_383 : vector<16xf32> to vector<16xf32>
            tpu.vector_store %arg15[%swap3A_557], %swap3A_560 {strides = array<i32>} : memref<512xf32, #tpu.memory_space<vmem>>, vector<16xf32>,
            %swap3A_561 = arith.constant 304 : index
            %swap3A_562 = tpu.vector_load %arg15[%swap3A_561] {strides = array<i32>} : memref<512xf32, #tpu.memory_space<vmem>>, vector<16xf32>,
            %swap3A_563 = vector.shape_cast %swap3A_562 : vector<16xf32> to vector<16xf32>
            %swap3A_564 = vector.shape_cast %scan3A_384 : vector<16xf32> to vector<16xf32>
            tpu.vector_store %arg15[%swap3A_561], %swap3A_564 {strides = array<i32>} : memref<512xf32, #tpu.memory_space<vmem>>, vector<16xf32>,
            %swap3A_565 = arith.constant 320 : index
            %swap3A_566 = tpu.vector_load %arg15[%swap3A_565] {strides = array<i32>} : memref<512xf32, #tpu.memory_space<vmem>>, vector<16xf32>,
            %swap3A_567 = vector.shape_cast %swap3A_566 : vector<16xf32> to vector<16xf32>
            %swap3A_568 = vector.shape_cast %scan3A_385 : vector<16xf32> to vector<16xf32>
            tpu.vector_store %arg15[%swap3A_565], %swap3A_568 {strides = array<i32>} : memref<512xf32, #tpu.memory_space<vmem>>, vector<16xf32>,
            %swap3A_569 = arith.constant 336 : index
            %swap3A_570 = tpu.vector_load %arg15[%swap3A_569] {strides = array<i32>} : memref<512xf32, #tpu.memory_space<vmem>>, vector<16xf32>,
            %swap3A_571 = vector.shape_cast %swap3A_570 : vector<16xf32> to vector<16xf32>
            %swap3A_572 = vector.shape_cast %scan3A_386 : vector<16xf32> to vector<16xf32>
            tpu.vector_store %arg15[%swap3A_569], %swap3A_572 {strides = array<i32>} : memref<512xf32, #tpu.memory_space<vmem>>, vector<16xf32>,
            %swap3A_573 = arith.constant 352 : index
            %swap3A_574 = tpu.vector_load %arg15[%swap3A_573] {strides = array<i32>} : memref<512xf32, #tpu.memory_space<vmem>>, vector<16xf32>,
            %swap3A_575 = vector.shape_cast %swap3A_574 : vector<16xf32> to vector<16xf32>
            %swap3A_576 = vector.shape_cast %scan3A_387 : vector<16xf32> to vector<16xf32>
            tpu.vector_store %arg15[%swap3A_573], %swap3A_576 {strides = array<i32>} : memref<512xf32, #tpu.memory_space<vmem>>, vector<16xf32>,
            %swap3A_577 = arith.constant 368 : index
            %swap3A_578 = tpu.vector_load %arg15[%swap3A_577] {strides = array<i32>} : memref<512xf32, #tpu.memory_space<vmem>>, vector<16xf32>,
            %swap3A_579 = vector.shape_cast %swap3A_578 : vector<16xf32> to vector<16xf32>
            %swap3A_580 = vector.shape_cast %scan3A_388 : vector<16xf32> to vector<16xf32>
            tpu.vector_store %arg15[%swap3A_577], %swap3A_580 {strides = array<i32>} : memref<512xf32, #tpu.memory_space<vmem>>, vector<16xf32>,
            %swap3A_581 = arith.constant 384 : index
            %swap3A_582 = tpu.vector_load %arg15[%swap3A_581] {strides = array<i32>} : memref<512xf32, #tpu.memory_space<vmem>>, vector<16xf32>,
            %swap3A_583 = vector.shape_cast %swap3A_582 : vector<16xf32> to vector<16xf32>
            %swap3A_584 = vector.shape_cast %scan3A_389 : vector<16xf32> to vector<16xf32>
            tpu.vector_store %arg15[%swap3A_581], %swap3A_584 {strides = array<i32>} : memref<512xf32, #tpu.memory_space<vmem>>, vector<16xf32>,
            %swap3A_585 = arith.constant 400 : index
            %swap3A_586 = tpu.vector_load %arg15[%swap3A_585] {strides = array<i32>} : memref<512xf32, #tpu.memory_space<vmem>>, vector<16xf32>,
            %swap3A_587 = vector.shape_cast %swap3A_586 : vector<16xf32> to vector<16xf32>
            %swap3A_588 = vector.shape_cast %scan3A_390 : vector<16xf32> to vector<16xf32>
            tpu.vector_store %arg15[%swap3A_585], %swap3A_588 {strides = array<i32>} : memref<512xf32, #tpu.memory_space<vmem>>, vector<16xf32>,
            %swap3A_589 = arith.constant 416 : index
            %swap3A_590 = tpu.vector_load %arg15[%swap3A_589] {strides = array<i32>} : memref<512xf32, #tpu.memory_space<vmem>>, vector<16xf32>,
            %swap3A_591 = vector.shape_cast %swap3A_590 : vector<16xf32> to vector<16xf32>
            %swap3A_592 = vector.shape_cast %scan3A_391 : vector<16xf32> to vector<16xf32>
            tpu.vector_store %arg15[%swap3A_589], %swap3A_592 {strides = array<i32>} : memref<512xf32, #tpu.memory_space<vmem>>, vector<16xf32>,
            %swap3A_593 = arith.constant 432 : index
            %swap3A_594 = tpu.vector_load %arg15[%swap3A_593] {strides = array<i32>} : memref<512xf32, #tpu.memory_space<vmem>>, vector<16xf32>,
            %swap3A_595 = vector.shape_cast %swap3A_594 : vector<16xf32> to vector<16xf32>
            %swap3A_596 = vector.shape_cast %scan3A_392 : vector<16xf32> to vector<16xf32>
            tpu.vector_store %arg15[%swap3A_593], %swap3A_596 {strides = array<i32>} : memref<512xf32, #tpu.memory_space<vmem>>, vector<16xf32>,
            %swap3A_597 = arith.constant 448 : index
            %swap3A_598 = tpu.vector_load %arg15[%swap3A_597] {strides = array<i32>} : memref<512xf32, #tpu.memory_space<vmem>>, vector<16xf32>,
            %swap3A_599 = vector.shape_cast %swap3A_598 : vector<16xf32> to vector<16xf32>
            %swap3A_600 = vector.shape_cast %scan3A_393 : vector<16xf32> to vector<16xf32>
            tpu.vector_store %arg15[%swap3A_597], %swap3A_600 {strides = array<i32>} : memref<512xf32, #tpu.memory_space<vmem>>, vector<16xf32>,
            %swap3A_601 = arith.constant 464 : index
            %swap3A_602 = tpu.vector_load %arg15[%swap3A_601] {strides = array<i32>} : memref<512xf32, #tpu.memory_space<vmem>>, vector<16xf32>,
            %swap3A_603 = vector.shape_cast %swap3A_602 : vector<16xf32> to vector<16xf32>
            %swap3A_604 = vector.shape_cast %scan3A_394 : vector<16xf32> to vector<16xf32>
            tpu.vector_store %arg15[%swap3A_601], %swap3A_604 {strides = array<i32>} : memref<512xf32, #tpu.memory_space<vmem>>, vector<16xf32>,
            %swap3A_605 = arith.constant 480 : index
            %swap3A_606 = tpu.vector_load %arg15[%swap3A_605] {strides = array<i32>} : memref<512xf32, #tpu.memory_space<vmem>>, vector<16xf32>,
            %swap3A_607 = vector.shape_cast %swap3A_606 : vector<16xf32> to vector<16xf32>
            %swap3A_608 = vector.shape_cast %scan3A_395 : vector<16xf32> to vector<16xf32>
            tpu.vector_store %arg15[%swap3A_605], %swap3A_608 {strides = array<i32>} : memref<512xf32, #tpu.memory_space<vmem>>, vector<16xf32>,
            %swap3A_609 = arith.constant 496 : index
            %swap3A_610 = tpu.vector_load %arg15[%swap3A_609] {strides = array<i32>} : memref<512xf32, #tpu.memory_space<vmem>>, vector<16xf32>,
            %swap3A_611 = vector.shape_cast %swap3A_610 : vector<16xf32> to vector<16xf32>
            %swap3A_612 = vector.shape_cast %scan3A_396 : vector<16xf32> to vector<16xf32>
            tpu.vector_store %arg15[%swap3A_609], %swap3A_612 {strides = array<i32>} : memref<512xf32, #tpu.memory_space<vmem>>, vector<16xf32>,
            %iota3A_613 = tpu.iota {dimensions = array<i32: 0>} : vector<16xi32>
            %eq3A_614 = arith.constant 1 : i32
            %eq3A_615 = vector.broadcast %eq3A_614 : i32 to vector<16xi32>
            %eq3A_616 = arith.cmpi eq, %iota3A_613, %eq3A_615 : vector<16xi32>
            %jit3A_617 = arith.constant 0 : i32
            %broadcast_in_dim3A_618 = vector.broadcast %scan3A_379 : i32 to vector<16xi32>
            %broadcast_in_dim3A_619 = vector.broadcast %jit3A_617 : i32 to vector<16xi32>
            %select_n3A_620 = arith.select %eq3A_616, %broadcast_in_dim3A_618, %broadcast_in_dim3A_619 : vector<16xi1>, vector<16xi32>
            %swap3A_621 = arith.constant 0 : index
            %swap3A_622 = tpu.vector_load %arg16[%swap3A_621] {strides = array<i32>} : memref<16xi32, #tpu.memory_space<vmem>>, vector<16xi32>,
            %swap3A_623 = vector.shape_cast %swap3A_622 : vector<16xi32> to vector<16xi32>
            %swap3A_624 = vector.shape_cast %select_n3A_620 : vector<16xi32> to vector<16xi32>
            tpu.vector_store %arg16[%swap3A_621], %swap3A_624 {strides = array<i32>} : memref<16xi32, #tpu.memory_space<vmem>>, vector<16xi32>,
          } else {
          }
          %ne3A_542 = arith.cmpi ne, %scan3A_379, %scan3A_380 : i32
          %lt3A_543 = arith.constant 1024 : i32
          %lt3A_544 = arith.cmpi slt, %squeeze3A_405, %lt3A_543 : i32
          %and3A_545 = arith.andi %ne3A_542, %lt3A_544 : i1
          %convert_element_type3A_546 = arith.extui %and3A_545 : i1 to i32
          %cond3A_547 = arith.constant 0 : i32
          %cond3A_548 = arith.cmpi ne, %convert_element_type3A_546, %cond3A_547 : i32
          scf.if %cond3A_548 {
            %swap3A_549 = arith.constant 0 : index
            %swap3A_550 = tpu.vector_load %arg14[%swap3A_549] {strides = array<i32>} : memref<256xf32, #tpu.memory_space<vmem>>, vector<16xf32>,
            %swap3A_551 = vector.shape_cast %swap3A_550 : vector<16xf32> to vector<16xf32>
            %swap3A_552 = vector.shape_cast %scan3A_381 : vector<16xf32> to vector<16xf32>
            tpu.vector_store %arg14[%swap3A_549], %swap3A_552 {strides = array<i32>} : memref<256xf32, #tpu.memory_space<vmem>>, vector<16xf32>,
            %swap3A_553 = arith.constant 16 : index
            %swap3A_554 = tpu.vector_load %arg14[%swap3A_553] {strides = array<i32>} : memref<256xf32, #tpu.memory_space<vmem>>, vector<16xf32>,
            %swap3A_555 = vector.shape_cast %swap3A_554 : vector<16xf32> to vector<16xf32>
            %swap3A_556 = vector.shape_cast %scan3A_382 : vector<16xf32> to vector<16xf32>
            tpu.vector_store %arg14[%swap3A_553], %swap3A_556 {strides = array<i32>} : memref<256xf32, #tpu.memory_space<vmem>>, vector<16xf32>,
            %swap3A_557 = arith.constant 32 : index
            %swap3A_558 = tpu.vector_load %arg14[%swap3A_557] {strides = array<i32>} : memref<256xf32, #tpu.memory_space<vmem>>, vector<16xf32>,
            %swap3A_559 = vector.shape_cast %swap3A_558 : vector<16xf32> to vector<16xf32>
            %swap3A_560 = vector.shape_cast %scan3A_383 : vector<16xf32> to vector<16xf32>
            tpu.vector_store %arg14[%swap3A_557], %swap3A_560 {strides = array<i32>} : memref<256xf32, #tpu.memory_space<vmem>>, vector<16xf32>,
            %swap3A_561 = arith.constant 48 : index
            %swap3A_562 = tpu.vector_load %arg14[%swap3A_561] {strides = array<i32>} : memref<256xf32, #tpu.memory_space<vmem>>, vector<16xf32>,
            %swap3A_563 = vector.shape_cast %swap3A_562 : vector<16xf32> to vector<16xf32>
            %swap3A_564 = vector.shape_cast %scan3A_384 : vector<16xf32> to vector<16xf32>
            tpu.vector_store %arg14[%swap3A_561], %swap3A_564 {strides = array<i32>} : memref<256xf32, #tpu.memory_space<vmem>>, vector<16xf32>,
            %swap3A_565 = arith.constant 64 : index
            %swap3A_566 = tpu.vector_load %arg14[%swap3A_565] {strides = array<i32>} : memref<256xf32, #tpu.memory_space<vmem>>, vector<16xf32>,
            %swap3A_567 = vector.shape_cast %swap3A_566 : vector<16xf32> to vector<16xf32>
            %swap3A_568 = vector.shape_cast %scan3A_385 : vector<16xf32> to vector<16xf32>
            tpu.vector_store %arg14[%swap3A_565], %swap3A_568 {strides = array<i32>} : memref<256xf32, #tpu.memory_space<vmem>>, vector<16xf32>,
            %swap3A_569 = arith.constant 80 : index
            %swap3A_570 = tpu.vector_load %arg14[%swap3A_569] {strides = array<i32>} : memref<256xf32, #tpu.memory_space<vmem>>, vector<16xf32>,
            %swap3A_571 = vector.shape_cast %swap3A_570 : vector<16xf32> to vector<16xf32>
            %swap3A_572 = vector.shape_cast %scan3A_386 : vector<16xf32> to vector<16xf32>
            tpu.vector_store %arg14[%swap3A_569], %swap3A_572 {strides = array<i32>} : memref<256xf32, #tpu.memory_space<vmem>>, vector<16xf32>,
            %swap3A_573 = arith.constant 96 : index
            %swap3A_574 = tpu.vector_load %arg14[%swap3A_573] {strides = array<i32>} : memref<256xf32, #tpu.memory_space<vmem>>, vector<16xf32>,
            %swap3A_575 = vector.shape_cast %swap3A_574 : vector<16xf32> to vector<16xf32>
            %swap3A_576 = vector.shape_cast %scan3A_387 : vector<16xf32> to vector<16xf32>
            tpu.vector_store %arg14[%swap3A_573], %swap3A_576 {strides = array<i32>} : memref<256xf32, #tpu.memory_space<vmem>>, vector<16xf32>,
            %swap3A_577 = arith.constant 112 : index
            %swap3A_578 = tpu.vector_load %arg14[%swap3A_577] {strides = array<i32>} : memref<256xf32, #tpu.memory_space<vmem>>, vector<16xf32>,
            %swap3A_579 = vector.shape_cast %swap3A_578 : vector<16xf32> to vector<16xf32>
            %swap3A_580 = vector.shape_cast %scan3A_388 : vector<16xf32> to vector<16xf32>
            tpu.vector_store %arg14[%swap3A_577], %swap3A_580 {strides = array<i32>} : memref<256xf32, #tpu.memory_space<vmem>>, vector<16xf32>,
            %swap3A_581 = arith.constant 128 : index
            %swap3A_582 = tpu.vector_load %arg14[%swap3A_581] {strides = array<i32>} : memref<256xf32, #tpu.memory_space<vmem>>, vector<16xf32>,
            %swap3A_583 = vector.shape_cast %swap3A_582 : vector<16xf32> to vector<16xf32>
            %swap3A_584 = vector.shape_cast %scan3A_389 : vector<16xf32> to vector<16xf32>
            tpu.vector_store %arg14[%swap3A_581], %swap3A_584 {strides = array<i32>} : memref<256xf32, #tpu.memory_space<vmem>>, vector<16xf32>,
            %swap3A_585 = arith.constant 144 : index
            %swap3A_586 = tpu.vector_load %arg14[%swap3A_585] {strides = array<i32>} : memref<256xf32, #tpu.memory_space<vmem>>, vector<16xf32>,
            %swap3A_587 = vector.shape_cast %swap3A_586 : vector<16xf32> to vector<16xf32>
            %swap3A_588 = vector.shape_cast %scan3A_390 : vector<16xf32> to vector<16xf32>
            tpu.vector_store %arg14[%swap3A_585], %swap3A_588 {strides = array<i32>} : memref<256xf32, #tpu.memory_space<vmem>>, vector<16xf32>,
            %swap3A_589 = arith.constant 160 : index
            %swap3A_590 = tpu.vector_load %arg14[%swap3A_589] {strides = array<i32>} : memref<256xf32, #tpu.memory_space<vmem>>, vector<16xf32>,
            %swap3A_591 = vector.shape_cast %swap3A_590 : vector<16xf32> to vector<16xf32>
            %swap3A_592 = vector.shape_cast %scan3A_391 : vector<16xf32> to vector<16xf32>
            tpu.vector_store %arg14[%swap3A_589], %swap3A_592 {strides = array<i32>} : memref<256xf32, #tpu.memory_space<vmem>>, vector<16xf32>,
            %swap3A_593 = arith.constant 176 : index
            %swap3A_594 = tpu.vector_load %arg14[%swap3A_593] {strides = array<i32>} : memref<256xf32, #tpu.memory_space<vmem>>, vector<16xf32>,
            %swap3A_595 = vector.shape_cast %swap3A_594 : vector<16xf32> to vector<16xf32>
            %swap3A_596 = vector.shape_cast %scan3A_392 : vector<16xf32> to vector<16xf32>
            tpu.vector_store %arg14[%swap3A_593], %swap3A_596 {strides = array<i32>} : memref<256xf32, #tpu.memory_space<vmem>>, vector<16xf32>,
            %swap3A_597 = arith.constant 192 : index
            %swap3A_598 = tpu.vector_load %arg14[%swap3A_597] {strides = array<i32>} : memref<256xf32, #tpu.memory_space<vmem>>, vector<16xf32>,
            %swap3A_599 = vector.shape_cast %swap3A_598 : vector<16xf32> to vector<16xf32>
            %swap3A_600 = vector.shape_cast %scan3A_393 : vector<16xf32> to vector<16xf32>
            tpu.vector_store %arg14[%swap3A_597], %swap3A_600 {strides = array<i32>} : memref<256xf32, #tpu.memory_space<vmem>>, vector<16xf32>,
            %swap3A_601 = arith.constant 208 : index
            %swap3A_602 = tpu.vector_load %arg14[%swap3A_601] {strides = array<i32>} : memref<256xf32, #tpu.memory_space<vmem>>, vector<16xf32>,
            %swap3A_603 = vector.shape_cast %swap3A_602 : vector<16xf32> to vector<16xf32>
            %swap3A_604 = vector.shape_cast %scan3A_394 : vector<16xf32> to vector<16xf32>
            tpu.vector_store %arg14[%swap3A_601], %swap3A_604 {strides = array<i32>} : memref<256xf32, #tpu.memory_space<vmem>>, vector<16xf32>,
            %swap3A_605 = arith.constant 224 : index
            %swap3A_606 = tpu.vector_load %arg14[%swap3A_605] {strides = array<i32>} : memref<256xf32, #tpu.memory_space<vmem>>, vector<16xf32>,
            %swap3A_607 = vector.shape_cast %swap3A_606 : vector<16xf32> to vector<16xf32>
            %swap3A_608 = vector.shape_cast %scan3A_395 : vector<16xf32> to vector<16xf32>
            tpu.vector_store %arg14[%swap3A_605], %swap3A_608 {strides = array<i32>} : memref<256xf32, #tpu.memory_space<vmem>>, vector<16xf32>,
            %swap3A_609 = arith.constant 240 : index
            %swap3A_610 = tpu.vector_load %arg14[%swap3A_609] {strides = array<i32>} : memref<256xf32, #tpu.memory_space<vmem>>, vector<16xf32>,
            %swap3A_611 = vector.shape_cast %swap3A_610 : vector<16xf32> to vector<16xf32>
            %swap3A_612 = vector.shape_cast %scan3A_396 : vector<16xf32> to vector<16xf32>
            tpu.vector_store %arg14[%swap3A_609], %swap3A_612 {strides = array<i32>} : memref<256xf32, #tpu.memory_space<vmem>>, vector<16xf32>,
            %mul3A_613 = arith.constant 256 : i32
            %mul3A_614 = arith.muli %scan3A_379, %mul3A_613 : i32
            "tpu.region"() ({
              %run_scoped3A = tpu.sem_alloc : memref<!tpu.dma_semaphore, #tpu.memory_space<semaphore_mem>>
              %dma_start3A = tpu.memref_slice %arg18[%mul3A_614] : memref<262144xf32, #tpu.memory_space<vmem_shared>> -> memref<256xf32, #tpu.memory_space<vmem_shared>>
              %dma_start3A_615 = tpu.memref_slice %arg18[%mul3A_614] : memref<262144xf32, #tpu.memory_space<vmem_shared>> -> memref<256xf32, #tpu.memory_space<vmem_shared>>
              tpu.enqueue_dma source(%arg14 : memref<256xf32, #tpu.memory_space<vmem>>) target(%dma_start3A_615 : memref<256xf32, #tpu.memory_space<vmem_shared>>) target_semaphore(%run_scoped3A : memref<!tpu.dma_semaphore, #tpu.memory_space<semaphore_mem>>)
              %dma_wait3A = tpu.memref_slice %arg18[%mul3A_614] : memref<262144xf32, #tpu.memory_space<vmem_shared>> -> memref<256xf32, #tpu.memory_space<vmem_shared>>
              %dma_wait3A_616 = tpu.memref_slice %arg18[%mul3A_614] : memref<262144xf32, #tpu.memory_space<vmem_shared>> -> memref<256xf32, #tpu.memory_space<vmem_shared>>
              tpu.wait_dma2 semaphore(%run_scoped3A : memref<!tpu.dma_semaphore, #tpu.memory_space<semaphore_mem>>) src(%arg14 : memref<256xf32, #tpu.memory_space<vmem>>) dst(%dma_wait3A_616 : memref<256xf32, #tpu.memory_space<vmem_shared>>)
              tpu.yield
            }) : () -> ()
          } else {
          }
        } else {
        }
        %jit3A_477 = arith.constant 1.000000e+00 : f32
        %jit3A_478 = arith.constant 0.000000e+00 : f32
        %select_n3A_479 = arith.select %eq3A_470, %jit3A_477, %jit3A_478 : f32
        %broadcast_in_dim3A_480 = vector.broadcast %select_n3A_479 : f32 to vector<16xf32>
        %mul3A_481 = arith.mulf %scan3A_381, %broadcast_in_dim3A_480 : vector<16xf32>
        %mul3A_482 = arith.mulf %broadcast_in_dim3A_400, %get3A_409 : vector<16xf32>
        %add3A_483 = arith.addf %mul3A_481, %mul3A_482 : vector<16xf32>
        %mul3A_484 = arith.mulf %scan3A_382, %broadcast_in_dim3A_480 : vector<16xf32>
        %mul3A_485 = arith.mulf %broadcast_in_dim3A_400, %get3A_413 : vector<16xf32>
        %add3A_486 = arith.addf %mul3A_484, %mul3A_485 : vector<16xf32>
        %mul3A_487 = arith.mulf %scan3A_383, %broadcast_in_dim3A_480 : vector<16xf32>
        %mul3A_488 = arith.mulf %broadcast_in_dim3A_400, %get3A_417 : vector<16xf32>
        %add3A_489 = arith.addf %mul3A_487, %mul3A_488 : vector<16xf32>
        %mul3A_490 = arith.mulf %scan3A_384, %broadcast_in_dim3A_480 : vector<16xf32>
        %mul3A_491 = arith.mulf %broadcast_in_dim3A_400, %get3A_421 : vector<16xf32>
        %add3A_492 = arith.addf %mul3A_490, %mul3A_491 : vector<16xf32>
        %mul3A_493 = arith.mulf %scan3A_385, %broadcast_in_dim3A_480 : vector<16xf32>
        %mul3A_494 = arith.mulf %broadcast_in_dim3A_400, %get3A_425 : vector<16xf32>
        %add3A_495 = arith.addf %mul3A_493, %mul3A_494 : vector<16xf32>
        %mul3A_496 = arith.mulf %scan3A_386, %broadcast_in_dim3A_480 : vector<16xf32>
        %mul3A_497 = arith.mulf %broadcast_in_dim3A_400, %get3A_429 : vector<16xf32>
        %add3A_498 = arith.addf %mul3A_496, %mul3A_497 : vector<16xf32>
        %mul3A_499 = arith.mulf %scan3A_387, %broadcast_in_dim3A_480 : vector<16xf32>
        %mul3A_500 = arith.mulf %broadcast_in_dim3A_400, %get3A_433 : vector<16xf32>
        %add3A_501 = arith.addf %mul3A_499, %mul3A_500 : vector<16xf32>
        %mul3A_502 = arith.mulf %scan3A_388, %broadcast_in_dim3A_480 : vector<16xf32>
        %mul3A_503 = arith.mulf %broadcast_in_dim3A_400, %get3A_437 : vector<16xf32>
        %add3A_504 = arith.addf %mul3A_502, %mul3A_503 : vector<16xf32>
        %mul3A_505 = arith.mulf %scan3A_389, %broadcast_in_dim3A_480 : vector<16xf32>
        %mul3A_506 = arith.mulf %broadcast_in_dim3A_400, %get3A_441 : vector<16xf32>
        %add3A_507 = arith.addf %mul3A_505, %mul3A_506 : vector<16xf32>
        %mul3A_508 = arith.mulf %scan3A_390, %broadcast_in_dim3A_480 : vector<16xf32>
        %mul3A_509 = arith.mulf %broadcast_in_dim3A_400, %get3A_445 : vector<16xf32>
        %add3A_510 = arith.addf %mul3A_508, %mul3A_509 : vector<16xf32>
        %mul3A_511 = arith.mulf %scan3A_391, %broadcast_in_dim3A_480 : vector<16xf32>
        %mul3A_512 = arith.mulf %broadcast_in_dim3A_400, %get3A_449 : vector<16xf32>
        %add3A_513 = arith.addf %mul3A_511, %mul3A_512 : vector<16xf32>
        %mul3A_514 = arith.mulf %scan3A_392, %broadcast_in_dim3A_480 : vector<16xf32>
        %mul3A_515 = arith.mulf %broadcast_in_dim3A_400, %get3A_453 : vector<16xf32>
        %add3A_516 = arith.addf %mul3A_514, %mul3A_515 : vector<16xf32>
        %mul3A_517 = arith.mulf %scan3A_393, %broadcast_in_dim3A_480 : vector<16xf32>
        %mul3A_518 = arith.mulf %broadcast_in_dim3A_400, %get3A_457 : vector<16xf32>
        %add3A_519 = arith.addf %mul3A_517, %mul3A_518 : vector<16xf32>
        %mul3A_520 = arith.mulf %scan3A_394, %broadcast_in_dim3A_480 : vector<16xf32>
        %mul3A_521 = arith.mulf %broadcast_in_dim3A_400, %get3A_461 : vector<16xf32>
        %add3A_522 = arith.addf %mul3A_520, %mul3A_521 : vector<16xf32>
        %mul3A_523 = arith.mulf %scan3A_395, %broadcast_in_dim3A_480 : vector<16xf32>
        %mul3A_524 = arith.mulf %broadcast_in_dim3A_400, %get3A_465 : vector<16xf32>
        %add3A_525 = arith.addf %mul3A_523, %mul3A_524 : vector<16xf32>
        %mul3A_526 = arith.mulf %scan3A_396, %broadcast_in_dim3A_480 : vector<16xf32>
        %mul3A_527 = arith.mulf %broadcast_in_dim3A_400, %get3A_469 : vector<16xf32>
        %add3A_528 = arith.addf %mul3A_526, %mul3A_527 : vector<16xf32>
        %lt3A_529 = arith.constant 0 : i32
        %lt3A_530 = arith.cmpi slt, %scan3A_379, %lt3A_529 : i32
        %select_n3A_531 = arith.select %lt3A_530, %squeeze3A_405, %scan3A_380 : i32
        scf.yield %squeeze3A_405, %select_n3A_531, %add3A_483, %add3A_486, %add3A_489, %add3A_492, %add3A_495, %add3A_498, %add3A_501, %add3A_504, %add3A_507, %add3A_510, %add3A_513, %add3A_516, %add3A_519, %add3A_522, %add3A_525, %add3A_528 : i32, i32, vector<16xf32>, vector<16xf32>, vector<16xf32>, vector<16xf32>, vector<16xf32>, vector<16xf32>, vector<16xf32>, vector<16xf32>, vector<16xf32>, vector<16xf32>, vector<16xf32>, vector<16xf32>, vector<16xf32>, vector<16xf32>, vector<16xf32>, vector<16xf32>
      }
      %scan3A_334 = arith.constant 80 : i32
      %add3A_335 = arith.constant 2 : i32
      %add3A_336 = arith.addi %mul3A_316, %add3A_335 : i32
      %add3A_337 = arith.addi %add3A_203, %add3A_336 : i32
      %mul3A_338 = arith.constant 80 : i32
      %mul3A_339 = arith.muli %add3A_337, %mul3A_338 : i32
      %add3A_340 = arith.constant 26000 : i32
      %add3A_341 = arith.addi %add3A_340, %mul3A_339 : i32
      %lt3A_342 = arith.cmpi slt, %add3A_336, %add3A_207 : i32
      %convert_element_type3A_343 = arith.extui %lt3A_342 : i1 to i32
      %cond3A_344 = arith.constant 0 : i32
      %cond3A_345 = arith.cmpi ne, %convert_element_type3A_343, %cond3A_344 : i32
      scf.if %cond3A_345 {
        %dma_start3A = arith.constant 0 : i32
        %dma_start3A_378 = tpu.memref_slice %arg2[%add3A_341, %dma_start3A] : memref<50000x256xf32, #tpu.memory_space<hbm>> -> memref<80x256xf32, #tpu.memory_space<hbm>>
        %dma_start3A_379 = arith.constant 0 : i32
        %dma_start3A_380 = tpu.memref_slice %arg2[%add3A_341, %dma_start3A_379] : memref<50000x256xf32, #tpu.memory_space<hbm>> -> memref<80x256xf32, #tpu.memory_space<hbm>>
        tpu.enqueue_dma source(%dma_start3A_380 : memref<80x256xf32, #tpu.memory_space<hbm>>) target(%arg8 : memref<80x256xf32, #tpu.memory_space<vmem>>) target_semaphore(%arg19 : memref<!tpu.dma_semaphore, #tpu.memory_space<semaphore_mem>>)
        %dma_start3A_381 = arith.constant 0 : i32
        %dma_start3A_382 = tpu.memref_slice %arg10[%dma_start3A_381] : memref<96xf32, #tpu.memory_space<vmem>> -> memref<80xf32, #tpu.memory_space<vmem>>
        %dma_start3A_383 = tpu.memref_slice %arg3[%mul3A_339] : memref<24000xf32, #tpu.memory_space<hbm>> -> memref<80xf32, #tpu.memory_space<hbm>>
        %dma_start3A_384 = arith.constant 0 : i32
        %dma_start3A_385 = tpu.memref_slice %arg10[%dma_start3A_384] : memref<96xf32, #tpu.memory_space<vmem>> -> memref<80xf32, #tpu.memory_space<vmem>>
        %dma_start3A_386 = tpu.memref_slice %arg3[%mul3A_339] : memref<24000xf32, #tpu.memory_space<hbm>> -> memref<80xf32, #tpu.memory_space<hbm>>
        tpu.enqueue_dma source(%dma_start3A_386 : memref<80xf32, #tpu.memory_space<hbm>>) target(%dma_start3A_385 : memref<80xf32, #tpu.memory_space<vmem>>) target_semaphore(%arg19 : memref<!tpu.dma_semaphore, #tpu.memory_space<semaphore_mem>>)
        %dma_start3A_387 = arith.constant 0 : i32
        %dma_start3A_388 = tpu.memref_slice %arg12[%dma_start3A_387] : memref<96xi32, #tpu.memory_space<vmem>> -> memref<80xi32, #tpu.memory_space<vmem>>
        %dma_start3A_389 = tpu.memref_slice %arg4[%add3A_341] : memref<50000xi32, #tpu.memory_space<hbm>> -> memref<80xi32, #tpu.memory_space<hbm>>
        %dma_start3A_390 = arith.constant 0 : i32
        %dma_start3A_391 = tpu.memref_slice %arg12[%dma_start3A_390] : memref<96xi32, #tpu.memory_space<vmem>> -> memref<80xi32, #tpu.memory_space<vmem>>
        %dma_start3A_392 = tpu.memref_slice %arg4[%add3A_341] : memref<50000xi32, #tpu.memory_space<hbm>> -> memref<80xi32, #tpu.memory_space<hbm>>
        tpu.enqueue_dma source(%dma_start3A_392 : memref<80xi32, #tpu.memory_space<hbm>>) target(%dma_start3A_391 : memref<80xi32, #tpu.memory_space<vmem>>) target_semaphore(%arg19 : memref<!tpu.dma_semaphore, #tpu.memory_space<semaphore_mem>>)
      } else {
      }
      %add3A_346 = arith.constant 1 : i32
      %add3A_347 = arith.addi %mul3A_316, %add3A_346 : i32
      %add3A_348 = arith.addi %add3A_203, %add3A_347 : i32
      %mul3A_349 = arith.constant 80 : i32
      %mul3A_350 = arith.muli %add3A_348, %mul3A_349 : i32
      %add3A_351 = arith.constant 26000 : i32
      %add3A_352 = arith.addi %add3A_351, %mul3A_350 : i32
      %lt3A_353 = arith.cmpi slt, %add3A_347, %add3A_207 : i32
      %convert_element_type3A_354 = arith.extui %lt3A_353 : i1 to i32
      %cond3A_355 = arith.constant 0 : i32
      %cond3A_356 = arith.cmpi ne, %convert_element_type3A_354, %cond3A_355 : i32
      scf.if %cond3A_356 {
        %dma_wait3A = arith.constant 0 : i32
        %dma_wait3A_378 = tpu.memref_slice %arg2[%add3A_352, %dma_wait3A] : memref<50000x256xf32, #tpu.memory_space<hbm>> -> memref<80x256xf32, #tpu.memory_space<hbm>>
        %dma_wait3A_379 = arith.constant 0 : i32
        %dma_wait3A_380 = tpu.memref_slice %arg2[%add3A_352, %dma_wait3A_379] : memref<50000x256xf32, #tpu.memory_space<hbm>> -> memref<80x256xf32, #tpu.memory_space<hbm>>
        tpu.wait_dma2 semaphore(%arg20 : memref<!tpu.dma_semaphore, #tpu.memory_space<semaphore_mem>>) src(%dma_wait3A_380 : memref<80x256xf32, #tpu.memory_space<hbm>>) dst(%arg9 : memref<80x256xf32, #tpu.memory_space<vmem>>)
        %dma_wait3A_381 = arith.constant 0 : i32
        %dma_wait3A_382 = tpu.memref_slice %arg11[%dma_wait3A_381] : memref<96xf32, #tpu.memory_space<vmem>> -> memref<80xf32, #tpu.memory_space<vmem>>
        %dma_wait3A_383 = tpu.memref_slice %arg3[%mul3A_350] : memref<24000xf32, #tpu.memory_space<hbm>> -> memref<80xf32, #tpu.memory_space<hbm>>
        %dma_wait3A_384 = arith.constant 0 : i32
        %dma_wait3A_385 = tpu.memref_slice %arg11[%dma_wait3A_384] : memref<96xf32, #tpu.memory_space<vmem>> -> memref<80xf32, #tpu.memory_space<vmem>>
        %dma_wait3A_386 = tpu.memref_slice %arg3[%mul3A_350] : memref<24000xf32, #tpu.memory_space<hbm>> -> memref<80xf32, #tpu.memory_space<hbm>>
        tpu.wait_dma2 semaphore(%arg20 : memref<!tpu.dma_semaphore, #tpu.memory_space<semaphore_mem>>) src(%dma_wait3A_386 : memref<80xf32, #tpu.memory_space<hbm>>) dst(%dma_wait3A_385 : memref<80xf32, #tpu.memory_space<vmem>>)
        %dma_wait3A_387 = arith.constant 0 : i32
        %dma_wait3A_388 = tpu.memref_slice %arg13[%dma_wait3A_387] : memref<96xi32, #tpu.memory_space<vmem>> -> memref<80xi32, #tpu.memory_space<vmem>>
        %dma_wait3A_389 = tpu.memref_slice %arg4[%add3A_352] : memref<50000xi32, #tpu.memory_space<hbm>> -> memref<80xi32, #tpu.memory_space<hbm>>
        %dma_wait3A_390 = arith.constant 0 : i32
        %dma_wait3A_391 = tpu.memref_slice %arg13[%dma_wait3A_390] : memref<96xi32, #tpu.memory_space<vmem>> -> memref<80xi32, #tpu.memory_space<vmem>>
        %dma_wait3A_392 = tpu.memref_slice %arg4[%add3A_352] : memref<50000xi32, #tpu.memory_space<hbm>> -> memref<80xi32, #tpu.memory_space<hbm>>
        tpu.wait_dma2 semaphore(%arg20 : memref<!tpu.dma_semaphore, #tpu.memory_space<semaphore_mem>>) src(%dma_wait3A_392 : memref<80xi32, #tpu.memory_space<hbm>>) dst(%dma_wait3A_391 : memref<80xi32, #tpu.memory_space<vmem>>)
      } else {
      }
      %ge3A_357 = arith.cmpi sge, %add3A_347, %add3A_207 : i32
      %convert_element_type3A_358 = arith.extui %ge3A_357 : i1 to i32
      %cond3A_359 = arith.constant 0 : i32
      %cond3A_360 = arith.cmpi ne, %convert_element_type3A_358, %cond3A_359 : i32
      scf.if %cond3A_360 {
        %broadcast_in_dim3A_378 = arith.constant 0.000000e+00 : f32
        %broadcast_in_dim3A_379 = vector.broadcast %broadcast_in_dim3A_378 : f32 to vector<16xf32>
        %swap3A_380 = arith.constant 0 : index
        %swap3A_381 = tpu.vector_load %arg11[%swap3A_380] {strides = array<i32>} : memref<96xf32, #tpu.memory_space<vmem>>, vector<16xf32>,
        %swap3A_382 = vector.shape_cast %swap3A_381 : vector<16xf32> to vector<16xf32>
        %swap3A_383 = vector.shape_cast %broadcast_in_dim3A_379 : vector<16xf32> to vector<16xf32>
        tpu.vector_store %arg11[%swap3A_380], %swap3A_383 {strides = array<i32>} : memref<96xf32, #tpu.memory_space<vmem>>, vector<16xf32>,
        %broadcast_in_dim3A_384 = arith.constant 1024 : i32
        %broadcast_in_dim3A_385 = vector.broadcast %broadcast_in_dim3A_384 : i32 to vector<16xi32>
        %swap3A_386 = arith.constant 0 : index
        %swap3A_387 = tpu.vector_load %arg13[%swap3A_386] {strides = array<i32>} : memref<96xi32, #tpu.memory_space<vmem>>, vector<16xi32>,
        %swap3A_388 = vector.shape_cast %swap3A_387 : vector<16xi32> to vector<16xi32>
        %swap3A_389 = vector.shape_cast %broadcast_in_dim3A_385 : vector<16xi32> to vector<16xi32>
        tpu.vector_store %arg13[%swap3A_386], %swap3A_389 {strides = array<i32>} : memref<96xi32, #tpu.memory_space<vmem>>, vector<16xi32>,
        %broadcast_in_dim3A_390 = arith.constant 0.000000e+00 : f32
        %broadcast_in_dim3A_391 = vector.broadcast %broadcast_in_dim3A_390 : f32 to vector<16xf32>
        %swap3A_392 = arith.constant 16 : index
        %swap3A_393 = tpu.vector_load %arg11[%swap3A_392] {strides = array<i32>} : memref<96xf32, #tpu.memory_space<vmem>>, vector<16xf32>,
        %swap3A_394 = vector.shape_cast %swap3A_393 : vector<16xf32> to vector<16xf32>
        %swap3A_395 = vector.shape_cast %broadcast_in_dim3A_391 : vector<16xf32> to vector<16xf32>
        tpu.vector_store %arg11[%swap3A_392], %swap3A_395 {strides = array<i32>} : memref<96xf32, #tpu.memory_space<vmem>>, vector<16xf32>,
        %broadcast_in_dim3A_396 = arith.constant 1024 : i32
        %broadcast_in_dim3A_397 = vector.broadcast %broadcast_in_dim3A_396 : i32 to vector<16xi32>
        %swap3A_398 = arith.constant 16 : index
        %swap3A_399 = tpu.vector_load %arg13[%swap3A_398] {strides = array<i32>} : memref<96xi32, #tpu.memory_space<vmem>>, vector<16xi32>,
        %swap3A_400 = vector.shape_cast %swap3A_399 : vector<16xi32> to vector<16xi32>
        %swap3A_401 = vector.shape_cast %broadcast_in_dim3A_397 : vector<16xi32> to vector<16xi32>
        tpu.vector_store %arg13[%swap3A_398], %swap3A_401 {strides = array<i32>} : memref<96xi32, #tpu.memory_space<vmem>>, vector<16xi32>,
        %broadcast_in_dim3A_402 = arith.constant 0.000000e+00 : f32
        %broadcast_in_dim3A_403 = vector.broadcast %broadcast_in_dim3A_402 : f32 to vector<16xf32>
        %swap3A_404 = arith.constant 32 : index
        %swap3A_405 = tpu.vector_load %arg11[%swap3A_404] {strides = array<i32>} : memref<96xf32, #tpu.memory_space<vmem>>, vector<16xf32>,
        %swap3A_406 = vector.shape_cast %swap3A_405 : vector<16xf32> to vector<16xf32>
        %swap3A_407 = vector.shape_cast %broadcast_in_dim3A_403 : vector<16xf32> to vector<16xf32>
        tpu.vector_store %arg11[%swap3A_404], %swap3A_407 {strides = array<i32>} : memref<96xf32, #tpu.memory_space<vmem>>, vector<16xf32>,
        %broadcast_in_dim3A_408 = arith.constant 1024 : i32
        %broadcast_in_dim3A_409 = vector.broadcast %broadcast_in_dim3A_408 : i32 to vector<16xi32>
        %swap3A_410 = arith.constant 32 : index
        %swap3A_411 = tpu.vector_load %arg13[%swap3A_410] {strides = array<i32>} : memref<96xi32, #tpu.memory_space<vmem>>, vector<16xi32>,
        %swap3A_412 = vector.shape_cast %swap3A_411 : vector<16xi32> to vector<16xi32>
        %swap3A_413 = vector.shape_cast %broadcast_in_dim3A_409 : vector<16xi32> to vector<16xi32>
        tpu.vector_store %arg13[%swap3A_410], %swap3A_413 {strides = array<i32>} : memref<96xi32, #tpu.memory_space<vmem>>, vector<16xi32>,
        %broadcast_in_dim3A_414 = arith.constant 0.000000e+00 : f32
        %broadcast_in_dim3A_415 = vector.broadcast %broadcast_in_dim3A_414 : f32 to vector<16xf32>
        %swap3A_416 = arith.constant 48 : index
        %swap3A_417 = tpu.vector_load %arg11[%swap3A_416] {strides = array<i32>} : memref<96xf32, #tpu.memory_space<vmem>>, vector<16xf32>,
        %swap3A_418 = vector.shape_cast %swap3A_417 : vector<16xf32> to vector<16xf32>
        %swap3A_419 = vector.shape_cast %broadcast_in_dim3A_415 : vector<16xf32> to vector<16xf32>
        tpu.vector_store %arg11[%swap3A_416], %swap3A_419 {strides = array<i32>} : memref<96xf32, #tpu.memory_space<vmem>>, vector<16xf32>,
        %broadcast_in_dim3A_420 = arith.constant 1024 : i32
        %broadcast_in_dim3A_421 = vector.broadcast %broadcast_in_dim3A_420 : i32 to vector<16xi32>
        %swap3A_422 = arith.constant 48 : index
        %swap3A_423 = tpu.vector_load %arg13[%swap3A_422] {strides = array<i32>} : memref<96xi32, #tpu.memory_space<vmem>>, vector<16xi32>,
        %swap3A_424 = vector.shape_cast %swap3A_423 : vector<16xi32> to vector<16xi32>
        %swap3A_425 = vector.shape_cast %broadcast_in_dim3A_421 : vector<16xi32> to vector<16xi32>
        tpu.vector_store %arg13[%swap3A_422], %swap3A_425 {strides = array<i32>} : memref<96xi32, #tpu.memory_space<vmem>>, vector<16xi32>,
        %broadcast_in_dim3A_426 = arith.constant 0.000000e+00 : f32
        %broadcast_in_dim3A_427 = vector.broadcast %broadcast_in_dim3A_426 : f32 to vector<16xf32>
        %swap3A_428 = arith.constant 64 : index
        %swap3A_429 = tpu.vector_load %arg11[%swap3A_428] {strides = array<i32>} : memref<96xf32, #tpu.memory_space<vmem>>, vector<16xf32>,
        %swap3A_430 = vector.shape_cast %swap3A_429 : vector<16xf32> to vector<16xf32>
        %swap3A_431 = vector.shape_cast %broadcast_in_dim3A_427 : vector<16xf32> to vector<16xf32>
        tpu.vector_store %arg11[%swap3A_428], %swap3A_431 {strides = array<i32>} : memref<96xf32, #tpu.memory_space<vmem>>, vector<16xf32>,
        %broadcast_in_dim3A_432 = arith.constant 1024 : i32
        %broadcast_in_dim3A_433 = vector.broadcast %broadcast_in_dim3A_432 : i32 to vector<16xi32>
        %swap3A_434 = arith.constant 64 : index
        %swap3A_435 = tpu.vector_load %arg13[%swap3A_434] {strides = array<i32>} : memref<96xi32, #tpu.memory_space<vmem>>, vector<16xi32>,
        %swap3A_436 = vector.shape_cast %swap3A_435 : vector<16xi32> to vector<16xi32>
        %swap3A_437 = vector.shape_cast %broadcast_in_dim3A_433 : vector<16xi32> to vector<16xi32>
        tpu.vector_store %arg13[%swap3A_434], %swap3A_437 {strides = array<i32>} : memref<96xi32, #tpu.memory_space<vmem>>, vector<16xi32>,
        %broadcast_in_dim3A_438 = arith.constant 0.000000e+00 : f32
        %broadcast_in_dim3A_439 = vector.broadcast %broadcast_in_dim3A_438 : f32 to vector<16xf32>
        %swap3A_440 = arith.constant 80 : index
        %swap3A_441 = tpu.vector_load %arg11[%swap3A_440] {strides = array<i32>} : memref<96xf32, #tpu.memory_space<vmem>>, vector<16xf32>,
        %swap3A_442 = vector.shape_cast %swap3A_441 : vector<16xf32> to vector<16xf32>
        %swap3A_443 = vector.shape_cast %broadcast_in_dim3A_439 : vector<16xf32> to vector<16xf32>
        tpu.vector_store %arg11[%swap3A_440], %swap3A_443 {strides = array<i32>} : memref<96xf32, #tpu.memory_space<vmem>>, vector<16xf32>,
        %broadcast_in_dim3A_444 = arith.constant 1024 : i32
        %broadcast_in_dim3A_445 = vector.broadcast %broadcast_in_dim3A_444 : i32 to vector<16xi32>
        %swap3A_446 = arith.constant 80 : index
        %swap3A_447 = tpu.vector_load %arg13[%swap3A_446] {strides = array<i32>} : memref<96xi32, #tpu.memory_space<vmem>>, vector<16xi32>,
        %swap3A_448 = vector.shape_cast %swap3A_447 : vector<16xi32> to vector<16xi32>
        %swap3A_449 = vector.shape_cast %broadcast_in_dim3A_445 : vector<16xi32> to vector<16xi32>
        tpu.vector_store %arg13[%swap3A_446], %swap3A_449 {strides = array<i32>} : memref<96xi32, #tpu.memory_space<vmem>>, vector<16xi32>,
      } else {
      }
      %scan3A_361 = arith.constant 0 : i32
      %scan3A_362 = arith.constant 80 : i32
      %scan3A_363 = arith.addi %scan3A_361, %scan3A_362 : i32
      %scan3A_364 = arith.constant 1 : i32
      %scan3A_365:18 = scf.for %scan3A_378 = %scan3A_361 to %scan3A_363 step %scan3A_364 iter_args(%scan3A_379 = %scan3A_333#0, %scan3A_380 = %scan3A_333#1, %scan3A_381 = %scan3A_333#2, %scan3A_382 = %scan3A_333#3, %scan3A_383 = %scan3A_333#4, %scan3A_384 = %scan3A_333#5, %scan3A_385 = %scan3A_333#6, %scan3A_386 = %scan3A_333#7, %scan3A_387 = %scan3A_333#8, %scan3A_388 = %scan3A_333#9, %scan3A_389 = %scan3A_333#10, %scan3A_390 = %scan3A_333#11, %scan3A_391 = %scan3A_333#12, %scan3A_392 = %scan3A_333#13, %scan3A_393 = %scan3A_333#14, %scan3A_394 = %scan3A_333#15, %scan3A_395 = %scan3A_333#16, %scan3A_396 = %scan3A_333#17) -> (i32, i32, vector<16xf32>, vector<16xf32>, vector<16xf32>, vector<16xf32>, vector<16xf32>, vector<16xf32>, vector<16xf32>, vector<16xf32>, vector<16xf32>, vector<16xf32>, vector<16xf32>, vector<16xf32>, vector<16xf32>, vector<16xf32>, vector<16xf32>, vector<16xf32>)  : i32 {
        %get3A_397 = arith.index_cast %scan3A_378 : i32 to index
        %get3A_398 = tpu.vector_load %arg11[%get3A_397] {strides = array<i32>} : memref<96xf32, #tpu.memory_space<vmem>>, vector<16xf32>,
        %get3A_399 = vector.shape_cast %get3A_398 : vector<16xf32> to vector<16xf32>
        %slice3A = vector.extract_strided_slice %get3A_399 {offsets = [0], sizes = [1], strides = [1]} : vector<16xf32> to vector<1xf32>
        %squeeze3A = vector.extract %slice3A[0] : f32 from vector<1xf32>
        %broadcast_in_dim3A_400 = vector.broadcast %squeeze3A : f32 to vector<16xf32>
        %get3A_401 = arith.index_cast %scan3A_378 : i32 to index
        %get3A_402 = tpu.vector_load %arg13[%get3A_401] {strides = array<i32>} : memref<96xi32, #tpu.memory_space<vmem>>, vector<16xi32>,
        %get3A_403 = vector.shape_cast %get3A_402 : vector<16xi32> to vector<16xi32>
        %slice3A_404 = vector.extract_strided_slice %get3A_403 {offsets = [0], sizes = [1], strides = [1]} : vector<16xi32> to vector<1xi32>
        %squeeze3A_405 = vector.extract %slice3A_404[0] : i32 from vector<1xi32>
        %get3A_406 = arith.index_cast %scan3A_378 : i32 to index
        %get3A_407 = arith.constant 0 : index
        %get3A_408 = tpu.vector_load %arg9[%get3A_406, %get3A_407] {strides = array<i32>} : memref<80x256xf32, #tpu.memory_space<vmem>>, vector<1x16xf32>,
        %get3A_409 = vector.shape_cast %get3A_408 : vector<1x16xf32> to vector<16xf32>
        %get3A_410 = arith.index_cast %scan3A_378 : i32 to index
        %get3A_411 = arith.constant 16 : index
        %get3A_412 = tpu.vector_load %arg9[%get3A_410, %get3A_411] {strides = array<i32>} : memref<80x256xf32, #tpu.memory_space<vmem>>, vector<1x16xf32>,
        %get3A_413 = vector.shape_cast %get3A_412 : vector<1x16xf32> to vector<16xf32>
        %get3A_414 = arith.index_cast %scan3A_378 : i32 to index
        %get3A_415 = arith.constant 32 : index
        %get3A_416 = tpu.vector_load %arg9[%get3A_414, %get3A_415] {strides = array<i32>} : memref<80x256xf32, #tpu.memory_space<vmem>>, vector<1x16xf32>,
        %get3A_417 = vector.shape_cast %get3A_416 : vector<1x16xf32> to vector<16xf32>
        %get3A_418 = arith.index_cast %scan3A_378 : i32 to index
        %get3A_419 = arith.constant 48 : index
        %get3A_420 = tpu.vector_load %arg9[%get3A_418, %get3A_419] {strides = array<i32>} : memref<80x256xf32, #tpu.memory_space<vmem>>, vector<1x16xf32>,
        %get3A_421 = vector.shape_cast %get3A_420 : vector<1x16xf32> to vector<16xf32>
        %get3A_422 = arith.index_cast %scan3A_378 : i32 to index
        %get3A_423 = arith.constant 64 : index
        %get3A_424 = tpu.vector_load %arg9[%get3A_422, %get3A_423] {strides = array<i32>} : memref<80x256xf32, #tpu.memory_space<vmem>>, vector<1x16xf32>,
        %get3A_425 = vector.shape_cast %get3A_424 : vector<1x16xf32> to vector<16xf32>
        %get3A_426 = arith.index_cast %scan3A_378 : i32 to index
        %get3A_427 = arith.constant 80 : index
        %get3A_428 = tpu.vector_load %arg9[%get3A_426, %get3A_427] {strides = array<i32>} : memref<80x256xf32, #tpu.memory_space<vmem>>, vector<1x16xf32>,
        %get3A_429 = vector.shape_cast %get3A_428 : vector<1x16xf32> to vector<16xf32>
        %get3A_430 = arith.index_cast %scan3A_378 : i32 to index
        %get3A_431 = arith.constant 96 : index
        %get3A_432 = tpu.vector_load %arg9[%get3A_430, %get3A_431] {strides = array<i32>} : memref<80x256xf32, #tpu.memory_space<vmem>>, vector<1x16xf32>,
        %get3A_433 = vector.shape_cast %get3A_432 : vector<1x16xf32> to vector<16xf32>
        %get3A_434 = arith.index_cast %scan3A_378 : i32 to index
        %get3A_435 = arith.constant 112 : index
        %get3A_436 = tpu.vector_load %arg9[%get3A_434, %get3A_435] {strides = array<i32>} : memref<80x256xf32, #tpu.memory_space<vmem>>, vector<1x16xf32>,
        %get3A_437 = vector.shape_cast %get3A_436 : vector<1x16xf32> to vector<16xf32>
        %get3A_438 = arith.index_cast %scan3A_378 : i32 to index
        %get3A_439 = arith.constant 128 : index
        %get3A_440 = tpu.vector_load %arg9[%get3A_438, %get3A_439] {strides = array<i32>} : memref<80x256xf32, #tpu.memory_space<vmem>>, vector<1x16xf32>,
        %get3A_441 = vector.shape_cast %get3A_440 : vector<1x16xf32> to vector<16xf32>
        %get3A_442 = arith.index_cast %scan3A_378 : i32 to index
        %get3A_443 = arith.constant 144 : index
        %get3A_444 = tpu.vector_load %arg9[%get3A_442, %get3A_443] {strides = array<i32>} : memref<80x256xf32, #tpu.memory_space<vmem>>, vector<1x16xf32>,
        %get3A_445 = vector.shape_cast %get3A_444 : vector<1x16xf32> to vector<16xf32>
        %get3A_446 = arith.index_cast %scan3A_378 : i32 to index
        %get3A_447 = arith.constant 160 : index
        %get3A_448 = tpu.vector_load %arg9[%get3A_446, %get3A_447] {strides = array<i32>} : memref<80x256xf32, #tpu.memory_space<vmem>>, vector<1x16xf32>,
        %get3A_449 = vector.shape_cast %get3A_448 : vector<1x16xf32> to vector<16xf32>
        %get3A_450 = arith.index_cast %scan3A_378 : i32 to index
        %get3A_451 = arith.constant 176 : index
        %get3A_452 = tpu.vector_load %arg9[%get3A_450, %get3A_451] {strides = array<i32>} : memref<80x256xf32, #tpu.memory_space<vmem>>, vector<1x16xf32>,
        %get3A_453 = vector.shape_cast %get3A_452 : vector<1x16xf32> to vector<16xf32>
        %get3A_454 = arith.index_cast %scan3A_378 : i32 to index
        %get3A_455 = arith.constant 192 : index
        %get3A_456 = tpu.vector_load %arg9[%get3A_454, %get3A_455] {strides = array<i32>} : memref<80x256xf32, #tpu.memory_space<vmem>>, vector<1x16xf32>,
        %get3A_457 = vector.shape_cast %get3A_456 : vector<1x16xf32> to vector<16xf32>
        %get3A_458 = arith.index_cast %scan3A_378 : i32 to index
        %get3A_459 = arith.constant 208 : index
        %get3A_460 = tpu.vector_load %arg9[%get3A_458, %get3A_459] {strides = array<i32>} : memref<80x256xf32, #tpu.memory_space<vmem>>, vector<1x16xf32>,
        %get3A_461 = vector.shape_cast %get3A_460 : vector<1x16xf32> to vector<16xf32>
        %get3A_462 = arith.index_cast %scan3A_378 : i32 to index
        %get3A_463 = arith.constant 224 : index
        %get3A_464 = tpu.vector_load %arg9[%get3A_462, %get3A_463] {strides = array<i32>} : memref<80x256xf32, #tpu.memory_space<vmem>>, vector<1x16xf32>,
        %get3A_465 = vector.shape_cast %get3A_464 : vector<1x16xf32> to vector<16xf32>
        %get3A_466 = arith.index_cast %scan3A_378 : i32 to index
        %get3A_467 = arith.constant 240 : index
        %get3A_468 = tpu.vector_load %arg9[%get3A_466, %get3A_467] {strides = array<i32>} : memref<80x256xf32, #tpu.memory_space<vmem>>, vector<1x16xf32>,
        %get3A_469 = vector.shape_cast %get3A_468 : vector<1x16xf32> to vector<16xf32>
        %eq3A_470 = arith.cmpi eq, %squeeze3A_405, %scan3A_379 : i32
        %not3A = arith.constant true
        %not3A_471 = arith.xori %eq3A_470, %not3A : i1
        %ge3A_472 = arith.constant 0 : i32
        %ge3A_473 = arith.cmpi sge, %scan3A_379, %ge3A_472 : i32
        %and3A = arith.andi %not3A_471, %ge3A_473 : i1
        %convert_element_type3A_474 = arith.extui %and3A : i1 to i32
        %cond3A_475 = arith.constant 0 : i32
        %cond3A_476 = arith.cmpi ne, %convert_element_type3A_474, %cond3A_475 : i32
        scf.if %cond3A_476 {
          %eq3A_532 = arith.cmpi eq, %scan3A_379, %scan3A_380 : i32
          %convert_element_type3A_533 = arith.extui %eq3A_532 : i1 to i32
          %cond3A_534 = arith.constant 0 : i32
          %cond3A_535 = arith.cmpi ne, %convert_element_type3A_533, %cond3A_534 : i32
          scf.if %cond3A_535 {
            %swap3A_549 = arith.constant 0 : index
            %swap3A_550 = tpu.vector_load %arg15[%swap3A_549] {strides = array<i32>} : memref<512xf32, #tpu.memory_space<vmem>>, vector<16xf32>,
            %swap3A_551 = vector.shape_cast %swap3A_550 : vector<16xf32> to vector<16xf32>
            %swap3A_552 = vector.shape_cast %scan3A_381 : vector<16xf32> to vector<16xf32>
            tpu.vector_store %arg15[%swap3A_549], %swap3A_552 {strides = array<i32>} : memref<512xf32, #tpu.memory_space<vmem>>, vector<16xf32>,
            %swap3A_553 = arith.constant 16 : index
            %swap3A_554 = tpu.vector_load %arg15[%swap3A_553] {strides = array<i32>} : memref<512xf32, #tpu.memory_space<vmem>>, vector<16xf32>,
            %swap3A_555 = vector.shape_cast %swap3A_554 : vector<16xf32> to vector<16xf32>
            %swap3A_556 = vector.shape_cast %scan3A_382 : vector<16xf32> to vector<16xf32>
            tpu.vector_store %arg15[%swap3A_553], %swap3A_556 {strides = array<i32>} : memref<512xf32, #tpu.memory_space<vmem>>, vector<16xf32>,
            %swap3A_557 = arith.constant 32 : index
            %swap3A_558 = tpu.vector_load %arg15[%swap3A_557] {strides = array<i32>} : memref<512xf32, #tpu.memory_space<vmem>>, vector<16xf32>,
            %swap3A_559 = vector.shape_cast %swap3A_558 : vector<16xf32> to vector<16xf32>
            %swap3A_560 = vector.shape_cast %scan3A_383 : vector<16xf32> to vector<16xf32>
            tpu.vector_store %arg15[%swap3A_557], %swap3A_560 {strides = array<i32>} : memref<512xf32, #tpu.memory_space<vmem>>, vector<16xf32>,
            %swap3A_561 = arith.constant 48 : index
            %swap3A_562 = tpu.vector_load %arg15[%swap3A_561] {strides = array<i32>} : memref<512xf32, #tpu.memory_space<vmem>>, vector<16xf32>,
            %swap3A_563 = vector.shape_cast %swap3A_562 : vector<16xf32> to vector<16xf32>
            %swap3A_564 = vector.shape_cast %scan3A_384 : vector<16xf32> to vector<16xf32>
            tpu.vector_store %arg15[%swap3A_561], %swap3A_564 {strides = array<i32>} : memref<512xf32, #tpu.memory_space<vmem>>, vector<16xf32>,
            %swap3A_565 = arith.constant 64 : index
            %swap3A_566 = tpu.vector_load %arg15[%swap3A_565] {strides = array<i32>} : memref<512xf32, #tpu.memory_space<vmem>>, vector<16xf32>,
            %swap3A_567 = vector.shape_cast %swap3A_566 : vector<16xf32> to vector<16xf32>
            %swap3A_568 = vector.shape_cast %scan3A_385 : vector<16xf32> to vector<16xf32>
            tpu.vector_store %arg15[%swap3A_565], %swap3A_568 {strides = array<i32>} : memref<512xf32, #tpu.memory_space<vmem>>, vector<16xf32>,
            %swap3A_569 = arith.constant 80 : index
            %swap3A_570 = tpu.vector_load %arg15[%swap3A_569] {strides = array<i32>} : memref<512xf32, #tpu.memory_space<vmem>>, vector<16xf32>,
            %swap3A_571 = vector.shape_cast %swap3A_570 : vector<16xf32> to vector<16xf32>
            %swap3A_572 = vector.shape_cast %scan3A_386 : vector<16xf32> to vector<16xf32>
            tpu.vector_store %arg15[%swap3A_569], %swap3A_572 {strides = array<i32>} : memref<512xf32, #tpu.memory_space<vmem>>, vector<16xf32>,
            %swap3A_573 = arith.constant 96 : index
            %swap3A_574 = tpu.vector_load %arg15[%swap3A_573] {strides = array<i32>} : memref<512xf32, #tpu.memory_space<vmem>>, vector<16xf32>,
            %swap3A_575 = vector.shape_cast %swap3A_574 : vector<16xf32> to vector<16xf32>
            %swap3A_576 = vector.shape_cast %scan3A_387 : vector<16xf32> to vector<16xf32>
            tpu.vector_store %arg15[%swap3A_573], %swap3A_576 {strides = array<i32>} : memref<512xf32, #tpu.memory_space<vmem>>, vector<16xf32>,
            %swap3A_577 = arith.constant 112 : index
            %swap3A_578 = tpu.vector_load %arg15[%swap3A_577] {strides = array<i32>} : memref<512xf32, #tpu.memory_space<vmem>>, vector<16xf32>,
            %swap3A_579 = vector.shape_cast %swap3A_578 : vector<16xf32> to vector<16xf32>
            %swap3A_580 = vector.shape_cast %scan3A_388 : vector<16xf32> to vector<16xf32>
            tpu.vector_store %arg15[%swap3A_577], %swap3A_580 {strides = array<i32>} : memref<512xf32, #tpu.memory_space<vmem>>, vector<16xf32>,
            %swap3A_581 = arith.constant 128 : index
            %swap3A_582 = tpu.vector_load %arg15[%swap3A_581] {strides = array<i32>} : memref<512xf32, #tpu.memory_space<vmem>>, vector<16xf32>,
            %swap3A_583 = vector.shape_cast %swap3A_582 : vector<16xf32> to vector<16xf32>
            %swap3A_584 = vector.shape_cast %scan3A_389 : vector<16xf32> to vector<16xf32>
            tpu.vector_store %arg15[%swap3A_581], %swap3A_584 {strides = array<i32>} : memref<512xf32, #tpu.memory_space<vmem>>, vector<16xf32>,
            %swap3A_585 = arith.constant 144 : index
            %swap3A_586 = tpu.vector_load %arg15[%swap3A_585] {strides = array<i32>} : memref<512xf32, #tpu.memory_space<vmem>>, vector<16xf32>,
            %swap3A_587 = vector.shape_cast %swap3A_586 : vector<16xf32> to vector<16xf32>
            %swap3A_588 = vector.shape_cast %scan3A_390 : vector<16xf32> to vector<16xf32>
            tpu.vector_store %arg15[%swap3A_585], %swap3A_588 {strides = array<i32>} : memref<512xf32, #tpu.memory_space<vmem>>, vector<16xf32>,
            %swap3A_589 = arith.constant 160 : index
            %swap3A_590 = tpu.vector_load %arg15[%swap3A_589] {strides = array<i32>} : memref<512xf32, #tpu.memory_space<vmem>>, vector<16xf32>,
            %swap3A_591 = vector.shape_cast %swap3A_590 : vector<16xf32> to vector<16xf32>
            %swap3A_592 = vector.shape_cast %scan3A_391 : vector<16xf32> to vector<16xf32>
            tpu.vector_store %arg15[%swap3A_589], %swap3A_592 {strides = array<i32>} : memref<512xf32, #tpu.memory_space<vmem>>, vector<16xf32>,
            %swap3A_593 = arith.constant 176 : index
            %swap3A_594 = tpu.vector_load %arg15[%swap3A_593] {strides = array<i32>} : memref<512xf32, #tpu.memory_space<vmem>>, vector<16xf32>,
            %swap3A_595 = vector.shape_cast %swap3A_594 : vector<16xf32> to vector<16xf32>
            %swap3A_596 = vector.shape_cast %scan3A_392 : vector<16xf32> to vector<16xf32>
            tpu.vector_store %arg15[%swap3A_593], %swap3A_596 {strides = array<i32>} : memref<512xf32, #tpu.memory_space<vmem>>, vector<16xf32>,
            %swap3A_597 = arith.constant 192 : index
            %swap3A_598 = tpu.vector_load %arg15[%swap3A_597] {strides = array<i32>} : memref<512xf32, #tpu.memory_space<vmem>>, vector<16xf32>,
            %swap3A_599 = vector.shape_cast %swap3A_598 : vector<16xf32> to vector<16xf32>
            %swap3A_600 = vector.shape_cast %scan3A_393 : vector<16xf32> to vector<16xf32>
            tpu.vector_store %arg15[%swap3A_597], %swap3A_600 {strides = array<i32>} : memref<512xf32, #tpu.memory_space<vmem>>, vector<16xf32>,
            %swap3A_601 = arith.constant 208 : index
            %swap3A_602 = tpu.vector_load %arg15[%swap3A_601] {strides = array<i32>} : memref<512xf32, #tpu.memory_space<vmem>>, vector<16xf32>,
            %swap3A_603 = vector.shape_cast %swap3A_602 : vector<16xf32> to vector<16xf32>
            %swap3A_604 = vector.shape_cast %scan3A_394 : vector<16xf32> to vector<16xf32>
            tpu.vector_store %arg15[%swap3A_601], %swap3A_604 {strides = array<i32>} : memref<512xf32, #tpu.memory_space<vmem>>, vector<16xf32>,
            %swap3A_605 = arith.constant 224 : index
            %swap3A_606 = tpu.vector_load %arg15[%swap3A_605] {strides = array<i32>} : memref<512xf32, #tpu.memory_space<vmem>>, vector<16xf32>,
            %swap3A_607 = vector.shape_cast %swap3A_606 : vector<16xf32> to vector<16xf32>
            %swap3A_608 = vector.shape_cast %scan3A_395 : vector<16xf32> to vector<16xf32>
            tpu.vector_store %arg15[%swap3A_605], %swap3A_608 {strides = array<i32>} : memref<512xf32, #tpu.memory_space<vmem>>, vector<16xf32>,
            %swap3A_609 = arith.constant 240 : index
            %swap3A_610 = tpu.vector_load %arg15[%swap3A_609] {strides = array<i32>} : memref<512xf32, #tpu.memory_space<vmem>>, vector<16xf32>,
            %swap3A_611 = vector.shape_cast %swap3A_610 : vector<16xf32> to vector<16xf32>
            %swap3A_612 = vector.shape_cast %scan3A_396 : vector<16xf32> to vector<16xf32>
            tpu.vector_store %arg15[%swap3A_609], %swap3A_612 {strides = array<i32>} : memref<512xf32, #tpu.memory_space<vmem>>, vector<16xf32>,
          } else {
          }
          %ne3A = arith.cmpi ne, %scan3A_379, %scan3A_380 : i32
          %ge3A_536 = arith.constant 1024 : i32
          %ge3A_537 = arith.cmpi sge, %squeeze3A_405, %ge3A_536 : i32
          %and3A_538 = arith.andi %ne3A, %ge3A_537 : i1
          %convert_element_type3A_539 = arith.extui %and3A_538 : i1 to i32
          %cond3A_540 = arith.constant 0 : i32
          %cond3A_541 = arith.cmpi ne, %convert_element_type3A_539, %cond3A_540 : i32
          scf.if %cond3A_541 {
            %swap3A_549 = arith.constant 256 : index
            %swap3A_550 = tpu.vector_load %arg15[%swap3A_549] {strides = array<i32>} : memref<512xf32, #tpu.memory_space<vmem>>, vector<16xf32>,
            %swap3A_551 = vector.shape_cast %swap3A_550 : vector<16xf32> to vector<16xf32>
            %swap3A_552 = vector.shape_cast %scan3A_381 : vector<16xf32> to vector<16xf32>
            tpu.vector_store %arg15[%swap3A_549], %swap3A_552 {strides = array<i32>} : memref<512xf32, #tpu.memory_space<vmem>>, vector<16xf32>,
            %swap3A_553 = arith.constant 272 : index
            %swap3A_554 = tpu.vector_load %arg15[%swap3A_553] {strides = array<i32>} : memref<512xf32, #tpu.memory_space<vmem>>, vector<16xf32>,
            %swap3A_555 = vector.shape_cast %swap3A_554 : vector<16xf32> to vector<16xf32>
            %swap3A_556 = vector.shape_cast %scan3A_382 : vector<16xf32> to vector<16xf32>
            tpu.vector_store %arg15[%swap3A_553], %swap3A_556 {strides = array<i32>} : memref<512xf32, #tpu.memory_space<vmem>>, vector<16xf32>,
            %swap3A_557 = arith.constant 288 : index
            %swap3A_558 = tpu.vector_load %arg15[%swap3A_557] {strides = array<i32>} : memref<512xf32, #tpu.memory_space<vmem>>, vector<16xf32>,
            %swap3A_559 = vector.shape_cast %swap3A_558 : vector<16xf32> to vector<16xf32>
            %swap3A_560 = vector.shape_cast %scan3A_383 : vector<16xf32> to vector<16xf32>
            tpu.vector_store %arg15[%swap3A_557], %swap3A_560 {strides = array<i32>} : memref<512xf32, #tpu.memory_space<vmem>>, vector<16xf32>,
            %swap3A_561 = arith.constant 304 : index
            %swap3A_562 = tpu.vector_load %arg15[%swap3A_561] {strides = array<i32>} : memref<512xf32, #tpu.memory_space<vmem>>, vector<16xf32>,
            %swap3A_563 = vector.shape_cast %swap3A_562 : vector<16xf32> to vector<16xf32>
            %swap3A_564 = vector.shape_cast %scan3A_384 : vector<16xf32> to vector<16xf32>
            tpu.vector_store %arg15[%swap3A_561], %swap3A_564 {strides = array<i32>} : memref<512xf32, #tpu.memory_space<vmem>>, vector<16xf32>,
            %swap3A_565 = arith.constant 320 : index
            %swap3A_566 = tpu.vector_load %arg15[%swap3A_565] {strides = array<i32>} : memref<512xf32, #tpu.memory_space<vmem>>, vector<16xf32>,
            %swap3A_567 = vector.shape_cast %swap3A_566 : vector<16xf32> to vector<16xf32>
            %swap3A_568 = vector.shape_cast %scan3A_385 : vector<16xf32> to vector<16xf32>
            tpu.vector_store %arg15[%swap3A_565], %swap3A_568 {strides = array<i32>} : memref<512xf32, #tpu.memory_space<vmem>>, vector<16xf32>,
            %swap3A_569 = arith.constant 336 : index
            %swap3A_570 = tpu.vector_load %arg15[%swap3A_569] {strides = array<i32>} : memref<512xf32, #tpu.memory_space<vmem>>, vector<16xf32>,
            %swap3A_571 = vector.shape_cast %swap3A_570 : vector<16xf32> to vector<16xf32>
            %swap3A_572 = vector.shape_cast %scan3A_386 : vector<16xf32> to vector<16xf32>
            tpu.vector_store %arg15[%swap3A_569], %swap3A_572 {strides = array<i32>} : memref<512xf32, #tpu.memory_space<vmem>>, vector<16xf32>,
            %swap3A_573 = arith.constant 352 : index
            %swap3A_574 = tpu.vector_load %arg15[%swap3A_573] {strides = array<i32>} : memref<512xf32, #tpu.memory_space<vmem>>, vector<16xf32>,
            %swap3A_575 = vector.shape_cast %swap3A_574 : vector<16xf32> to vector<16xf32>
            %swap3A_576 = vector.shape_cast %scan3A_387 : vector<16xf32> to vector<16xf32>
            tpu.vector_store %arg15[%swap3A_573], %swap3A_576 {strides = array<i32>} : memref<512xf32, #tpu.memory_space<vmem>>, vector<16xf32>,
            %swap3A_577 = arith.constant 368 : index
            %swap3A_578 = tpu.vector_load %arg15[%swap3A_577] {strides = array<i32>} : memref<512xf32, #tpu.memory_space<vmem>>, vector<16xf32>,
            %swap3A_579 = vector.shape_cast %swap3A_578 : vector<16xf32> to vector<16xf32>
            %swap3A_580 = vector.shape_cast %scan3A_388 : vector<16xf32> to vector<16xf32>
            tpu.vector_store %arg15[%swap3A_577], %swap3A_580 {strides = array<i32>} : memref<512xf32, #tpu.memory_space<vmem>>, vector<16xf32>,
            %swap3A_581 = arith.constant 384 : index
            %swap3A_582 = tpu.vector_load %arg15[%swap3A_581] {strides = array<i32>} : memref<512xf32, #tpu.memory_space<vmem>>, vector<16xf32>,
            %swap3A_583 = vector.shape_cast %swap3A_582 : vector<16xf32> to vector<16xf32>
            %swap3A_584 = vector.shape_cast %scan3A_389 : vector<16xf32> to vector<16xf32>
            tpu.vector_store %arg15[%swap3A_581], %swap3A_584 {strides = array<i32>} : memref<512xf32, #tpu.memory_space<vmem>>, vector<16xf32>,
            %swap3A_585 = arith.constant 400 : index
            %swap3A_586 = tpu.vector_load %arg15[%swap3A_585] {strides = array<i32>} : memref<512xf32, #tpu.memory_space<vmem>>, vector<16xf32>,
            %swap3A_587 = vector.shape_cast %swap3A_586 : vector<16xf32> to vector<16xf32>
            %swap3A_588 = vector.shape_cast %scan3A_390 : vector<16xf32> to vector<16xf32>
            tpu.vector_store %arg15[%swap3A_585], %swap3A_588 {strides = array<i32>} : memref<512xf32, #tpu.memory_space<vmem>>, vector<16xf32>,
            %swap3A_589 = arith.constant 416 : index
            %swap3A_590 = tpu.vector_load %arg15[%swap3A_589] {strides = array<i32>} : memref<512xf32, #tpu.memory_space<vmem>>, vector<16xf32>,
            %swap3A_591 = vector.shape_cast %swap3A_590 : vector<16xf32> to vector<16xf32>
            %swap3A_592 = vector.shape_cast %scan3A_391 : vector<16xf32> to vector<16xf32>
            tpu.vector_store %arg15[%swap3A_589], %swap3A_592 {strides = array<i32>} : memref<512xf32, #tpu.memory_space<vmem>>, vector<16xf32>,
            %swap3A_593 = arith.constant 432 : index
            %swap3A_594 = tpu.vector_load %arg15[%swap3A_593] {strides = array<i32>} : memref<512xf32, #tpu.memory_space<vmem>>, vector<16xf32>,
            %swap3A_595 = vector.shape_cast %swap3A_594 : vector<16xf32> to vector<16xf32>
            %swap3A_596 = vector.shape_cast %scan3A_392 : vector<16xf32> to vector<16xf32>
            tpu.vector_store %arg15[%swap3A_593], %swap3A_596 {strides = array<i32>} : memref<512xf32, #tpu.memory_space<vmem>>, vector<16xf32>,
            %swap3A_597 = arith.constant 448 : index
            %swap3A_598 = tpu.vector_load %arg15[%swap3A_597] {strides = array<i32>} : memref<512xf32, #tpu.memory_space<vmem>>, vector<16xf32>,
            %swap3A_599 = vector.shape_cast %swap3A_598 : vector<16xf32> to vector<16xf32>
            %swap3A_600 = vector.shape_cast %scan3A_393 : vector<16xf32> to vector<16xf32>
            tpu.vector_store %arg15[%swap3A_597], %swap3A_600 {strides = array<i32>} : memref<512xf32, #tpu.memory_space<vmem>>, vector<16xf32>,
            %swap3A_601 = arith.constant 464 : index
            %swap3A_602 = tpu.vector_load %arg15[%swap3A_601] {strides = array<i32>} : memref<512xf32, #tpu.memory_space<vmem>>, vector<16xf32>,
            %swap3A_603 = vector.shape_cast %swap3A_602 : vector<16xf32> to vector<16xf32>
            %swap3A_604 = vector.shape_cast %scan3A_394 : vector<16xf32> to vector<16xf32>
            tpu.vector_store %arg15[%swap3A_601], %swap3A_604 {strides = array<i32>} : memref<512xf32, #tpu.memory_space<vmem>>, vector<16xf32>,
            %swap3A_605 = arith.constant 480 : index
            %swap3A_606 = tpu.vector_load %arg15[%swap3A_605] {strides = array<i32>} : memref<512xf32, #tpu.memory_space<vmem>>, vector<16xf32>,
            %swap3A_607 = vector.shape_cast %swap3A_606 : vector<16xf32> to vector<16xf32>
            %swap3A_608 = vector.shape_cast %scan3A_395 : vector<16xf32> to vector<16xf32>
            tpu.vector_store %arg15[%swap3A_605], %swap3A_608 {strides = array<i32>} : memref<512xf32, #tpu.memory_space<vmem>>, vector<16xf32>,
            %swap3A_609 = arith.constant 496 : index
            %swap3A_610 = tpu.vector_load %arg15[%swap3A_609] {strides = array<i32>} : memref<512xf32, #tpu.memory_space<vmem>>, vector<16xf32>,
            %swap3A_611 = vector.shape_cast %swap3A_610 : vector<16xf32> to vector<16xf32>
            %swap3A_612 = vector.shape_cast %scan3A_396 : vector<16xf32> to vector<16xf32>
            tpu.vector_store %arg15[%swap3A_609], %swap3A_612 {strides = array<i32>} : memref<512xf32, #tpu.memory_space<vmem>>, vector<16xf32>,
            %iota3A_613 = tpu.iota {dimensions = array<i32: 0>} : vector<16xi32>
            %eq3A_614 = arith.constant 1 : i32
            %eq3A_615 = vector.broadcast %eq3A_614 : i32 to vector<16xi32>
            %eq3A_616 = arith.cmpi eq, %iota3A_613, %eq3A_615 : vector<16xi32>
            %jit3A_617 = arith.constant 0 : i32
            %broadcast_in_dim3A_618 = vector.broadcast %scan3A_379 : i32 to vector<16xi32>
            %broadcast_in_dim3A_619 = vector.broadcast %jit3A_617 : i32 to vector<16xi32>
            %select_n3A_620 = arith.select %eq3A_616, %broadcast_in_dim3A_618, %broadcast_in_dim3A_619 : vector<16xi1>, vector<16xi32>
            %swap3A_621 = arith.constant 0 : index
            %swap3A_622 = tpu.vector_load %arg16[%swap3A_621] {strides = array<i32>} : memref<16xi32, #tpu.memory_space<vmem>>, vector<16xi32>,
            %swap3A_623 = vector.shape_cast %swap3A_622 : vector<16xi32> to vector<16xi32>
            %swap3A_624 = vector.shape_cast %select_n3A_620 : vector<16xi32> to vector<16xi32>
            tpu.vector_store %arg16[%swap3A_621], %swap3A_624 {strides = array<i32>} : memref<16xi32, #tpu.memory_space<vmem>>, vector<16xi32>,
          } else {
          }
          %ne3A_542 = arith.cmpi ne, %scan3A_379, %scan3A_380 : i32
          %lt3A_543 = arith.constant 1024 : i32
          %lt3A_544 = arith.cmpi slt, %squeeze3A_405, %lt3A_543 : i32
          %and3A_545 = arith.andi %ne3A_542, %lt3A_544 : i1
          %convert_element_type3A_546 = arith.extui %and3A_545 : i1 to i32
          %cond3A_547 = arith.constant 0 : i32
          %cond3A_548 = arith.cmpi ne, %convert_element_type3A_546, %cond3A_547 : i32
          scf.if %cond3A_548 {
            %swap3A_549 = arith.constant 0 : index
            %swap3A_550 = tpu.vector_load %arg14[%swap3A_549] {strides = array<i32>} : memref<256xf32, #tpu.memory_space<vmem>>, vector<16xf32>,
            %swap3A_551 = vector.shape_cast %swap3A_550 : vector<16xf32> to vector<16xf32>
            %swap3A_552 = vector.shape_cast %scan3A_381 : vector<16xf32> to vector<16xf32>
            tpu.vector_store %arg14[%swap3A_549], %swap3A_552 {strides = array<i32>} : memref<256xf32, #tpu.memory_space<vmem>>, vector<16xf32>,
            %swap3A_553 = arith.constant 16 : index
            %swap3A_554 = tpu.vector_load %arg14[%swap3A_553] {strides = array<i32>} : memref<256xf32, #tpu.memory_space<vmem>>, vector<16xf32>,
            %swap3A_555 = vector.shape_cast %swap3A_554 : vector<16xf32> to vector<16xf32>
            %swap3A_556 = vector.shape_cast %scan3A_382 : vector<16xf32> to vector<16xf32>
            tpu.vector_store %arg14[%swap3A_553], %swap3A_556 {strides = array<i32>} : memref<256xf32, #tpu.memory_space<vmem>>, vector<16xf32>,
            %swap3A_557 = arith.constant 32 : index
            %swap3A_558 = tpu.vector_load %arg14[%swap3A_557] {strides = array<i32>} : memref<256xf32, #tpu.memory_space<vmem>>, vector<16xf32>,
            %swap3A_559 = vector.shape_cast %swap3A_558 : vector<16xf32> to vector<16xf32>
            %swap3A_560 = vector.shape_cast %scan3A_383 : vector<16xf32> to vector<16xf32>
            tpu.vector_store %arg14[%swap3A_557], %swap3A_560 {strides = array<i32>} : memref<256xf32, #tpu.memory_space<vmem>>, vector<16xf32>,
            %swap3A_561 = arith.constant 48 : index
            %swap3A_562 = tpu.vector_load %arg14[%swap3A_561] {strides = array<i32>} : memref<256xf32, #tpu.memory_space<vmem>>, vector<16xf32>,
            %swap3A_563 = vector.shape_cast %swap3A_562 : vector<16xf32> to vector<16xf32>
            %swap3A_564 = vector.shape_cast %scan3A_384 : vector<16xf32> to vector<16xf32>
            tpu.vector_store %arg14[%swap3A_561], %swap3A_564 {strides = array<i32>} : memref<256xf32, #tpu.memory_space<vmem>>, vector<16xf32>,
            %swap3A_565 = arith.constant 64 : index
            %swap3A_566 = tpu.vector_load %arg14[%swap3A_565] {strides = array<i32>} : memref<256xf32, #tpu.memory_space<vmem>>, vector<16xf32>,
            %swap3A_567 = vector.shape_cast %swap3A_566 : vector<16xf32> to vector<16xf32>
            %swap3A_568 = vector.shape_cast %scan3A_385 : vector<16xf32> to vector<16xf32>
            tpu.vector_store %arg14[%swap3A_565], %swap3A_568 {strides = array<i32>} : memref<256xf32, #tpu.memory_space<vmem>>, vector<16xf32>,
            %swap3A_569 = arith.constant 80 : index
            %swap3A_570 = tpu.vector_load %arg14[%swap3A_569] {strides = array<i32>} : memref<256xf32, #tpu.memory_space<vmem>>, vector<16xf32>,
            %swap3A_571 = vector.shape_cast %swap3A_570 : vector<16xf32> to vector<16xf32>
            %swap3A_572 = vector.shape_cast %scan3A_386 : vector<16xf32> to vector<16xf32>
            tpu.vector_store %arg14[%swap3A_569], %swap3A_572 {strides = array<i32>} : memref<256xf32, #tpu.memory_space<vmem>>, vector<16xf32>,
            %swap3A_573 = arith.constant 96 : index
            %swap3A_574 = tpu.vector_load %arg14[%swap3A_573] {strides = array<i32>} : memref<256xf32, #tpu.memory_space<vmem>>, vector<16xf32>,
            %swap3A_575 = vector.shape_cast %swap3A_574 : vector<16xf32> to vector<16xf32>
            %swap3A_576 = vector.shape_cast %scan3A_387 : vector<16xf32> to vector<16xf32>
            tpu.vector_store %arg14[%swap3A_573], %swap3A_576 {strides = array<i32>} : memref<256xf32, #tpu.memory_space<vmem>>, vector<16xf32>,
            %swap3A_577 = arith.constant 112 : index
            %swap3A_578 = tpu.vector_load %arg14[%swap3A_577] {strides = array<i32>} : memref<256xf32, #tpu.memory_space<vmem>>, vector<16xf32>,
            %swap3A_579 = vector.shape_cast %swap3A_578 : vector<16xf32> to vector<16xf32>
            %swap3A_580 = vector.shape_cast %scan3A_388 : vector<16xf32> to vector<16xf32>
            tpu.vector_store %arg14[%swap3A_577], %swap3A_580 {strides = array<i32>} : memref<256xf32, #tpu.memory_space<vmem>>, vector<16xf32>,
            %swap3A_581 = arith.constant 128 : index
            %swap3A_582 = tpu.vector_load %arg14[%swap3A_581] {strides = array<i32>} : memref<256xf32, #tpu.memory_space<vmem>>, vector<16xf32>,
            %swap3A_583 = vector.shape_cast %swap3A_582 : vector<16xf32> to vector<16xf32>
            %swap3A_584 = vector.shape_cast %scan3A_389 : vector<16xf32> to vector<16xf32>
            tpu.vector_store %arg14[%swap3A_581], %swap3A_584 {strides = array<i32>} : memref<256xf32, #tpu.memory_space<vmem>>, vector<16xf32>,
            %swap3A_585 = arith.constant 144 : index
            %swap3A_586 = tpu.vector_load %arg14[%swap3A_585] {strides = array<i32>} : memref<256xf32, #tpu.memory_space<vmem>>, vector<16xf32>,
            %swap3A_587 = vector.shape_cast %swap3A_586 : vector<16xf32> to vector<16xf32>
            %swap3A_588 = vector.shape_cast %scan3A_390 : vector<16xf32> to vector<16xf32>
            tpu.vector_store %arg14[%swap3A_585], %swap3A_588 {strides = array<i32>} : memref<256xf32, #tpu.memory_space<vmem>>, vector<16xf32>,
            %swap3A_589 = arith.constant 160 : index
            %swap3A_590 = tpu.vector_load %arg14[%swap3A_589] {strides = array<i32>} : memref<256xf32, #tpu.memory_space<vmem>>, vector<16xf32>,
            %swap3A_591 = vector.shape_cast %swap3A_590 : vector<16xf32> to vector<16xf32>
            %swap3A_592 = vector.shape_cast %scan3A_391 : vector<16xf32> to vector<16xf32>
            tpu.vector_store %arg14[%swap3A_589], %swap3A_592 {strides = array<i32>} : memref<256xf32, #tpu.memory_space<vmem>>, vector<16xf32>,
            %swap3A_593 = arith.constant 176 : index
            %swap3A_594 = tpu.vector_load %arg14[%swap3A_593] {strides = array<i32>} : memref<256xf32, #tpu.memory_space<vmem>>, vector<16xf32>,
            %swap3A_595 = vector.shape_cast %swap3A_594 : vector<16xf32> to vector<16xf32>
            %swap3A_596 = vector.shape_cast %scan3A_392 : vector<16xf32> to vector<16xf32>
            tpu.vector_store %arg14[%swap3A_593], %swap3A_596 {strides = array<i32>} : memref<256xf32, #tpu.memory_space<vmem>>, vector<16xf32>,
            %swap3A_597 = arith.constant 192 : index
            %swap3A_598 = tpu.vector_load %arg14[%swap3A_597] {strides = array<i32>} : memref<256xf32, #tpu.memory_space<vmem>>, vector<16xf32>,
            %swap3A_599 = vector.shape_cast %swap3A_598 : vector<16xf32> to vector<16xf32>
            %swap3A_600 = vector.shape_cast %scan3A_393 : vector<16xf32> to vector<16xf32>
            tpu.vector_store %arg14[%swap3A_597], %swap3A_600 {strides = array<i32>} : memref<256xf32, #tpu.memory_space<vmem>>, vector<16xf32>,
            %swap3A_601 = arith.constant 208 : index
            %swap3A_602 = tpu.vector_load %arg14[%swap3A_601] {strides = array<i32>} : memref<256xf32, #tpu.memory_space<vmem>>, vector<16xf32>,
            %swap3A_603 = vector.shape_cast %swap3A_602 : vector<16xf32> to vector<16xf32>
            %swap3A_604 = vector.shape_cast %scan3A_394 : vector<16xf32> to vector<16xf32>
            tpu.vector_store %arg14[%swap3A_601], %swap3A_604 {strides = array<i32>} : memref<256xf32, #tpu.memory_space<vmem>>, vector<16xf32>,
            %swap3A_605 = arith.constant 224 : index
            %swap3A_606 = tpu.vector_load %arg14[%swap3A_605] {strides = array<i32>} : memref<256xf32, #tpu.memory_space<vmem>>, vector<16xf32>,
            %swap3A_607 = vector.shape_cast %swap3A_606 : vector<16xf32> to vector<16xf32>
            %swap3A_608 = vector.shape_cast %scan3A_395 : vector<16xf32> to vector<16xf32>
            tpu.vector_store %arg14[%swap3A_605], %swap3A_608 {strides = array<i32>} : memref<256xf32, #tpu.memory_space<vmem>>, vector<16xf32>,
            %swap3A_609 = arith.constant 240 : index
            %swap3A_610 = tpu.vector_load %arg14[%swap3A_609] {strides = array<i32>} : memref<256xf32, #tpu.memory_space<vmem>>, vector<16xf32>,
            %swap3A_611 = vector.shape_cast %swap3A_610 : vector<16xf32> to vector<16xf32>
            %swap3A_612 = vector.shape_cast %scan3A_396 : vector<16xf32> to vector<16xf32>
            tpu.vector_store %arg14[%swap3A_609], %swap3A_612 {strides = array<i32>} : memref<256xf32, #tpu.memory_space<vmem>>, vector<16xf32>,
            %mul3A_613 = arith.constant 256 : i32
            %mul3A_614 = arith.muli %scan3A_379, %mul3A_613 : i32
            "tpu.region"() ({
              %run_scoped3A = tpu.sem_alloc : memref<!tpu.dma_semaphore, #tpu.memory_space<semaphore_mem>>
              %dma_start3A = tpu.memref_slice %arg18[%mul3A_614] : memref<262144xf32, #tpu.memory_space<vmem_shared>> -> memref<256xf32, #tpu.memory_space<vmem_shared>>
              %dma_start3A_615 = tpu.memref_slice %arg18[%mul3A_614] : memref<262144xf32, #tpu.memory_space<vmem_shared>> -> memref<256xf32, #tpu.memory_space<vmem_shared>>
              tpu.enqueue_dma source(%arg14 : memref<256xf32, #tpu.memory_space<vmem>>) target(%dma_start3A_615 : memref<256xf32, #tpu.memory_space<vmem_shared>>) target_semaphore(%run_scoped3A : memref<!tpu.dma_semaphore, #tpu.memory_space<semaphore_mem>>)
              %dma_wait3A = tpu.memref_slice %arg18[%mul3A_614] : memref<262144xf32, #tpu.memory_space<vmem_shared>> -> memref<256xf32, #tpu.memory_space<vmem_shared>>
              %dma_wait3A_616 = tpu.memref_slice %arg18[%mul3A_614] : memref<262144xf32, #tpu.memory_space<vmem_shared>> -> memref<256xf32, #tpu.memory_space<vmem_shared>>
              tpu.wait_dma2 semaphore(%run_scoped3A : memref<!tpu.dma_semaphore, #tpu.memory_space<semaphore_mem>>) src(%arg14 : memref<256xf32, #tpu.memory_space<vmem>>) dst(%dma_wait3A_616 : memref<256xf32, #tpu.memory_space<vmem_shared>>)
              tpu.yield
            }) : () -> ()
          } else {
          }
        } else {
        }
        %jit3A_477 = arith.constant 1.000000e+00 : f32
        %jit3A_478 = arith.constant 0.000000e+00 : f32
        %select_n3A_479 = arith.select %eq3A_470, %jit3A_477, %jit3A_478 : f32
        %broadcast_in_dim3A_480 = vector.broadcast %select_n3A_479 : f32 to vector<16xf32>
        %mul3A_481 = arith.mulf %scan3A_381, %broadcast_in_dim3A_480 : vector<16xf32>
        %mul3A_482 = arith.mulf %broadcast_in_dim3A_400, %get3A_409 : vector<16xf32>
        %add3A_483 = arith.addf %mul3A_481, %mul3A_482 : vector<16xf32>
        %mul3A_484 = arith.mulf %scan3A_382, %broadcast_in_dim3A_480 : vector<16xf32>
        %mul3A_485 = arith.mulf %broadcast_in_dim3A_400, %get3A_413 : vector<16xf32>
        %add3A_486 = arith.addf %mul3A_484, %mul3A_485 : vector<16xf32>
        %mul3A_487 = arith.mulf %scan3A_383, %broadcast_in_dim3A_480 : vector<16xf32>
        %mul3A_488 = arith.mulf %broadcast_in_dim3A_400, %get3A_417 : vector<16xf32>
        %add3A_489 = arith.addf %mul3A_487, %mul3A_488 : vector<16xf32>
        %mul3A_490 = arith.mulf %scan3A_384, %broadcast_in_dim3A_480 : vector<16xf32>
        %mul3A_491 = arith.mulf %broadcast_in_dim3A_400, %get3A_421 : vector<16xf32>
        %add3A_492 = arith.addf %mul3A_490, %mul3A_491 : vector<16xf32>
        %mul3A_493 = arith.mulf %scan3A_385, %broadcast_in_dim3A_480 : vector<16xf32>
        %mul3A_494 = arith.mulf %broadcast_in_dim3A_400, %get3A_425 : vector<16xf32>
        %add3A_495 = arith.addf %mul3A_493, %mul3A_494 : vector<16xf32>
        %mul3A_496 = arith.mulf %scan3A_386, %broadcast_in_dim3A_480 : vector<16xf32>
        %mul3A_497 = arith.mulf %broadcast_in_dim3A_400, %get3A_429 : vector<16xf32>
        %add3A_498 = arith.addf %mul3A_496, %mul3A_497 : vector<16xf32>
        %mul3A_499 = arith.mulf %scan3A_387, %broadcast_in_dim3A_480 : vector<16xf32>
        %mul3A_500 = arith.mulf %broadcast_in_dim3A_400, %get3A_433 : vector<16xf32>
        %add3A_501 = arith.addf %mul3A_499, %mul3A_500 : vector<16xf32>
        %mul3A_502 = arith.mulf %scan3A_388, %broadcast_in_dim3A_480 : vector<16xf32>
        %mul3A_503 = arith.mulf %broadcast_in_dim3A_400, %get3A_437 : vector<16xf32>
        %add3A_504 = arith.addf %mul3A_502, %mul3A_503 : vector<16xf32>
        %mul3A_505 = arith.mulf %scan3A_389, %broadcast_in_dim3A_480 : vector<16xf32>
        %mul3A_506 = arith.mulf %broadcast_in_dim3A_400, %get3A_441 : vector<16xf32>
        %add3A_507 = arith.addf %mul3A_505, %mul3A_506 : vector<16xf32>
        %mul3A_508 = arith.mulf %scan3A_390, %broadcast_in_dim3A_480 : vector<16xf32>
        %mul3A_509 = arith.mulf %broadcast_in_dim3A_400, %get3A_445 : vector<16xf32>
        %add3A_510 = arith.addf %mul3A_508, %mul3A_509 : vector<16xf32>
        %mul3A_511 = arith.mulf %scan3A_391, %broadcast_in_dim3A_480 : vector<16xf32>
        %mul3A_512 = arith.mulf %broadcast_in_dim3A_400, %get3A_449 : vector<16xf32>
        %add3A_513 = arith.addf %mul3A_511, %mul3A_512 : vector<16xf32>
        %mul3A_514 = arith.mulf %scan3A_392, %broadcast_in_dim3A_480 : vector<16xf32>
        %mul3A_515 = arith.mulf %broadcast_in_dim3A_400, %get3A_453 : vector<16xf32>
        %add3A_516 = arith.addf %mul3A_514, %mul3A_515 : vector<16xf32>
        %mul3A_517 = arith.mulf %scan3A_393, %broadcast_in_dim3A_480 : vector<16xf32>
        %mul3A_518 = arith.mulf %broadcast_in_dim3A_400, %get3A_457 : vector<16xf32>
        %add3A_519 = arith.addf %mul3A_517, %mul3A_518 : vector<16xf32>
        %mul3A_520 = arith.mulf %scan3A_394, %broadcast_in_dim3A_480 : vector<16xf32>
        %mul3A_521 = arith.mulf %broadcast_in_dim3A_400, %get3A_461 : vector<16xf32>
        %add3A_522 = arith.addf %mul3A_520, %mul3A_521 : vector<16xf32>
        %mul3A_523 = arith.mulf %scan3A_395, %broadcast_in_dim3A_480 : vector<16xf32>
        %mul3A_524 = arith.mulf %broadcast_in_dim3A_400, %get3A_465 : vector<16xf32>
        %add3A_525 = arith.addf %mul3A_523, %mul3A_524 : vector<16xf32>
        %mul3A_526 = arith.mulf %scan3A_396, %broadcast_in_dim3A_480 : vector<16xf32>
        %mul3A_527 = arith.mulf %broadcast_in_dim3A_400, %get3A_469 : vector<16xf32>
        %add3A_528 = arith.addf %mul3A_526, %mul3A_527 : vector<16xf32>
        %lt3A_529 = arith.constant 0 : i32
        %lt3A_530 = arith.cmpi slt, %scan3A_379, %lt3A_529 : i32
        %select_n3A_531 = arith.select %lt3A_530, %squeeze3A_405, %scan3A_380 : i32
        scf.yield %squeeze3A_405, %select_n3A_531, %add3A_483, %add3A_486, %add3A_489, %add3A_492, %add3A_495, %add3A_498, %add3A_501, %add3A_504, %add3A_507, %add3A_510, %add3A_513, %add3A_516, %add3A_519, %add3A_522, %add3A_525, %add3A_528 : i32, i32, vector<16xf32>, vector<16xf32>, vector<16xf32>, vector<16xf32>, vector<16xf32>, vector<16xf32>, vector<16xf32>, vector<16xf32>, vector<16xf32>, vector<16xf32>, vector<16xf32>, vector<16xf32>, vector<16xf32>, vector<16xf32>, vector<16xf32>, vector<16xf32>
      }
      %scan3A_366 = arith.constant 80 : i32
      %add3A_367 = arith.constant 3 : i32
      %add3A_368 = arith.addi %mul3A_316, %add3A_367 : i32
      %add3A_369 = arith.addi %add3A_203, %add3A_368 : i32
      %mul3A_370 = arith.constant 80 : i32
      %mul3A_371 = arith.muli %add3A_369, %mul3A_370 : i32
      %add3A_372 = arith.constant 26000 : i32
      %add3A_373 = arith.addi %add3A_372, %mul3A_371 : i32
      %lt3A_374 = arith.cmpi slt, %add3A_368, %add3A_207 : i32
      %convert_element_type3A_375 = arith.extui %lt3A_374 : i1 to i32
      %cond3A_376 = arith.constant 0 : i32
      %cond3A_377 = arith.cmpi ne, %convert_element_type3A_375, %cond3A_376 : i32
      scf.if %cond3A_377 {
        %dma_start3A = arith.constant 0 : i32
        %dma_start3A_378 = tpu.memref_slice %arg2[%add3A_373, %dma_start3A] : memref<50000x256xf32, #tpu.memory_space<hbm>> -> memref<80x256xf32, #tpu.memory_space<hbm>>
        %dma_start3A_379 = arith.constant 0 : i32
        %dma_start3A_380 = tpu.memref_slice %arg2[%add3A_373, %dma_start3A_379] : memref<50000x256xf32, #tpu.memory_space<hbm>> -> memref<80x256xf32, #tpu.memory_space<hbm>>
        tpu.enqueue_dma source(%dma_start3A_380 : memref<80x256xf32, #tpu.memory_space<hbm>>) target(%arg9 : memref<80x256xf32, #tpu.memory_space<vmem>>) target_semaphore(%arg20 : memref<!tpu.dma_semaphore, #tpu.memory_space<semaphore_mem>>)
        %dma_start3A_381 = arith.constant 0 : i32
        %dma_start3A_382 = tpu.memref_slice %arg11[%dma_start3A_381] : memref<96xf32, #tpu.memory_space<vmem>> -> memref<80xf32, #tpu.memory_space<vmem>>
        %dma_start3A_383 = tpu.memref_slice %arg3[%mul3A_371] : memref<24000xf32, #tpu.memory_space<hbm>> -> memref<80xf32, #tpu.memory_space<hbm>>
        %dma_start3A_384 = arith.constant 0 : i32
        %dma_start3A_385 = tpu.memref_slice %arg11[%dma_start3A_384] : memref<96xf32, #tpu.memory_space<vmem>> -> memref<80xf32, #tpu.memory_space<vmem>>
        %dma_start3A_386 = tpu.memref_slice %arg3[%mul3A_371] : memref<24000xf32, #tpu.memory_space<hbm>> -> memref<80xf32, #tpu.memory_space<hbm>>
        tpu.enqueue_dma source(%dma_start3A_386 : memref<80xf32, #tpu.memory_space<hbm>>) target(%dma_start3A_385 : memref<80xf32, #tpu.memory_space<vmem>>) target_semaphore(%arg20 : memref<!tpu.dma_semaphore, #tpu.memory_space<semaphore_mem>>)
        %dma_start3A_387 = arith.constant 0 : i32
        %dma_start3A_388 = tpu.memref_slice %arg13[%dma_start3A_387] : memref<96xi32, #tpu.memory_space<vmem>> -> memref<80xi32, #tpu.memory_space<vmem>>
        %dma_start3A_389 = tpu.memref_slice %arg4[%add3A_373] : memref<50000xi32, #tpu.memory_space<hbm>> -> memref<80xi32, #tpu.memory_space<hbm>>
        %dma_start3A_390 = arith.constant 0 : i32
        %dma_start3A_391 = tpu.memref_slice %arg13[%dma_start3A_390] : memref<96xi32, #tpu.memory_space<vmem>> -> memref<80xi32, #tpu.memory_space<vmem>>
        %dma_start3A_392 = tpu.memref_slice %arg4[%add3A_373] : memref<50000xi32, #tpu.memory_space<hbm>> -> memref<80xi32, #tpu.memory_space<hbm>>
        tpu.enqueue_dma source(%dma_start3A_392 : memref<80xi32, #tpu.memory_space<hbm>>) target(%dma_start3A_391 : memref<80xi32, #tpu.memory_space<vmem>>) target_semaphore(%arg20 : memref<!tpu.dma_semaphore, #tpu.memory_space<semaphore_mem>>)
      } else {
      }
      scf.yield %scan3A_365#0, %scan3A_365#1, %scan3A_365#2, %scan3A_365#3, %scan3A_365#4, %scan3A_365#5, %scan3A_365#6, %scan3A_365#7, %scan3A_365#8, %scan3A_365#9, %scan3A_365#10, %scan3A_365#11, %scan3A_365#12, %scan3A_365#13, %scan3A_365#14, %scan3A_365#15, %scan3A_365#16, %scan3A_365#17 : i32, i32, vector<16xf32>, vector<16xf32>, vector<16xf32>, vector<16xf32>, vector<16xf32>, vector<16xf32>, vector<16xf32>, vector<16xf32>, vector<16xf32>, vector<16xf32>, vector<16xf32>, vector<16xf32>, vector<16xf32>, vector<16xf32>, vector<16xf32>, vector<16xf32>
    }
    %scan3A_272 = arith.constant 6 : i32
    %iota3A = tpu.iota {dimensions = array<i32: 0>} : vector<16xi32>
    %eq3A = arith.constant 0 : i32
    %eq3A_273 = vector.broadcast %eq3A : i32 to vector<16xi32>
    %eq3A_274 = arith.cmpi eq, %iota3A, %eq3A_273 : vector<16xi32>
    %get3A = arith.constant 0 : index
    %get3A_275 = tpu.vector_load %arg16[%get3A] {strides = array<i32>} : memref<16xi32, #tpu.memory_space<vmem>>, vector<16xi32>,
    %get3A_276 = vector.shape_cast %get3A_275 : vector<16xi32> to vector<16xi32>
    %broadcast_in_dim3A_277 = vector.broadcast %scan3A_271#1 : i32 to vector<16xi32>
    %select_n3A_278 = arith.select %eq3A_274, %broadcast_in_dim3A_277, %get3A_276 : vector<16xi1>, vector<16xi32>
    %swap3A_279 = arith.constant 0 : index
    %swap3A_280 = tpu.vector_load %arg16[%swap3A_279] {strides = array<i32>} : memref<16xi32, #tpu.memory_space<vmem>>, vector<16xi32>,
    %swap3A_281 = vector.shape_cast %swap3A_280 : vector<16xi32> to vector<16xi32>
    %swap3A_282 = vector.shape_cast %select_n3A_278 : vector<16xi32> to vector<16xi32>
    tpu.vector_store %arg16[%swap3A_279], %swap3A_282 {strides = array<i32>} : memref<16xi32, #tpu.memory_space<vmem>>, vector<16xi32>,
    %mul3A_283 = arith.constant 2 : i32
    %mul3A_284 = arith.muli %add3A, %mul3A_283 : i32
    %mul3A_285 = arith.constant 256 : i32
    %mul3A_286 = arith.muli %mul3A_284, %mul3A_285 : i32
    "tpu.region"() ({
      %run_scoped3A = tpu.sem_alloc : memref<!tpu.dma_semaphore, #tpu.memory_space<semaphore_mem>>
      %dma_start3A = tpu.memref_slice %arg6[%mul3A_286] : memref<16384xf32, #tpu.memory_space<hbm>> -> memref<512xf32, #tpu.memory_space<hbm>>
      %dma_start3A_296 = tpu.memref_slice %arg6[%mul3A_286] : memref<16384xf32, #tpu.memory_space<hbm>> -> memref<512xf32, #tpu.memory_space<hbm>>
      tpu.enqueue_dma source(%arg15 : memref<512xf32, #tpu.memory_space<vmem>>) target(%dma_start3A_296 : memref<512xf32, #tpu.memory_space<hbm>>) target_semaphore(%run_scoped3A : memref<!tpu.dma_semaphore, #tpu.memory_space<semaphore_mem>>)
      %dma_wait3A = tpu.memref_slice %arg6[%mul3A_286] : memref<16384xf32, #tpu.memory_space<hbm>> -> memref<512xf32, #tpu.memory_space<hbm>>
      %dma_wait3A_297 = tpu.memref_slice %arg6[%mul3A_286] : memref<16384xf32, #tpu.memory_space<hbm>> -> memref<512xf32, #tpu.memory_space<hbm>>
      tpu.wait_dma2 semaphore(%run_scoped3A : memref<!tpu.dma_semaphore, #tpu.memory_space<semaphore_mem>>) src(%arg15 : memref<512xf32, #tpu.memory_space<vmem>>) dst(%dma_wait3A_297 : memref<512xf32, #tpu.memory_space<hbm>>)
      tpu.yield
    }) : () -> ()
    "tpu.region"() ({
      %run_scoped3A = tpu.sem_alloc : memref<!tpu.dma_semaphore, #tpu.memory_space<semaphore_mem>>
      %dma_start3A = arith.constant 0 : i32
      %dma_start3A_296 = tpu.memref_slice %arg7[%add3A, %dma_start3A] : memref<32x16xi32, #tpu.memory_space<hbm>> -> memref<1x16xi32, #tpu.memory_space<hbm>>
      %dma_start3A_297 = tpu.memref_squeeze %dma_start3A_296 : memref<1x16xi32, #tpu.memory_space<hbm>> -> memref<16xi32, #tpu.memory_space<hbm>>
      %dma_start3A_298 = arith.constant 0 : i32
      %dma_start3A_299 = tpu.memref_slice %arg7[%add3A, %dma_start3A_298] : memref<32x16xi32, #tpu.memory_space<hbm>> -> memref<1x16xi32, #tpu.memory_space<hbm>>
      %dma_start3A_300 = tpu.memref_squeeze %dma_start3A_299 : memref<1x16xi32, #tpu.memory_space<hbm>> -> memref<16xi32, #tpu.memory_space<hbm>>
      tpu.enqueue_dma source(%arg16 : memref<16xi32, #tpu.memory_space<vmem>>) target(%dma_start3A_300 : memref<16xi32, #tpu.memory_space<hbm>>) target_semaphore(%run_scoped3A : memref<!tpu.dma_semaphore, #tpu.memory_space<semaphore_mem>>)
      %dma_wait3A = arith.constant 0 : i32
      %dma_wait3A_301 = tpu.memref_slice %arg7[%add3A, %dma_wait3A] : memref<32x16xi32, #tpu.memory_space<hbm>> -> memref<1x16xi32, #tpu.memory_space<hbm>>
      %dma_wait3A_302 = tpu.memref_squeeze %dma_wait3A_301 : memref<1x16xi32, #tpu.memory_space<hbm>> -> memref<16xi32, #tpu.memory_space<hbm>>
      %dma_wait3A_303 = arith.constant 0 : i32
      %dma_wait3A_304 = tpu.memref_slice %arg7[%add3A, %dma_wait3A_303] : memref<32x16xi32, #tpu.memory_space<hbm>> -> memref<1x16xi32, #tpu.memory_space<hbm>>
      %dma_wait3A_305 = tpu.memref_squeeze %dma_wait3A_304 : memref<1x16xi32, #tpu.memory_space<hbm>> -> memref<16xi32, #tpu.memory_space<hbm>>
      tpu.wait_dma2 semaphore(%run_scoped3A : memref<!tpu.dma_semaphore, #tpu.memory_space<semaphore_mem>>) src(%arg16 : memref<16xi32, #tpu.memory_space<vmem>>) dst(%dma_wait3A_305 : memref<16xi32, #tpu.memory_space<hbm>>)
      tpu.yield
    }) : () -> ()
    %barrier3A_287 = arith.constant 0 : index
    tpu.barrier barrier_id(%barrier3A_287)
    %mul3A_288 = arith.constant 64 : i32
    %mul3A_289 = arith.muli %arg1, %mul3A_288 : i32
    %mul3A_290 = arith.constant 256 : i32
    %mul3A_291 = arith.muli %mul3A_289, %mul3A_290 : i32
    %mul3A_292 = arith.constant 64 : i32
    %mul3A_293 = arith.muli %arg1, %mul3A_292 : i32
    %mul3A_294 = arith.constant 256 : i32
    %mul3A_295 = arith.muli %mul3A_293, %mul3A_294 : i32
    "tpu.region"() ({
      %run_scoped3A = tpu.sem_alloc : memref<!tpu.dma_semaphore, #tpu.memory_space<semaphore_mem>>
      %dma_start3A = tpu.memref_slice %arg5[%arg0, %mul3A_295] : memref<2x262144xf32, #tpu.memory_space<hbm>> -> memref<1x16384xf32, #tpu.memory_space<hbm>>
      %dma_start3A_296 = tpu.memref_squeeze %dma_start3A : memref<1x16384xf32, #tpu.memory_space<hbm>> -> memref<16384xf32, #tpu.memory_space<hbm>>
      %dma_start3A_297 = tpu.memref_slice %arg18[%mul3A_291] : memref<262144xf32, #tpu.memory_space<vmem_shared>> -> memref<16384xf32, #tpu.memory_space<vmem_shared>>
      tpu.enqueue_dma source(%dma_start3A_297 : memref<16384xf32, #tpu.memory_space<vmem_shared>>) target(%dma_start3A_296 : memref<16384xf32, #tpu.memory_space<hbm>>) target_semaphore(%run_scoped3A : memref<!tpu.dma_semaphore, #tpu.memory_space<semaphore_mem>>)
      %dma_wait3A = tpu.memref_slice %arg5[%arg0, %mul3A_295] : memref<2x262144xf32, #tpu.memory_space<hbm>> -> memref<1x16384xf32, #tpu.memory_space<hbm>>
      %dma_wait3A_298 = tpu.memref_squeeze %dma_wait3A : memref<1x16384xf32, #tpu.memory_space<hbm>> -> memref<16384xf32, #tpu.memory_space<hbm>>
      %dma_wait3A_299 = tpu.memref_slice %arg18[%mul3A_291] : memref<262144xf32, #tpu.memory_space<vmem_shared>> -> memref<16384xf32, #tpu.memory_space<vmem_shared>>
      tpu.wait_dma2 semaphore(%run_scoped3A : memref<!tpu.dma_semaphore, #tpu.memory_space<semaphore_mem>>) src(%dma_wait3A_299 : memref<16384xf32, #tpu.memory_space<vmem_shared>>) dst(%dma_wait3A_298 : memref<16384xf32, #tpu.memory_space<hbm>>)
      tpu.yield
    }) : () -> ()
    return
  }
}

#map = affine_map<(d0, d1) -> (0, 0)>
#map1 = affine_map<(d0, d1) -> (0)>
module attributes {stable_mosaic.version = 14 : i64} {
  func.func @_sc_pool_body(%arg0: i32, %arg1: i32, %arg2: memref<50000x256xf32, #tpu.memory_space<hbm>>, %arg3: memref<26000xf32, #tpu.memory_space<hbm>>, %arg4: memref<50000xi32, #tpu.memory_space<hbm>>, %arg5: memref<2x262144xf32, #tpu.memory_space<hbm>>, %arg6: memref<16384xf32, #tpu.memory_space<hbm>>, %arg7: memref<32x16xi32, #tpu.memory_space<hbm>>, %arg8: memref<80x256xf32, #tpu.memory_space<vmem>>, %arg9: memref<80x256xf32, #tpu.memory_space<vmem>>, %arg10: memref<96xf32, #tpu.memory_space<vmem>>, %arg11: memref<96xf32, #tpu.memory_space<vmem>>, %arg12: memref<96xi32, #tpu.memory_space<vmem>>, %arg13: memref<96xi32, #tpu.memory_space<vmem>>, %arg14: memref<256xf32, #tpu.memory_space<vmem>>, %arg15: memref<512xf32, #tpu.memory_space<vmem>>, %arg16: memref<16xi32, #tpu.memory_space<vmem>>, %arg17: memref<16384xf32, #tpu.memory_space<vmem>>, %arg18: memref<262144xf32, #tpu.memory_space<vmem_shared>>, %arg19: memref<!tpu.dma_semaphore, #tpu.memory_space<semaphore_mem>>, %arg20: memref<!tpu.dma_semaphore, #tpu.memory_space<semaphore_mem>>) attributes {dimension_semantics = [#tpu.dimension_semantics<core_parallel>, #tpu.dimension_semantics<subcore_parallel>], iteration_bounds = array<i64: 2, 16>, scalar_prefetch = 0 : i64, scratch_operands = 13 : i64, tpu.core_type = #tpu.core_type<sc_vector_subcore>, window_params = [{transform_indices = #map}, {transform_indices = #map1}, {transform_indices = #map1}, {transform_indices = #map}, {transform_indices = #map1}, {transform_indices = #map}]} {
    %mul3A = arith.constant 16 : i32
    %mul3A_0 = arith.muli %arg0, %mul3A : i32
    %add3A = arith.addi %mul3A_0, %arg1 : i32
    %scan3A = arith.constant 0 : i32
    %scan3A_1 = arith.constant 0 : i32
    %scan3A_2 = arith.constant 1024 : i32
    %scan3A_3 = arith.addi %scan3A_1, %scan3A_2 : i32
    %scan3A_4 = arith.constant 1 : i32
    scf.for %scan3A_296 = %scan3A_1 to %scan3A_3 step %scan3A_4  : i32 {
      %broadcast_in_dim3A_297 = arith.constant 0.000000e+00 : f32
      %broadcast_in_dim3A_298 = vector.broadcast %broadcast_in_dim3A_297 : f32 to vector<16xf32>
      %mul3A_299 = arith.constant 16 : i32
      %mul3A_300 = arith.muli %scan3A_296, %mul3A_299 : i32
      %swap3A_301 = arith.index_cast %mul3A_300 : i32 to index
      %swap3A_302 = tpu.vector_load %arg17[%swap3A_301] {strides = array<i32>} : memref<16384xf32, #tpu.memory_space<vmem>>, vector<16xf32>,
      %swap3A_303 = vector.shape_cast %swap3A_302 : vector<16xf32> to vector<16xf32>
      %swap3A_304 = vector.shape_cast %broadcast_in_dim3A_298 : vector<16xf32> to vector<16xf32>
      tpu.vector_store %arg17[%swap3A_301], %swap3A_304 {strides = array<i32>} : memref<16384xf32, #tpu.memory_space<vmem>>, vector<16xf32>,
    }
    %scan3A_5 = arith.constant 1024 : i32
    %broadcast_in_dim3A = arith.constant 0.000000e+00 : f32
    %broadcast_in_dim3A_6 = vector.broadcast %broadcast_in_dim3A : f32 to vector<16xf32>
    %swap3A = arith.constant 0 : index
    %swap3A_7 = tpu.vector_load %arg15[%swap3A] {strides = array<i32>} : memref<512xf32, #tpu.memory_space<vmem>>, vector<16xf32>,
    %swap3A_8 = vector.shape_cast %swap3A_7 : vector<16xf32> to vector<16xf32>
    %swap3A_9 = vector.shape_cast %broadcast_in_dim3A_6 : vector<16xf32> to vector<16xf32>
    tpu.vector_store %arg15[%swap3A], %swap3A_9 {strides = array<i32>} : memref<512xf32, #tpu.memory_space<vmem>>, vector<16xf32>,
    %broadcast_in_dim3A_10 = arith.constant 0.000000e+00 : f32
    %broadcast_in_dim3A_11 = vector.broadcast %broadcast_in_dim3A_10 : f32 to vector<16xf32>
    %swap3A_12 = arith.constant 16 : index
    %swap3A_13 = tpu.vector_load %arg15[%swap3A_12] {strides = array<i32>} : memref<512xf32, #tpu.memory_space<vmem>>, vector<16xf32>,
    %swap3A_14 = vector.shape_cast %swap3A_13 : vector<16xf32> to vector<16xf32>
    %swap3A_15 = vector.shape_cast %broadcast_in_dim3A_11 : vector<16xf32> to vector<16xf32>
    tpu.vector_store %arg15[%swap3A_12], %swap3A_15 {strides = array<i32>} : memref<512xf32, #tpu.memory_space<vmem>>, vector<16xf32>,
    %broadcast_in_dim3A_16 = arith.constant 0.000000e+00 : f32
    %broadcast_in_dim3A_17 = vector.broadcast %broadcast_in_dim3A_16 : f32 to vector<16xf32>
    %swap3A_18 = arith.constant 32 : index
    %swap3A_19 = tpu.vector_load %arg15[%swap3A_18] {strides = array<i32>} : memref<512xf32, #tpu.memory_space<vmem>>, vector<16xf32>,
    %swap3A_20 = vector.shape_cast %swap3A_19 : vector<16xf32> to vector<16xf32>
    %swap3A_21 = vector.shape_cast %broadcast_in_dim3A_17 : vector<16xf32> to vector<16xf32>
    tpu.vector_store %arg15[%swap3A_18], %swap3A_21 {strides = array<i32>} : memref<512xf32, #tpu.memory_space<vmem>>, vector<16xf32>,
    %broadcast_in_dim3A_22 = arith.constant 0.000000e+00 : f32
    %broadcast_in_dim3A_23 = vector.broadcast %broadcast_in_dim3A_22 : f32 to vector<16xf32>
    %swap3A_24 = arith.constant 48 : index
    %swap3A_25 = tpu.vector_load %arg15[%swap3A_24] {strides = array<i32>} : memref<512xf32, #tpu.memory_space<vmem>>, vector<16xf32>,
    %swap3A_26 = vector.shape_cast %swap3A_25 : vector<16xf32> to vector<16xf32>
    %swap3A_27 = vector.shape_cast %broadcast_in_dim3A_23 : vector<16xf32> to vector<16xf32>
    tpu.vector_store %arg15[%swap3A_24], %swap3A_27 {strides = array<i32>} : memref<512xf32, #tpu.memory_space<vmem>>, vector<16xf32>,
    %broadcast_in_dim3A_28 = arith.constant 0.000000e+00 : f32
    %broadcast_in_dim3A_29 = vector.broadcast %broadcast_in_dim3A_28 : f32 to vector<16xf32>
    %swap3A_30 = arith.constant 64 : index
    %swap3A_31 = tpu.vector_load %arg15[%swap3A_30] {strides = array<i32>} : memref<512xf32, #tpu.memory_space<vmem>>, vector<16xf32>,
    %swap3A_32 = vector.shape_cast %swap3A_31 : vector<16xf32> to vector<16xf32>
    %swap3A_33 = vector.shape_cast %broadcast_in_dim3A_29 : vector<16xf32> to vector<16xf32>
    tpu.vector_store %arg15[%swap3A_30], %swap3A_33 {strides = array<i32>} : memref<512xf32, #tpu.memory_space<vmem>>, vector<16xf32>,
    %broadcast_in_dim3A_34 = arith.constant 0.000000e+00 : f32
    %broadcast_in_dim3A_35 = vector.broadcast %broadcast_in_dim3A_34 : f32 to vector<16xf32>
    %swap3A_36 = arith.constant 80 : index
    %swap3A_37 = tpu.vector_load %arg15[%swap3A_36] {strides = array<i32>} : memref<512xf32, #tpu.memory_space<vmem>>, vector<16xf32>,
    %swap3A_38 = vector.shape_cast %swap3A_37 : vector<16xf32> to vector<16xf32>
    %swap3A_39 = vector.shape_cast %broadcast_in_dim3A_35 : vector<16xf32> to vector<16xf32>
    tpu.vector_store %arg15[%swap3A_36], %swap3A_39 {strides = array<i32>} : memref<512xf32, #tpu.memory_space<vmem>>, vector<16xf32>,
    %broadcast_in_dim3A_40 = arith.constant 0.000000e+00 : f32
    %broadcast_in_dim3A_41 = vector.broadcast %broadcast_in_dim3A_40 : f32 to vector<16xf32>
    %swap3A_42 = arith.constant 96 : index
    %swap3A_43 = tpu.vector_load %arg15[%swap3A_42] {strides = array<i32>} : memref<512xf32, #tpu.memory_space<vmem>>, vector<16xf32>,
    %swap3A_44 = vector.shape_cast %swap3A_43 : vector<16xf32> to vector<16xf32>
    %swap3A_45 = vector.shape_cast %broadcast_in_dim3A_41 : vector<16xf32> to vector<16xf32>
    tpu.vector_store %arg15[%swap3A_42], %swap3A_45 {strides = array<i32>} : memref<512xf32, #tpu.memory_space<vmem>>, vector<16xf32>,
    %broadcast_in_dim3A_46 = arith.constant 0.000000e+00 : f32
    %broadcast_in_dim3A_47 = vector.broadcast %broadcast_in_dim3A_46 : f32 to vector<16xf32>
    %swap3A_48 = arith.constant 112 : index
    %swap3A_49 = tpu.vector_load %arg15[%swap3A_48] {strides = array<i32>} : memref<512xf32, #tpu.memory_space<vmem>>, vector<16xf32>,
    %swap3A_50 = vector.shape_cast %swap3A_49 : vector<16xf32> to vector<16xf32>
    %swap3A_51 = vector.shape_cast %broadcast_in_dim3A_47 : vector<16xf32> to vector<16xf32>
    tpu.vector_store %arg15[%swap3A_48], %swap3A_51 {strides = array<i32>} : memref<512xf32, #tpu.memory_space<vmem>>, vector<16xf32>,
    %broadcast_in_dim3A_52 = arith.constant 0.000000e+00 : f32
    %broadcast_in_dim3A_53 = vector.broadcast %broadcast_in_dim3A_52 : f32 to vector<16xf32>
    %swap3A_54 = arith.constant 128 : index
    %swap3A_55 = tpu.vector_load %arg15[%swap3A_54] {strides = array<i32>} : memref<512xf32, #tpu.memory_space<vmem>>, vector<16xf32>,
    %swap3A_56 = vector.shape_cast %swap3A_55 : vector<16xf32> to vector<16xf32>
    %swap3A_57 = vector.shape_cast %broadcast_in_dim3A_53 : vector<16xf32> to vector<16xf32>
    tpu.vector_store %arg15[%swap3A_54], %swap3A_57 {strides = array<i32>} : memref<512xf32, #tpu.memory_space<vmem>>, vector<16xf32>,
    %broadcast_in_dim3A_58 = arith.constant 0.000000e+00 : f32
    %broadcast_in_dim3A_59 = vector.broadcast %broadcast_in_dim3A_58 : f32 to vector<16xf32>
    %swap3A_60 = arith.constant 144 : index
    %swap3A_61 = tpu.vector_load %arg15[%swap3A_60] {strides = array<i32>} : memref<512xf32, #tpu.memory_space<vmem>>, vector<16xf32>,
    %swap3A_62 = vector.shape_cast %swap3A_61 : vector<16xf32> to vector<16xf32>
    %swap3A_63 = vector.shape_cast %broadcast_in_dim3A_59 : vector<16xf32> to vector<16xf32>
    tpu.vector_store %arg15[%swap3A_60], %swap3A_63 {strides = array<i32>} : memref<512xf32, #tpu.memory_space<vmem>>, vector<16xf32>,
    %broadcast_in_dim3A_64 = arith.constant 0.000000e+00 : f32
    %broadcast_in_dim3A_65 = vector.broadcast %broadcast_in_dim3A_64 : f32 to vector<16xf32>
    %swap3A_66 = arith.constant 160 : index
    %swap3A_67 = tpu.vector_load %arg15[%swap3A_66] {strides = array<i32>} : memref<512xf32, #tpu.memory_space<vmem>>, vector<16xf32>,
    %swap3A_68 = vector.shape_cast %swap3A_67 : vector<16xf32> to vector<16xf32>
    %swap3A_69 = vector.shape_cast %broadcast_in_dim3A_65 : vector<16xf32> to vector<16xf32>
    tpu.vector_store %arg15[%swap3A_66], %swap3A_69 {strides = array<i32>} : memref<512xf32, #tpu.memory_space<vmem>>, vector<16xf32>,
    %broadcast_in_dim3A_70 = arith.constant 0.000000e+00 : f32
    %broadcast_in_dim3A_71 = vector.broadcast %broadcast_in_dim3A_70 : f32 to vector<16xf32>
    %swap3A_72 = arith.constant 176 : index
    %swap3A_73 = tpu.vector_load %arg15[%swap3A_72] {strides = array<i32>} : memref<512xf32, #tpu.memory_space<vmem>>, vector<16xf32>,
    %swap3A_74 = vector.shape_cast %swap3A_73 : vector<16xf32> to vector<16xf32>
    %swap3A_75 = vector.shape_cast %broadcast_in_dim3A_71 : vector<16xf32> to vector<16xf32>
    tpu.vector_store %arg15[%swap3A_72], %swap3A_75 {strides = array<i32>} : memref<512xf32, #tpu.memory_space<vmem>>, vector<16xf32>,
    %broadcast_in_dim3A_76 = arith.constant 0.000000e+00 : f32
    %broadcast_in_dim3A_77 = vector.broadcast %broadcast_in_dim3A_76 : f32 to vector<16xf32>
    %swap3A_78 = arith.constant 192 : index
    %swap3A_79 = tpu.vector_load %arg15[%swap3A_78] {strides = array<i32>} : memref<512xf32, #tpu.memory_space<vmem>>, vector<16xf32>,
    %swap3A_80 = vector.shape_cast %swap3A_79 : vector<16xf32> to vector<16xf32>
    %swap3A_81 = vector.shape_cast %broadcast_in_dim3A_77 : vector<16xf32> to vector<16xf32>
    tpu.vector_store %arg15[%swap3A_78], %swap3A_81 {strides = array<i32>} : memref<512xf32, #tpu.memory_space<vmem>>, vector<16xf32>,
    %broadcast_in_dim3A_82 = arith.constant 0.000000e+00 : f32
    %broadcast_in_dim3A_83 = vector.broadcast %broadcast_in_dim3A_82 : f32 to vector<16xf32>
    %swap3A_84 = arith.constant 208 : index
    %swap3A_85 = tpu.vector_load %arg15[%swap3A_84] {strides = array<i32>} : memref<512xf32, #tpu.memory_space<vmem>>, vector<16xf32>,
    %swap3A_86 = vector.shape_cast %swap3A_85 : vector<16xf32> to vector<16xf32>
    %swap3A_87 = vector.shape_cast %broadcast_in_dim3A_83 : vector<16xf32> to vector<16xf32>
    tpu.vector_store %arg15[%swap3A_84], %swap3A_87 {strides = array<i32>} : memref<512xf32, #tpu.memory_space<vmem>>, vector<16xf32>,
    %broadcast_in_dim3A_88 = arith.constant 0.000000e+00 : f32
    %broadcast_in_dim3A_89 = vector.broadcast %broadcast_in_dim3A_88 : f32 to vector<16xf32>
    %swap3A_90 = arith.constant 224 : index
    %swap3A_91 = tpu.vector_load %arg15[%swap3A_90] {strides = array<i32>} : memref<512xf32, #tpu.memory_space<vmem>>, vector<16xf32>,
    %swap3A_92 = vector.shape_cast %swap3A_91 : vector<16xf32> to vector<16xf32>
    %swap3A_93 = vector.shape_cast %broadcast_in_dim3A_89 : vector<16xf32> to vector<16xf32>
    tpu.vector_store %arg15[%swap3A_90], %swap3A_93 {strides = array<i32>} : memref<512xf32, #tpu.memory_space<vmem>>, vector<16xf32>,
    %broadcast_in_dim3A_94 = arith.constant 0.000000e+00 : f32
    %broadcast_in_dim3A_95 = vector.broadcast %broadcast_in_dim3A_94 : f32 to vector<16xf32>
    %swap3A_96 = arith.constant 240 : index
    %swap3A_97 = tpu.vector_load %arg15[%swap3A_96] {strides = array<i32>} : memref<512xf32, #tpu.memory_space<vmem>>, vector<16xf32>,
    %swap3A_98 = vector.shape_cast %swap3A_97 : vector<16xf32> to vector<16xf32>
    %swap3A_99 = vector.shape_cast %broadcast_in_dim3A_95 : vector<16xf32> to vector<16xf32>
    tpu.vector_store %arg15[%swap3A_96], %swap3A_99 {strides = array<i32>} : memref<512xf32, #tpu.memory_space<vmem>>, vector<16xf32>,
    %broadcast_in_dim3A_100 = arith.constant 0.000000e+00 : f32
    %broadcast_in_dim3A_101 = vector.broadcast %broadcast_in_dim3A_100 : f32 to vector<16xf32>
    %swap3A_102 = arith.constant 256 : index
    %swap3A_103 = tpu.vector_load %arg15[%swap3A_102] {strides = array<i32>} : memref<512xf32, #tpu.memory_space<vmem>>, vector<16xf32>,
    %swap3A_104 = vector.shape_cast %swap3A_103 : vector<16xf32> to vector<16xf32>
    %swap3A_105 = vector.shape_cast %broadcast_in_dim3A_101 : vector<16xf32> to vector<16xf32>
    tpu.vector_store %arg15[%swap3A_102], %swap3A_105 {strides = array<i32>} : memref<512xf32, #tpu.memory_space<vmem>>, vector<16xf32>,
    %broadcast_in_dim3A_106 = arith.constant 0.000000e+00 : f32
    %broadcast_in_dim3A_107 = vector.broadcast %broadcast_in_dim3A_106 : f32 to vector<16xf32>
    %swap3A_108 = arith.constant 272 : index
    %swap3A_109 = tpu.vector_load %arg15[%swap3A_108] {strides = array<i32>} : memref<512xf32, #tpu.memory_space<vmem>>, vector<16xf32>,
    %swap3A_110 = vector.shape_cast %swap3A_109 : vector<16xf32> to vector<16xf32>
    %swap3A_111 = vector.shape_cast %broadcast_in_dim3A_107 : vector<16xf32> to vector<16xf32>
    tpu.vector_store %arg15[%swap3A_108], %swap3A_111 {strides = array<i32>} : memref<512xf32, #tpu.memory_space<vmem>>, vector<16xf32>,
    %broadcast_in_dim3A_112 = arith.constant 0.000000e+00 : f32
    %broadcast_in_dim3A_113 = vector.broadcast %broadcast_in_dim3A_112 : f32 to vector<16xf32>
    %swap3A_114 = arith.constant 288 : index
    %swap3A_115 = tpu.vector_load %arg15[%swap3A_114] {strides = array<i32>} : memref<512xf32, #tpu.memory_space<vmem>>, vector<16xf32>,
    %swap3A_116 = vector.shape_cast %swap3A_115 : vector<16xf32> to vector<16xf32>
    %swap3A_117 = vector.shape_cast %broadcast_in_dim3A_113 : vector<16xf32> to vector<16xf32>
    tpu.vector_store %arg15[%swap3A_114], %swap3A_117 {strides = array<i32>} : memref<512xf32, #tpu.memory_space<vmem>>, vector<16xf32>,
    %broadcast_in_dim3A_118 = arith.constant 0.000000e+00 : f32
    %broadcast_in_dim3A_119 = vector.broadcast %broadcast_in_dim3A_118 : f32 to vector<16xf32>
    %swap3A_120 = arith.constant 304 : index
    %swap3A_121 = tpu.vector_load %arg15[%swap3A_120] {strides = array<i32>} : memref<512xf32, #tpu.memory_space<vmem>>, vector<16xf32>,
    %swap3A_122 = vector.shape_cast %swap3A_121 : vector<16xf32> to vector<16xf32>
    %swap3A_123 = vector.shape_cast %broadcast_in_dim3A_119 : vector<16xf32> to vector<16xf32>
    tpu.vector_store %arg15[%swap3A_120], %swap3A_123 {strides = array<i32>} : memref<512xf32, #tpu.memory_space<vmem>>, vector<16xf32>,
    %broadcast_in_dim3A_124 = arith.constant 0.000000e+00 : f32
    %broadcast_in_dim3A_125 = vector.broadcast %broadcast_in_dim3A_124 : f32 to vector<16xf32>
    %swap3A_126 = arith.constant 320 : index
    %swap3A_127 = tpu.vector_load %arg15[%swap3A_126] {strides = array<i32>} : memref<512xf32, #tpu.memory_space<vmem>>, vector<16xf32>,
    %swap3A_128 = vector.shape_cast %swap3A_127 : vector<16xf32> to vector<16xf32>
    %swap3A_129 = vector.shape_cast %broadcast_in_dim3A_125 : vector<16xf32> to vector<16xf32>
    tpu.vector_store %arg15[%swap3A_126], %swap3A_129 {strides = array<i32>} : memref<512xf32, #tpu.memory_space<vmem>>, vector<16xf32>,
    %broadcast_in_dim3A_130 = arith.constant 0.000000e+00 : f32
    %broadcast_in_dim3A_131 = vector.broadcast %broadcast_in_dim3A_130 : f32 to vector<16xf32>
    %swap3A_132 = arith.constant 336 : index
    %swap3A_133 = tpu.vector_load %arg15[%swap3A_132] {strides = array<i32>} : memref<512xf32, #tpu.memory_space<vmem>>, vector<16xf32>,
    %swap3A_134 = vector.shape_cast %swap3A_133 : vector<16xf32> to vector<16xf32>
    %swap3A_135 = vector.shape_cast %broadcast_in_dim3A_131 : vector<16xf32> to vector<16xf32>
    tpu.vector_store %arg15[%swap3A_132], %swap3A_135 {strides = array<i32>} : memref<512xf32, #tpu.memory_space<vmem>>, vector<16xf32>,
    %broadcast_in_dim3A_136 = arith.constant 0.000000e+00 : f32
    %broadcast_in_dim3A_137 = vector.broadcast %broadcast_in_dim3A_136 : f32 to vector<16xf32>
    %swap3A_138 = arith.constant 352 : index
    %swap3A_139 = tpu.vector_load %arg15[%swap3A_138] {strides = array<i32>} : memref<512xf32, #tpu.memory_space<vmem>>, vector<16xf32>,
    %swap3A_140 = vector.shape_cast %swap3A_139 : vector<16xf32> to vector<16xf32>
    %swap3A_141 = vector.shape_cast %broadcast_in_dim3A_137 : vector<16xf32> to vector<16xf32>
    tpu.vector_store %arg15[%swap3A_138], %swap3A_141 {strides = array<i32>} : memref<512xf32, #tpu.memory_space<vmem>>, vector<16xf32>,
    %broadcast_in_dim3A_142 = arith.constant 0.000000e+00 : f32
    %broadcast_in_dim3A_143 = vector.broadcast %broadcast_in_dim3A_142 : f32 to vector<16xf32>
    %swap3A_144 = arith.constant 368 : index
    %swap3A_145 = tpu.vector_load %arg15[%swap3A_144] {strides = array<i32>} : memref<512xf32, #tpu.memory_space<vmem>>, vector<16xf32>,
    %swap3A_146 = vector.shape_cast %swap3A_145 : vector<16xf32> to vector<16xf32>
    %swap3A_147 = vector.shape_cast %broadcast_in_dim3A_143 : vector<16xf32> to vector<16xf32>
    tpu.vector_store %arg15[%swap3A_144], %swap3A_147 {strides = array<i32>} : memref<512xf32, #tpu.memory_space<vmem>>, vector<16xf32>,
    %broadcast_in_dim3A_148 = arith.constant 0.000000e+00 : f32
    %broadcast_in_dim3A_149 = vector.broadcast %broadcast_in_dim3A_148 : f32 to vector<16xf32>
    %swap3A_150 = arith.constant 384 : index
    %swap3A_151 = tpu.vector_load %arg15[%swap3A_150] {strides = array<i32>} : memref<512xf32, #tpu.memory_space<vmem>>, vector<16xf32>,
    %swap3A_152 = vector.shape_cast %swap3A_151 : vector<16xf32> to vector<16xf32>
    %swap3A_153 = vector.shape_cast %broadcast_in_dim3A_149 : vector<16xf32> to vector<16xf32>
    tpu.vector_store %arg15[%swap3A_150], %swap3A_153 {strides = array<i32>} : memref<512xf32, #tpu.memory_space<vmem>>, vector<16xf32>,
    %broadcast_in_dim3A_154 = arith.constant 0.000000e+00 : f32
    %broadcast_in_dim3A_155 = vector.broadcast %broadcast_in_dim3A_154 : f32 to vector<16xf32>
    %swap3A_156 = arith.constant 400 : index
    %swap3A_157 = tpu.vector_load %arg15[%swap3A_156] {strides = array<i32>} : memref<512xf32, #tpu.memory_space<vmem>>, vector<16xf32>,
    %swap3A_158 = vector.shape_cast %swap3A_157 : vector<16xf32> to vector<16xf32>
    %swap3A_159 = vector.shape_cast %broadcast_in_dim3A_155 : vector<16xf32> to vector<16xf32>
    tpu.vector_store %arg15[%swap3A_156], %swap3A_159 {strides = array<i32>} : memref<512xf32, #tpu.memory_space<vmem>>, vector<16xf32>,
    %broadcast_in_dim3A_160 = arith.constant 0.000000e+00 : f32
    %broadcast_in_dim3A_161 = vector.broadcast %broadcast_in_dim3A_160 : f32 to vector<16xf32>
    %swap3A_162 = arith.constant 416 : index
    %swap3A_163 = tpu.vector_load %arg15[%swap3A_162] {strides = array<i32>} : memref<512xf32, #tpu.memory_space<vmem>>, vector<16xf32>,
    %swap3A_164 = vector.shape_cast %swap3A_163 : vector<16xf32> to vector<16xf32>
    %swap3A_165 = vector.shape_cast %broadcast_in_dim3A_161 : vector<16xf32> to vector<16xf32>
    tpu.vector_store %arg15[%swap3A_162], %swap3A_165 {strides = array<i32>} : memref<512xf32, #tpu.memory_space<vmem>>, vector<16xf32>,
    %broadcast_in_dim3A_166 = arith.constant 0.000000e+00 : f32
    %broadcast_in_dim3A_167 = vector.broadcast %broadcast_in_dim3A_166 : f32 to vector<16xf32>
    %swap3A_168 = arith.constant 432 : index
    %swap3A_169 = tpu.vector_load %arg15[%swap3A_168] {strides = array<i32>} : memref<512xf32, #tpu.memory_space<vmem>>, vector<16xf32>,
    %swap3A_170 = vector.shape_cast %swap3A_169 : vector<16xf32> to vector<16xf32>
    %swap3A_171 = vector.shape_cast %broadcast_in_dim3A_167 : vector<16xf32> to vector<16xf32>
    tpu.vector_store %arg15[%swap3A_168], %swap3A_171 {strides = array<i32>} : memref<512xf32, #tpu.memory_space<vmem>>, vector<16xf32>,
    %broadcast_in_dim3A_172 = arith.constant 0.000000e+00 : f32
    %broadcast_in_dim3A_173 = vector.broadcast %broadcast_in_dim3A_172 : f32 to vector<16xf32>
    %swap3A_174 = arith.constant 448 : index
    %swap3A_175 = tpu.vector_load %arg15[%swap3A_174] {strides = array<i32>} : memref<512xf32, #tpu.memory_space<vmem>>, vector<16xf32>,
    %swap3A_176 = vector.shape_cast %swap3A_175 : vector<16xf32> to vector<16xf32>
    %swap3A_177 = vector.shape_cast %broadcast_in_dim3A_173 : vector<16xf32> to vector<16xf32>
    tpu.vector_store %arg15[%swap3A_174], %swap3A_177 {strides = array<i32>} : memref<512xf32, #tpu.memory_space<vmem>>, vector<16xf32>,
    %broadcast_in_dim3A_178 = arith.constant 0.000000e+00 : f32
    %broadcast_in_dim3A_179 = vector.broadcast %broadcast_in_dim3A_178 : f32 to vector<16xf32>
    %swap3A_180 = arith.constant 464 : index
    %swap3A_181 = tpu.vector_load %arg15[%swap3A_180] {strides = array<i32>} : memref<512xf32, #tpu.memory_space<vmem>>, vector<16xf32>,
    %swap3A_182 = vector.shape_cast %swap3A_181 : vector<16xf32> to vector<16xf32>
    %swap3A_183 = vector.shape_cast %broadcast_in_dim3A_179 : vector<16xf32> to vector<16xf32>
    tpu.vector_store %arg15[%swap3A_180], %swap3A_183 {strides = array<i32>} : memref<512xf32, #tpu.memory_space<vmem>>, vector<16xf32>,
    %broadcast_in_dim3A_184 = arith.constant 0.000000e+00 : f32
    %broadcast_in_dim3A_185 = vector.broadcast %broadcast_in_dim3A_184 : f32 to vector<16xf32>
    %swap3A_186 = arith.constant 480 : index
    %swap3A_187 = tpu.vector_load %arg15[%swap3A_186] {strides = array<i32>} : memref<512xf32, #tpu.memory_space<vmem>>, vector<16xf32>,
    %swap3A_188 = vector.shape_cast %swap3A_187 : vector<16xf32> to vector<16xf32>
    %swap3A_189 = vector.shape_cast %broadcast_in_dim3A_185 : vector<16xf32> to vector<16xf32>
    tpu.vector_store %arg15[%swap3A_186], %swap3A_189 {strides = array<i32>} : memref<512xf32, #tpu.memory_space<vmem>>, vector<16xf32>,
    %broadcast_in_dim3A_190 = arith.constant 0.000000e+00 : f32
    %broadcast_in_dim3A_191 = vector.broadcast %broadcast_in_dim3A_190 : f32 to vector<16xf32>
    %swap3A_192 = arith.constant 496 : index
    %swap3A_193 = tpu.vector_load %arg15[%swap3A_192] {strides = array<i32>} : memref<512xf32, #tpu.memory_space<vmem>>, vector<16xf32>,
    %swap3A_194 = vector.shape_cast %swap3A_193 : vector<16xf32> to vector<16xf32>
    %swap3A_195 = vector.shape_cast %broadcast_in_dim3A_191 : vector<16xf32> to vector<16xf32>
    tpu.vector_store %arg15[%swap3A_192], %swap3A_195 {strides = array<i32>} : memref<512xf32, #tpu.memory_space<vmem>>, vector<16xf32>,
    %mul3A_196 = arith.constant 64 : i32
    %mul3A_197 = arith.muli %arg1, %mul3A_196 : i32
    %mul3A_198 = arith.constant 256 : i32
    %mul3A_199 = arith.muli %mul3A_197, %mul3A_198 : i32
    "tpu.region"() ({
      %run_scoped3A = tpu.sem_alloc : memref<!tpu.dma_semaphore, #tpu.memory_space<semaphore_mem>>
      %dma_start3A = tpu.memref_slice %arg18[%mul3A_199] : memref<262144xf32, #tpu.memory_space<vmem_shared>> -> memref<16384xf32, #tpu.memory_space<vmem_shared>>
      %dma_start3A_296 = tpu.memref_slice %arg18[%mul3A_199] : memref<262144xf32, #tpu.memory_space<vmem_shared>> -> memref<16384xf32, #tpu.memory_space<vmem_shared>>
      tpu.enqueue_dma source(%arg17 : memref<16384xf32, #tpu.memory_space<vmem>>) target(%dma_start3A_296 : memref<16384xf32, #tpu.memory_space<vmem_shared>>) target_semaphore(%run_scoped3A : memref<!tpu.dma_semaphore, #tpu.memory_space<semaphore_mem>>)
      %dma_wait3A = tpu.memref_slice %arg18[%mul3A_199] : memref<262144xf32, #tpu.memory_space<vmem_shared>> -> memref<16384xf32, #tpu.memory_space<vmem_shared>>
      %dma_wait3A_297 = tpu.memref_slice %arg18[%mul3A_199] : memref<262144xf32, #tpu.memory_space<vmem_shared>> -> memref<16384xf32, #tpu.memory_space<vmem_shared>>
      tpu.wait_dma2 semaphore(%run_scoped3A : memref<!tpu.dma_semaphore, #tpu.memory_space<semaphore_mem>>) src(%arg17 : memref<16384xf32, #tpu.memory_space<vmem>>) dst(%dma_wait3A_297 : memref<16384xf32, #tpu.memory_space<vmem_shared>>)
      tpu.yield
    }) : () -> ()
    %barrier3A = arith.constant 0 : index
    tpu.barrier barrier_id(%barrier3A)
    %mul3A_200 = arith.constant 10 : i32
    %mul3A_201 = arith.muli %add3A, %mul3A_200 : i32
    %min3A = arith.constant 5 : i32
    %min3A_202 = arith.minsi %add3A, %min3A : i32
    %add3A_203 = arith.addi %mul3A_201, %min3A_202 : i32
    %lt3A = arith.constant 5 : i32
    %lt3A_204 = arith.cmpi slt, %add3A, %lt3A : i32
    %jit3A = arith.constant 1 : i32
    %jit3A_205 = arith.constant 0 : i32
    %select_n3A = arith.select %lt3A_204, %jit3A, %jit3A_205 : i32
    %add3A_206 = arith.constant 10 : i32
    %add3A_207 = arith.addi %add3A_206, %select_n3A : i32
    %broadcast_in_dim3A_208 = arith.constant 0 : i32
    %broadcast_in_dim3A_209 = vector.broadcast %broadcast_in_dim3A_208 : i32 to vector<16xi32>
    %swap3A_210 = arith.constant 0 : index
    %swap3A_211 = tpu.vector_load %arg16[%swap3A_210] {strides = array<i32>} : memref<16xi32, #tpu.memory_space<vmem>>, vector<16xi32>,
    %swap3A_212 = vector.shape_cast %swap3A_211 : vector<16xi32> to vector<16xi32>
    %swap3A_213 = vector.shape_cast %broadcast_in_dim3A_209 : vector<16xi32> to vector<16xi32>
    tpu.vector_store %arg16[%swap3A_210], %swap3A_213 {strides = array<i32>} : memref<16xi32, #tpu.memory_space<vmem>>, vector<16xi32>,
    %broadcast_in_dim3A_214 = arith.constant 0.000000e+00 : f32
    %broadcast_in_dim3A_215 = vector.broadcast %broadcast_in_dim3A_214 : f32 to vector<16xf32>
    %broadcast_in_dim3A_216 = arith.constant 0.000000e+00 : f32
    %broadcast_in_dim3A_217 = vector.broadcast %broadcast_in_dim3A_216 : f32 to vector<16xf32>
    %broadcast_in_dim3A_218 = arith.constant 0.000000e+00 : f32
    %broadcast_in_dim3A_219 = vector.broadcast %broadcast_in_dim3A_218 : f32 to vector<16xf32>
    %broadcast_in_dim3A_220 = arith.constant 0.000000e+00 : f32
    %broadcast_in_dim3A_221 = vector.broadcast %broadcast_in_dim3A_220 : f32 to vector<16xf32>
    %broadcast_in_dim3A_222 = arith.constant 0.000000e+00 : f32
    %broadcast_in_dim3A_223 = vector.broadcast %broadcast_in_dim3A_222 : f32 to vector<16xf32>
    %broadcast_in_dim3A_224 = arith.constant 0.000000e+00 : f32
    %broadcast_in_dim3A_225 = vector.broadcast %broadcast_in_dim3A_224 : f32 to vector<16xf32>
    %broadcast_in_dim3A_226 = arith.constant 0.000000e+00 : f32
    %broadcast_in_dim3A_227 = vector.broadcast %broadcast_in_dim3A_226 : f32 to vector<16xf32>
    %broadcast_in_dim3A_228 = arith.constant 0.000000e+00 : f32
    %broadcast_in_dim3A_229 = vector.broadcast %broadcast_in_dim3A_228 : f32 to vector<16xf32>
    %broadcast_in_dim3A_230 = arith.constant 0.000000e+00 : f32
    %broadcast_in_dim3A_231 = vector.broadcast %broadcast_in_dim3A_230 : f32 to vector<16xf32>
    %broadcast_in_dim3A_232 = arith.constant 0.000000e+00 : f32
    %broadcast_in_dim3A_233 = vector.broadcast %broadcast_in_dim3A_232 : f32 to vector<16xf32>
    %broadcast_in_dim3A_234 = arith.constant 0.000000e+00 : f32
    %broadcast_in_dim3A_235 = vector.broadcast %broadcast_in_dim3A_234 : f32 to vector<16xf32>
    %broadcast_in_dim3A_236 = arith.constant 0.000000e+00 : f32
    %broadcast_in_dim3A_237 = vector.broadcast %broadcast_in_dim3A_236 : f32 to vector<16xf32>
    %broadcast_in_dim3A_238 = arith.constant 0.000000e+00 : f32
    %broadcast_in_dim3A_239 = vector.broadcast %broadcast_in_dim3A_238 : f32 to vector<16xf32>
    %broadcast_in_dim3A_240 = arith.constant 0.000000e+00 : f32
    %broadcast_in_dim3A_241 = vector.broadcast %broadcast_in_dim3A_240 : f32 to vector<16xf32>
    %broadcast_in_dim3A_242 = arith.constant 0.000000e+00 : f32
    %broadcast_in_dim3A_243 = vector.broadcast %broadcast_in_dim3A_242 : f32 to vector<16xf32>
    %broadcast_in_dim3A_244 = arith.constant 0.000000e+00 : f32
    %broadcast_in_dim3A_245 = vector.broadcast %broadcast_in_dim3A_244 : f32 to vector<16xf32>
    %add3A_246 = arith.constant 0 : i32
    %add3A_247 = arith.addi %add3A_203, %add3A_246 : i32
    %mul3A_248 = arith.constant 80 : i32
    %mul3A_249 = arith.muli %add3A_247, %mul3A_248 : i32
    %add3A_250 = arith.constant 0 : i32
    %add3A_251 = arith.addi %add3A_250, %mul3A_249 : i32
    %gt3A = arith.constant 0 : i32
    %gt3A_252 = arith.cmpi sgt, %add3A_207, %gt3A : i32
    %convert_element_type3A = arith.extui %gt3A_252 : i1 to i32
    %cond3A = arith.constant 0 : i32
    %cond3A_253 = arith.cmpi ne, %convert_element_type3A, %cond3A : i32
    scf.if %cond3A_253 {
      %dma_start3A = arith.constant 0 : i32
      %dma_start3A_296 = tpu.memref_slice %arg2[%add3A_251, %dma_start3A] : memref<50000x256xf32, #tpu.memory_space<hbm>> -> memref<80x256xf32, #tpu.memory_space<hbm>>
      %dma_start3A_297 = arith.constant 0 : i32
      %dma_start3A_298 = tpu.memref_slice %arg2[%add3A_251, %dma_start3A_297] : memref<50000x256xf32, #tpu.memory_space<hbm>> -> memref<80x256xf32, #tpu.memory_space<hbm>>
      tpu.enqueue_dma source(%dma_start3A_298 : memref<80x256xf32, #tpu.memory_space<hbm>>) target(%arg8 : memref<80x256xf32, #tpu.memory_space<vmem>>) target_semaphore(%arg19 : memref<!tpu.dma_semaphore, #tpu.memory_space<semaphore_mem>>)
      %dma_start3A_299 = arith.constant 0 : i32
      %dma_start3A_300 = tpu.memref_slice %arg10[%dma_start3A_299] : memref<96xf32, #tpu.memory_space<vmem>> -> memref<80xf32, #tpu.memory_space<vmem>>
      %dma_start3A_301 = tpu.memref_slice %arg3[%mul3A_249] : memref<26000xf32, #tpu.memory_space<hbm>> -> memref<80xf32, #tpu.memory_space<hbm>>
      %dma_start3A_302 = arith.constant 0 : i32
      %dma_start3A_303 = tpu.memref_slice %arg10[%dma_start3A_302] : memref<96xf32, #tpu.memory_space<vmem>> -> memref<80xf32, #tpu.memory_space<vmem>>
      %dma_start3A_304 = tpu.memref_slice %arg3[%mul3A_249] : memref<26000xf32, #tpu.memory_space<hbm>> -> memref<80xf32, #tpu.memory_space<hbm>>
      tpu.enqueue_dma source(%dma_start3A_304 : memref<80xf32, #tpu.memory_space<hbm>>) target(%dma_start3A_303 : memref<80xf32, #tpu.memory_space<vmem>>) target_semaphore(%arg19 : memref<!tpu.dma_semaphore, #tpu.memory_space<semaphore_mem>>)
      %dma_start3A_305 = arith.constant 0 : i32
      %dma_start3A_306 = tpu.memref_slice %arg12[%dma_start3A_305] : memref<96xi32, #tpu.memory_space<vmem>> -> memref<80xi32, #tpu.memory_space<vmem>>
      %dma_start3A_307 = tpu.memref_slice %arg4[%add3A_251] : memref<50000xi32, #tpu.memory_space<hbm>> -> memref<80xi32, #tpu.memory_space<hbm>>
      %dma_start3A_308 = arith.constant 0 : i32
      %dma_start3A_309 = tpu.memref_slice %arg12[%dma_start3A_308] : memref<96xi32, #tpu.memory_space<vmem>> -> memref<80xi32, #tpu.memory_space<vmem>>
      %dma_start3A_310 = tpu.memref_slice %arg4[%add3A_251] : memref<50000xi32, #tpu.memory_space<hbm>> -> memref<80xi32, #tpu.memory_space<hbm>>
      tpu.enqueue_dma source(%dma_start3A_310 : memref<80xi32, #tpu.memory_space<hbm>>) target(%dma_start3A_309 : memref<80xi32, #tpu.memory_space<vmem>>) target_semaphore(%arg19 : memref<!tpu.dma_semaphore, #tpu.memory_space<semaphore_mem>>)
    } else {
    }
    %add3A_254 = arith.constant 1 : i32
    %add3A_255 = arith.addi %add3A_203, %add3A_254 : i32
    %mul3A_256 = arith.constant 80 : i32
    %mul3A_257 = arith.muli %add3A_255, %mul3A_256 : i32
    %add3A_258 = arith.constant 0 : i32
    %add3A_259 = arith.addi %add3A_258, %mul3A_257 : i32
    %gt3A_260 = arith.constant 1 : i32
    %gt3A_261 = arith.cmpi sgt, %add3A_207, %gt3A_260 : i32
    %convert_element_type3A_262 = arith.extui %gt3A_261 : i1 to i32
    %cond3A_263 = arith.constant 0 : i32
    %cond3A_264 = arith.cmpi ne, %convert_element_type3A_262, %cond3A_263 : i32
    scf.if %cond3A_264 {
      %dma_start3A = arith.constant 0 : i32
      %dma_start3A_296 = tpu.memref_slice %arg2[%add3A_259, %dma_start3A] : memref<50000x256xf32, #tpu.memory_space<hbm>> -> memref<80x256xf32, #tpu.memory_space<hbm>>
      %dma_start3A_297 = arith.constant 0 : i32
      %dma_start3A_298 = tpu.memref_slice %arg2[%add3A_259, %dma_start3A_297] : memref<50000x256xf32, #tpu.memory_space<hbm>> -> memref<80x256xf32, #tpu.memory_space<hbm>>
      tpu.enqueue_dma source(%dma_start3A_298 : memref<80x256xf32, #tpu.memory_space<hbm>>) target(%arg9 : memref<80x256xf32, #tpu.memory_space<vmem>>) target_semaphore(%arg20 : memref<!tpu.dma_semaphore, #tpu.memory_space<semaphore_mem>>)
      %dma_start3A_299 = arith.constant 0 : i32
      %dma_start3A_300 = tpu.memref_slice %arg11[%dma_start3A_299] : memref<96xf32, #tpu.memory_space<vmem>> -> memref<80xf32, #tpu.memory_space<vmem>>
      %dma_start3A_301 = tpu.memref_slice %arg3[%mul3A_257] : memref<26000xf32, #tpu.memory_space<hbm>> -> memref<80xf32, #tpu.memory_space<hbm>>
      %dma_start3A_302 = arith.constant 0 : i32
      %dma_start3A_303 = tpu.memref_slice %arg11[%dma_start3A_302] : memref<96xf32, #tpu.memory_space<vmem>> -> memref<80xf32, #tpu.memory_space<vmem>>
      %dma_start3A_304 = tpu.memref_slice %arg3[%mul3A_257] : memref<26000xf32, #tpu.memory_space<hbm>> -> memref<80xf32, #tpu.memory_space<hbm>>
      tpu.enqueue_dma source(%dma_start3A_304 : memref<80xf32, #tpu.memory_space<hbm>>) target(%dma_start3A_303 : memref<80xf32, #tpu.memory_space<vmem>>) target_semaphore(%arg20 : memref<!tpu.dma_semaphore, #tpu.memory_space<semaphore_mem>>)
      %dma_start3A_305 = arith.constant 0 : i32
      %dma_start3A_306 = tpu.memref_slice %arg13[%dma_start3A_305] : memref<96xi32, #tpu.memory_space<vmem>> -> memref<80xi32, #tpu.memory_space<vmem>>
      %dma_start3A_307 = tpu.memref_slice %arg4[%add3A_259] : memref<50000xi32, #tpu.memory_space<hbm>> -> memref<80xi32, #tpu.memory_space<hbm>>
      %dma_start3A_308 = arith.constant 0 : i32
      %dma_start3A_309 = tpu.memref_slice %arg13[%dma_start3A_308] : memref<96xi32, #tpu.memory_space<vmem>> -> memref<80xi32, #tpu.memory_space<vmem>>
      %dma_start3A_310 = tpu.memref_slice %arg4[%add3A_259] : memref<50000xi32, #tpu.memory_space<hbm>> -> memref<80xi32, #tpu.memory_space<hbm>>
      tpu.enqueue_dma source(%dma_start3A_310 : memref<80xi32, #tpu.memory_space<hbm>>) target(%dma_start3A_309 : memref<80xi32, #tpu.memory_space<vmem>>) target_semaphore(%arg20 : memref<!tpu.dma_semaphore, #tpu.memory_space<semaphore_mem>>)
    } else {
    }
    %scan3A_265 = arith.constant -1 : i32
    %scan3A_266 = arith.constant -1 : i32
    %scan3A_267 = arith.constant 0 : i32
    %scan3A_268 = arith.constant 7 : i32
    %scan3A_269 = arith.addi %scan3A_267, %scan3A_268 : i32
    %scan3A_270 = arith.constant 1 : i32
    %scan3A_271:18 = scf.for %scan3A_296 = %scan3A_267 to %scan3A_269 step %scan3A_270 iter_args(%scan3A_297 = %scan3A_265, %scan3A_298 = %scan3A_266, %scan3A_299 = %broadcast_in_dim3A_215, %scan3A_300 = %broadcast_in_dim3A_217, %scan3A_301 = %broadcast_in_dim3A_219, %scan3A_302 = %broadcast_in_dim3A_221, %scan3A_303 = %broadcast_in_dim3A_223, %scan3A_304 = %broadcast_in_dim3A_225, %scan3A_305 = %broadcast_in_dim3A_227, %scan3A_306 = %broadcast_in_dim3A_229, %scan3A_307 = %broadcast_in_dim3A_231, %scan3A_308 = %broadcast_in_dim3A_233, %scan3A_309 = %broadcast_in_dim3A_235, %scan3A_310 = %broadcast_in_dim3A_237, %scan3A_311 = %broadcast_in_dim3A_239, %scan3A_312 = %broadcast_in_dim3A_241, %scan3A_313 = %broadcast_in_dim3A_243, %scan3A_314 = %broadcast_in_dim3A_245) -> (i32, i32, vector<16xf32>, vector<16xf32>, vector<16xf32>, vector<16xf32>, vector<16xf32>, vector<16xf32>, vector<16xf32>, vector<16xf32>, vector<16xf32>, vector<16xf32>, vector<16xf32>, vector<16xf32>, vector<16xf32>, vector<16xf32>, vector<16xf32>, vector<16xf32>)  : i32 {
      %mul3A_315 = arith.constant 2 : i32
      %mul3A_316 = arith.muli %scan3A_296, %mul3A_315 : i32
      %add3A_317 = arith.addi %add3A_203, %mul3A_316 : i32
      %mul3A_318 = arith.constant 80 : i32
      %mul3A_319 = arith.muli %add3A_317, %mul3A_318 : i32
      %add3A_320 = arith.constant 0 : i32
      %add3A_321 = arith.addi %add3A_320, %mul3A_319 : i32
      %lt3A_322 = arith.cmpi slt, %mul3A_316, %add3A_207 : i32
      %convert_element_type3A_323 = arith.extui %lt3A_322 : i1 to i32
      %cond3A_324 = arith.constant 0 : i32
      %cond3A_325 = arith.cmpi ne, %convert_element_type3A_323, %cond3A_324 : i32
      scf.if %cond3A_325 {
        %dma_wait3A = arith.constant 0 : i32
        %dma_wait3A_378 = tpu.memref_slice %arg2[%add3A_321, %dma_wait3A] : memref<50000x256xf32, #tpu.memory_space<hbm>> -> memref<80x256xf32, #tpu.memory_space<hbm>>
        %dma_wait3A_379 = arith.constant 0 : i32
        %dma_wait3A_380 = tpu.memref_slice %arg2[%add3A_321, %dma_wait3A_379] : memref<50000x256xf32, #tpu.memory_space<hbm>> -> memref<80x256xf32, #tpu.memory_space<hbm>>
        tpu.wait_dma2 semaphore(%arg19 : memref<!tpu.dma_semaphore, #tpu.memory_space<semaphore_mem>>) src(%dma_wait3A_380 : memref<80x256xf32, #tpu.memory_space<hbm>>) dst(%arg8 : memref<80x256xf32, #tpu.memory_space<vmem>>)
        %dma_wait3A_381 = arith.constant 0 : i32
        %dma_wait3A_382 = tpu.memref_slice %arg10[%dma_wait3A_381] : memref<96xf32, #tpu.memory_space<vmem>> -> memref<80xf32, #tpu.memory_space<vmem>>
        %dma_wait3A_383 = tpu.memref_slice %arg3[%mul3A_319] : memref<26000xf32, #tpu.memory_space<hbm>> -> memref<80xf32, #tpu.memory_space<hbm>>
        %dma_wait3A_384 = arith.constant 0 : i32
        %dma_wait3A_385 = tpu.memref_slice %arg10[%dma_wait3A_384] : memref<96xf32, #tpu.memory_space<vmem>> -> memref<80xf32, #tpu.memory_space<vmem>>
        %dma_wait3A_386 = tpu.memref_slice %arg3[%mul3A_319] : memref<26000xf32, #tpu.memory_space<hbm>> -> memref<80xf32, #tpu.memory_space<hbm>>
        tpu.wait_dma2 semaphore(%arg19 : memref<!tpu.dma_semaphore, #tpu.memory_space<semaphore_mem>>) src(%dma_wait3A_386 : memref<80xf32, #tpu.memory_space<hbm>>) dst(%dma_wait3A_385 : memref<80xf32, #tpu.memory_space<vmem>>)
        %dma_wait3A_387 = arith.constant 0 : i32
        %dma_wait3A_388 = tpu.memref_slice %arg12[%dma_wait3A_387] : memref<96xi32, #tpu.memory_space<vmem>> -> memref<80xi32, #tpu.memory_space<vmem>>
        %dma_wait3A_389 = tpu.memref_slice %arg4[%add3A_321] : memref<50000xi32, #tpu.memory_space<hbm>> -> memref<80xi32, #tpu.memory_space<hbm>>
        %dma_wait3A_390 = arith.constant 0 : i32
        %dma_wait3A_391 = tpu.memref_slice %arg12[%dma_wait3A_390] : memref<96xi32, #tpu.memory_space<vmem>> -> memref<80xi32, #tpu.memory_space<vmem>>
        %dma_wait3A_392 = tpu.memref_slice %arg4[%add3A_321] : memref<50000xi32, #tpu.memory_space<hbm>> -> memref<80xi32, #tpu.memory_space<hbm>>
        tpu.wait_dma2 semaphore(%arg19 : memref<!tpu.dma_semaphore, #tpu.memory_space<semaphore_mem>>) src(%dma_wait3A_392 : memref<80xi32, #tpu.memory_space<hbm>>) dst(%dma_wait3A_391 : memref<80xi32, #tpu.memory_space<vmem>>)
      } else {
      }
      %ge3A = arith.cmpi sge, %mul3A_316, %add3A_207 : i32
      %convert_element_type3A_326 = arith.extui %ge3A : i1 to i32
      %cond3A_327 = arith.constant 0 : i32
      %cond3A_328 = arith.cmpi ne, %convert_element_type3A_326, %cond3A_327 : i32
      scf.if %cond3A_328 {
        %broadcast_in_dim3A_378 = arith.constant 0.000000e+00 : f32
        %broadcast_in_dim3A_379 = vector.broadcast %broadcast_in_dim3A_378 : f32 to vector<16xf32>
        %swap3A_380 = arith.constant 0 : index
        %swap3A_381 = tpu.vector_load %arg10[%swap3A_380] {strides = array<i32>} : memref<96xf32, #tpu.memory_space<vmem>>, vector<16xf32>,
        %swap3A_382 = vector.shape_cast %swap3A_381 : vector<16xf32> to vector<16xf32>
        %swap3A_383 = vector.shape_cast %broadcast_in_dim3A_379 : vector<16xf32> to vector<16xf32>
        tpu.vector_store %arg10[%swap3A_380], %swap3A_383 {strides = array<i32>} : memref<96xf32, #tpu.memory_space<vmem>>, vector<16xf32>,
        %broadcast_in_dim3A_384 = arith.constant 1024 : i32
        %broadcast_in_dim3A_385 = vector.broadcast %broadcast_in_dim3A_384 : i32 to vector<16xi32>
        %swap3A_386 = arith.constant 0 : index
        %swap3A_387 = tpu.vector_load %arg12[%swap3A_386] {strides = array<i32>} : memref<96xi32, #tpu.memory_space<vmem>>, vector<16xi32>,
        %swap3A_388 = vector.shape_cast %swap3A_387 : vector<16xi32> to vector<16xi32>
        %swap3A_389 = vector.shape_cast %broadcast_in_dim3A_385 : vector<16xi32> to vector<16xi32>
        tpu.vector_store %arg12[%swap3A_386], %swap3A_389 {strides = array<i32>} : memref<96xi32, #tpu.memory_space<vmem>>, vector<16xi32>,
        %broadcast_in_dim3A_390 = arith.constant 0.000000e+00 : f32
        %broadcast_in_dim3A_391 = vector.broadcast %broadcast_in_dim3A_390 : f32 to vector<16xf32>
        %swap3A_392 = arith.constant 16 : index
        %swap3A_393 = tpu.vector_load %arg10[%swap3A_392] {strides = array<i32>} : memref<96xf32, #tpu.memory_space<vmem>>, vector<16xf32>,
        %swap3A_394 = vector.shape_cast %swap3A_393 : vector<16xf32> to vector<16xf32>
        %swap3A_395 = vector.shape_cast %broadcast_in_dim3A_391 : vector<16xf32> to vector<16xf32>
        tpu.vector_store %arg10[%swap3A_392], %swap3A_395 {strides = array<i32>} : memref<96xf32, #tpu.memory_space<vmem>>, vector<16xf32>,
        %broadcast_in_dim3A_396 = arith.constant 1024 : i32
        %broadcast_in_dim3A_397 = vector.broadcast %broadcast_in_dim3A_396 : i32 to vector<16xi32>
        %swap3A_398 = arith.constant 16 : index
        %swap3A_399 = tpu.vector_load %arg12[%swap3A_398] {strides = array<i32>} : memref<96xi32, #tpu.memory_space<vmem>>, vector<16xi32>,
        %swap3A_400 = vector.shape_cast %swap3A_399 : vector<16xi32> to vector<16xi32>
        %swap3A_401 = vector.shape_cast %broadcast_in_dim3A_397 : vector<16xi32> to vector<16xi32>
        tpu.vector_store %arg12[%swap3A_398], %swap3A_401 {strides = array<i32>} : memref<96xi32, #tpu.memory_space<vmem>>, vector<16xi32>,
        %broadcast_in_dim3A_402 = arith.constant 0.000000e+00 : f32
        %broadcast_in_dim3A_403 = vector.broadcast %broadcast_in_dim3A_402 : f32 to vector<16xf32>
        %swap3A_404 = arith.constant 32 : index
        %swap3A_405 = tpu.vector_load %arg10[%swap3A_404] {strides = array<i32>} : memref<96xf32, #tpu.memory_space<vmem>>, vector<16xf32>,
        %swap3A_406 = vector.shape_cast %swap3A_405 : vector<16xf32> to vector<16xf32>
        %swap3A_407 = vector.shape_cast %broadcast_in_dim3A_403 : vector<16xf32> to vector<16xf32>
        tpu.vector_store %arg10[%swap3A_404], %swap3A_407 {strides = array<i32>} : memref<96xf32, #tpu.memory_space<vmem>>, vector<16xf32>,
        %broadcast_in_dim3A_408 = arith.constant 1024 : i32
        %broadcast_in_dim3A_409 = vector.broadcast %broadcast_in_dim3A_408 : i32 to vector<16xi32>
        %swap3A_410 = arith.constant 32 : index
        %swap3A_411 = tpu.vector_load %arg12[%swap3A_410] {strides = array<i32>} : memref<96xi32, #tpu.memory_space<vmem>>, vector<16xi32>,
        %swap3A_412 = vector.shape_cast %swap3A_411 : vector<16xi32> to vector<16xi32>
        %swap3A_413 = vector.shape_cast %broadcast_in_dim3A_409 : vector<16xi32> to vector<16xi32>
        tpu.vector_store %arg12[%swap3A_410], %swap3A_413 {strides = array<i32>} : memref<96xi32, #tpu.memory_space<vmem>>, vector<16xi32>,
        %broadcast_in_dim3A_414 = arith.constant 0.000000e+00 : f32
        %broadcast_in_dim3A_415 = vector.broadcast %broadcast_in_dim3A_414 : f32 to vector<16xf32>
        %swap3A_416 = arith.constant 48 : index
        %swap3A_417 = tpu.vector_load %arg10[%swap3A_416] {strides = array<i32>} : memref<96xf32, #tpu.memory_space<vmem>>, vector<16xf32>,
        %swap3A_418 = vector.shape_cast %swap3A_417 : vector<16xf32> to vector<16xf32>
        %swap3A_419 = vector.shape_cast %broadcast_in_dim3A_415 : vector<16xf32> to vector<16xf32>
        tpu.vector_store %arg10[%swap3A_416], %swap3A_419 {strides = array<i32>} : memref<96xf32, #tpu.memory_space<vmem>>, vector<16xf32>,
        %broadcast_in_dim3A_420 = arith.constant 1024 : i32
        %broadcast_in_dim3A_421 = vector.broadcast %broadcast_in_dim3A_420 : i32 to vector<16xi32>
        %swap3A_422 = arith.constant 48 : index
        %swap3A_423 = tpu.vector_load %arg12[%swap3A_422] {strides = array<i32>} : memref<96xi32, #tpu.memory_space<vmem>>, vector<16xi32>,
        %swap3A_424 = vector.shape_cast %swap3A_423 : vector<16xi32> to vector<16xi32>
        %swap3A_425 = vector.shape_cast %broadcast_in_dim3A_421 : vector<16xi32> to vector<16xi32>
        tpu.vector_store %arg12[%swap3A_422], %swap3A_425 {strides = array<i32>} : memref<96xi32, #tpu.memory_space<vmem>>, vector<16xi32>,
        %broadcast_in_dim3A_426 = arith.constant 0.000000e+00 : f32
        %broadcast_in_dim3A_427 = vector.broadcast %broadcast_in_dim3A_426 : f32 to vector<16xf32>
        %swap3A_428 = arith.constant 64 : index
        %swap3A_429 = tpu.vector_load %arg10[%swap3A_428] {strides = array<i32>} : memref<96xf32, #tpu.memory_space<vmem>>, vector<16xf32>,
        %swap3A_430 = vector.shape_cast %swap3A_429 : vector<16xf32> to vector<16xf32>
        %swap3A_431 = vector.shape_cast %broadcast_in_dim3A_427 : vector<16xf32> to vector<16xf32>
        tpu.vector_store %arg10[%swap3A_428], %swap3A_431 {strides = array<i32>} : memref<96xf32, #tpu.memory_space<vmem>>, vector<16xf32>,
        %broadcast_in_dim3A_432 = arith.constant 1024 : i32
        %broadcast_in_dim3A_433 = vector.broadcast %broadcast_in_dim3A_432 : i32 to vector<16xi32>
        %swap3A_434 = arith.constant 64 : index
        %swap3A_435 = tpu.vector_load %arg12[%swap3A_434] {strides = array<i32>} : memref<96xi32, #tpu.memory_space<vmem>>, vector<16xi32>,
        %swap3A_436 = vector.shape_cast %swap3A_435 : vector<16xi32> to vector<16xi32>
        %swap3A_437 = vector.shape_cast %broadcast_in_dim3A_433 : vector<16xi32> to vector<16xi32>
        tpu.vector_store %arg12[%swap3A_434], %swap3A_437 {strides = array<i32>} : memref<96xi32, #tpu.memory_space<vmem>>, vector<16xi32>,
        %broadcast_in_dim3A_438 = arith.constant 0.000000e+00 : f32
        %broadcast_in_dim3A_439 = vector.broadcast %broadcast_in_dim3A_438 : f32 to vector<16xf32>
        %swap3A_440 = arith.constant 80 : index
        %swap3A_441 = tpu.vector_load %arg10[%swap3A_440] {strides = array<i32>} : memref<96xf32, #tpu.memory_space<vmem>>, vector<16xf32>,
        %swap3A_442 = vector.shape_cast %swap3A_441 : vector<16xf32> to vector<16xf32>
        %swap3A_443 = vector.shape_cast %broadcast_in_dim3A_439 : vector<16xf32> to vector<16xf32>
        tpu.vector_store %arg10[%swap3A_440], %swap3A_443 {strides = array<i32>} : memref<96xf32, #tpu.memory_space<vmem>>, vector<16xf32>,
        %broadcast_in_dim3A_444 = arith.constant 1024 : i32
        %broadcast_in_dim3A_445 = vector.broadcast %broadcast_in_dim3A_444 : i32 to vector<16xi32>
        %swap3A_446 = arith.constant 80 : index
        %swap3A_447 = tpu.vector_load %arg12[%swap3A_446] {strides = array<i32>} : memref<96xi32, #tpu.memory_space<vmem>>, vector<16xi32>,
        %swap3A_448 = vector.shape_cast %swap3A_447 : vector<16xi32> to vector<16xi32>
        %swap3A_449 = vector.shape_cast %broadcast_in_dim3A_445 : vector<16xi32> to vector<16xi32>
        tpu.vector_store %arg12[%swap3A_446], %swap3A_449 {strides = array<i32>} : memref<96xi32, #tpu.memory_space<vmem>>, vector<16xi32>,
      } else {
      }
      %scan3A_329 = arith.constant 0 : i32
      %scan3A_330 = arith.constant 80 : i32
      %scan3A_331 = arith.addi %scan3A_329, %scan3A_330 : i32
      %scan3A_332 = arith.constant 1 : i32
      %scan3A_333:18 = scf.for %scan3A_378 = %scan3A_329 to %scan3A_331 step %scan3A_332 iter_args(%scan3A_379 = %scan3A_297, %scan3A_380 = %scan3A_298, %scan3A_381 = %scan3A_299, %scan3A_382 = %scan3A_300, %scan3A_383 = %scan3A_301, %scan3A_384 = %scan3A_302, %scan3A_385 = %scan3A_303, %scan3A_386 = %scan3A_304, %scan3A_387 = %scan3A_305, %scan3A_388 = %scan3A_306, %scan3A_389 = %scan3A_307, %scan3A_390 = %scan3A_308, %scan3A_391 = %scan3A_309, %scan3A_392 = %scan3A_310, %scan3A_393 = %scan3A_311, %scan3A_394 = %scan3A_312, %scan3A_395 = %scan3A_313, %scan3A_396 = %scan3A_314) -> (i32, i32, vector<16xf32>, vector<16xf32>, vector<16xf32>, vector<16xf32>, vector<16xf32>, vector<16xf32>, vector<16xf32>, vector<16xf32>, vector<16xf32>, vector<16xf32>, vector<16xf32>, vector<16xf32>, vector<16xf32>, vector<16xf32>, vector<16xf32>, vector<16xf32>)  : i32 {
        %get3A_397 = arith.index_cast %scan3A_378 : i32 to index
        %get3A_398 = tpu.vector_load %arg10[%get3A_397] {strides = array<i32>} : memref<96xf32, #tpu.memory_space<vmem>>, vector<16xf32>,
        %get3A_399 = vector.shape_cast %get3A_398 : vector<16xf32> to vector<16xf32>
        %slice3A = vector.extract_strided_slice %get3A_399 {offsets = [0], sizes = [1], strides = [1]} : vector<16xf32> to vector<1xf32>
        %squeeze3A = vector.extract %slice3A[0] : f32 from vector<1xf32>
        %broadcast_in_dim3A_400 = vector.broadcast %squeeze3A : f32 to vector<16xf32>
        %get3A_401 = arith.index_cast %scan3A_378 : i32 to index
        %get3A_402 = tpu.vector_load %arg12[%get3A_401] {strides = array<i32>} : memref<96xi32, #tpu.memory_space<vmem>>, vector<16xi32>,
        %get3A_403 = vector.shape_cast %get3A_402 : vector<16xi32> to vector<16xi32>
        %slice3A_404 = vector.extract_strided_slice %get3A_403 {offsets = [0], sizes = [1], strides = [1]} : vector<16xi32> to vector<1xi32>
        %squeeze3A_405 = vector.extract %slice3A_404[0] : i32 from vector<1xi32>
        %get3A_406 = arith.index_cast %scan3A_378 : i32 to index
        %get3A_407 = arith.constant 0 : index
        %get3A_408 = tpu.vector_load %arg8[%get3A_406, %get3A_407] {strides = array<i32>} : memref<80x256xf32, #tpu.memory_space<vmem>>, vector<1x16xf32>,
        %get3A_409 = vector.shape_cast %get3A_408 : vector<1x16xf32> to vector<16xf32>
        %get3A_410 = arith.index_cast %scan3A_378 : i32 to index
        %get3A_411 = arith.constant 16 : index
        %get3A_412 = tpu.vector_load %arg8[%get3A_410, %get3A_411] {strides = array<i32>} : memref<80x256xf32, #tpu.memory_space<vmem>>, vector<1x16xf32>,
        %get3A_413 = vector.shape_cast %get3A_412 : vector<1x16xf32> to vector<16xf32>
        %get3A_414 = arith.index_cast %scan3A_378 : i32 to index
        %get3A_415 = arith.constant 32 : index
        %get3A_416 = tpu.vector_load %arg8[%get3A_414, %get3A_415] {strides = array<i32>} : memref<80x256xf32, #tpu.memory_space<vmem>>, vector<1x16xf32>,
        %get3A_417 = vector.shape_cast %get3A_416 : vector<1x16xf32> to vector<16xf32>
        %get3A_418 = arith.index_cast %scan3A_378 : i32 to index
        %get3A_419 = arith.constant 48 : index
        %get3A_420 = tpu.vector_load %arg8[%get3A_418, %get3A_419] {strides = array<i32>} : memref<80x256xf32, #tpu.memory_space<vmem>>, vector<1x16xf32>,
        %get3A_421 = vector.shape_cast %get3A_420 : vector<1x16xf32> to vector<16xf32>
        %get3A_422 = arith.index_cast %scan3A_378 : i32 to index
        %get3A_423 = arith.constant 64 : index
        %get3A_424 = tpu.vector_load %arg8[%get3A_422, %get3A_423] {strides = array<i32>} : memref<80x256xf32, #tpu.memory_space<vmem>>, vector<1x16xf32>,
        %get3A_425 = vector.shape_cast %get3A_424 : vector<1x16xf32> to vector<16xf32>
        %get3A_426 = arith.index_cast %scan3A_378 : i32 to index
        %get3A_427 = arith.constant 80 : index
        %get3A_428 = tpu.vector_load %arg8[%get3A_426, %get3A_427] {strides = array<i32>} : memref<80x256xf32, #tpu.memory_space<vmem>>, vector<1x16xf32>,
        %get3A_429 = vector.shape_cast %get3A_428 : vector<1x16xf32> to vector<16xf32>
        %get3A_430 = arith.index_cast %scan3A_378 : i32 to index
        %get3A_431 = arith.constant 96 : index
        %get3A_432 = tpu.vector_load %arg8[%get3A_430, %get3A_431] {strides = array<i32>} : memref<80x256xf32, #tpu.memory_space<vmem>>, vector<1x16xf32>,
        %get3A_433 = vector.shape_cast %get3A_432 : vector<1x16xf32> to vector<16xf32>
        %get3A_434 = arith.index_cast %scan3A_378 : i32 to index
        %get3A_435 = arith.constant 112 : index
        %get3A_436 = tpu.vector_load %arg8[%get3A_434, %get3A_435] {strides = array<i32>} : memref<80x256xf32, #tpu.memory_space<vmem>>, vector<1x16xf32>,
        %get3A_437 = vector.shape_cast %get3A_436 : vector<1x16xf32> to vector<16xf32>
        %get3A_438 = arith.index_cast %scan3A_378 : i32 to index
        %get3A_439 = arith.constant 128 : index
        %get3A_440 = tpu.vector_load %arg8[%get3A_438, %get3A_439] {strides = array<i32>} : memref<80x256xf32, #tpu.memory_space<vmem>>, vector<1x16xf32>,
        %get3A_441 = vector.shape_cast %get3A_440 : vector<1x16xf32> to vector<16xf32>
        %get3A_442 = arith.index_cast %scan3A_378 : i32 to index
        %get3A_443 = arith.constant 144 : index
        %get3A_444 = tpu.vector_load %arg8[%get3A_442, %get3A_443] {strides = array<i32>} : memref<80x256xf32, #tpu.memory_space<vmem>>, vector<1x16xf32>,
        %get3A_445 = vector.shape_cast %get3A_444 : vector<1x16xf32> to vector<16xf32>
        %get3A_446 = arith.index_cast %scan3A_378 : i32 to index
        %get3A_447 = arith.constant 160 : index
        %get3A_448 = tpu.vector_load %arg8[%get3A_446, %get3A_447] {strides = array<i32>} : memref<80x256xf32, #tpu.memory_space<vmem>>, vector<1x16xf32>,
        %get3A_449 = vector.shape_cast %get3A_448 : vector<1x16xf32> to vector<16xf32>
        %get3A_450 = arith.index_cast %scan3A_378 : i32 to index
        %get3A_451 = arith.constant 176 : index
        %get3A_452 = tpu.vector_load %arg8[%get3A_450, %get3A_451] {strides = array<i32>} : memref<80x256xf32, #tpu.memory_space<vmem>>, vector<1x16xf32>,
        %get3A_453 = vector.shape_cast %get3A_452 : vector<1x16xf32> to vector<16xf32>
        %get3A_454 = arith.index_cast %scan3A_378 : i32 to index
        %get3A_455 = arith.constant 192 : index
        %get3A_456 = tpu.vector_load %arg8[%get3A_454, %get3A_455] {strides = array<i32>} : memref<80x256xf32, #tpu.memory_space<vmem>>, vector<1x16xf32>,
        %get3A_457 = vector.shape_cast %get3A_456 : vector<1x16xf32> to vector<16xf32>
        %get3A_458 = arith.index_cast %scan3A_378 : i32 to index
        %get3A_459 = arith.constant 208 : index
        %get3A_460 = tpu.vector_load %arg8[%get3A_458, %get3A_459] {strides = array<i32>} : memref<80x256xf32, #tpu.memory_space<vmem>>, vector<1x16xf32>,
        %get3A_461 = vector.shape_cast %get3A_460 : vector<1x16xf32> to vector<16xf32>
        %get3A_462 = arith.index_cast %scan3A_378 : i32 to index
        %get3A_463 = arith.constant 224 : index
        %get3A_464 = tpu.vector_load %arg8[%get3A_462, %get3A_463] {strides = array<i32>} : memref<80x256xf32, #tpu.memory_space<vmem>>, vector<1x16xf32>,
        %get3A_465 = vector.shape_cast %get3A_464 : vector<1x16xf32> to vector<16xf32>
        %get3A_466 = arith.index_cast %scan3A_378 : i32 to index
        %get3A_467 = arith.constant 240 : index
        %get3A_468 = tpu.vector_load %arg8[%get3A_466, %get3A_467] {strides = array<i32>} : memref<80x256xf32, #tpu.memory_space<vmem>>, vector<1x16xf32>,
        %get3A_469 = vector.shape_cast %get3A_468 : vector<1x16xf32> to vector<16xf32>
        %eq3A_470 = arith.cmpi eq, %squeeze3A_405, %scan3A_379 : i32
        %not3A = arith.constant true
        %not3A_471 = arith.xori %eq3A_470, %not3A : i1
        %ge3A_472 = arith.constant 0 : i32
        %ge3A_473 = arith.cmpi sge, %scan3A_379, %ge3A_472 : i32
        %and3A = arith.andi %not3A_471, %ge3A_473 : i1
        %convert_element_type3A_474 = arith.extui %and3A : i1 to i32
        %cond3A_475 = arith.constant 0 : i32
        %cond3A_476 = arith.cmpi ne, %convert_element_type3A_474, %cond3A_475 : i32
        scf.if %cond3A_476 {
          %eq3A_532 = arith.cmpi eq, %scan3A_379, %scan3A_380 : i32
          %convert_element_type3A_533 = arith.extui %eq3A_532 : i1 to i32
          %cond3A_534 = arith.constant 0 : i32
          %cond3A_535 = arith.cmpi ne, %convert_element_type3A_533, %cond3A_534 : i32
          scf.if %cond3A_535 {
            %swap3A_549 = arith.constant 0 : index
            %swap3A_550 = tpu.vector_load %arg15[%swap3A_549] {strides = array<i32>} : memref<512xf32, #tpu.memory_space<vmem>>, vector<16xf32>,
            %swap3A_551 = vector.shape_cast %swap3A_550 : vector<16xf32> to vector<16xf32>
            %swap3A_552 = vector.shape_cast %scan3A_381 : vector<16xf32> to vector<16xf32>
            tpu.vector_store %arg15[%swap3A_549], %swap3A_552 {strides = array<i32>} : memref<512xf32, #tpu.memory_space<vmem>>, vector<16xf32>,
            %swap3A_553 = arith.constant 16 : index
            %swap3A_554 = tpu.vector_load %arg15[%swap3A_553] {strides = array<i32>} : memref<512xf32, #tpu.memory_space<vmem>>, vector<16xf32>,
            %swap3A_555 = vector.shape_cast %swap3A_554 : vector<16xf32> to vector<16xf32>
            %swap3A_556 = vector.shape_cast %scan3A_382 : vector<16xf32> to vector<16xf32>
            tpu.vector_store %arg15[%swap3A_553], %swap3A_556 {strides = array<i32>} : memref<512xf32, #tpu.memory_space<vmem>>, vector<16xf32>,
            %swap3A_557 = arith.constant 32 : index
            %swap3A_558 = tpu.vector_load %arg15[%swap3A_557] {strides = array<i32>} : memref<512xf32, #tpu.memory_space<vmem>>, vector<16xf32>,
            %swap3A_559 = vector.shape_cast %swap3A_558 : vector<16xf32> to vector<16xf32>
            %swap3A_560 = vector.shape_cast %scan3A_383 : vector<16xf32> to vector<16xf32>
            tpu.vector_store %arg15[%swap3A_557], %swap3A_560 {strides = array<i32>} : memref<512xf32, #tpu.memory_space<vmem>>, vector<16xf32>,
            %swap3A_561 = arith.constant 48 : index
            %swap3A_562 = tpu.vector_load %arg15[%swap3A_561] {strides = array<i32>} : memref<512xf32, #tpu.memory_space<vmem>>, vector<16xf32>,
            %swap3A_563 = vector.shape_cast %swap3A_562 : vector<16xf32> to vector<16xf32>
            %swap3A_564 = vector.shape_cast %scan3A_384 : vector<16xf32> to vector<16xf32>
            tpu.vector_store %arg15[%swap3A_561], %swap3A_564 {strides = array<i32>} : memref<512xf32, #tpu.memory_space<vmem>>, vector<16xf32>,
            %swap3A_565 = arith.constant 64 : index
            %swap3A_566 = tpu.vector_load %arg15[%swap3A_565] {strides = array<i32>} : memref<512xf32, #tpu.memory_space<vmem>>, vector<16xf32>,
            %swap3A_567 = vector.shape_cast %swap3A_566 : vector<16xf32> to vector<16xf32>
            %swap3A_568 = vector.shape_cast %scan3A_385 : vector<16xf32> to vector<16xf32>
            tpu.vector_store %arg15[%swap3A_565], %swap3A_568 {strides = array<i32>} : memref<512xf32, #tpu.memory_space<vmem>>, vector<16xf32>,
            %swap3A_569 = arith.constant 80 : index
            %swap3A_570 = tpu.vector_load %arg15[%swap3A_569] {strides = array<i32>} : memref<512xf32, #tpu.memory_space<vmem>>, vector<16xf32>,
            %swap3A_571 = vector.shape_cast %swap3A_570 : vector<16xf32> to vector<16xf32>
            %swap3A_572 = vector.shape_cast %scan3A_386 : vector<16xf32> to vector<16xf32>
            tpu.vector_store %arg15[%swap3A_569], %swap3A_572 {strides = array<i32>} : memref<512xf32, #tpu.memory_space<vmem>>, vector<16xf32>,
            %swap3A_573 = arith.constant 96 : index
            %swap3A_574 = tpu.vector_load %arg15[%swap3A_573] {strides = array<i32>} : memref<512xf32, #tpu.memory_space<vmem>>, vector<16xf32>,
            %swap3A_575 = vector.shape_cast %swap3A_574 : vector<16xf32> to vector<16xf32>
            %swap3A_576 = vector.shape_cast %scan3A_387 : vector<16xf32> to vector<16xf32>
            tpu.vector_store %arg15[%swap3A_573], %swap3A_576 {strides = array<i32>} : memref<512xf32, #tpu.memory_space<vmem>>, vector<16xf32>,
            %swap3A_577 = arith.constant 112 : index
            %swap3A_578 = tpu.vector_load %arg15[%swap3A_577] {strides = array<i32>} : memref<512xf32, #tpu.memory_space<vmem>>, vector<16xf32>,
            %swap3A_579 = vector.shape_cast %swap3A_578 : vector<16xf32> to vector<16xf32>
            %swap3A_580 = vector.shape_cast %scan3A_388 : vector<16xf32> to vector<16xf32>
            tpu.vector_store %arg15[%swap3A_577], %swap3A_580 {strides = array<i32>} : memref<512xf32, #tpu.memory_space<vmem>>, vector<16xf32>,
            %swap3A_581 = arith.constant 128 : index
            %swap3A_582 = tpu.vector_load %arg15[%swap3A_581] {strides = array<i32>} : memref<512xf32, #tpu.memory_space<vmem>>, vector<16xf32>,
            %swap3A_583 = vector.shape_cast %swap3A_582 : vector<16xf32> to vector<16xf32>
            %swap3A_584 = vector.shape_cast %scan3A_389 : vector<16xf32> to vector<16xf32>
            tpu.vector_store %arg15[%swap3A_581], %swap3A_584 {strides = array<i32>} : memref<512xf32, #tpu.memory_space<vmem>>, vector<16xf32>,
            %swap3A_585 = arith.constant 144 : index
            %swap3A_586 = tpu.vector_load %arg15[%swap3A_585] {strides = array<i32>} : memref<512xf32, #tpu.memory_space<vmem>>, vector<16xf32>,
            %swap3A_587 = vector.shape_cast %swap3A_586 : vector<16xf32> to vector<16xf32>
            %swap3A_588 = vector.shape_cast %scan3A_390 : vector<16xf32> to vector<16xf32>
            tpu.vector_store %arg15[%swap3A_585], %swap3A_588 {strides = array<i32>} : memref<512xf32, #tpu.memory_space<vmem>>, vector<16xf32>,
            %swap3A_589 = arith.constant 160 : index
            %swap3A_590 = tpu.vector_load %arg15[%swap3A_589] {strides = array<i32>} : memref<512xf32, #tpu.memory_space<vmem>>, vector<16xf32>,
            %swap3A_591 = vector.shape_cast %swap3A_590 : vector<16xf32> to vector<16xf32>
            %swap3A_592 = vector.shape_cast %scan3A_391 : vector<16xf32> to vector<16xf32>
            tpu.vector_store %arg15[%swap3A_589], %swap3A_592 {strides = array<i32>} : memref<512xf32, #tpu.memory_space<vmem>>, vector<16xf32>,
            %swap3A_593 = arith.constant 176 : index
            %swap3A_594 = tpu.vector_load %arg15[%swap3A_593] {strides = array<i32>} : memref<512xf32, #tpu.memory_space<vmem>>, vector<16xf32>,
            %swap3A_595 = vector.shape_cast %swap3A_594 : vector<16xf32> to vector<16xf32>
            %swap3A_596 = vector.shape_cast %scan3A_392 : vector<16xf32> to vector<16xf32>
            tpu.vector_store %arg15[%swap3A_593], %swap3A_596 {strides = array<i32>} : memref<512xf32, #tpu.memory_space<vmem>>, vector<16xf32>,
            %swap3A_597 = arith.constant 192 : index
            %swap3A_598 = tpu.vector_load %arg15[%swap3A_597] {strides = array<i32>} : memref<512xf32, #tpu.memory_space<vmem>>, vector<16xf32>,
            %swap3A_599 = vector.shape_cast %swap3A_598 : vector<16xf32> to vector<16xf32>
            %swap3A_600 = vector.shape_cast %scan3A_393 : vector<16xf32> to vector<16xf32>
            tpu.vector_store %arg15[%swap3A_597], %swap3A_600 {strides = array<i32>} : memref<512xf32, #tpu.memory_space<vmem>>, vector<16xf32>,
            %swap3A_601 = arith.constant 208 : index
            %swap3A_602 = tpu.vector_load %arg15[%swap3A_601] {strides = array<i32>} : memref<512xf32, #tpu.memory_space<vmem>>, vector<16xf32>,
            %swap3A_603 = vector.shape_cast %swap3A_602 : vector<16xf32> to vector<16xf32>
            %swap3A_604 = vector.shape_cast %scan3A_394 : vector<16xf32> to vector<16xf32>
            tpu.vector_store %arg15[%swap3A_601], %swap3A_604 {strides = array<i32>} : memref<512xf32, #tpu.memory_space<vmem>>, vector<16xf32>,
            %swap3A_605 = arith.constant 224 : index
            %swap3A_606 = tpu.vector_load %arg15[%swap3A_605] {strides = array<i32>} : memref<512xf32, #tpu.memory_space<vmem>>, vector<16xf32>,
            %swap3A_607 = vector.shape_cast %swap3A_606 : vector<16xf32> to vector<16xf32>
            %swap3A_608 = vector.shape_cast %scan3A_395 : vector<16xf32> to vector<16xf32>
            tpu.vector_store %arg15[%swap3A_605], %swap3A_608 {strides = array<i32>} : memref<512xf32, #tpu.memory_space<vmem>>, vector<16xf32>,
            %swap3A_609 = arith.constant 240 : index
            %swap3A_610 = tpu.vector_load %arg15[%swap3A_609] {strides = array<i32>} : memref<512xf32, #tpu.memory_space<vmem>>, vector<16xf32>,
            %swap3A_611 = vector.shape_cast %swap3A_610 : vector<16xf32> to vector<16xf32>
            %swap3A_612 = vector.shape_cast %scan3A_396 : vector<16xf32> to vector<16xf32>
            tpu.vector_store %arg15[%swap3A_609], %swap3A_612 {strides = array<i32>} : memref<512xf32, #tpu.memory_space<vmem>>, vector<16xf32>,
          } else {
          }
          %ne3A = arith.cmpi ne, %scan3A_379, %scan3A_380 : i32
          %ge3A_536 = arith.constant 1024 : i32
          %ge3A_537 = arith.cmpi sge, %squeeze3A_405, %ge3A_536 : i32
          %and3A_538 = arith.andi %ne3A, %ge3A_537 : i1
          %convert_element_type3A_539 = arith.extui %and3A_538 : i1 to i32
          %cond3A_540 = arith.constant 0 : i32
          %cond3A_541 = arith.cmpi ne, %convert_element_type3A_539, %cond3A_540 : i32
          scf.if %cond3A_541 {
            %swap3A_549 = arith.constant 256 : index
            %swap3A_550 = tpu.vector_load %arg15[%swap3A_549] {strides = array<i32>} : memref<512xf32, #tpu.memory_space<vmem>>, vector<16xf32>,
            %swap3A_551 = vector.shape_cast %swap3A_550 : vector<16xf32> to vector<16xf32>
            %swap3A_552 = vector.shape_cast %scan3A_381 : vector<16xf32> to vector<16xf32>
            tpu.vector_store %arg15[%swap3A_549], %swap3A_552 {strides = array<i32>} : memref<512xf32, #tpu.memory_space<vmem>>, vector<16xf32>,
            %swap3A_553 = arith.constant 272 : index
            %swap3A_554 = tpu.vector_load %arg15[%swap3A_553] {strides = array<i32>} : memref<512xf32, #tpu.memory_space<vmem>>, vector<16xf32>,
            %swap3A_555 = vector.shape_cast %swap3A_554 : vector<16xf32> to vector<16xf32>
            %swap3A_556 = vector.shape_cast %scan3A_382 : vector<16xf32> to vector<16xf32>
            tpu.vector_store %arg15[%swap3A_553], %swap3A_556 {strides = array<i32>} : memref<512xf32, #tpu.memory_space<vmem>>, vector<16xf32>,
            %swap3A_557 = arith.constant 288 : index
            %swap3A_558 = tpu.vector_load %arg15[%swap3A_557] {strides = array<i32>} : memref<512xf32, #tpu.memory_space<vmem>>, vector<16xf32>,
            %swap3A_559 = vector.shape_cast %swap3A_558 : vector<16xf32> to vector<16xf32>
            %swap3A_560 = vector.shape_cast %scan3A_383 : vector<16xf32> to vector<16xf32>
            tpu.vector_store %arg15[%swap3A_557], %swap3A_560 {strides = array<i32>} : memref<512xf32, #tpu.memory_space<vmem>>, vector<16xf32>,
            %swap3A_561 = arith.constant 304 : index
            %swap3A_562 = tpu.vector_load %arg15[%swap3A_561] {strides = array<i32>} : memref<512xf32, #tpu.memory_space<vmem>>, vector<16xf32>,
            %swap3A_563 = vector.shape_cast %swap3A_562 : vector<16xf32> to vector<16xf32>
            %swap3A_564 = vector.shape_cast %scan3A_384 : vector<16xf32> to vector<16xf32>
            tpu.vector_store %arg15[%swap3A_561], %swap3A_564 {strides = array<i32>} : memref<512xf32, #tpu.memory_space<vmem>>, vector<16xf32>,
            %swap3A_565 = arith.constant 320 : index
            %swap3A_566 = tpu.vector_load %arg15[%swap3A_565] {strides = array<i32>} : memref<512xf32, #tpu.memory_space<vmem>>, vector<16xf32>,
            %swap3A_567 = vector.shape_cast %swap3A_566 : vector<16xf32> to vector<16xf32>
            %swap3A_568 = vector.shape_cast %scan3A_385 : vector<16xf32> to vector<16xf32>
            tpu.vector_store %arg15[%swap3A_565], %swap3A_568 {strides = array<i32>} : memref<512xf32, #tpu.memory_space<vmem>>, vector<16xf32>,
            %swap3A_569 = arith.constant 336 : index
            %swap3A_570 = tpu.vector_load %arg15[%swap3A_569] {strides = array<i32>} : memref<512xf32, #tpu.memory_space<vmem>>, vector<16xf32>,
            %swap3A_571 = vector.shape_cast %swap3A_570 : vector<16xf32> to vector<16xf32>
            %swap3A_572 = vector.shape_cast %scan3A_386 : vector<16xf32> to vector<16xf32>
            tpu.vector_store %arg15[%swap3A_569], %swap3A_572 {strides = array<i32>} : memref<512xf32, #tpu.memory_space<vmem>>, vector<16xf32>,
            %swap3A_573 = arith.constant 352 : index
            %swap3A_574 = tpu.vector_load %arg15[%swap3A_573] {strides = array<i32>} : memref<512xf32, #tpu.memory_space<vmem>>, vector<16xf32>,
            %swap3A_575 = vector.shape_cast %swap3A_574 : vector<16xf32> to vector<16xf32>
            %swap3A_576 = vector.shape_cast %scan3A_387 : vector<16xf32> to vector<16xf32>
            tpu.vector_store %arg15[%swap3A_573], %swap3A_576 {strides = array<i32>} : memref<512xf32, #tpu.memory_space<vmem>>, vector<16xf32>,
            %swap3A_577 = arith.constant 368 : index
            %swap3A_578 = tpu.vector_load %arg15[%swap3A_577] {strides = array<i32>} : memref<512xf32, #tpu.memory_space<vmem>>, vector<16xf32>,
            %swap3A_579 = vector.shape_cast %swap3A_578 : vector<16xf32> to vector<16xf32>
            %swap3A_580 = vector.shape_cast %scan3A_388 : vector<16xf32> to vector<16xf32>
            tpu.vector_store %arg15[%swap3A_577], %swap3A_580 {strides = array<i32>} : memref<512xf32, #tpu.memory_space<vmem>>, vector<16xf32>,
            %swap3A_581 = arith.constant 384 : index
            %swap3A_582 = tpu.vector_load %arg15[%swap3A_581] {strides = array<i32>} : memref<512xf32, #tpu.memory_space<vmem>>, vector<16xf32>,
            %swap3A_583 = vector.shape_cast %swap3A_582 : vector<16xf32> to vector<16xf32>
            %swap3A_584 = vector.shape_cast %scan3A_389 : vector<16xf32> to vector<16xf32>
            tpu.vector_store %arg15[%swap3A_581], %swap3A_584 {strides = array<i32>} : memref<512xf32, #tpu.memory_space<vmem>>, vector<16xf32>,
            %swap3A_585 = arith.constant 400 : index
            %swap3A_586 = tpu.vector_load %arg15[%swap3A_585] {strides = array<i32>} : memref<512xf32, #tpu.memory_space<vmem>>, vector<16xf32>,
            %swap3A_587 = vector.shape_cast %swap3A_586 : vector<16xf32> to vector<16xf32>
            %swap3A_588 = vector.shape_cast %scan3A_390 : vector<16xf32> to vector<16xf32>
            tpu.vector_store %arg15[%swap3A_585], %swap3A_588 {strides = array<i32>} : memref<512xf32, #tpu.memory_space<vmem>>, vector<16xf32>,
            %swap3A_589 = arith.constant 416 : index
            %swap3A_590 = tpu.vector_load %arg15[%swap3A_589] {strides = array<i32>} : memref<512xf32, #tpu.memory_space<vmem>>, vector<16xf32>,
            %swap3A_591 = vector.shape_cast %swap3A_590 : vector<16xf32> to vector<16xf32>
            %swap3A_592 = vector.shape_cast %scan3A_391 : vector<16xf32> to vector<16xf32>
            tpu.vector_store %arg15[%swap3A_589], %swap3A_592 {strides = array<i32>} : memref<512xf32, #tpu.memory_space<vmem>>, vector<16xf32>,
            %swap3A_593 = arith.constant 432 : index
            %swap3A_594 = tpu.vector_load %arg15[%swap3A_593] {strides = array<i32>} : memref<512xf32, #tpu.memory_space<vmem>>, vector<16xf32>,
            %swap3A_595 = vector.shape_cast %swap3A_594 : vector<16xf32> to vector<16xf32>
            %swap3A_596 = vector.shape_cast %scan3A_392 : vector<16xf32> to vector<16xf32>
            tpu.vector_store %arg15[%swap3A_593], %swap3A_596 {strides = array<i32>} : memref<512xf32, #tpu.memory_space<vmem>>, vector<16xf32>,
            %swap3A_597 = arith.constant 448 : index
            %swap3A_598 = tpu.vector_load %arg15[%swap3A_597] {strides = array<i32>} : memref<512xf32, #tpu.memory_space<vmem>>, vector<16xf32>,
            %swap3A_599 = vector.shape_cast %swap3A_598 : vector<16xf32> to vector<16xf32>
            %swap3A_600 = vector.shape_cast %scan3A_393 : vector<16xf32> to vector<16xf32>
            tpu.vector_store %arg15[%swap3A_597], %swap3A_600 {strides = array<i32>} : memref<512xf32, #tpu.memory_space<vmem>>, vector<16xf32>,
            %swap3A_601 = arith.constant 464 : index
            %swap3A_602 = tpu.vector_load %arg15[%swap3A_601] {strides = array<i32>} : memref<512xf32, #tpu.memory_space<vmem>>, vector<16xf32>,
            %swap3A_603 = vector.shape_cast %swap3A_602 : vector<16xf32> to vector<16xf32>
            %swap3A_604 = vector.shape_cast %scan3A_394 : vector<16xf32> to vector<16xf32>
            tpu.vector_store %arg15[%swap3A_601], %swap3A_604 {strides = array<i32>} : memref<512xf32, #tpu.memory_space<vmem>>, vector<16xf32>,
            %swap3A_605 = arith.constant 480 : index
            %swap3A_606 = tpu.vector_load %arg15[%swap3A_605] {strides = array<i32>} : memref<512xf32, #tpu.memory_space<vmem>>, vector<16xf32>,
            %swap3A_607 = vector.shape_cast %swap3A_606 : vector<16xf32> to vector<16xf32>
            %swap3A_608 = vector.shape_cast %scan3A_395 : vector<16xf32> to vector<16xf32>
            tpu.vector_store %arg15[%swap3A_605], %swap3A_608 {strides = array<i32>} : memref<512xf32, #tpu.memory_space<vmem>>, vector<16xf32>,
            %swap3A_609 = arith.constant 496 : index
            %swap3A_610 = tpu.vector_load %arg15[%swap3A_609] {strides = array<i32>} : memref<512xf32, #tpu.memory_space<vmem>>, vector<16xf32>,
            %swap3A_611 = vector.shape_cast %swap3A_610 : vector<16xf32> to vector<16xf32>
            %swap3A_612 = vector.shape_cast %scan3A_396 : vector<16xf32> to vector<16xf32>
            tpu.vector_store %arg15[%swap3A_609], %swap3A_612 {strides = array<i32>} : memref<512xf32, #tpu.memory_space<vmem>>, vector<16xf32>,
            %iota3A_613 = tpu.iota {dimensions = array<i32: 0>} : vector<16xi32>
            %eq3A_614 = arith.constant 1 : i32
            %eq3A_615 = vector.broadcast %eq3A_614 : i32 to vector<16xi32>
            %eq3A_616 = arith.cmpi eq, %iota3A_613, %eq3A_615 : vector<16xi32>
            %jit3A_617 = arith.constant 0 : i32
            %broadcast_in_dim3A_618 = vector.broadcast %scan3A_379 : i32 to vector<16xi32>
            %broadcast_in_dim3A_619 = vector.broadcast %jit3A_617 : i32 to vector<16xi32>
            %select_n3A_620 = arith.select %eq3A_616, %broadcast_in_dim3A_618, %broadcast_in_dim3A_619 : vector<16xi1>, vector<16xi32>
            %swap3A_621 = arith.constant 0 : index
            %swap3A_622 = tpu.vector_load %arg16[%swap3A_621] {strides = array<i32>} : memref<16xi32, #tpu.memory_space<vmem>>, vector<16xi32>,
            %swap3A_623 = vector.shape_cast %swap3A_622 : vector<16xi32> to vector<16xi32>
            %swap3A_624 = vector.shape_cast %select_n3A_620 : vector<16xi32> to vector<16xi32>
            tpu.vector_store %arg16[%swap3A_621], %swap3A_624 {strides = array<i32>} : memref<16xi32, #tpu.memory_space<vmem>>, vector<16xi32>,
          } else {
          }
          %ne3A_542 = arith.cmpi ne, %scan3A_379, %scan3A_380 : i32
          %lt3A_543 = arith.constant 1024 : i32
          %lt3A_544 = arith.cmpi slt, %squeeze3A_405, %lt3A_543 : i32
          %and3A_545 = arith.andi %ne3A_542, %lt3A_544 : i1
          %convert_element_type3A_546 = arith.extui %and3A_545 : i1 to i32
          %cond3A_547 = arith.constant 0 : i32
          %cond3A_548 = arith.cmpi ne, %convert_element_type3A_546, %cond3A_547 : i32
          scf.if %cond3A_548 {
            %swap3A_549 = arith.constant 0 : index
            %swap3A_550 = tpu.vector_load %arg14[%swap3A_549] {strides = array<i32>} : memref<256xf32, #tpu.memory_space<vmem>>, vector<16xf32>,
            %swap3A_551 = vector.shape_cast %swap3A_550 : vector<16xf32> to vector<16xf32>
            %swap3A_552 = vector.shape_cast %scan3A_381 : vector<16xf32> to vector<16xf32>
            tpu.vector_store %arg14[%swap3A_549], %swap3A_552 {strides = array<i32>} : memref<256xf32, #tpu.memory_space<vmem>>, vector<16xf32>,
            %swap3A_553 = arith.constant 16 : index
            %swap3A_554 = tpu.vector_load %arg14[%swap3A_553] {strides = array<i32>} : memref<256xf32, #tpu.memory_space<vmem>>, vector<16xf32>,
            %swap3A_555 = vector.shape_cast %swap3A_554 : vector<16xf32> to vector<16xf32>
            %swap3A_556 = vector.shape_cast %scan3A_382 : vector<16xf32> to vector<16xf32>
            tpu.vector_store %arg14[%swap3A_553], %swap3A_556 {strides = array<i32>} : memref<256xf32, #tpu.memory_space<vmem>>, vector<16xf32>,
            %swap3A_557 = arith.constant 32 : index
            %swap3A_558 = tpu.vector_load %arg14[%swap3A_557] {strides = array<i32>} : memref<256xf32, #tpu.memory_space<vmem>>, vector<16xf32>,
            %swap3A_559 = vector.shape_cast %swap3A_558 : vector<16xf32> to vector<16xf32>
            %swap3A_560 = vector.shape_cast %scan3A_383 : vector<16xf32> to vector<16xf32>
            tpu.vector_store %arg14[%swap3A_557], %swap3A_560 {strides = array<i32>} : memref<256xf32, #tpu.memory_space<vmem>>, vector<16xf32>,
            %swap3A_561 = arith.constant 48 : index
            %swap3A_562 = tpu.vector_load %arg14[%swap3A_561] {strides = array<i32>} : memref<256xf32, #tpu.memory_space<vmem>>, vector<16xf32>,
            %swap3A_563 = vector.shape_cast %swap3A_562 : vector<16xf32> to vector<16xf32>
            %swap3A_564 = vector.shape_cast %scan3A_384 : vector<16xf32> to vector<16xf32>
            tpu.vector_store %arg14[%swap3A_561], %swap3A_564 {strides = array<i32>} : memref<256xf32, #tpu.memory_space<vmem>>, vector<16xf32>,
            %swap3A_565 = arith.constant 64 : index
            %swap3A_566 = tpu.vector_load %arg14[%swap3A_565] {strides = array<i32>} : memref<256xf32, #tpu.memory_space<vmem>>, vector<16xf32>,
            %swap3A_567 = vector.shape_cast %swap3A_566 : vector<16xf32> to vector<16xf32>
            %swap3A_568 = vector.shape_cast %scan3A_385 : vector<16xf32> to vector<16xf32>
            tpu.vector_store %arg14[%swap3A_565], %swap3A_568 {strides = array<i32>} : memref<256xf32, #tpu.memory_space<vmem>>, vector<16xf32>,
            %swap3A_569 = arith.constant 80 : index
            %swap3A_570 = tpu.vector_load %arg14[%swap3A_569] {strides = array<i32>} : memref<256xf32, #tpu.memory_space<vmem>>, vector<16xf32>,
            %swap3A_571 = vector.shape_cast %swap3A_570 : vector<16xf32> to vector<16xf32>
            %swap3A_572 = vector.shape_cast %scan3A_386 : vector<16xf32> to vector<16xf32>
            tpu.vector_store %arg14[%swap3A_569], %swap3A_572 {strides = array<i32>} : memref<256xf32, #tpu.memory_space<vmem>>, vector<16xf32>,
            %swap3A_573 = arith.constant 96 : index
            %swap3A_574 = tpu.vector_load %arg14[%swap3A_573] {strides = array<i32>} : memref<256xf32, #tpu.memory_space<vmem>>, vector<16xf32>,
            %swap3A_575 = vector.shape_cast %swap3A_574 : vector<16xf32> to vector<16xf32>
            %swap3A_576 = vector.shape_cast %scan3A_387 : vector<16xf32> to vector<16xf32>
            tpu.vector_store %arg14[%swap3A_573], %swap3A_576 {strides = array<i32>} : memref<256xf32, #tpu.memory_space<vmem>>, vector<16xf32>,
            %swap3A_577 = arith.constant 112 : index
            %swap3A_578 = tpu.vector_load %arg14[%swap3A_577] {strides = array<i32>} : memref<256xf32, #tpu.memory_space<vmem>>, vector<16xf32>,
            %swap3A_579 = vector.shape_cast %swap3A_578 : vector<16xf32> to vector<16xf32>
            %swap3A_580 = vector.shape_cast %scan3A_388 : vector<16xf32> to vector<16xf32>
            tpu.vector_store %arg14[%swap3A_577], %swap3A_580 {strides = array<i32>} : memref<256xf32, #tpu.memory_space<vmem>>, vector<16xf32>,
            %swap3A_581 = arith.constant 128 : index
            %swap3A_582 = tpu.vector_load %arg14[%swap3A_581] {strides = array<i32>} : memref<256xf32, #tpu.memory_space<vmem>>, vector<16xf32>,
            %swap3A_583 = vector.shape_cast %swap3A_582 : vector<16xf32> to vector<16xf32>
            %swap3A_584 = vector.shape_cast %scan3A_389 : vector<16xf32> to vector<16xf32>
            tpu.vector_store %arg14[%swap3A_581], %swap3A_584 {strides = array<i32>} : memref<256xf32, #tpu.memory_space<vmem>>, vector<16xf32>,
            %swap3A_585 = arith.constant 144 : index
            %swap3A_586 = tpu.vector_load %arg14[%swap3A_585] {strides = array<i32>} : memref<256xf32, #tpu.memory_space<vmem>>, vector<16xf32>,
            %swap3A_587 = vector.shape_cast %swap3A_586 : vector<16xf32> to vector<16xf32>
            %swap3A_588 = vector.shape_cast %scan3A_390 : vector<16xf32> to vector<16xf32>
            tpu.vector_store %arg14[%swap3A_585], %swap3A_588 {strides = array<i32>} : memref<256xf32, #tpu.memory_space<vmem>>, vector<16xf32>,
            %swap3A_589 = arith.constant 160 : index
            %swap3A_590 = tpu.vector_load %arg14[%swap3A_589] {strides = array<i32>} : memref<256xf32, #tpu.memory_space<vmem>>, vector<16xf32>,
            %swap3A_591 = vector.shape_cast %swap3A_590 : vector<16xf32> to vector<16xf32>
            %swap3A_592 = vector.shape_cast %scan3A_391 : vector<16xf32> to vector<16xf32>
            tpu.vector_store %arg14[%swap3A_589], %swap3A_592 {strides = array<i32>} : memref<256xf32, #tpu.memory_space<vmem>>, vector<16xf32>,
            %swap3A_593 = arith.constant 176 : index
            %swap3A_594 = tpu.vector_load %arg14[%swap3A_593] {strides = array<i32>} : memref<256xf32, #tpu.memory_space<vmem>>, vector<16xf32>,
            %swap3A_595 = vector.shape_cast %swap3A_594 : vector<16xf32> to vector<16xf32>
            %swap3A_596 = vector.shape_cast %scan3A_392 : vector<16xf32> to vector<16xf32>
            tpu.vector_store %arg14[%swap3A_593], %swap3A_596 {strides = array<i32>} : memref<256xf32, #tpu.memory_space<vmem>>, vector<16xf32>,
            %swap3A_597 = arith.constant 192 : index
            %swap3A_598 = tpu.vector_load %arg14[%swap3A_597] {strides = array<i32>} : memref<256xf32, #tpu.memory_space<vmem>>, vector<16xf32>,
            %swap3A_599 = vector.shape_cast %swap3A_598 : vector<16xf32> to vector<16xf32>
            %swap3A_600 = vector.shape_cast %scan3A_393 : vector<16xf32> to vector<16xf32>
            tpu.vector_store %arg14[%swap3A_597], %swap3A_600 {strides = array<i32>} : memref<256xf32, #tpu.memory_space<vmem>>, vector<16xf32>,
            %swap3A_601 = arith.constant 208 : index
            %swap3A_602 = tpu.vector_load %arg14[%swap3A_601] {strides = array<i32>} : memref<256xf32, #tpu.memory_space<vmem>>, vector<16xf32>,
            %swap3A_603 = vector.shape_cast %swap3A_602 : vector<16xf32> to vector<16xf32>
            %swap3A_604 = vector.shape_cast %scan3A_394 : vector<16xf32> to vector<16xf32>
            tpu.vector_store %arg14[%swap3A_601], %swap3A_604 {strides = array<i32>} : memref<256xf32, #tpu.memory_space<vmem>>, vector<16xf32>,
            %swap3A_605 = arith.constant 224 : index
            %swap3A_606 = tpu.vector_load %arg14[%swap3A_605] {strides = array<i32>} : memref<256xf32, #tpu.memory_space<vmem>>, vector<16xf32>,
            %swap3A_607 = vector.shape_cast %swap3A_606 : vector<16xf32> to vector<16xf32>
            %swap3A_608 = vector.shape_cast %scan3A_395 : vector<16xf32> to vector<16xf32>
            tpu.vector_store %arg14[%swap3A_605], %swap3A_608 {strides = array<i32>} : memref<256xf32, #tpu.memory_space<vmem>>, vector<16xf32>,
            %swap3A_609 = arith.constant 240 : index
            %swap3A_610 = tpu.vector_load %arg14[%swap3A_609] {strides = array<i32>} : memref<256xf32, #tpu.memory_space<vmem>>, vector<16xf32>,
            %swap3A_611 = vector.shape_cast %swap3A_610 : vector<16xf32> to vector<16xf32>
            %swap3A_612 = vector.shape_cast %scan3A_396 : vector<16xf32> to vector<16xf32>
            tpu.vector_store %arg14[%swap3A_609], %swap3A_612 {strides = array<i32>} : memref<256xf32, #tpu.memory_space<vmem>>, vector<16xf32>,
            %mul3A_613 = arith.constant 256 : i32
            %mul3A_614 = arith.muli %scan3A_379, %mul3A_613 : i32
            "tpu.region"() ({
              %run_scoped3A = tpu.sem_alloc : memref<!tpu.dma_semaphore, #tpu.memory_space<semaphore_mem>>
              %dma_start3A = tpu.memref_slice %arg18[%mul3A_614] : memref<262144xf32, #tpu.memory_space<vmem_shared>> -> memref<256xf32, #tpu.memory_space<vmem_shared>>
              %dma_start3A_615 = tpu.memref_slice %arg18[%mul3A_614] : memref<262144xf32, #tpu.memory_space<vmem_shared>> -> memref<256xf32, #tpu.memory_space<vmem_shared>>
              tpu.enqueue_dma source(%arg14 : memref<256xf32, #tpu.memory_space<vmem>>) target(%dma_start3A_615 : memref<256xf32, #tpu.memory_space<vmem_shared>>) target_semaphore(%run_scoped3A : memref<!tpu.dma_semaphore, #tpu.memory_space<semaphore_mem>>)
              %dma_wait3A = tpu.memref_slice %arg18[%mul3A_614] : memref<262144xf32, #tpu.memory_space<vmem_shared>> -> memref<256xf32, #tpu.memory_space<vmem_shared>>
              %dma_wait3A_616 = tpu.memref_slice %arg18[%mul3A_614] : memref<262144xf32, #tpu.memory_space<vmem_shared>> -> memref<256xf32, #tpu.memory_space<vmem_shared>>
              tpu.wait_dma2 semaphore(%run_scoped3A : memref<!tpu.dma_semaphore, #tpu.memory_space<semaphore_mem>>) src(%arg14 : memref<256xf32, #tpu.memory_space<vmem>>) dst(%dma_wait3A_616 : memref<256xf32, #tpu.memory_space<vmem_shared>>)
              tpu.yield
            }) : () -> ()
          } else {
          }
        } else {
        }
        %jit3A_477 = arith.constant 1.000000e+00 : f32
        %jit3A_478 = arith.constant 0.000000e+00 : f32
        %select_n3A_479 = arith.select %eq3A_470, %jit3A_477, %jit3A_478 : f32
        %broadcast_in_dim3A_480 = vector.broadcast %select_n3A_479 : f32 to vector<16xf32>
        %mul3A_481 = arith.mulf %scan3A_381, %broadcast_in_dim3A_480 : vector<16xf32>
        %mul3A_482 = arith.mulf %broadcast_in_dim3A_400, %get3A_409 : vector<16xf32>
        %add3A_483 = arith.addf %mul3A_481, %mul3A_482 : vector<16xf32>
        %mul3A_484 = arith.mulf %scan3A_382, %broadcast_in_dim3A_480 : vector<16xf32>
        %mul3A_485 = arith.mulf %broadcast_in_dim3A_400, %get3A_413 : vector<16xf32>
        %add3A_486 = arith.addf %mul3A_484, %mul3A_485 : vector<16xf32>
        %mul3A_487 = arith.mulf %scan3A_383, %broadcast_in_dim3A_480 : vector<16xf32>
        %mul3A_488 = arith.mulf %broadcast_in_dim3A_400, %get3A_417 : vector<16xf32>
        %add3A_489 = arith.addf %mul3A_487, %mul3A_488 : vector<16xf32>
        %mul3A_490 = arith.mulf %scan3A_384, %broadcast_in_dim3A_480 : vector<16xf32>
        %mul3A_491 = arith.mulf %broadcast_in_dim3A_400, %get3A_421 : vector<16xf32>
        %add3A_492 = arith.addf %mul3A_490, %mul3A_491 : vector<16xf32>
        %mul3A_493 = arith.mulf %scan3A_385, %broadcast_in_dim3A_480 : vector<16xf32>
        %mul3A_494 = arith.mulf %broadcast_in_dim3A_400, %get3A_425 : vector<16xf32>
        %add3A_495 = arith.addf %mul3A_493, %mul3A_494 : vector<16xf32>
        %mul3A_496 = arith.mulf %scan3A_386, %broadcast_in_dim3A_480 : vector<16xf32>
        %mul3A_497 = arith.mulf %broadcast_in_dim3A_400, %get3A_429 : vector<16xf32>
        %add3A_498 = arith.addf %mul3A_496, %mul3A_497 : vector<16xf32>
        %mul3A_499 = arith.mulf %scan3A_387, %broadcast_in_dim3A_480 : vector<16xf32>
        %mul3A_500 = arith.mulf %broadcast_in_dim3A_400, %get3A_433 : vector<16xf32>
        %add3A_501 = arith.addf %mul3A_499, %mul3A_500 : vector<16xf32>
        %mul3A_502 = arith.mulf %scan3A_388, %broadcast_in_dim3A_480 : vector<16xf32>
        %mul3A_503 = arith.mulf %broadcast_in_dim3A_400, %get3A_437 : vector<16xf32>
        %add3A_504 = arith.addf %mul3A_502, %mul3A_503 : vector<16xf32>
        %mul3A_505 = arith.mulf %scan3A_389, %broadcast_in_dim3A_480 : vector<16xf32>
        %mul3A_506 = arith.mulf %broadcast_in_dim3A_400, %get3A_441 : vector<16xf32>
        %add3A_507 = arith.addf %mul3A_505, %mul3A_506 : vector<16xf32>
        %mul3A_508 = arith.mulf %scan3A_390, %broadcast_in_dim3A_480 : vector<16xf32>
        %mul3A_509 = arith.mulf %broadcast_in_dim3A_400, %get3A_445 : vector<16xf32>
        %add3A_510 = arith.addf %mul3A_508, %mul3A_509 : vector<16xf32>
        %mul3A_511 = arith.mulf %scan3A_391, %broadcast_in_dim3A_480 : vector<16xf32>
        %mul3A_512 = arith.mulf %broadcast_in_dim3A_400, %get3A_449 : vector<16xf32>
        %add3A_513 = arith.addf %mul3A_511, %mul3A_512 : vector<16xf32>
        %mul3A_514 = arith.mulf %scan3A_392, %broadcast_in_dim3A_480 : vector<16xf32>
        %mul3A_515 = arith.mulf %broadcast_in_dim3A_400, %get3A_453 : vector<16xf32>
        %add3A_516 = arith.addf %mul3A_514, %mul3A_515 : vector<16xf32>
        %mul3A_517 = arith.mulf %scan3A_393, %broadcast_in_dim3A_480 : vector<16xf32>
        %mul3A_518 = arith.mulf %broadcast_in_dim3A_400, %get3A_457 : vector<16xf32>
        %add3A_519 = arith.addf %mul3A_517, %mul3A_518 : vector<16xf32>
        %mul3A_520 = arith.mulf %scan3A_394, %broadcast_in_dim3A_480 : vector<16xf32>
        %mul3A_521 = arith.mulf %broadcast_in_dim3A_400, %get3A_461 : vector<16xf32>
        %add3A_522 = arith.addf %mul3A_520, %mul3A_521 : vector<16xf32>
        %mul3A_523 = arith.mulf %scan3A_395, %broadcast_in_dim3A_480 : vector<16xf32>
        %mul3A_524 = arith.mulf %broadcast_in_dim3A_400, %get3A_465 : vector<16xf32>
        %add3A_525 = arith.addf %mul3A_523, %mul3A_524 : vector<16xf32>
        %mul3A_526 = arith.mulf %scan3A_396, %broadcast_in_dim3A_480 : vector<16xf32>
        %mul3A_527 = arith.mulf %broadcast_in_dim3A_400, %get3A_469 : vector<16xf32>
        %add3A_528 = arith.addf %mul3A_526, %mul3A_527 : vector<16xf32>
        %lt3A_529 = arith.constant 0 : i32
        %lt3A_530 = arith.cmpi slt, %scan3A_379, %lt3A_529 : i32
        %select_n3A_531 = arith.select %lt3A_530, %squeeze3A_405, %scan3A_380 : i32
        scf.yield %squeeze3A_405, %select_n3A_531, %add3A_483, %add3A_486, %add3A_489, %add3A_492, %add3A_495, %add3A_498, %add3A_501, %add3A_504, %add3A_507, %add3A_510, %add3A_513, %add3A_516, %add3A_519, %add3A_522, %add3A_525, %add3A_528 : i32, i32, vector<16xf32>, vector<16xf32>, vector<16xf32>, vector<16xf32>, vector<16xf32>, vector<16xf32>, vector<16xf32>, vector<16xf32>, vector<16xf32>, vector<16xf32>, vector<16xf32>, vector<16xf32>, vector<16xf32>, vector<16xf32>, vector<16xf32>, vector<16xf32>
      }
      %scan3A_334 = arith.constant 80 : i32
      %add3A_335 = arith.constant 2 : i32
      %add3A_336 = arith.addi %mul3A_316, %add3A_335 : i32
      %add3A_337 = arith.addi %add3A_203, %add3A_336 : i32
      %mul3A_338 = arith.constant 80 : i32
      %mul3A_339 = arith.muli %add3A_337, %mul3A_338 : i32
      %add3A_340 = arith.constant 0 : i32
      %add3A_341 = arith.addi %add3A_340, %mul3A_339 : i32
      %lt3A_342 = arith.cmpi slt, %add3A_336, %add3A_207 : i32
      %convert_element_type3A_343 = arith.extui %lt3A_342 : i1 to i32
      %cond3A_344 = arith.constant 0 : i32
      %cond3A_345 = arith.cmpi ne, %convert_element_type3A_343, %cond3A_344 : i32
      scf.if %cond3A_345 {
        %dma_start3A = arith.constant 0 : i32
        %dma_start3A_378 = tpu.memref_slice %arg2[%add3A_341, %dma_start3A] : memref<50000x256xf32, #tpu.memory_space<hbm>> -> memref<80x256xf32, #tpu.memory_space<hbm>>
        %dma_start3A_379 = arith.constant 0 : i32
        %dma_start3A_380 = tpu.memref_slice %arg2[%add3A_341, %dma_start3A_379] : memref<50000x256xf32, #tpu.memory_space<hbm>> -> memref<80x256xf32, #tpu.memory_space<hbm>>
        tpu.enqueue_dma source(%dma_start3A_380 : memref<80x256xf32, #tpu.memory_space<hbm>>) target(%arg8 : memref<80x256xf32, #tpu.memory_space<vmem>>) target_semaphore(%arg19 : memref<!tpu.dma_semaphore, #tpu.memory_space<semaphore_mem>>)
        %dma_start3A_381 = arith.constant 0 : i32
        %dma_start3A_382 = tpu.memref_slice %arg10[%dma_start3A_381] : memref<96xf32, #tpu.memory_space<vmem>> -> memref<80xf32, #tpu.memory_space<vmem>>
        %dma_start3A_383 = tpu.memref_slice %arg3[%mul3A_339] : memref<26000xf32, #tpu.memory_space<hbm>> -> memref<80xf32, #tpu.memory_space<hbm>>
        %dma_start3A_384 = arith.constant 0 : i32
        %dma_start3A_385 = tpu.memref_slice %arg10[%dma_start3A_384] : memref<96xf32, #tpu.memory_space<vmem>> -> memref<80xf32, #tpu.memory_space<vmem>>
        %dma_start3A_386 = tpu.memref_slice %arg3[%mul3A_339] : memref<26000xf32, #tpu.memory_space<hbm>> -> memref<80xf32, #tpu.memory_space<hbm>>
        tpu.enqueue_dma source(%dma_start3A_386 : memref<80xf32, #tpu.memory_space<hbm>>) target(%dma_start3A_385 : memref<80xf32, #tpu.memory_space<vmem>>) target_semaphore(%arg19 : memref<!tpu.dma_semaphore, #tpu.memory_space<semaphore_mem>>)
        %dma_start3A_387 = arith.constant 0 : i32
        %dma_start3A_388 = tpu.memref_slice %arg12[%dma_start3A_387] : memref<96xi32, #tpu.memory_space<vmem>> -> memref<80xi32, #tpu.memory_space<vmem>>
        %dma_start3A_389 = tpu.memref_slice %arg4[%add3A_341] : memref<50000xi32, #tpu.memory_space<hbm>> -> memref<80xi32, #tpu.memory_space<hbm>>
        %dma_start3A_390 = arith.constant 0 : i32
        %dma_start3A_391 = tpu.memref_slice %arg12[%dma_start3A_390] : memref<96xi32, #tpu.memory_space<vmem>> -> memref<80xi32, #tpu.memory_space<vmem>>
        %dma_start3A_392 = tpu.memref_slice %arg4[%add3A_341] : memref<50000xi32, #tpu.memory_space<hbm>> -> memref<80xi32, #tpu.memory_space<hbm>>
        tpu.enqueue_dma source(%dma_start3A_392 : memref<80xi32, #tpu.memory_space<hbm>>) target(%dma_start3A_391 : memref<80xi32, #tpu.memory_space<vmem>>) target_semaphore(%arg19 : memref<!tpu.dma_semaphore, #tpu.memory_space<semaphore_mem>>)
      } else {
      }
      %add3A_346 = arith.constant 1 : i32
      %add3A_347 = arith.addi %mul3A_316, %add3A_346 : i32
      %add3A_348 = arith.addi %add3A_203, %add3A_347 : i32
      %mul3A_349 = arith.constant 80 : i32
      %mul3A_350 = arith.muli %add3A_348, %mul3A_349 : i32
      %add3A_351 = arith.constant 0 : i32
      %add3A_352 = arith.addi %add3A_351, %mul3A_350 : i32
      %lt3A_353 = arith.cmpi slt, %add3A_347, %add3A_207 : i32
      %convert_element_type3A_354 = arith.extui %lt3A_353 : i1 to i32
      %cond3A_355 = arith.constant 0 : i32
      %cond3A_356 = arith.cmpi ne, %convert_element_type3A_354, %cond3A_355 : i32
      scf.if %cond3A_356 {
        %dma_wait3A = arith.constant 0 : i32
        %dma_wait3A_378 = tpu.memref_slice %arg2[%add3A_352, %dma_wait3A] : memref<50000x256xf32, #tpu.memory_space<hbm>> -> memref<80x256xf32, #tpu.memory_space<hbm>>
        %dma_wait3A_379 = arith.constant 0 : i32
        %dma_wait3A_380 = tpu.memref_slice %arg2[%add3A_352, %dma_wait3A_379] : memref<50000x256xf32, #tpu.memory_space<hbm>> -> memref<80x256xf32, #tpu.memory_space<hbm>>
        tpu.wait_dma2 semaphore(%arg20 : memref<!tpu.dma_semaphore, #tpu.memory_space<semaphore_mem>>) src(%dma_wait3A_380 : memref<80x256xf32, #tpu.memory_space<hbm>>) dst(%arg9 : memref<80x256xf32, #tpu.memory_space<vmem>>)
        %dma_wait3A_381 = arith.constant 0 : i32
        %dma_wait3A_382 = tpu.memref_slice %arg11[%dma_wait3A_381] : memref<96xf32, #tpu.memory_space<vmem>> -> memref<80xf32, #tpu.memory_space<vmem>>
        %dma_wait3A_383 = tpu.memref_slice %arg3[%mul3A_350] : memref<26000xf32, #tpu.memory_space<hbm>> -> memref<80xf32, #tpu.memory_space<hbm>>
        %dma_wait3A_384 = arith.constant 0 : i32
        %dma_wait3A_385 = tpu.memref_slice %arg11[%dma_wait3A_384] : memref<96xf32, #tpu.memory_space<vmem>> -> memref<80xf32, #tpu.memory_space<vmem>>
        %dma_wait3A_386 = tpu.memref_slice %arg3[%mul3A_350] : memref<26000xf32, #tpu.memory_space<hbm>> -> memref<80xf32, #tpu.memory_space<hbm>>
        tpu.wait_dma2 semaphore(%arg20 : memref<!tpu.dma_semaphore, #tpu.memory_space<semaphore_mem>>) src(%dma_wait3A_386 : memref<80xf32, #tpu.memory_space<hbm>>) dst(%dma_wait3A_385 : memref<80xf32, #tpu.memory_space<vmem>>)
        %dma_wait3A_387 = arith.constant 0 : i32
        %dma_wait3A_388 = tpu.memref_slice %arg13[%dma_wait3A_387] : memref<96xi32, #tpu.memory_space<vmem>> -> memref<80xi32, #tpu.memory_space<vmem>>
        %dma_wait3A_389 = tpu.memref_slice %arg4[%add3A_352] : memref<50000xi32, #tpu.memory_space<hbm>> -> memref<80xi32, #tpu.memory_space<hbm>>
        %dma_wait3A_390 = arith.constant 0 : i32
        %dma_wait3A_391 = tpu.memref_slice %arg13[%dma_wait3A_390] : memref<96xi32, #tpu.memory_space<vmem>> -> memref<80xi32, #tpu.memory_space<vmem>>
        %dma_wait3A_392 = tpu.memref_slice %arg4[%add3A_352] : memref<50000xi32, #tpu.memory_space<hbm>> -> memref<80xi32, #tpu.memory_space<hbm>>
        tpu.wait_dma2 semaphore(%arg20 : memref<!tpu.dma_semaphore, #tpu.memory_space<semaphore_mem>>) src(%dma_wait3A_392 : memref<80xi32, #tpu.memory_space<hbm>>) dst(%dma_wait3A_391 : memref<80xi32, #tpu.memory_space<vmem>>)
      } else {
      }
      %ge3A_357 = arith.cmpi sge, %add3A_347, %add3A_207 : i32
      %convert_element_type3A_358 = arith.extui %ge3A_357 : i1 to i32
      %cond3A_359 = arith.constant 0 : i32
      %cond3A_360 = arith.cmpi ne, %convert_element_type3A_358, %cond3A_359 : i32
      scf.if %cond3A_360 {
        %broadcast_in_dim3A_378 = arith.constant 0.000000e+00 : f32
        %broadcast_in_dim3A_379 = vector.broadcast %broadcast_in_dim3A_378 : f32 to vector<16xf32>
        %swap3A_380 = arith.constant 0 : index
        %swap3A_381 = tpu.vector_load %arg11[%swap3A_380] {strides = array<i32>} : memref<96xf32, #tpu.memory_space<vmem>>, vector<16xf32>,
        %swap3A_382 = vector.shape_cast %swap3A_381 : vector<16xf32> to vector<16xf32>
        %swap3A_383 = vector.shape_cast %broadcast_in_dim3A_379 : vector<16xf32> to vector<16xf32>
        tpu.vector_store %arg11[%swap3A_380], %swap3A_383 {strides = array<i32>} : memref<96xf32, #tpu.memory_space<vmem>>, vector<16xf32>,
        %broadcast_in_dim3A_384 = arith.constant 1024 : i32
        %broadcast_in_dim3A_385 = vector.broadcast %broadcast_in_dim3A_384 : i32 to vector<16xi32>
        %swap3A_386 = arith.constant 0 : index
        %swap3A_387 = tpu.vector_load %arg13[%swap3A_386] {strides = array<i32>} : memref<96xi32, #tpu.memory_space<vmem>>, vector<16xi32>,
        %swap3A_388 = vector.shape_cast %swap3A_387 : vector<16xi32> to vector<16xi32>
        %swap3A_389 = vector.shape_cast %broadcast_in_dim3A_385 : vector<16xi32> to vector<16xi32>
        tpu.vector_store %arg13[%swap3A_386], %swap3A_389 {strides = array<i32>} : memref<96xi32, #tpu.memory_space<vmem>>, vector<16xi32>,
        %broadcast_in_dim3A_390 = arith.constant 0.000000e+00 : f32
        %broadcast_in_dim3A_391 = vector.broadcast %broadcast_in_dim3A_390 : f32 to vector<16xf32>
        %swap3A_392 = arith.constant 16 : index
        %swap3A_393 = tpu.vector_load %arg11[%swap3A_392] {strides = array<i32>} : memref<96xf32, #tpu.memory_space<vmem>>, vector<16xf32>,
        %swap3A_394 = vector.shape_cast %swap3A_393 : vector<16xf32> to vector<16xf32>
        %swap3A_395 = vector.shape_cast %broadcast_in_dim3A_391 : vector<16xf32> to vector<16xf32>
        tpu.vector_store %arg11[%swap3A_392], %swap3A_395 {strides = array<i32>} : memref<96xf32, #tpu.memory_space<vmem>>, vector<16xf32>,
        %broadcast_in_dim3A_396 = arith.constant 1024 : i32
        %broadcast_in_dim3A_397 = vector.broadcast %broadcast_in_dim3A_396 : i32 to vector<16xi32>
        %swap3A_398 = arith.constant 16 : index
        %swap3A_399 = tpu.vector_load %arg13[%swap3A_398] {strides = array<i32>} : memref<96xi32, #tpu.memory_space<vmem>>, vector<16xi32>,
        %swap3A_400 = vector.shape_cast %swap3A_399 : vector<16xi32> to vector<16xi32>
        %swap3A_401 = vector.shape_cast %broadcast_in_dim3A_397 : vector<16xi32> to vector<16xi32>
        tpu.vector_store %arg13[%swap3A_398], %swap3A_401 {strides = array<i32>} : memref<96xi32, #tpu.memory_space<vmem>>, vector<16xi32>,
        %broadcast_in_dim3A_402 = arith.constant 0.000000e+00 : f32
        %broadcast_in_dim3A_403 = vector.broadcast %broadcast_in_dim3A_402 : f32 to vector<16xf32>
        %swap3A_404 = arith.constant 32 : index
        %swap3A_405 = tpu.vector_load %arg11[%swap3A_404] {strides = array<i32>} : memref<96xf32, #tpu.memory_space<vmem>>, vector<16xf32>,
        %swap3A_406 = vector.shape_cast %swap3A_405 : vector<16xf32> to vector<16xf32>
        %swap3A_407 = vector.shape_cast %broadcast_in_dim3A_403 : vector<16xf32> to vector<16xf32>
        tpu.vector_store %arg11[%swap3A_404], %swap3A_407 {strides = array<i32>} : memref<96xf32, #tpu.memory_space<vmem>>, vector<16xf32>,
        %broadcast_in_dim3A_408 = arith.constant 1024 : i32
        %broadcast_in_dim3A_409 = vector.broadcast %broadcast_in_dim3A_408 : i32 to vector<16xi32>
        %swap3A_410 = arith.constant 32 : index
        %swap3A_411 = tpu.vector_load %arg13[%swap3A_410] {strides = array<i32>} : memref<96xi32, #tpu.memory_space<vmem>>, vector<16xi32>,
        %swap3A_412 = vector.shape_cast %swap3A_411 : vector<16xi32> to vector<16xi32>
        %swap3A_413 = vector.shape_cast %broadcast_in_dim3A_409 : vector<16xi32> to vector<16xi32>
        tpu.vector_store %arg13[%swap3A_410], %swap3A_413 {strides = array<i32>} : memref<96xi32, #tpu.memory_space<vmem>>, vector<16xi32>,
        %broadcast_in_dim3A_414 = arith.constant 0.000000e+00 : f32
        %broadcast_in_dim3A_415 = vector.broadcast %broadcast_in_dim3A_414 : f32 to vector<16xf32>
        %swap3A_416 = arith.constant 48 : index
        %swap3A_417 = tpu.vector_load %arg11[%swap3A_416] {strides = array<i32>} : memref<96xf32, #tpu.memory_space<vmem>>, vector<16xf32>,
        %swap3A_418 = vector.shape_cast %swap3A_417 : vector<16xf32> to vector<16xf32>
        %swap3A_419 = vector.shape_cast %broadcast_in_dim3A_415 : vector<16xf32> to vector<16xf32>
        tpu.vector_store %arg11[%swap3A_416], %swap3A_419 {strides = array<i32>} : memref<96xf32, #tpu.memory_space<vmem>>, vector<16xf32>,
        %broadcast_in_dim3A_420 = arith.constant 1024 : i32
        %broadcast_in_dim3A_421 = vector.broadcast %broadcast_in_dim3A_420 : i32 to vector<16xi32>
        %swap3A_422 = arith.constant 48 : index
        %swap3A_423 = tpu.vector_load %arg13[%swap3A_422] {strides = array<i32>} : memref<96xi32, #tpu.memory_space<vmem>>, vector<16xi32>,
        %swap3A_424 = vector.shape_cast %swap3A_423 : vector<16xi32> to vector<16xi32>
        %swap3A_425 = vector.shape_cast %broadcast_in_dim3A_421 : vector<16xi32> to vector<16xi32>
        tpu.vector_store %arg13[%swap3A_422], %swap3A_425 {strides = array<i32>} : memref<96xi32, #tpu.memory_space<vmem>>, vector<16xi32>,
        %broadcast_in_dim3A_426 = arith.constant 0.000000e+00 : f32
        %broadcast_in_dim3A_427 = vector.broadcast %broadcast_in_dim3A_426 : f32 to vector<16xf32>
        %swap3A_428 = arith.constant 64 : index
        %swap3A_429 = tpu.vector_load %arg11[%swap3A_428] {strides = array<i32>} : memref<96xf32, #tpu.memory_space<vmem>>, vector<16xf32>,
        %swap3A_430 = vector.shape_cast %swap3A_429 : vector<16xf32> to vector<16xf32>
        %swap3A_431 = vector.shape_cast %broadcast_in_dim3A_427 : vector<16xf32> to vector<16xf32>
        tpu.vector_store %arg11[%swap3A_428], %swap3A_431 {strides = array<i32>} : memref<96xf32, #tpu.memory_space<vmem>>, vector<16xf32>,
        %broadcast_in_dim3A_432 = arith.constant 1024 : i32
        %broadcast_in_dim3A_433 = vector.broadcast %broadcast_in_dim3A_432 : i32 to vector<16xi32>
        %swap3A_434 = arith.constant 64 : index
        %swap3A_435 = tpu.vector_load %arg13[%swap3A_434] {strides = array<i32>} : memref<96xi32, #tpu.memory_space<vmem>>, vector<16xi32>,
        %swap3A_436 = vector.shape_cast %swap3A_435 : vector<16xi32> to vector<16xi32>
        %swap3A_437 = vector.shape_cast %broadcast_in_dim3A_433 : vector<16xi32> to vector<16xi32>
        tpu.vector_store %arg13[%swap3A_434], %swap3A_437 {strides = array<i32>} : memref<96xi32, #tpu.memory_space<vmem>>, vector<16xi32>,
        %broadcast_in_dim3A_438 = arith.constant 0.000000e+00 : f32
        %broadcast_in_dim3A_439 = vector.broadcast %broadcast_in_dim3A_438 : f32 to vector<16xf32>
        %swap3A_440 = arith.constant 80 : index
        %swap3A_441 = tpu.vector_load %arg11[%swap3A_440] {strides = array<i32>} : memref<96xf32, #tpu.memory_space<vmem>>, vector<16xf32>,
        %swap3A_442 = vector.shape_cast %swap3A_441 : vector<16xf32> to vector<16xf32>
        %swap3A_443 = vector.shape_cast %broadcast_in_dim3A_439 : vector<16xf32> to vector<16xf32>
        tpu.vector_store %arg11[%swap3A_440], %swap3A_443 {strides = array<i32>} : memref<96xf32, #tpu.memory_space<vmem>>, vector<16xf32>,
        %broadcast_in_dim3A_444 = arith.constant 1024 : i32
        %broadcast_in_dim3A_445 = vector.broadcast %broadcast_in_dim3A_444 : i32 to vector<16xi32>
        %swap3A_446 = arith.constant 80 : index
        %swap3A_447 = tpu.vector_load %arg13[%swap3A_446] {strides = array<i32>} : memref<96xi32, #tpu.memory_space<vmem>>, vector<16xi32>,
        %swap3A_448 = vector.shape_cast %swap3A_447 : vector<16xi32> to vector<16xi32>
        %swap3A_449 = vector.shape_cast %broadcast_in_dim3A_445 : vector<16xi32> to vector<16xi32>
        tpu.vector_store %arg13[%swap3A_446], %swap3A_449 {strides = array<i32>} : memref<96xi32, #tpu.memory_space<vmem>>, vector<16xi32>,
      } else {
      }
      %scan3A_361 = arith.constant 0 : i32
      %scan3A_362 = arith.constant 80 : i32
      %scan3A_363 = arith.addi %scan3A_361, %scan3A_362 : i32
      %scan3A_364 = arith.constant 1 : i32
      %scan3A_365:18 = scf.for %scan3A_378 = %scan3A_361 to %scan3A_363 step %scan3A_364 iter_args(%scan3A_379 = %scan3A_333#0, %scan3A_380 = %scan3A_333#1, %scan3A_381 = %scan3A_333#2, %scan3A_382 = %scan3A_333#3, %scan3A_383 = %scan3A_333#4, %scan3A_384 = %scan3A_333#5, %scan3A_385 = %scan3A_333#6, %scan3A_386 = %scan3A_333#7, %scan3A_387 = %scan3A_333#8, %scan3A_388 = %scan3A_333#9, %scan3A_389 = %scan3A_333#10, %scan3A_390 = %scan3A_333#11, %scan3A_391 = %scan3A_333#12, %scan3A_392 = %scan3A_333#13, %scan3A_393 = %scan3A_333#14, %scan3A_394 = %scan3A_333#15, %scan3A_395 = %scan3A_333#16, %scan3A_396 = %scan3A_333#17) -> (i32, i32, vector<16xf32>, vector<16xf32>, vector<16xf32>, vector<16xf32>, vector<16xf32>, vector<16xf32>, vector<16xf32>, vector<16xf32>, vector<16xf32>, vector<16xf32>, vector<16xf32>, vector<16xf32>, vector<16xf32>, vector<16xf32>, vector<16xf32>, vector<16xf32>)  : i32 {
        %get3A_397 = arith.index_cast %scan3A_378 : i32 to index
        %get3A_398 = tpu.vector_load %arg11[%get3A_397] {strides = array<i32>} : memref<96xf32, #tpu.memory_space<vmem>>, vector<16xf32>,
        %get3A_399 = vector.shape_cast %get3A_398 : vector<16xf32> to vector<16xf32>
        %slice3A = vector.extract_strided_slice %get3A_399 {offsets = [0], sizes = [1], strides = [1]} : vector<16xf32> to vector<1xf32>
        %squeeze3A = vector.extract %slice3A[0] : f32 from vector<1xf32>
        %broadcast_in_dim3A_400 = vector.broadcast %squeeze3A : f32 to vector<16xf32>
        %get3A_401 = arith.index_cast %scan3A_378 : i32 to index
        %get3A_402 = tpu.vector_load %arg13[%get3A_401] {strides = array<i32>} : memref<96xi32, #tpu.memory_space<vmem>>, vector<16xi32>,
        %get3A_403 = vector.shape_cast %get3A_402 : vector<16xi32> to vector<16xi32>
        %slice3A_404 = vector.extract_strided_slice %get3A_403 {offsets = [0], sizes = [1], strides = [1]} : vector<16xi32> to vector<1xi32>
        %squeeze3A_405 = vector.extract %slice3A_404[0] : i32 from vector<1xi32>
        %get3A_406 = arith.index_cast %scan3A_378 : i32 to index
        %get3A_407 = arith.constant 0 : index
        %get3A_408 = tpu.vector_load %arg9[%get3A_406, %get3A_407] {strides = array<i32>} : memref<80x256xf32, #tpu.memory_space<vmem>>, vector<1x16xf32>,
        %get3A_409 = vector.shape_cast %get3A_408 : vector<1x16xf32> to vector<16xf32>
        %get3A_410 = arith.index_cast %scan3A_378 : i32 to index
        %get3A_411 = arith.constant 16 : index
        %get3A_412 = tpu.vector_load %arg9[%get3A_410, %get3A_411] {strides = array<i32>} : memref<80x256xf32, #tpu.memory_space<vmem>>, vector<1x16xf32>,
        %get3A_413 = vector.shape_cast %get3A_412 : vector<1x16xf32> to vector<16xf32>
        %get3A_414 = arith.index_cast %scan3A_378 : i32 to index
        %get3A_415 = arith.constant 32 : index
        %get3A_416 = tpu.vector_load %arg9[%get3A_414, %get3A_415] {strides = array<i32>} : memref<80x256xf32, #tpu.memory_space<vmem>>, vector<1x16xf32>,
        %get3A_417 = vector.shape_cast %get3A_416 : vector<1x16xf32> to vector<16xf32>
        %get3A_418 = arith.index_cast %scan3A_378 : i32 to index
        %get3A_419 = arith.constant 48 : index
        %get3A_420 = tpu.vector_load %arg9[%get3A_418, %get3A_419] {strides = array<i32>} : memref<80x256xf32, #tpu.memory_space<vmem>>, vector<1x16xf32>,
        %get3A_421 = vector.shape_cast %get3A_420 : vector<1x16xf32> to vector<16xf32>
        %get3A_422 = arith.index_cast %scan3A_378 : i32 to index
        %get3A_423 = arith.constant 64 : index
        %get3A_424 = tpu.vector_load %arg9[%get3A_422, %get3A_423] {strides = array<i32>} : memref<80x256xf32, #tpu.memory_space<vmem>>, vector<1x16xf32>,
        %get3A_425 = vector.shape_cast %get3A_424 : vector<1x16xf32> to vector<16xf32>
        %get3A_426 = arith.index_cast %scan3A_378 : i32 to index
        %get3A_427 = arith.constant 80 : index
        %get3A_428 = tpu.vector_load %arg9[%get3A_426, %get3A_427] {strides = array<i32>} : memref<80x256xf32, #tpu.memory_space<vmem>>, vector<1x16xf32>,
        %get3A_429 = vector.shape_cast %get3A_428 : vector<1x16xf32> to vector<16xf32>
        %get3A_430 = arith.index_cast %scan3A_378 : i32 to index
        %get3A_431 = arith.constant 96 : index
        %get3A_432 = tpu.vector_load %arg9[%get3A_430, %get3A_431] {strides = array<i32>} : memref<80x256xf32, #tpu.memory_space<vmem>>, vector<1x16xf32>,
        %get3A_433 = vector.shape_cast %get3A_432 : vector<1x16xf32> to vector<16xf32>
        %get3A_434 = arith.index_cast %scan3A_378 : i32 to index
        %get3A_435 = arith.constant 112 : index
        %get3A_436 = tpu.vector_load %arg9[%get3A_434, %get3A_435] {strides = array<i32>} : memref<80x256xf32, #tpu.memory_space<vmem>>, vector<1x16xf32>,
        %get3A_437 = vector.shape_cast %get3A_436 : vector<1x16xf32> to vector<16xf32>
        %get3A_438 = arith.index_cast %scan3A_378 : i32 to index
        %get3A_439 = arith.constant 128 : index
        %get3A_440 = tpu.vector_load %arg9[%get3A_438, %get3A_439] {strides = array<i32>} : memref<80x256xf32, #tpu.memory_space<vmem>>, vector<1x16xf32>,
        %get3A_441 = vector.shape_cast %get3A_440 : vector<1x16xf32> to vector<16xf32>
        %get3A_442 = arith.index_cast %scan3A_378 : i32 to index
        %get3A_443 = arith.constant 144 : index
        %get3A_444 = tpu.vector_load %arg9[%get3A_442, %get3A_443] {strides = array<i32>} : memref<80x256xf32, #tpu.memory_space<vmem>>, vector<1x16xf32>,
        %get3A_445 = vector.shape_cast %get3A_444 : vector<1x16xf32> to vector<16xf32>
        %get3A_446 = arith.index_cast %scan3A_378 : i32 to index
        %get3A_447 = arith.constant 160 : index
        %get3A_448 = tpu.vector_load %arg9[%get3A_446, %get3A_447] {strides = array<i32>} : memref<80x256xf32, #tpu.memory_space<vmem>>, vector<1x16xf32>,
        %get3A_449 = vector.shape_cast %get3A_448 : vector<1x16xf32> to vector<16xf32>
        %get3A_450 = arith.index_cast %scan3A_378 : i32 to index
        %get3A_451 = arith.constant 176 : index
        %get3A_452 = tpu.vector_load %arg9[%get3A_450, %get3A_451] {strides = array<i32>} : memref<80x256xf32, #tpu.memory_space<vmem>>, vector<1x16xf32>,
        %get3A_453 = vector.shape_cast %get3A_452 : vector<1x16xf32> to vector<16xf32>
        %get3A_454 = arith.index_cast %scan3A_378 : i32 to index
        %get3A_455 = arith.constant 192 : index
        %get3A_456 = tpu.vector_load %arg9[%get3A_454, %get3A_455] {strides = array<i32>} : memref<80x256xf32, #tpu.memory_space<vmem>>, vector<1x16xf32>,
        %get3A_457 = vector.shape_cast %get3A_456 : vector<1x16xf32> to vector<16xf32>
        %get3A_458 = arith.index_cast %scan3A_378 : i32 to index
        %get3A_459 = arith.constant 208 : index
        %get3A_460 = tpu.vector_load %arg9[%get3A_458, %get3A_459] {strides = array<i32>} : memref<80x256xf32, #tpu.memory_space<vmem>>, vector<1x16xf32>,
        %get3A_461 = vector.shape_cast %get3A_460 : vector<1x16xf32> to vector<16xf32>
        %get3A_462 = arith.index_cast %scan3A_378 : i32 to index
        %get3A_463 = arith.constant 224 : index
        %get3A_464 = tpu.vector_load %arg9[%get3A_462, %get3A_463] {strides = array<i32>} : memref<80x256xf32, #tpu.memory_space<vmem>>, vector<1x16xf32>,
        %get3A_465 = vector.shape_cast %get3A_464 : vector<1x16xf32> to vector<16xf32>
        %get3A_466 = arith.index_cast %scan3A_378 : i32 to index
        %get3A_467 = arith.constant 240 : index
        %get3A_468 = tpu.vector_load %arg9[%get3A_466, %get3A_467] {strides = array<i32>} : memref<80x256xf32, #tpu.memory_space<vmem>>, vector<1x16xf32>,
        %get3A_469 = vector.shape_cast %get3A_468 : vector<1x16xf32> to vector<16xf32>
        %eq3A_470 = arith.cmpi eq, %squeeze3A_405, %scan3A_379 : i32
        %not3A = arith.constant true
        %not3A_471 = arith.xori %eq3A_470, %not3A : i1
        %ge3A_472 = arith.constant 0 : i32
        %ge3A_473 = arith.cmpi sge, %scan3A_379, %ge3A_472 : i32
        %and3A = arith.andi %not3A_471, %ge3A_473 : i1
        %convert_element_type3A_474 = arith.extui %and3A : i1 to i32
        %cond3A_475 = arith.constant 0 : i32
        %cond3A_476 = arith.cmpi ne, %convert_element_type3A_474, %cond3A_475 : i32
        scf.if %cond3A_476 {
          %eq3A_532 = arith.cmpi eq, %scan3A_379, %scan3A_380 : i32
          %convert_element_type3A_533 = arith.extui %eq3A_532 : i1 to i32
          %cond3A_534 = arith.constant 0 : i32
          %cond3A_535 = arith.cmpi ne, %convert_element_type3A_533, %cond3A_534 : i32
          scf.if %cond3A_535 {
            %swap3A_549 = arith.constant 0 : index
            %swap3A_550 = tpu.vector_load %arg15[%swap3A_549] {strides = array<i32>} : memref<512xf32, #tpu.memory_space<vmem>>, vector<16xf32>,
            %swap3A_551 = vector.shape_cast %swap3A_550 : vector<16xf32> to vector<16xf32>
            %swap3A_552 = vector.shape_cast %scan3A_381 : vector<16xf32> to vector<16xf32>
            tpu.vector_store %arg15[%swap3A_549], %swap3A_552 {strides = array<i32>} : memref<512xf32, #tpu.memory_space<vmem>>, vector<16xf32>,
            %swap3A_553 = arith.constant 16 : index
            %swap3A_554 = tpu.vector_load %arg15[%swap3A_553] {strides = array<i32>} : memref<512xf32, #tpu.memory_space<vmem>>, vector<16xf32>,
            %swap3A_555 = vector.shape_cast %swap3A_554 : vector<16xf32> to vector<16xf32>
            %swap3A_556 = vector.shape_cast %scan3A_382 : vector<16xf32> to vector<16xf32>
            tpu.vector_store %arg15[%swap3A_553], %swap3A_556 {strides = array<i32>} : memref<512xf32, #tpu.memory_space<vmem>>, vector<16xf32>,
            %swap3A_557 = arith.constant 32 : index
            %swap3A_558 = tpu.vector_load %arg15[%swap3A_557] {strides = array<i32>} : memref<512xf32, #tpu.memory_space<vmem>>, vector<16xf32>,
            %swap3A_559 = vector.shape_cast %swap3A_558 : vector<16xf32> to vector<16xf32>
            %swap3A_560 = vector.shape_cast %scan3A_383 : vector<16xf32> to vector<16xf32>
            tpu.vector_store %arg15[%swap3A_557], %swap3A_560 {strides = array<i32>} : memref<512xf32, #tpu.memory_space<vmem>>, vector<16xf32>,
            %swap3A_561 = arith.constant 48 : index
            %swap3A_562 = tpu.vector_load %arg15[%swap3A_561] {strides = array<i32>} : memref<512xf32, #tpu.memory_space<vmem>>, vector<16xf32>,
            %swap3A_563 = vector.shape_cast %swap3A_562 : vector<16xf32> to vector<16xf32>
            %swap3A_564 = vector.shape_cast %scan3A_384 : vector<16xf32> to vector<16xf32>
            tpu.vector_store %arg15[%swap3A_561], %swap3A_564 {strides = array<i32>} : memref<512xf32, #tpu.memory_space<vmem>>, vector<16xf32>,
            %swap3A_565 = arith.constant 64 : index
            %swap3A_566 = tpu.vector_load %arg15[%swap3A_565] {strides = array<i32>} : memref<512xf32, #tpu.memory_space<vmem>>, vector<16xf32>,
            %swap3A_567 = vector.shape_cast %swap3A_566 : vector<16xf32> to vector<16xf32>
            %swap3A_568 = vector.shape_cast %scan3A_385 : vector<16xf32> to vector<16xf32>
            tpu.vector_store %arg15[%swap3A_565], %swap3A_568 {strides = array<i32>} : memref<512xf32, #tpu.memory_space<vmem>>, vector<16xf32>,
            %swap3A_569 = arith.constant 80 : index
            %swap3A_570 = tpu.vector_load %arg15[%swap3A_569] {strides = array<i32>} : memref<512xf32, #tpu.memory_space<vmem>>, vector<16xf32>,
            %swap3A_571 = vector.shape_cast %swap3A_570 : vector<16xf32> to vector<16xf32>
            %swap3A_572 = vector.shape_cast %scan3A_386 : vector<16xf32> to vector<16xf32>
            tpu.vector_store %arg15[%swap3A_569], %swap3A_572 {strides = array<i32>} : memref<512xf32, #tpu.memory_space<vmem>>, vector<16xf32>,
            %swap3A_573 = arith.constant 96 : index
            %swap3A_574 = tpu.vector_load %arg15[%swap3A_573] {strides = array<i32>} : memref<512xf32, #tpu.memory_space<vmem>>, vector<16xf32>,
            %swap3A_575 = vector.shape_cast %swap3A_574 : vector<16xf32> to vector<16xf32>
            %swap3A_576 = vector.shape_cast %scan3A_387 : vector<16xf32> to vector<16xf32>
            tpu.vector_store %arg15[%swap3A_573], %swap3A_576 {strides = array<i32>} : memref<512xf32, #tpu.memory_space<vmem>>, vector<16xf32>,
            %swap3A_577 = arith.constant 112 : index
            %swap3A_578 = tpu.vector_load %arg15[%swap3A_577] {strides = array<i32>} : memref<512xf32, #tpu.memory_space<vmem>>, vector<16xf32>,
            %swap3A_579 = vector.shape_cast %swap3A_578 : vector<16xf32> to vector<16xf32>
            %swap3A_580 = vector.shape_cast %scan3A_388 : vector<16xf32> to vector<16xf32>
            tpu.vector_store %arg15[%swap3A_577], %swap3A_580 {strides = array<i32>} : memref<512xf32, #tpu.memory_space<vmem>>, vector<16xf32>,
            %swap3A_581 = arith.constant 128 : index
            %swap3A_582 = tpu.vector_load %arg15[%swap3A_581] {strides = array<i32>} : memref<512xf32, #tpu.memory_space<vmem>>, vector<16xf32>,
            %swap3A_583 = vector.shape_cast %swap3A_582 : vector<16xf32> to vector<16xf32>
            %swap3A_584 = vector.shape_cast %scan3A_389 : vector<16xf32> to vector<16xf32>
            tpu.vector_store %arg15[%swap3A_581], %swap3A_584 {strides = array<i32>} : memref<512xf32, #tpu.memory_space<vmem>>, vector<16xf32>,
            %swap3A_585 = arith.constant 144 : index
            %swap3A_586 = tpu.vector_load %arg15[%swap3A_585] {strides = array<i32>} : memref<512xf32, #tpu.memory_space<vmem>>, vector<16xf32>,
            %swap3A_587 = vector.shape_cast %swap3A_586 : vector<16xf32> to vector<16xf32>
            %swap3A_588 = vector.shape_cast %scan3A_390 : vector<16xf32> to vector<16xf32>
            tpu.vector_store %arg15[%swap3A_585], %swap3A_588 {strides = array<i32>} : memref<512xf32, #tpu.memory_space<vmem>>, vector<16xf32>,
            %swap3A_589 = arith.constant 160 : index
            %swap3A_590 = tpu.vector_load %arg15[%swap3A_589] {strides = array<i32>} : memref<512xf32, #tpu.memory_space<vmem>>, vector<16xf32>,
            %swap3A_591 = vector.shape_cast %swap3A_590 : vector<16xf32> to vector<16xf32>
            %swap3A_592 = vector.shape_cast %scan3A_391 : vector<16xf32> to vector<16xf32>
            tpu.vector_store %arg15[%swap3A_589], %swap3A_592 {strides = array<i32>} : memref<512xf32, #tpu.memory_space<vmem>>, vector<16xf32>,
            %swap3A_593 = arith.constant 176 : index
            %swap3A_594 = tpu.vector_load %arg15[%swap3A_593] {strides = array<i32>} : memref<512xf32, #tpu.memory_space<vmem>>, vector<16xf32>,
            %swap3A_595 = vector.shape_cast %swap3A_594 : vector<16xf32> to vector<16xf32>
            %swap3A_596 = vector.shape_cast %scan3A_392 : vector<16xf32> to vector<16xf32>
            tpu.vector_store %arg15[%swap3A_593], %swap3A_596 {strides = array<i32>} : memref<512xf32, #tpu.memory_space<vmem>>, vector<16xf32>,
            %swap3A_597 = arith.constant 192 : index
            %swap3A_598 = tpu.vector_load %arg15[%swap3A_597] {strides = array<i32>} : memref<512xf32, #tpu.memory_space<vmem>>, vector<16xf32>,
            %swap3A_599 = vector.shape_cast %swap3A_598 : vector<16xf32> to vector<16xf32>
            %swap3A_600 = vector.shape_cast %scan3A_393 : vector<16xf32> to vector<16xf32>
            tpu.vector_store %arg15[%swap3A_597], %swap3A_600 {strides = array<i32>} : memref<512xf32, #tpu.memory_space<vmem>>, vector<16xf32>,
            %swap3A_601 = arith.constant 208 : index
            %swap3A_602 = tpu.vector_load %arg15[%swap3A_601] {strides = array<i32>} : memref<512xf32, #tpu.memory_space<vmem>>, vector<16xf32>,
            %swap3A_603 = vector.shape_cast %swap3A_602 : vector<16xf32> to vector<16xf32>
            %swap3A_604 = vector.shape_cast %scan3A_394 : vector<16xf32> to vector<16xf32>
            tpu.vector_store %arg15[%swap3A_601], %swap3A_604 {strides = array<i32>} : memref<512xf32, #tpu.memory_space<vmem>>, vector<16xf32>,
            %swap3A_605 = arith.constant 224 : index
            %swap3A_606 = tpu.vector_load %arg15[%swap3A_605] {strides = array<i32>} : memref<512xf32, #tpu.memory_space<vmem>>, vector<16xf32>,
            %swap3A_607 = vector.shape_cast %swap3A_606 : vector<16xf32> to vector<16xf32>
            %swap3A_608 = vector.shape_cast %scan3A_395 : vector<16xf32> to vector<16xf32>
            tpu.vector_store %arg15[%swap3A_605], %swap3A_608 {strides = array<i32>} : memref<512xf32, #tpu.memory_space<vmem>>, vector<16xf32>,
            %swap3A_609 = arith.constant 240 : index
            %swap3A_610 = tpu.vector_load %arg15[%swap3A_609] {strides = array<i32>} : memref<512xf32, #tpu.memory_space<vmem>>, vector<16xf32>,
            %swap3A_611 = vector.shape_cast %swap3A_610 : vector<16xf32> to vector<16xf32>
            %swap3A_612 = vector.shape_cast %scan3A_396 : vector<16xf32> to vector<16xf32>
            tpu.vector_store %arg15[%swap3A_609], %swap3A_612 {strides = array<i32>} : memref<512xf32, #tpu.memory_space<vmem>>, vector<16xf32>,
          } else {
          }
          %ne3A = arith.cmpi ne, %scan3A_379, %scan3A_380 : i32
          %ge3A_536 = arith.constant 1024 : i32
          %ge3A_537 = arith.cmpi sge, %squeeze3A_405, %ge3A_536 : i32
          %and3A_538 = arith.andi %ne3A, %ge3A_537 : i1
          %convert_element_type3A_539 = arith.extui %and3A_538 : i1 to i32
          %cond3A_540 = arith.constant 0 : i32
          %cond3A_541 = arith.cmpi ne, %convert_element_type3A_539, %cond3A_540 : i32
          scf.if %cond3A_541 {
            %swap3A_549 = arith.constant 256 : index
            %swap3A_550 = tpu.vector_load %arg15[%swap3A_549] {strides = array<i32>} : memref<512xf32, #tpu.memory_space<vmem>>, vector<16xf32>,
            %swap3A_551 = vector.shape_cast %swap3A_550 : vector<16xf32> to vector<16xf32>
            %swap3A_552 = vector.shape_cast %scan3A_381 : vector<16xf32> to vector<16xf32>
            tpu.vector_store %arg15[%swap3A_549], %swap3A_552 {strides = array<i32>} : memref<512xf32, #tpu.memory_space<vmem>>, vector<16xf32>,
            %swap3A_553 = arith.constant 272 : index
            %swap3A_554 = tpu.vector_load %arg15[%swap3A_553] {strides = array<i32>} : memref<512xf32, #tpu.memory_space<vmem>>, vector<16xf32>,
            %swap3A_555 = vector.shape_cast %swap3A_554 : vector<16xf32> to vector<16xf32>
            %swap3A_556 = vector.shape_cast %scan3A_382 : vector<16xf32> to vector<16xf32>
            tpu.vector_store %arg15[%swap3A_553], %swap3A_556 {strides = array<i32>} : memref<512xf32, #tpu.memory_space<vmem>>, vector<16xf32>,
            %swap3A_557 = arith.constant 288 : index
            %swap3A_558 = tpu.vector_load %arg15[%swap3A_557] {strides = array<i32>} : memref<512xf32, #tpu.memory_space<vmem>>, vector<16xf32>,
            %swap3A_559 = vector.shape_cast %swap3A_558 : vector<16xf32> to vector<16xf32>
            %swap3A_560 = vector.shape_cast %scan3A_383 : vector<16xf32> to vector<16xf32>
            tpu.vector_store %arg15[%swap3A_557], %swap3A_560 {strides = array<i32>} : memref<512xf32, #tpu.memory_space<vmem>>, vector<16xf32>,
            %swap3A_561 = arith.constant 304 : index
            %swap3A_562 = tpu.vector_load %arg15[%swap3A_561] {strides = array<i32>} : memref<512xf32, #tpu.memory_space<vmem>>, vector<16xf32>,
            %swap3A_563 = vector.shape_cast %swap3A_562 : vector<16xf32> to vector<16xf32>
            %swap3A_564 = vector.shape_cast %scan3A_384 : vector<16xf32> to vector<16xf32>
            tpu.vector_store %arg15[%swap3A_561], %swap3A_564 {strides = array<i32>} : memref<512xf32, #tpu.memory_space<vmem>>, vector<16xf32>,
            %swap3A_565 = arith.constant 320 : index
            %swap3A_566 = tpu.vector_load %arg15[%swap3A_565] {strides = array<i32>} : memref<512xf32, #tpu.memory_space<vmem>>, vector<16xf32>,
            %swap3A_567 = vector.shape_cast %swap3A_566 : vector<16xf32> to vector<16xf32>
            %swap3A_568 = vector.shape_cast %scan3A_385 : vector<16xf32> to vector<16xf32>
            tpu.vector_store %arg15[%swap3A_565], %swap3A_568 {strides = array<i32>} : memref<512xf32, #tpu.memory_space<vmem>>, vector<16xf32>,
            %swap3A_569 = arith.constant 336 : index
            %swap3A_570 = tpu.vector_load %arg15[%swap3A_569] {strides = array<i32>} : memref<512xf32, #tpu.memory_space<vmem>>, vector<16xf32>,
            %swap3A_571 = vector.shape_cast %swap3A_570 : vector<16xf32> to vector<16xf32>
            %swap3A_572 = vector.shape_cast %scan3A_386 : vector<16xf32> to vector<16xf32>
            tpu.vector_store %arg15[%swap3A_569], %swap3A_572 {strides = array<i32>} : memref<512xf32, #tpu.memory_space<vmem>>, vector<16xf32>,
            %swap3A_573 = arith.constant 352 : index
            %swap3A_574 = tpu.vector_load %arg15[%swap3A_573] {strides = array<i32>} : memref<512xf32, #tpu.memory_space<vmem>>, vector<16xf32>,
            %swap3A_575 = vector.shape_cast %swap3A_574 : vector<16xf32> to vector<16xf32>
            %swap3A_576 = vector.shape_cast %scan3A_387 : vector<16xf32> to vector<16xf32>
            tpu.vector_store %arg15[%swap3A_573], %swap3A_576 {strides = array<i32>} : memref<512xf32, #tpu.memory_space<vmem>>, vector<16xf32>,
            %swap3A_577 = arith.constant 368 : index
            %swap3A_578 = tpu.vector_load %arg15[%swap3A_577] {strides = array<i32>} : memref<512xf32, #tpu.memory_space<vmem>>, vector<16xf32>,
            %swap3A_579 = vector.shape_cast %swap3A_578 : vector<16xf32> to vector<16xf32>
            %swap3A_580 = vector.shape_cast %scan3A_388 : vector<16xf32> to vector<16xf32>
            tpu.vector_store %arg15[%swap3A_577], %swap3A_580 {strides = array<i32>} : memref<512xf32, #tpu.memory_space<vmem>>, vector<16xf32>,
            %swap3A_581 = arith.constant 384 : index
            %swap3A_582 = tpu.vector_load %arg15[%swap3A_581] {strides = array<i32>} : memref<512xf32, #tpu.memory_space<vmem>>, vector<16xf32>,
            %swap3A_583 = vector.shape_cast %swap3A_582 : vector<16xf32> to vector<16xf32>
            %swap3A_584 = vector.shape_cast %scan3A_389 : vector<16xf32> to vector<16xf32>
            tpu.vector_store %arg15[%swap3A_581], %swap3A_584 {strides = array<i32>} : memref<512xf32, #tpu.memory_space<vmem>>, vector<16xf32>,
            %swap3A_585 = arith.constant 400 : index
            %swap3A_586 = tpu.vector_load %arg15[%swap3A_585] {strides = array<i32>} : memref<512xf32, #tpu.memory_space<vmem>>, vector<16xf32>,
            %swap3A_587 = vector.shape_cast %swap3A_586 : vector<16xf32> to vector<16xf32>
            %swap3A_588 = vector.shape_cast %scan3A_390 : vector<16xf32> to vector<16xf32>
            tpu.vector_store %arg15[%swap3A_585], %swap3A_588 {strides = array<i32>} : memref<512xf32, #tpu.memory_space<vmem>>, vector<16xf32>,
            %swap3A_589 = arith.constant 416 : index
            %swap3A_590 = tpu.vector_load %arg15[%swap3A_589] {strides = array<i32>} : memref<512xf32, #tpu.memory_space<vmem>>, vector<16xf32>,
            %swap3A_591 = vector.shape_cast %swap3A_590 : vector<16xf32> to vector<16xf32>
            %swap3A_592 = vector.shape_cast %scan3A_391 : vector<16xf32> to vector<16xf32>
            tpu.vector_store %arg15[%swap3A_589], %swap3A_592 {strides = array<i32>} : memref<512xf32, #tpu.memory_space<vmem>>, vector<16xf32>,
            %swap3A_593 = arith.constant 432 : index
            %swap3A_594 = tpu.vector_load %arg15[%swap3A_593] {strides = array<i32>} : memref<512xf32, #tpu.memory_space<vmem>>, vector<16xf32>,
            %swap3A_595 = vector.shape_cast %swap3A_594 : vector<16xf32> to vector<16xf32>
            %swap3A_596 = vector.shape_cast %scan3A_392 : vector<16xf32> to vector<16xf32>
            tpu.vector_store %arg15[%swap3A_593], %swap3A_596 {strides = array<i32>} : memref<512xf32, #tpu.memory_space<vmem>>, vector<16xf32>,
            %swap3A_597 = arith.constant 448 : index
            %swap3A_598 = tpu.vector_load %arg15[%swap3A_597] {strides = array<i32>} : memref<512xf32, #tpu.memory_space<vmem>>, vector<16xf32>,
            %swap3A_599 = vector.shape_cast %swap3A_598 : vector<16xf32> to vector<16xf32>
            %swap3A_600 = vector.shape_cast %scan3A_393 : vector<16xf32> to vector<16xf32>
            tpu.vector_store %arg15[%swap3A_597], %swap3A_600 {strides = array<i32>} : memref<512xf32, #tpu.memory_space<vmem>>, vector<16xf32>,
            %swap3A_601 = arith.constant 464 : index
            %swap3A_602 = tpu.vector_load %arg15[%swap3A_601] {strides = array<i32>} : memref<512xf32, #tpu.memory_space<vmem>>, vector<16xf32>,
            %swap3A_603 = vector.shape_cast %swap3A_602 : vector<16xf32> to vector<16xf32>
            %swap3A_604 = vector.shape_cast %scan3A_394 : vector<16xf32> to vector<16xf32>
            tpu.vector_store %arg15[%swap3A_601], %swap3A_604 {strides = array<i32>} : memref<512xf32, #tpu.memory_space<vmem>>, vector<16xf32>,
            %swap3A_605 = arith.constant 480 : index
            %swap3A_606 = tpu.vector_load %arg15[%swap3A_605] {strides = array<i32>} : memref<512xf32, #tpu.memory_space<vmem>>, vector<16xf32>,
            %swap3A_607 = vector.shape_cast %swap3A_606 : vector<16xf32> to vector<16xf32>
            %swap3A_608 = vector.shape_cast %scan3A_395 : vector<16xf32> to vector<16xf32>
            tpu.vector_store %arg15[%swap3A_605], %swap3A_608 {strides = array<i32>} : memref<512xf32, #tpu.memory_space<vmem>>, vector<16xf32>,
            %swap3A_609 = arith.constant 496 : index
            %swap3A_610 = tpu.vector_load %arg15[%swap3A_609] {strides = array<i32>} : memref<512xf32, #tpu.memory_space<vmem>>, vector<16xf32>,
            %swap3A_611 = vector.shape_cast %swap3A_610 : vector<16xf32> to vector<16xf32>
            %swap3A_612 = vector.shape_cast %scan3A_396 : vector<16xf32> to vector<16xf32>
            tpu.vector_store %arg15[%swap3A_609], %swap3A_612 {strides = array<i32>} : memref<512xf32, #tpu.memory_space<vmem>>, vector<16xf32>,
            %iota3A_613 = tpu.iota {dimensions = array<i32: 0>} : vector<16xi32>
            %eq3A_614 = arith.constant 1 : i32
            %eq3A_615 = vector.broadcast %eq3A_614 : i32 to vector<16xi32>
            %eq3A_616 = arith.cmpi eq, %iota3A_613, %eq3A_615 : vector<16xi32>
            %jit3A_617 = arith.constant 0 : i32
            %broadcast_in_dim3A_618 = vector.broadcast %scan3A_379 : i32 to vector<16xi32>
            %broadcast_in_dim3A_619 = vector.broadcast %jit3A_617 : i32 to vector<16xi32>
            %select_n3A_620 = arith.select %eq3A_616, %broadcast_in_dim3A_618, %broadcast_in_dim3A_619 : vector<16xi1>, vector<16xi32>
            %swap3A_621 = arith.constant 0 : index
            %swap3A_622 = tpu.vector_load %arg16[%swap3A_621] {strides = array<i32>} : memref<16xi32, #tpu.memory_space<vmem>>, vector<16xi32>,
            %swap3A_623 = vector.shape_cast %swap3A_622 : vector<16xi32> to vector<16xi32>
            %swap3A_624 = vector.shape_cast %select_n3A_620 : vector<16xi32> to vector<16xi32>
            tpu.vector_store %arg16[%swap3A_621], %swap3A_624 {strides = array<i32>} : memref<16xi32, #tpu.memory_space<vmem>>, vector<16xi32>,
          } else {
          }
          %ne3A_542 = arith.cmpi ne, %scan3A_379, %scan3A_380 : i32
          %lt3A_543 = arith.constant 1024 : i32
          %lt3A_544 = arith.cmpi slt, %squeeze3A_405, %lt3A_543 : i32
          %and3A_545 = arith.andi %ne3A_542, %lt3A_544 : i1
          %convert_element_type3A_546 = arith.extui %and3A_545 : i1 to i32
          %cond3A_547 = arith.constant 0 : i32
          %cond3A_548 = arith.cmpi ne, %convert_element_type3A_546, %cond3A_547 : i32
          scf.if %cond3A_548 {
            %swap3A_549 = arith.constant 0 : index
            %swap3A_550 = tpu.vector_load %arg14[%swap3A_549] {strides = array<i32>} : memref<256xf32, #tpu.memory_space<vmem>>, vector<16xf32>,
            %swap3A_551 = vector.shape_cast %swap3A_550 : vector<16xf32> to vector<16xf32>
            %swap3A_552 = vector.shape_cast %scan3A_381 : vector<16xf32> to vector<16xf32>
            tpu.vector_store %arg14[%swap3A_549], %swap3A_552 {strides = array<i32>} : memref<256xf32, #tpu.memory_space<vmem>>, vector<16xf32>,
            %swap3A_553 = arith.constant 16 : index
            %swap3A_554 = tpu.vector_load %arg14[%swap3A_553] {strides = array<i32>} : memref<256xf32, #tpu.memory_space<vmem>>, vector<16xf32>,
            %swap3A_555 = vector.shape_cast %swap3A_554 : vector<16xf32> to vector<16xf32>
            %swap3A_556 = vector.shape_cast %scan3A_382 : vector<16xf32> to vector<16xf32>
            tpu.vector_store %arg14[%swap3A_553], %swap3A_556 {strides = array<i32>} : memref<256xf32, #tpu.memory_space<vmem>>, vector<16xf32>,
            %swap3A_557 = arith.constant 32 : index
            %swap3A_558 = tpu.vector_load %arg14[%swap3A_557] {strides = array<i32>} : memref<256xf32, #tpu.memory_space<vmem>>, vector<16xf32>,
            %swap3A_559 = vector.shape_cast %swap3A_558 : vector<16xf32> to vector<16xf32>
            %swap3A_560 = vector.shape_cast %scan3A_383 : vector<16xf32> to vector<16xf32>
            tpu.vector_store %arg14[%swap3A_557], %swap3A_560 {strides = array<i32>} : memref<256xf32, #tpu.memory_space<vmem>>, vector<16xf32>,
            %swap3A_561 = arith.constant 48 : index
            %swap3A_562 = tpu.vector_load %arg14[%swap3A_561] {strides = array<i32>} : memref<256xf32, #tpu.memory_space<vmem>>, vector<16xf32>,
            %swap3A_563 = vector.shape_cast %swap3A_562 : vector<16xf32> to vector<16xf32>
            %swap3A_564 = vector.shape_cast %scan3A_384 : vector<16xf32> to vector<16xf32>
            tpu.vector_store %arg14[%swap3A_561], %swap3A_564 {strides = array<i32>} : memref<256xf32, #tpu.memory_space<vmem>>, vector<16xf32>,
            %swap3A_565 = arith.constant 64 : index
            %swap3A_566 = tpu.vector_load %arg14[%swap3A_565] {strides = array<i32>} : memref<256xf32, #tpu.memory_space<vmem>>, vector<16xf32>,
            %swap3A_567 = vector.shape_cast %swap3A_566 : vector<16xf32> to vector<16xf32>
            %swap3A_568 = vector.shape_cast %scan3A_385 : vector<16xf32> to vector<16xf32>
            tpu.vector_store %arg14[%swap3A_565], %swap3A_568 {strides = array<i32>} : memref<256xf32, #tpu.memory_space<vmem>>, vector<16xf32>,
            %swap3A_569 = arith.constant 80 : index
            %swap3A_570 = tpu.vector_load %arg14[%swap3A_569] {strides = array<i32>} : memref<256xf32, #tpu.memory_space<vmem>>, vector<16xf32>,
            %swap3A_571 = vector.shape_cast %swap3A_570 : vector<16xf32> to vector<16xf32>
            %swap3A_572 = vector.shape_cast %scan3A_386 : vector<16xf32> to vector<16xf32>
            tpu.vector_store %arg14[%swap3A_569], %swap3A_572 {strides = array<i32>} : memref<256xf32, #tpu.memory_space<vmem>>, vector<16xf32>,
            %swap3A_573 = arith.constant 96 : index
            %swap3A_574 = tpu.vector_load %arg14[%swap3A_573] {strides = array<i32>} : memref<256xf32, #tpu.memory_space<vmem>>, vector<16xf32>,
            %swap3A_575 = vector.shape_cast %swap3A_574 : vector<16xf32> to vector<16xf32>
            %swap3A_576 = vector.shape_cast %scan3A_387 : vector<16xf32> to vector<16xf32>
            tpu.vector_store %arg14[%swap3A_573], %swap3A_576 {strides = array<i32>} : memref<256xf32, #tpu.memory_space<vmem>>, vector<16xf32>,
            %swap3A_577 = arith.constant 112 : index
            %swap3A_578 = tpu.vector_load %arg14[%swap3A_577] {strides = array<i32>} : memref<256xf32, #tpu.memory_space<vmem>>, vector<16xf32>,
            %swap3A_579 = vector.shape_cast %swap3A_578 : vector<16xf32> to vector<16xf32>
            %swap3A_580 = vector.shape_cast %scan3A_388 : vector<16xf32> to vector<16xf32>
            tpu.vector_store %arg14[%swap3A_577], %swap3A_580 {strides = array<i32>} : memref<256xf32, #tpu.memory_space<vmem>>, vector<16xf32>,
            %swap3A_581 = arith.constant 128 : index
            %swap3A_582 = tpu.vector_load %arg14[%swap3A_581] {strides = array<i32>} : memref<256xf32, #tpu.memory_space<vmem>>, vector<16xf32>,
            %swap3A_583 = vector.shape_cast %swap3A_582 : vector<16xf32> to vector<16xf32>
            %swap3A_584 = vector.shape_cast %scan3A_389 : vector<16xf32> to vector<16xf32>
            tpu.vector_store %arg14[%swap3A_581], %swap3A_584 {strides = array<i32>} : memref<256xf32, #tpu.memory_space<vmem>>, vector<16xf32>,
            %swap3A_585 = arith.constant 144 : index
            %swap3A_586 = tpu.vector_load %arg14[%swap3A_585] {strides = array<i32>} : memref<256xf32, #tpu.memory_space<vmem>>, vector<16xf32>,
            %swap3A_587 = vector.shape_cast %swap3A_586 : vector<16xf32> to vector<16xf32>
            %swap3A_588 = vector.shape_cast %scan3A_390 : vector<16xf32> to vector<16xf32>
            tpu.vector_store %arg14[%swap3A_585], %swap3A_588 {strides = array<i32>} : memref<256xf32, #tpu.memory_space<vmem>>, vector<16xf32>,
            %swap3A_589 = arith.constant 160 : index
            %swap3A_590 = tpu.vector_load %arg14[%swap3A_589] {strides = array<i32>} : memref<256xf32, #tpu.memory_space<vmem>>, vector<16xf32>,
            %swap3A_591 = vector.shape_cast %swap3A_590 : vector<16xf32> to vector<16xf32>
            %swap3A_592 = vector.shape_cast %scan3A_391 : vector<16xf32> to vector<16xf32>
            tpu.vector_store %arg14[%swap3A_589], %swap3A_592 {strides = array<i32>} : memref<256xf32, #tpu.memory_space<vmem>>, vector<16xf32>,
            %swap3A_593 = arith.constant 176 : index
            %swap3A_594 = tpu.vector_load %arg14[%swap3A_593] {strides = array<i32>} : memref<256xf32, #tpu.memory_space<vmem>>, vector<16xf32>,
            %swap3A_595 = vector.shape_cast %swap3A_594 : vector<16xf32> to vector<16xf32>
            %swap3A_596 = vector.shape_cast %scan3A_392 : vector<16xf32> to vector<16xf32>
            tpu.vector_store %arg14[%swap3A_593], %swap3A_596 {strides = array<i32>} : memref<256xf32, #tpu.memory_space<vmem>>, vector<16xf32>,
            %swap3A_597 = arith.constant 192 : index
            %swap3A_598 = tpu.vector_load %arg14[%swap3A_597] {strides = array<i32>} : memref<256xf32, #tpu.memory_space<vmem>>, vector<16xf32>,
            %swap3A_599 = vector.shape_cast %swap3A_598 : vector<16xf32> to vector<16xf32>
            %swap3A_600 = vector.shape_cast %scan3A_393 : vector<16xf32> to vector<16xf32>
            tpu.vector_store %arg14[%swap3A_597], %swap3A_600 {strides = array<i32>} : memref<256xf32, #tpu.memory_space<vmem>>, vector<16xf32>,
            %swap3A_601 = arith.constant 208 : index
            %swap3A_602 = tpu.vector_load %arg14[%swap3A_601] {strides = array<i32>} : memref<256xf32, #tpu.memory_space<vmem>>, vector<16xf32>,
            %swap3A_603 = vector.shape_cast %swap3A_602 : vector<16xf32> to vector<16xf32>
            %swap3A_604 = vector.shape_cast %scan3A_394 : vector<16xf32> to vector<16xf32>
            tpu.vector_store %arg14[%swap3A_601], %swap3A_604 {strides = array<i32>} : memref<256xf32, #tpu.memory_space<vmem>>, vector<16xf32>,
            %swap3A_605 = arith.constant 224 : index
            %swap3A_606 = tpu.vector_load %arg14[%swap3A_605] {strides = array<i32>} : memref<256xf32, #tpu.memory_space<vmem>>, vector<16xf32>,
            %swap3A_607 = vector.shape_cast %swap3A_606 : vector<16xf32> to vector<16xf32>
            %swap3A_608 = vector.shape_cast %scan3A_395 : vector<16xf32> to vector<16xf32>
            tpu.vector_store %arg14[%swap3A_605], %swap3A_608 {strides = array<i32>} : memref<256xf32, #tpu.memory_space<vmem>>, vector<16xf32>,
            %swap3A_609 = arith.constant 240 : index
            %swap3A_610 = tpu.vector_load %arg14[%swap3A_609] {strides = array<i32>} : memref<256xf32, #tpu.memory_space<vmem>>, vector<16xf32>,
            %swap3A_611 = vector.shape_cast %swap3A_610 : vector<16xf32> to vector<16xf32>
            %swap3A_612 = vector.shape_cast %scan3A_396 : vector<16xf32> to vector<16xf32>
            tpu.vector_store %arg14[%swap3A_609], %swap3A_612 {strides = array<i32>} : memref<256xf32, #tpu.memory_space<vmem>>, vector<16xf32>,
            %mul3A_613 = arith.constant 256 : i32
            %mul3A_614 = arith.muli %scan3A_379, %mul3A_613 : i32
            "tpu.region"() ({
              %run_scoped3A = tpu.sem_alloc : memref<!tpu.dma_semaphore, #tpu.memory_space<semaphore_mem>>
              %dma_start3A = tpu.memref_slice %arg18[%mul3A_614] : memref<262144xf32, #tpu.memory_space<vmem_shared>> -> memref<256xf32, #tpu.memory_space<vmem_shared>>
              %dma_start3A_615 = tpu.memref_slice %arg18[%mul3A_614] : memref<262144xf32, #tpu.memory_space<vmem_shared>> -> memref<256xf32, #tpu.memory_space<vmem_shared>>
              tpu.enqueue_dma source(%arg14 : memref<256xf32, #tpu.memory_space<vmem>>) target(%dma_start3A_615 : memref<256xf32, #tpu.memory_space<vmem_shared>>) target_semaphore(%run_scoped3A : memref<!tpu.dma_semaphore, #tpu.memory_space<semaphore_mem>>)
              %dma_wait3A = tpu.memref_slice %arg18[%mul3A_614] : memref<262144xf32, #tpu.memory_space<vmem_shared>> -> memref<256xf32, #tpu.memory_space<vmem_shared>>
              %dma_wait3A_616 = tpu.memref_slice %arg18[%mul3A_614] : memref<262144xf32, #tpu.memory_space<vmem_shared>> -> memref<256xf32, #tpu.memory_space<vmem_shared>>
              tpu.wait_dma2 semaphore(%run_scoped3A : memref<!tpu.dma_semaphore, #tpu.memory_space<semaphore_mem>>) src(%arg14 : memref<256xf32, #tpu.memory_space<vmem>>) dst(%dma_wait3A_616 : memref<256xf32, #tpu.memory_space<vmem_shared>>)
              tpu.yield
            }) : () -> ()
          } else {
          }
        } else {
        }
        %jit3A_477 = arith.constant 1.000000e+00 : f32
        %jit3A_478 = arith.constant 0.000000e+00 : f32
        %select_n3A_479 = arith.select %eq3A_470, %jit3A_477, %jit3A_478 : f32
        %broadcast_in_dim3A_480 = vector.broadcast %select_n3A_479 : f32 to vector<16xf32>
        %mul3A_481 = arith.mulf %scan3A_381, %broadcast_in_dim3A_480 : vector<16xf32>
        %mul3A_482 = arith.mulf %broadcast_in_dim3A_400, %get3A_409 : vector<16xf32>
        %add3A_483 = arith.addf %mul3A_481, %mul3A_482 : vector<16xf32>
        %mul3A_484 = arith.mulf %scan3A_382, %broadcast_in_dim3A_480 : vector<16xf32>
        %mul3A_485 = arith.mulf %broadcast_in_dim3A_400, %get3A_413 : vector<16xf32>
        %add3A_486 = arith.addf %mul3A_484, %mul3A_485 : vector<16xf32>
        %mul3A_487 = arith.mulf %scan3A_383, %broadcast_in_dim3A_480 : vector<16xf32>
        %mul3A_488 = arith.mulf %broadcast_in_dim3A_400, %get3A_417 : vector<16xf32>
        %add3A_489 = arith.addf %mul3A_487, %mul3A_488 : vector<16xf32>
        %mul3A_490 = arith.mulf %scan3A_384, %broadcast_in_dim3A_480 : vector<16xf32>
        %mul3A_491 = arith.mulf %broadcast_in_dim3A_400, %get3A_421 : vector<16xf32>
        %add3A_492 = arith.addf %mul3A_490, %mul3A_491 : vector<16xf32>
        %mul3A_493 = arith.mulf %scan3A_385, %broadcast_in_dim3A_480 : vector<16xf32>
        %mul3A_494 = arith.mulf %broadcast_in_dim3A_400, %get3A_425 : vector<16xf32>
        %add3A_495 = arith.addf %mul3A_493, %mul3A_494 : vector<16xf32>
        %mul3A_496 = arith.mulf %scan3A_386, %broadcast_in_dim3A_480 : vector<16xf32>
        %mul3A_497 = arith.mulf %broadcast_in_dim3A_400, %get3A_429 : vector<16xf32>
        %add3A_498 = arith.addf %mul3A_496, %mul3A_497 : vector<16xf32>
        %mul3A_499 = arith.mulf %scan3A_387, %broadcast_in_dim3A_480 : vector<16xf32>
        %mul3A_500 = arith.mulf %broadcast_in_dim3A_400, %get3A_433 : vector<16xf32>
        %add3A_501 = arith.addf %mul3A_499, %mul3A_500 : vector<16xf32>
        %mul3A_502 = arith.mulf %scan3A_388, %broadcast_in_dim3A_480 : vector<16xf32>
        %mul3A_503 = arith.mulf %broadcast_in_dim3A_400, %get3A_437 : vector<16xf32>
        %add3A_504 = arith.addf %mul3A_502, %mul3A_503 : vector<16xf32>
        %mul3A_505 = arith.mulf %scan3A_389, %broadcast_in_dim3A_480 : vector<16xf32>
        %mul3A_506 = arith.mulf %broadcast_in_dim3A_400, %get3A_441 : vector<16xf32>
        %add3A_507 = arith.addf %mul3A_505, %mul3A_506 : vector<16xf32>
        %mul3A_508 = arith.mulf %scan3A_390, %broadcast_in_dim3A_480 : vector<16xf32>
        %mul3A_509 = arith.mulf %broadcast_in_dim3A_400, %get3A_445 : vector<16xf32>
        %add3A_510 = arith.addf %mul3A_508, %mul3A_509 : vector<16xf32>
        %mul3A_511 = arith.mulf %scan3A_391, %broadcast_in_dim3A_480 : vector<16xf32>
        %mul3A_512 = arith.mulf %broadcast_in_dim3A_400, %get3A_449 : vector<16xf32>
        %add3A_513 = arith.addf %mul3A_511, %mul3A_512 : vector<16xf32>
        %mul3A_514 = arith.mulf %scan3A_392, %broadcast_in_dim3A_480 : vector<16xf32>
        %mul3A_515 = arith.mulf %broadcast_in_dim3A_400, %get3A_453 : vector<16xf32>
        %add3A_516 = arith.addf %mul3A_514, %mul3A_515 : vector<16xf32>
        %mul3A_517 = arith.mulf %scan3A_393, %broadcast_in_dim3A_480 : vector<16xf32>
        %mul3A_518 = arith.mulf %broadcast_in_dim3A_400, %get3A_457 : vector<16xf32>
        %add3A_519 = arith.addf %mul3A_517, %mul3A_518 : vector<16xf32>
        %mul3A_520 = arith.mulf %scan3A_394, %broadcast_in_dim3A_480 : vector<16xf32>
        %mul3A_521 = arith.mulf %broadcast_in_dim3A_400, %get3A_461 : vector<16xf32>
        %add3A_522 = arith.addf %mul3A_520, %mul3A_521 : vector<16xf32>
        %mul3A_523 = arith.mulf %scan3A_395, %broadcast_in_dim3A_480 : vector<16xf32>
        %mul3A_524 = arith.mulf %broadcast_in_dim3A_400, %get3A_465 : vector<16xf32>
        %add3A_525 = arith.addf %mul3A_523, %mul3A_524 : vector<16xf32>
        %mul3A_526 = arith.mulf %scan3A_396, %broadcast_in_dim3A_480 : vector<16xf32>
        %mul3A_527 = arith.mulf %broadcast_in_dim3A_400, %get3A_469 : vector<16xf32>
        %add3A_528 = arith.addf %mul3A_526, %mul3A_527 : vector<16xf32>
        %lt3A_529 = arith.constant 0 : i32
        %lt3A_530 = arith.cmpi slt, %scan3A_379, %lt3A_529 : i32
        %select_n3A_531 = arith.select %lt3A_530, %squeeze3A_405, %scan3A_380 : i32
        scf.yield %squeeze3A_405, %select_n3A_531, %add3A_483, %add3A_486, %add3A_489, %add3A_492, %add3A_495, %add3A_498, %add3A_501, %add3A_504, %add3A_507, %add3A_510, %add3A_513, %add3A_516, %add3A_519, %add3A_522, %add3A_525, %add3A_528 : i32, i32, vector<16xf32>, vector<16xf32>, vector<16xf32>, vector<16xf32>, vector<16xf32>, vector<16xf32>, vector<16xf32>, vector<16xf32>, vector<16xf32>, vector<16xf32>, vector<16xf32>, vector<16xf32>, vector<16xf32>, vector<16xf32>, vector<16xf32>, vector<16xf32>
      }
      %scan3A_366 = arith.constant 80 : i32
      %add3A_367 = arith.constant 3 : i32
      %add3A_368 = arith.addi %mul3A_316, %add3A_367 : i32
      %add3A_369 = arith.addi %add3A_203, %add3A_368 : i32
      %mul3A_370 = arith.constant 80 : i32
      %mul3A_371 = arith.muli %add3A_369, %mul3A_370 : i32
      %add3A_372 = arith.constant 0 : i32
      %add3A_373 = arith.addi %add3A_372, %mul3A_371 : i32
      %lt3A_374 = arith.cmpi slt, %add3A_368, %add3A_207 : i32
      %convert_element_type3A_375 = arith.extui %lt3A_374 : i1 to i32
      %cond3A_376 = arith.constant 0 : i32
      %cond3A_377 = arith.cmpi ne, %convert_element_type3A_375, %cond3A_376 : i32
      scf.if %cond3A_377 {
        %dma_start3A = arith.constant 0 : i32
        %dma_start3A_378 = tpu.memref_slice %arg2[%add3A_373, %dma_start3A] : memref<50000x256xf32, #tpu.memory_space<hbm>> -> memref<80x256xf32, #tpu.memory_space<hbm>>
        %dma_start3A_379 = arith.constant 0 : i32
        %dma_start3A_380 = tpu.memref_slice %arg2[%add3A_373, %dma_start3A_379] : memref<50000x256xf32, #tpu.memory_space<hbm>> -> memref<80x256xf32, #tpu.memory_space<hbm>>
        tpu.enqueue_dma source(%dma_start3A_380 : memref<80x256xf32, #tpu.memory_space<hbm>>) target(%arg9 : memref<80x256xf32, #tpu.memory_space<vmem>>) target_semaphore(%arg20 : memref<!tpu.dma_semaphore, #tpu.memory_space<semaphore_mem>>)
        %dma_start3A_381 = arith.constant 0 : i32
        %dma_start3A_382 = tpu.memref_slice %arg11[%dma_start3A_381] : memref<96xf32, #tpu.memory_space<vmem>> -> memref<80xf32, #tpu.memory_space<vmem>>
        %dma_start3A_383 = tpu.memref_slice %arg3[%mul3A_371] : memref<26000xf32, #tpu.memory_space<hbm>> -> memref<80xf32, #tpu.memory_space<hbm>>
        %dma_start3A_384 = arith.constant 0 : i32
        %dma_start3A_385 = tpu.memref_slice %arg11[%dma_start3A_384] : memref<96xf32, #tpu.memory_space<vmem>> -> memref<80xf32, #tpu.memory_space<vmem>>
        %dma_start3A_386 = tpu.memref_slice %arg3[%mul3A_371] : memref<26000xf32, #tpu.memory_space<hbm>> -> memref<80xf32, #tpu.memory_space<hbm>>
        tpu.enqueue_dma source(%dma_start3A_386 : memref<80xf32, #tpu.memory_space<hbm>>) target(%dma_start3A_385 : memref<80xf32, #tpu.memory_space<vmem>>) target_semaphore(%arg20 : memref<!tpu.dma_semaphore, #tpu.memory_space<semaphore_mem>>)
        %dma_start3A_387 = arith.constant 0 : i32
        %dma_start3A_388 = tpu.memref_slice %arg13[%dma_start3A_387] : memref<96xi32, #tpu.memory_space<vmem>> -> memref<80xi32, #tpu.memory_space<vmem>>
        %dma_start3A_389 = tpu.memref_slice %arg4[%add3A_373] : memref<50000xi32, #tpu.memory_space<hbm>> -> memref<80xi32, #tpu.memory_space<hbm>>
        %dma_start3A_390 = arith.constant 0 : i32
        %dma_start3A_391 = tpu.memref_slice %arg13[%dma_start3A_390] : memref<96xi32, #tpu.memory_space<vmem>> -> memref<80xi32, #tpu.memory_space<vmem>>
        %dma_start3A_392 = tpu.memref_slice %arg4[%add3A_373] : memref<50000xi32, #tpu.memory_space<hbm>> -> memref<80xi32, #tpu.memory_space<hbm>>
        tpu.enqueue_dma source(%dma_start3A_392 : memref<80xi32, #tpu.memory_space<hbm>>) target(%dma_start3A_391 : memref<80xi32, #tpu.memory_space<vmem>>) target_semaphore(%arg20 : memref<!tpu.dma_semaphore, #tpu.memory_space<semaphore_mem>>)
      } else {
      }
      scf.yield %scan3A_365#0, %scan3A_365#1, %scan3A_365#2, %scan3A_365#3, %scan3A_365#4, %scan3A_365#5, %scan3A_365#6, %scan3A_365#7, %scan3A_365#8, %scan3A_365#9, %scan3A_365#10, %scan3A_365#11, %scan3A_365#12, %scan3A_365#13, %scan3A_365#14, %scan3A_365#15, %scan3A_365#16, %scan3A_365#17 : i32, i32, vector<16xf32>, vector<16xf32>, vector<16xf32>, vector<16xf32>, vector<16xf32>, vector<16xf32>, vector<16xf32>, vector<16xf32>, vector<16xf32>, vector<16xf32>, vector<16xf32>, vector<16xf32>, vector<16xf32>, vector<16xf32>, vector<16xf32>, vector<16xf32>
    }
    %scan3A_272 = arith.constant 7 : i32
    %iota3A = tpu.iota {dimensions = array<i32: 0>} : vector<16xi32>
    %eq3A = arith.constant 0 : i32
    %eq3A_273 = vector.broadcast %eq3A : i32 to vector<16xi32>
    %eq3A_274 = arith.cmpi eq, %iota3A, %eq3A_273 : vector<16xi32>
    %get3A = arith.constant 0 : index
    %get3A_275 = tpu.vector_load %arg16[%get3A] {strides = array<i32>} : memref<16xi32, #tpu.memory_space<vmem>>, vector<16xi32>,
    %get3A_276 = vector.shape_cast %get3A_275 : vector<16xi32> to vector<16xi32>
    %broadcast_in_dim3A_277 = vector.broadcast %scan3A_271#1 : i32 to vector<16xi32>
    %select_n3A_278 = arith.select %eq3A_274, %broadcast_in_dim3A_277, %get3A_276 : vector<16xi1>, vector<16xi32>
    %swap3A_279 = arith.constant 0 : index
    %swap3A_280 = tpu.vector_load %arg16[%swap3A_279] {strides = array<i32>} : memref<16xi32, #tpu.memory_space<vmem>>, vector<16xi32>,
    %swap3A_281 = vector.shape_cast %swap3A_280 : vector<16xi32> to vector<16xi32>
    %swap3A_282 = vector.shape_cast %select_n3A_278 : vector<16xi32> to vector<16xi32>
    tpu.vector_store %arg16[%swap3A_279], %swap3A_282 {strides = array<i32>} : memref<16xi32, #tpu.memory_space<vmem>>, vector<16xi32>,
    %mul3A_283 = arith.constant 2 : i32
    %mul3A_284 = arith.muli %add3A, %mul3A_283 : i32
    %mul3A_285 = arith.constant 256 : i32
    %mul3A_286 = arith.muli %mul3A_284, %mul3A_285 : i32
    "tpu.region"() ({
      %run_scoped3A = tpu.sem_alloc : memref<!tpu.dma_semaphore, #tpu.memory_space<semaphore_mem>>
      %dma_start3A = tpu.memref_slice %arg6[%mul3A_286] : memref<16384xf32, #tpu.memory_space<hbm>> -> memref<512xf32, #tpu.memory_space<hbm>>
      %dma_start3A_296 = tpu.memref_slice %arg6[%mul3A_286] : memref<16384xf32, #tpu.memory_space<hbm>> -> memref<512xf32, #tpu.memory_space<hbm>>
      tpu.enqueue_dma source(%arg15 : memref<512xf32, #tpu.memory_space<vmem>>) target(%dma_start3A_296 : memref<512xf32, #tpu.memory_space<hbm>>) target_semaphore(%run_scoped3A : memref<!tpu.dma_semaphore, #tpu.memory_space<semaphore_mem>>)
      %dma_wait3A = tpu.memref_slice %arg6[%mul3A_286] : memref<16384xf32, #tpu.memory_space<hbm>> -> memref<512xf32, #tpu.memory_space<hbm>>
      %dma_wait3A_297 = tpu.memref_slice %arg6[%mul3A_286] : memref<16384xf32, #tpu.memory_space<hbm>> -> memref<512xf32, #tpu.memory_space<hbm>>
      tpu.wait_dma2 semaphore(%run_scoped3A : memref<!tpu.dma_semaphore, #tpu.memory_space<semaphore_mem>>) src(%arg15 : memref<512xf32, #tpu.memory_space<vmem>>) dst(%dma_wait3A_297 : memref<512xf32, #tpu.memory_space<hbm>>)
      tpu.yield
    }) : () -> ()
    "tpu.region"() ({
      %run_scoped3A = tpu.sem_alloc : memref<!tpu.dma_semaphore, #tpu.memory_space<semaphore_mem>>
      %dma_start3A = arith.constant 0 : i32
      %dma_start3A_296 = tpu.memref_slice %arg7[%add3A, %dma_start3A] : memref<32x16xi32, #tpu.memory_space<hbm>> -> memref<1x16xi32, #tpu.memory_space<hbm>>
      %dma_start3A_297 = tpu.memref_squeeze %dma_start3A_296 : memref<1x16xi32, #tpu.memory_space<hbm>> -> memref<16xi32, #tpu.memory_space<hbm>>
      %dma_start3A_298 = arith.constant 0 : i32
      %dma_start3A_299 = tpu.memref_slice %arg7[%add3A, %dma_start3A_298] : memref<32x16xi32, #tpu.memory_space<hbm>> -> memref<1x16xi32, #tpu.memory_space<hbm>>
      %dma_start3A_300 = tpu.memref_squeeze %dma_start3A_299 : memref<1x16xi32, #tpu.memory_space<hbm>> -> memref<16xi32, #tpu.memory_space<hbm>>
      tpu.enqueue_dma source(%arg16 : memref<16xi32, #tpu.memory_space<vmem>>) target(%dma_start3A_300 : memref<16xi32, #tpu.memory_space<hbm>>) target_semaphore(%run_scoped3A : memref<!tpu.dma_semaphore, #tpu.memory_space<semaphore_mem>>)
      %dma_wait3A = arith.constant 0 : i32
      %dma_wait3A_301 = tpu.memref_slice %arg7[%add3A, %dma_wait3A] : memref<32x16xi32, #tpu.memory_space<hbm>> -> memref<1x16xi32, #tpu.memory_space<hbm>>
      %dma_wait3A_302 = tpu.memref_squeeze %dma_wait3A_301 : memref<1x16xi32, #tpu.memory_space<hbm>> -> memref<16xi32, #tpu.memory_space<hbm>>
      %dma_wait3A_303 = arith.constant 0 : i32
      %dma_wait3A_304 = tpu.memref_slice %arg7[%add3A, %dma_wait3A_303] : memref<32x16xi32, #tpu.memory_space<hbm>> -> memref<1x16xi32, #tpu.memory_space<hbm>>
      %dma_wait3A_305 = tpu.memref_squeeze %dma_wait3A_304 : memref<1x16xi32, #tpu.memory_space<hbm>> -> memref<16xi32, #tpu.memory_space<hbm>>
      tpu.wait_dma2 semaphore(%run_scoped3A : memref<!tpu.dma_semaphore, #tpu.memory_space<semaphore_mem>>) src(%arg16 : memref<16xi32, #tpu.memory_space<vmem>>) dst(%dma_wait3A_305 : memref<16xi32, #tpu.memory_space<hbm>>)
      tpu.yield
    }) : () -> ()
    %barrier3A_287 = arith.constant 0 : index
    tpu.barrier barrier_id(%barrier3A_287)
    %mul3A_288 = arith.constant 64 : i32
    %mul3A_289 = arith.muli %arg1, %mul3A_288 : i32
    %mul3A_290 = arith.constant 256 : i32
    %mul3A_291 = arith.muli %mul3A_289, %mul3A_290 : i32
    %mul3A_292 = arith.constant 64 : i32
    %mul3A_293 = arith.muli %arg1, %mul3A_292 : i32
    %mul3A_294 = arith.constant 256 : i32
    %mul3A_295 = arith.muli %mul3A_293, %mul3A_294 : i32
    "tpu.region"() ({
      %run_scoped3A = tpu.sem_alloc : memref<!tpu.dma_semaphore, #tpu.memory_space<semaphore_mem>>
      %dma_start3A = tpu.memref_slice %arg5[%arg0, %mul3A_295] : memref<2x262144xf32, #tpu.memory_space<hbm>> -> memref<1x16384xf32, #tpu.memory_space<hbm>>
      %dma_start3A_296 = tpu.memref_squeeze %dma_start3A : memref<1x16384xf32, #tpu.memory_space<hbm>> -> memref<16384xf32, #tpu.memory_space<hbm>>
      %dma_start3A_297 = tpu.memref_slice %arg18[%mul3A_291] : memref<262144xf32, #tpu.memory_space<vmem_shared>> -> memref<16384xf32, #tpu.memory_space<vmem_shared>>
      tpu.enqueue_dma source(%dma_start3A_297 : memref<16384xf32, #tpu.memory_space<vmem_shared>>) target(%dma_start3A_296 : memref<16384xf32, #tpu.memory_space<hbm>>) target_semaphore(%run_scoped3A : memref<!tpu.dma_semaphore, #tpu.memory_space<semaphore_mem>>)
      %dma_wait3A = tpu.memref_slice %arg5[%arg0, %mul3A_295] : memref<2x262144xf32, #tpu.memory_space<hbm>> -> memref<1x16384xf32, #tpu.memory_space<hbm>>
      %dma_wait3A_298 = tpu.memref_squeeze %dma_wait3A : memref<1x16384xf32, #tpu.memory_space<hbm>> -> memref<16384xf32, #tpu.memory_space<hbm>>
      %dma_wait3A_299 = tpu.memref_slice %arg18[%mul3A_291] : memref<262144xf32, #tpu.memory_space<vmem_shared>> -> memref<16384xf32, #tpu.memory_space<vmem_shared>>
      tpu.wait_dma2 semaphore(%run_scoped3A : memref<!tpu.dma_semaphore, #tpu.memory_space<semaphore_mem>>) src(%dma_wait3A_299 : memref<16384xf32, #tpu.memory_space<vmem_shared>>) dst(%dma_wait3A_298 : memref<16384xf32, #tpu.memory_space<hbm>>)
      tpu.yield
    }) : () -> ()
    return
  }
}

module attributes {stable_mosaic.version = 14 : i64} {
  func.func @_gate_body(%arg0: i32, %arg1: memref<2000x256xf32, #tpu.memory_space<vmem>>, %arg2: memref<1x256xf32, #tpu.memory_space<vmem>>, %arg3: memref<1x1xf32, #tpu.memory_space<vmem>>, %arg4: memref<1x1x2000xf32, #tpu.memory_space<vmem>>) attributes {dimension_semantics = [#tpu.dimension_semantics<arbitrary>], iteration_bounds = array<i64: 12>, scalar_prefetch = 0 : i64, scratch_operands = 0 : i64, tpu.core_type = #tpu.core_type<tc>, window_params = [{transform_indices = @transform_0, window_bounds = array<i64: 2000, 256>}, {pipeline_mode = #tpu.pipeline_mode<synchronous>, transform_indices = @transform_1, window_bounds = array<i64: 1, 256>}, {pipeline_mode = #tpu.pipeline_mode<synchronous>, transform_indices = @transform_2, window_bounds = array<i64: 1, 1>}, {transform_indices = @transform_3, window_bounds = array<i64: 1, 1, 2000>}]} {
    %get3A = arith.constant 0 : index
    %get3A_0 = arith.constant 0 : index
    %get3A_1 = vector.load %arg1[%get3A, %get3A_0] : memref<2000x256xf32, #tpu.memory_space<vmem>>, vector<2000x256xf32>
    %get3A_2 = arith.constant 0 : index
    %get3A_3 = arith.constant 0 : index
    %get3A_4 = vector.load %arg2[%get3A_2, %get3A_3] : memref<1x256xf32, #tpu.memory_space<vmem>>, vector<1x256xf32>
    %mul3A = vector.broadcast %get3A_4 : vector<1x256xf32> to vector<2000x256xf32>
    %mul3A_5 = arith.mulf %get3A_1, %mul3A : vector<2000x256xf32>
    %reduce_sum3A = arith.constant dense<0.000000e+00> : vector<2000xf32>
    %reduce_sum3A_6 = vector.multi_reduction <add>, %mul3A_5, %reduce_sum3A [1] : vector<2000x256xf32> to vector<2000xf32>
    %get3A_7 = arith.constant 0 : index
    %get3A_8 = arith.constant 0 : index
    %get3A_9 = vector.load %arg3[%get3A_7, %get3A_8] : memref<1x1xf32, #tpu.memory_space<vmem>>, vector<1x1xf32>
    %get3A_10 = vector.extract %get3A_9[0, 0] : f32 from vector<1x1xf32>
    %add3A = vector.broadcast %get3A_10 : f32 to vector<2000xf32>
    %add3A_11 = arith.addf %reduce_sum3A_6, %add3A : vector<2000xf32>
    %logistic3A = arith.negf %add3A_11 : vector<2000xf32>
    %logistic3A_12 = math.exp %logistic3A : vector<2000xf32>
    %logistic3A_13 = arith.constant 1.000000e+00 : f32
    %logistic3A_14 = vector.broadcast %logistic3A_13 : f32 to vector<2000xf32>
    %logistic3A_15 = arith.addf %logistic3A_14, %logistic3A_12 : vector<2000xf32>
    %logistic3A_16 = arith.divf %logistic3A_14, %logistic3A_15 : vector<2000xf32>
    %broadcast_in_dim3A = vector.shape_cast %logistic3A_16 : vector<2000xf32> to vector<1x1x2000xf32>
    %swap3A = arith.constant 0 : index
    %swap3A_17 = arith.constant 0 : index
    %swap3A_18 = arith.constant 0 : index
    %swap3A_19 = vector.load %arg4[%swap3A, %swap3A_17, %swap3A_18] : memref<1x1x2000xf32, #tpu.memory_space<vmem>>, vector<1x1x2000xf32>
    tpu.vector_store %arg4[%swap3A, %swap3A_17, %swap3A_18], %broadcast_in_dim3A {strides = array<i32>} : memref<1x1x2000xf32, #tpu.memory_space<vmem>>, vector<1x1x2000xf32>,
    return
  }
  func.func @transform_0(%arg0: i32) -> (i32, i32) {
    %add3A = arith.constant 13 : i32
    %add3A_0 = arith.addi %arg0, %add3A : i32
    %c0_i32 = arith.constant 0 : i32
    %c0_i32_1 = arith.constant 0 : i32
    return %add3A_0, %c0_i32 : i32, i32
  }
  func.func @transform_1(%arg0: i32) -> (i32, i32) {
    %c0_i32 = arith.constant 0 : i32
    %c0_i32_0 = arith.constant 0 : i32
    %c0_i32_1 = arith.constant 0 : i32
    return %c0_i32, %c0_i32_0 : i32, i32
  }
  func.func @transform_2(%arg0: i32) -> (i32, i32) {
    %c0_i32 = arith.constant 0 : i32
    %c0_i32_0 = arith.constant 0 : i32
    %c0_i32_1 = arith.constant 0 : i32
    return %c0_i32, %c0_i32_0 : i32, i32
  }
  func.func @transform_3(%arg0: i32) -> (i32, i32, i32) {
    %c0_i32 = arith.constant 0 : i32
    %c0_i32_0 = arith.constant 0 : i32
    %c0_i32_1 = arith.constant 0 : i32
    return %arg0, %c0_i32, %c0_i32_0 : i32, i32, i32
  }
}

module attributes {stable_mosaic.version = 14 : i64} {
  func.func @_gate_body(%arg0: i32, %arg1: memref<2000x256xf32, #tpu.memory_space<vmem>>, %arg2: memref<1x256xf32, #tpu.memory_space<vmem>>, %arg3: memref<1x1xf32, #tpu.memory_space<vmem>>, %arg4: memref<1x1x2000xf32, #tpu.memory_space<vmem>>) attributes {dimension_semantics = [#tpu.dimension_semantics<arbitrary>], iteration_bounds = array<i64: 13>, scalar_prefetch = 0 : i64, scratch_operands = 0 : i64, tpu.core_type = #tpu.core_type<tc>, window_params = [{transform_indices = @transform_0, window_bounds = array<i64: 2000, 256>}, {pipeline_mode = #tpu.pipeline_mode<synchronous>, transform_indices = @transform_1, window_bounds = array<i64: 1, 256>}, {pipeline_mode = #tpu.pipeline_mode<synchronous>, transform_indices = @transform_2, window_bounds = array<i64: 1, 1>}, {transform_indices = @transform_3, window_bounds = array<i64: 1, 1, 2000>}]} {
    %get3A = arith.constant 0 : index
    %get3A_0 = arith.constant 0 : index
    %get3A_1 = vector.load %arg1[%get3A, %get3A_0] : memref<2000x256xf32, #tpu.memory_space<vmem>>, vector<2000x256xf32>
    %get3A_2 = arith.constant 0 : index
    %get3A_3 = arith.constant 0 : index
    %get3A_4 = vector.load %arg2[%get3A_2, %get3A_3] : memref<1x256xf32, #tpu.memory_space<vmem>>, vector<1x256xf32>
    %mul3A = vector.broadcast %get3A_4 : vector<1x256xf32> to vector<2000x256xf32>
    %mul3A_5 = arith.mulf %get3A_1, %mul3A : vector<2000x256xf32>
    %reduce_sum3A = arith.constant dense<0.000000e+00> : vector<2000xf32>
    %reduce_sum3A_6 = vector.multi_reduction <add>, %mul3A_5, %reduce_sum3A [1] : vector<2000x256xf32> to vector<2000xf32>
    %get3A_7 = arith.constant 0 : index
    %get3A_8 = arith.constant 0 : index
    %get3A_9 = vector.load %arg3[%get3A_7, %get3A_8] : memref<1x1xf32, #tpu.memory_space<vmem>>, vector<1x1xf32>
    %get3A_10 = vector.extract %get3A_9[0, 0] : f32 from vector<1x1xf32>
    %add3A = vector.broadcast %get3A_10 : f32 to vector<2000xf32>
    %add3A_11 = arith.addf %reduce_sum3A_6, %add3A : vector<2000xf32>
    %logistic3A = arith.negf %add3A_11 : vector<2000xf32>
    %logistic3A_12 = math.exp %logistic3A : vector<2000xf32>
    %logistic3A_13 = arith.constant 1.000000e+00 : f32
    %logistic3A_14 = vector.broadcast %logistic3A_13 : f32 to vector<2000xf32>
    %logistic3A_15 = arith.addf %logistic3A_14, %logistic3A_12 : vector<2000xf32>
    %logistic3A_16 = arith.divf %logistic3A_14, %logistic3A_15 : vector<2000xf32>
    %broadcast_in_dim3A = vector.shape_cast %logistic3A_16 : vector<2000xf32> to vector<1x1x2000xf32>
    %swap3A = arith.constant 0 : index
    %swap3A_17 = arith.constant 0 : index
    %swap3A_18 = arith.constant 0 : index
    %swap3A_19 = vector.load %arg4[%swap3A, %swap3A_17, %swap3A_18] : memref<1x1x2000xf32, #tpu.memory_space<vmem>>, vector<1x1x2000xf32>
    tpu.vector_store %arg4[%swap3A, %swap3A_17, %swap3A_18], %broadcast_in_dim3A {strides = array<i32>} : memref<1x1x2000xf32, #tpu.memory_space<vmem>>, vector<1x1x2000xf32>,
    return
  }
  func.func @transform_0(%arg0: i32) -> (i32, i32) {
    %add3A = arith.constant 0 : i32
    %add3A_0 = arith.addi %arg0, %add3A : i32
    %c0_i32 = arith.constant 0 : i32
    %c0_i32_1 = arith.constant 0 : i32
    return %add3A_0, %c0_i32 : i32, i32
  }
  func.func @transform_1(%arg0: i32) -> (i32, i32) {
    %c0_i32 = arith.constant 0 : i32
    %c0_i32_0 = arith.constant 0 : i32
    %c0_i32_1 = arith.constant 0 : i32
    return %c0_i32, %c0_i32_0 : i32, i32
  }
  func.func @transform_2(%arg0: i32) -> (i32, i32) {
    %c0_i32 = arith.constant 0 : i32
    %c0_i32_0 = arith.constant 0 : i32
    %c0_i32_1 = arith.constant 0 : i32
    return %c0_i32, %c0_i32_0 : i32, i32
  }
  func.func @transform_3(%arg0: i32) -> (i32, i32, i32) {
    %c0_i32 = arith.constant 0 : i32
    %c0_i32_0 = arith.constant 0 : i32
    %c0_i32_1 = arith.constant 0 : i32
    return %arg0, %c0_i32, %c0_i32_0 : i32, i32, i32
  }
}

module attributes {stable_mosaic.version = 14 : i64} {
  func.func @_combine_body(%arg0: memref<2x1024x256xf32, #tpu.memory_space<vmem>>, %arg1: memref<2x1024x256xf32, #tpu.memory_space<vmem>>, %arg2: memref<64x256xf32, #tpu.memory_space<vmem>>, %arg3: memref<64x256xf32, #tpu.memory_space<vmem>>, %arg4: memref<1x64xi32, #tpu.memory_space<vmem>>, %arg5: memref<1x64xi32, #tpu.memory_space<vmem>>, %arg6: memref<1024x256xf32, #tpu.memory_space<vmem>>) attributes {dimension_semantics = [], scalar_prefetch = 0 : i64, scratch_operands = 0 : i64, tpu.core_type = #tpu.core_type<tc>} {
    %iota3A = tpu.iota {dimensions = array<i32: 0>} : vector<1024x64xi32>
    %get3A = arith.constant 0 : index
    %get3A_0 = arith.constant 0 : index
    %get3A_1 = vector.load %arg4[%get3A, %get3A_0] : memref<1x64xi32, #tpu.memory_space<vmem>>, vector<1x64xi32>
    %eq3A = vector.broadcast %get3A_1 : vector<1x64xi32> to vector<1024x64xi32>
    %eq3A_2 = arith.cmpi eq, %iota3A, %eq3A : vector<1024x64xi32>
    %convert_element_type3A = arith.extui %eq3A_2 : vector<1024x64xi1> to vector<1024x64xi32>
    %convert_element_type3A_3 = arith.sitofp %convert_element_type3A : vector<1024x64xi32> to vector<1024x64xf32>
    %get3A_4 = arith.constant 0 : index
    %get3A_5 = arith.constant 0 : index
    %get3A_6 = vector.load %arg5[%get3A_4, %get3A_5] : memref<1x64xi32, #tpu.memory_space<vmem>>, vector<1x64xi32>
    %eq3A_7 = vector.broadcast %get3A_6 : vector<1x64xi32> to vector<1024x64xi32>
    %eq3A_8 = arith.cmpi eq, %iota3A, %eq3A_7 : vector<1024x64xi32>
    %convert_element_type3A_9 = arith.extui %eq3A_8 : vector<1024x64xi1> to vector<1024x64xi32>
    %convert_element_type3A_10 = arith.sitofp %convert_element_type3A_9 : vector<1024x64xi32> to vector<1024x64xf32>
    %get3A_11 = arith.constant 0 : index
    %get3A_12 = arith.constant 0 : index
    %get3A_13 = vector.load %arg2[%get3A_11, %get3A_12] : memref<64x256xf32, #tpu.memory_space<vmem>>, vector<64x256xf32>
    %dot_general3A = arith.constant dense<0.000000e+00> : vector<1024x256xf32>
    %dot_general3A_14 = tpu.matmul %convert_element_type3A_3, %get3A_13, %dot_general3A {dimension_numbers = #tpu.dot_dimension_numbers<[1], [0], [0], [1], [0, 0, 1, 1], [], []>, transpose_lhs_hint = false} : vector<1024x64xf32>, vector<64x256xf32>, vector<1024x256xf32> -> vector<1024x256xf32>
    %get3A_15 = arith.constant 0 : index
    %get3A_16 = arith.constant 0 : index
    %get3A_17 = vector.load %arg3[%get3A_15, %get3A_16] : memref<64x256xf32, #tpu.memory_space<vmem>>, vector<64x256xf32>
    %dot_general3A_18 = arith.constant dense<0.000000e+00> : vector<1024x256xf32>
    %dot_general3A_19 = tpu.matmul %convert_element_type3A_10, %get3A_17, %dot_general3A_18 {dimension_numbers = #tpu.dot_dimension_numbers<[1], [0], [0], [1], [0, 0, 1, 1], [], []>, transpose_lhs_hint = false} : vector<1024x64xf32>, vector<64x256xf32>, vector<1024x256xf32> -> vector<1024x256xf32>
    %add3A = arith.addf %dot_general3A_14, %dot_general3A_19 : vector<1024x256xf32>
    %get3A_20 = arith.constant 0 : index
    %get3A_21 = arith.constant 0 : index
    %get3A_22 = arith.constant 0 : index
    %get3A_23 = vector.load %arg0[%get3A_20, %get3A_21, %get3A_22] : memref<2x1024x256xf32, #tpu.memory_space<vmem>>, vector<1x1024x256xf32>
    %get3A_24 = vector.shape_cast %get3A_23 : vector<1x1024x256xf32> to vector<1024x256xf32>
    %get3A_25 = arith.constant 1 : index
    %get3A_26 = arith.constant 0 : index
    %get3A_27 = arith.constant 0 : index
    %get3A_28 = vector.load %arg0[%get3A_25, %get3A_26, %get3A_27] : memref<2x1024x256xf32, #tpu.memory_space<vmem>>, vector<1x1024x256xf32>
    %get3A_29 = vector.shape_cast %get3A_28 : vector<1x1024x256xf32> to vector<1024x256xf32>
    %add3A_30 = arith.addf %get3A_24, %get3A_29 : vector<1024x256xf32>
    %get3A_31 = arith.constant 0 : index
    %get3A_32 = arith.constant 0 : index
    %get3A_33 = arith.constant 0 : index
    %get3A_34 = vector.load %arg1[%get3A_31, %get3A_32, %get3A_33] : memref<2x1024x256xf32, #tpu.memory_space<vmem>>, vector<1x1024x256xf32>
    %get3A_35 = vector.shape_cast %get3A_34 : vector<1x1024x256xf32> to vector<1024x256xf32>
    %add3A_36 = arith.addf %add3A_30, %get3A_35 : vector<1024x256xf32>
    %get3A_37 = arith.constant 1 : index
    %get3A_38 = arith.constant 0 : index
    %get3A_39 = arith.constant 0 : index
    %get3A_40 = vector.load %arg1[%get3A_37, %get3A_38, %get3A_39] : memref<2x1024x256xf32, #tpu.memory_space<vmem>>, vector<1x1024x256xf32>
    %get3A_41 = vector.shape_cast %get3A_40 : vector<1x1024x256xf32> to vector<1024x256xf32>
    %add3A_42 = arith.addf %add3A_36, %get3A_41 : vector<1024x256xf32>
    %add3A_43 = arith.addf %add3A_42, %add3A : vector<1024x256xf32>
    %swap3A = arith.constant 0 : index
    %swap3A_44 = arith.constant 0 : index
    %swap3A_45 = vector.load %arg6[%swap3A, %swap3A_44] : memref<1024x256xf32, #tpu.memory_space<vmem>>, vector<1024x256xf32>
    tpu.vector_store %arg6[%swap3A, %swap3A_44], %add3A_43 {strides = array<i32>} : memref<1024x256xf32, #tpu.memory_space<vmem>>, vector<1024x256xf32>,
    return
  }
}

</mosaic_0001>

<sc_bundles>
// kernel: kernel.10.cloned.1.call-start
scs
__scs_entry_jumppad:
0x0: {  	(pc) =	sbr.rel $0x88, $3  }
0x1: {  	(tag) =	ssettag $0x0;
	lr =	simm.s32 $0x1  }
0x2: {  	[smem:$0x3F9D] =	sst lr;
	_ =	strace $0xD0000000  }
0x3: {  	_ = 	snop  }
0x4: {  	_ = 	snop  }
0x5: {  	_ = 	snop  }
0x6: {  	_ = 	snop  }
0x7: {  	_ = 	snop  }
__scs_overlays_trampoline_lowered:
0x8: {  	[smem:$0x3FAC] =	sst s0  }
0x9: {  	[smem:$0x3FAD] =	sst s1  }
0xa: {  	[smem:$0x3FAE] =	sst s2  }
0xb: {  	[smem:$0x3FAF] =	sst s3  }
0xc: {  	[smem:$0x3FB0] =	sst s4  }
0xd: {  	[smem:$0x3FB1] =	sst s5  }
0xe: {  	[smem:$0x3FB2] =	sst s6  }
0xf: {  	[smem:$0x3FB3] =	sst s7  }
0x10: {  	[smem:$0x3FB4] =	sst s8  }
0x11: {  	[smem:$0x3FB5] =	sst s9;
	s0 =	simm.s32 @!p0 $0x0  }
0x12: {  	s1 =	sld [smem:$0x3F9B];
	s0 =	simm.s32 @p0 $0x1  }
0x13: {  	[smem:$0x3FB6] =	sst s0;
	s0 =	simm.s32 @!p1 $0x0  }
0x14: {  	s2 =	sld [smem:$0x3F9A];
	s0 =	simm.s32 @p1 $0x1  }
0x15: {  	[smem:$0x3FB7] =	sst s0;
	s0 =	simm.s32 @!p2 $0x0  }
0x16: {  	s3 =	sld [smem:$0x3FDB];
	s0 =	simm.s32 @p2 $0x1  }
0x17: {  	s4 =	simm.s32 $0x1BF5;
	[smem:$0x3FB9] =	sst s0  }
0x18: {  	s0 =	sld [smem:$0x3F9C];
	_ =	swait.ge [sflag:s4], $0x0  }
0x19: {  	s7 =	sld [smem:$0x3F9D]  }
0x1a: {  	s8 =	sadd.s32 $0xFFFFE003, lr  }
0x1b: {  	s9 =	sadd.s32 $0xFFFFFEF7, lr;
	s5 =	simm.s32 $0xFFFFFFFF;
	p2 =	slt.u32 s8, $0xFFFFF086  }
0x1c: {  	p1 =	slt.u32 s9, $0xF7A;
	s5 =	simm.s32 @!p2 $0x0  }
0x1d: {  	s5 =	simm.s32 @p1 $0x1;
	p0 =	seq.s32 s7, s2  }
0x1e: {  	s7 =	smul.u32 @!p0 $0xF7A, s2;
	p2 =	seq.s32 @!p0 s5, $0x0  }
0x1f: {  	s9 =	smul.u32 $0xF7A, s1;
	s8 =	simm.s32 @!p0 $0x1BF5;
	p2 =	por !p2, p0  }
0x20: {  	[sflag:s8] =	ssyncset.s32 @!p0 $0xFFFFF086;
	s6 =	sadd.s32 @!p0 s3, s7;
	s7 =	simm.s32 @!p0 $0x108  }
0x21: {  	s3 =	sadd.s32 s3, s9;
	s6 =	sadd.s32 @!p0 $0x88, s6;
	s7 =	simm.s32 @p2 $0x1082  }
0x22: {  	[simem:s7], [sflag:s8] =	dma.local @!p0 [hbm:s6], $0xF7A  }
0x23: {  	s9 =	sor.u32 $0xD0000000, s2;
	s6 =	simm.s32 $0x108;
	_ =	swait.ge @!p0 [sflag:s8], $0x0  }
0x24: {  	s3 =	sadd.s32 $0x88, s3;
	s6 =	simm.s32 @!p1 $0x1082;
	[sflag:s4] =	ssyncset.s32 $0xFFFFF086  }
0x25: {  	[simem:s6], [sflag:s4] =	dma.local [hbm:s3], $0xF7A  }
0x26: {  	[smem:$0x3F9D] =	sst s1;
	(tag) =	ssettag s2;
	_ =	strace s9  }
0x27: {  	s1 =	sld [smem:$0x3FAD]  }
0x28: {  	s2 =	sld [smem:$0x3FAE]  }
0x29: {  	s4 =	sld [smem:$0x3FB0]  }
0x2a: {  	p0 =	seq.s32 s5, $0x0;
	s5 =	sld [smem:$0x3FB1]  }
0x2b: {  	s6 =	sld [smem:$0x3FB2]  }
0x2c: {  	s7 =	sld [smem:$0x3FB3]  }
0x2d: {  	s3 =	simm.s32 $0x108;
	s8 =	sld [smem:$0x3FB4]  }
0x2e: {  	s3 =	simm.s32 @!p0 $0x1082;
	s9 =	sld [smem:$0x3FB5]  }
0x2f: {  	lr =	sadd.s32 s0, s3;
	s0 =	sld [smem:$0x3FAC]  }
0x30: {  	s3 =	sld [smem:$0x3FAF]  }
0x31: {  	[smem:$0x3FB8] =	sst s10  }
0x32: {  	s10 =	sld [smem:$0x3FB6];
	_ =	sdelay $0x3  }
0x33: {  	p0 =	seq.s32 s10, $0x1;
	s10 =	sld [smem:$0x3FB8];
	_ =	sdelay $0x3  }
0x34: {  	[smem:$0x3FB8] =	sst s10  }
0x35: {  	s10 =	sld [smem:$0x3FB7];
	_ =	sdelay $0x3  }
0x36: {  	p1 =	seq.s32 s10, $0x1;
	s10 =	sld [smem:$0x3FB8];
	_ =	sdelay $0x3  }
0x37: {  	[smem:$0x3FB8] =	sst s10  }
0x38: {  	s10 =	sld [smem:$0x3FB9]  }
0x39: {  	_ = 	snop;
	(pc) =	sbr.ind lr, $3  }
0x3a: {  	_ = 	snop  }
0x3b: {  	_ = 	snop  }
0x3c: {  	p2 =	seq.s32 s10, $0x1;
	s10 =	sld [smem:$0x3FB8]  }
0x3d: {  	_ =	shalt  }
0x3e: {  	_ =	shalt  }
0x3f: {  	_ =	shalt  }
0x40: {  	_ =	shalt  }
0x41: {  	_ =	shalt  }
0x42: {  	_ =	shalt  }
0x43: {  	_ =	shalt  }
0x44: {  	_ =	shalt  }
0x45: {  	_ =	shalt  }
0x46: {  	_ =	shalt  }
0x47: {  	_ =	shalt  }
0x48: {  	_ =	shalt  }
0x49: {  	_ =	shalt  }
0x4a: {  	_ =	shalt  }
0x4b: {  	_ =	shalt  }
0x4c: {  	_ =	shalt  }
0x4d: {  	_ =	shalt  }
0x4e: {  	_ =	shalt  }
0x4f: {  	_ =	shalt  }
0x50: {  	_ =	shalt  }
0x51: {  	_ =	shalt  }
0x52: {  	_ =	shalt  }
0x53: {  	_ =	shalt  }
0x54: {  	_ =	shalt  }
0x55: {  	_ =	shalt  }
0x56: {  	_ =	shalt  }
0x57: {  	_ =	shalt  }
0x58: {  	_ =	shalt  }
0x59: {  	_ =	shalt  }
0x5a: {  	_ =	shalt  }
0x5b: {  	_ =	shalt  }
0x5c: {  	_ =	shalt  }
0x5d: {  	_ =	shalt  }
0x5e: {  	_ =	shalt  }
0x5f: {  	_ =	shalt  }
0x60: {  	_ =	shalt  }
0x61: {  	_ =	shalt  }
0x62: {  	_ =	shalt  }
0x63: {  	_ =	shalt  }
0x64: {  	_ =	shalt  }
0x65: {  	_ =	shalt  }
0x66: {  	_ =	shalt  }
0x67: {  	_ =	shalt  }
0x68: {  	_ =	shalt  }
0x69: {  	_ =	shalt  }
0x6a: {  	_ =	shalt  }
0x6b: {  	_ =	shalt  }
0x6c: {  	_ =	shalt  }
0x6d: {  	_ =	shalt  }
0x6e: {  	_ =	shalt  }
0x6f: {  	_ =	shalt  }
0x70: {  	_ =	shalt  }
0x71: {  	_ =	shalt  }
0x72: {  	_ =	shalt  }
0x73: {  	_ =	shalt  }
0x74: {  	_ =	shalt  }
0x75: {  	_ =	shalt  }
0x76: {  	_ =	shalt  }
0x77: {  	_ =	shalt  }
0x78: {  	_ =	shalt  }
0x79: {  	_ =	shalt  }
0x7a: {  	_ =	shalt  }
0x7b: {  	_ =	shalt  }
0x7c: {  	_ =	shalt  }
0x7d: {  	_ =	shalt  }
0x7e: {  	_ =	shalt  }
0x7f: {  	_ =	shalt  }
0x80: {  	_ =	shalt  }
0x81: {  	_ =	shalt  }
0x82: {  	_ =	shalt  }
0x83: {  	_ =	shalt  }
0x84: {  	_ =	shalt  }
0x85: {  	_ =	shalt  }
0x86: {  	_ =	shalt  }
0x87: {  	_ =	shalt  }
.Lfunc_end0:
.L_simem_size_0:
called_computation.1_lowered:
.L_overlay_start_0:
0x88: {  	s2 =	sld [smem:$0x3FD9]  }
0x89: {  	s3 =	sld [smem:$0x3FFE];
	_ =	sdelay $0x1  }
0x8a: {  	s1 =	srdreg.scid  }
0x8b: {  	s0 =	sand.u32 $0x1, s1  }
0x8c: {  	s17 =	sshll.u32 s0, $0xA;
	s2 =	sadd.s32 s3, s2  }
0x8d: {  	s2 =	sadd.s32 s2, s17  }
0x8e: {  	[smem:$0x3FC4] =	sst s2  }
0x8f: {  	_ = 	snop  }
0x90: {  	s4 =	sld [smem:$0x3FC9]  }
0x91: {  	s18 =	sld [smem:$0x3FC8];
	(tm) =	ssettm $0x1  }
0x92: {  	s19 =	sld [smem:$0x3FFB];
	_ =	sdelay $0x3  }
0x93: {  	_ =	strace s19  }
0x94: {  	s2 =	sld [smem:$0x3FFC];
	_ =	sdelay $0x3  }
0x95: {  	_ =	strace s2  }
0x96: {  	s2 =	sld [smem:$0x3FFD];
	_ =	sdelay $0x3  }
0x97: {  	_ =	strace s2  }
0x98: {  	_ =	strace $0x8FFFFFFF  }
0x99: {  	s20 =	sld [smem:$0x3FDB];
	_ =	sdelay $0x1  }
0x9a: {  	s5 =	simm.s32 $_scs_section_size  }
0x9b: {  	s6 =	simm.s32 $_size__tile_overlayer_lowered;
	s7 =	simm.s32 $_tile_overlayer_lowered  }
0x9c: {  	s8 =	simm.s32 $0x1BFF;
	s21 =	sshll.u32 s7, $0x1;
	s5 =	sadd.s32 s5, s20  }
0x9d: {  	s22 =	simm.s32 $0x0;
	s6 =	sshll.u32 s6, $0x1;
	s7 =	sadd.s32 s21, s5  }
0x9e: {  	[timem:s22], [sflag:s8] =	dma.local [hbm:s7], s6  }
0x9f: {  	_ =	swait.ge [sflag:s8], s6  }
0xa0: {  	s6 =	ssub.s32 $0x0, s6;
	[sflag:s8] =	ssyncset.done $0x0  }
0xa1: {  	[sflag:s8] =	ssyncadd.s32 s6;
	_ =	sdelay $0x1  }
0xa2: {  	s23 =	simm.s32 $0x1B8B  }
0xa3: {  	_ =	swait.ge [sflag:s23], $0x1  }
0xa4: {  	[sflag:s23] =	ssyncset.done $0x0  }
0xa5: {  	[sflag:s23] =	ssyncadd.s32 $0xFFFFFFFF  }
0xa6: {  	s6 =	sld [smem:$0x0]  }
0xa7: {  	s7 =	sand.u32 $0xFFFFFFFE, s1  }
0xa8: {  	p0 =	sne.s32 s1, s7  }
0xa9: {  	s7 =	sshll.u32 @p0 s7, $0xE  }
0xaa: {  	s7 =	sadd.s32 @p0 $0x11B8D, s7;
	s8 =	sshll.u32 @p0 s6, $0x11  }
0xab: {  	s7 =	sor.u32 @p0 s8, s7  }
0xac: {  	[sflag:s7] =	ssyncadd.remote.s32 @p0 $0x1;
	_ =	sdelay $0x1  }
0xad: {  	s7 =	simm.s32 @p0 $0x1B8D  }
0xae: {  	_ =	swait.eq @p0 [sflag:s7], $0x1  }
0xaf: {  	[sflag:s7] =	ssyncadd.s32 @p0 $0xFFFFFFFF  }
0xb0: {  	s8 =	sshll.u32 @!p0 s1, $0xE  }
0xb1: {  	s8 =	sor.u32 @!p0 $0x4000, s8;
	s7 =	simm.s32 @!p0 $0x1B8D  }
0xb2: {  	s6 =	sshll.u32 @!p0 s6, $0x11;
	s8 =	sadd.s32 @!p0 $0x11B8D, s8;
	_ =	swait.eq @!p0 [sflag:s7], $0x1  }
0xb3: {  	s6 =	sor.u32 @!p0 s6, s8;
	[sflag:s7] =	ssyncadd.s32 @!p0 $0xFFFFFFFF  }
0xb4: {  	s25 =	simm.s32 $0x1B8E;
	s24 =	sld [smem:$0x3FFE];
	[sflag:s6] =	ssyncadd.remote.s32 @!p0 $0x1  }
0xb5: {  	s26 =	simm.s32 $execute0_lowered;
	[smem:$0x3FD2] =	sst s25  }
0xb6: {  	s7 =	sshll.u32 s26, $0x1;
	_ =	strace $0x80000049;
	[dreg:$0x1] =	wrdreg $0xFFFFFFFF  }
0xb7: {  	s28 =	simm.s32 $_size_execute0_lowered;
	s5 =	sadd.s32 s5, s7;
	[dreg:$0x0] =	wrdreg $0x0  }
0xb8: {  	s7 =	sshll.u32 s28, $0x1;
	[dreg:$0x2] =	wrdreg s5  }
0xb9: {  	[dreg:$0x3] =	wrdreg s7  }
0xba: {  	[dreg:$0x4] =	wrdreg $0xC0  }
0xbb: {  	_ =	task [dreg:s22], $0x5FFFF  }
0xbc: {  	[dreg:$0x1] =	wrdreg $0xFFFFFFFF  }
0xbd: {  	[dreg:$0x0] =	wrdreg $0x60  }
0xbe: {  	[dreg:$0x2] =	wrdreg s4  }
0xbf: {  	[dreg:$0x3] =	wrdreg s24  }
0xc0: {  	[dreg:$0x4] =	wrdreg s18  }
0xc1: {  	[dreg:$0x5] =	wrdreg $0xE5800  }
0xc2: {  	[dreg:$0x6] =	wrdreg $0xA  }
0xc3: {  	_ =	task.clear_ibuf [dreg:s22], $0x7FFFF;
	_ =	strace $0x90000049  }
0xc4: {  	s29 =	simm.s32 $0xA;
	_ =	strace $0x8000004B  }
0xc5: {  	_ =	swait.ge [sflag:s29], $0x1  }
0xc6: {  	[sflag:s29] =	ssyncadd.s32 $0xFFFFFFFF  }
0xc7: {  	_ =	strace $0x9000004B  }
0xc8: {  	_ =	sfence  }
0xc9: {  	s30 =	sld [smem:$0x0];
	_ =	sdelay $0x2  }
0xca: {  	s31 =	sshll.u32 s1, $0xD;
	s1 =	sshrl.u32 s1, $0x2  }
0xcb: {  	s4 =	sand.u32 $0x4000, s31;
	s1 =	sadd.s32 s1, s30  }
0xcc: {  	s0 =	sor.u32 s4, s0;
	s1 =	sshll.u32 s1, $0x11  }
0xcd: {  	s0 =	sor.u32 s1, s0  }
0xce: {  	s0 =	sadd.s32 $0x8F2B, s0  }
0xcf: {  	[sflag:s0] =	ssyncadd.remote.s32 $0x1  }
0xd0: {  	_ =	sfence.sel $0xFFFF  }
0xd1: {  	[dreg:$0x0] =	wrdreg $0xFFFFFFFF;
	(pc) =	sbr.abs _section_cstart, $3  }
0xd2: {  	[dreg:$0x1] =	wrdreg $0xFFFFFFFF  }
0xd3: {  	_ =	task.clear_ibuf [dreg:s22], $0x2FFFF;
	_ =	strace $0x9FFFFFFF  }
0xd4: {  	(tm) =	ssettm $0x7FFFFFFF  }
0xd5: {  	_ =	shalt  }
tec
execute0_lowered:
.L_overlay_start_1:
0x0: {  	(tag) =	ssettag $0x1  }
0x1: {  	s1 =	rddreg [dreg:$0x0]  }
0x2: {  	s0 =	rddreg [dreg:$0x1]  }
0x3: {  	s2 =	rddreg [dreg:$0x2]  }
0x4: {  	s3 =	rddreg [dreg:$0x3];
	s4 =	srdreg.scid;
	s5 =	simm.s32 $0x0  }
0x5: {  	s18 =	stileid.u32;
	s7 =	sand.u32 $0x1, s4;
	[smem:$0x7FF] =	sst s5  }
0x6: {  	s6 =	sadd.s32 $0x11600, s0;
	s23 =	sshll.u32 s18, $0x4;
	s21 =	sshll.u32 s18, $0xC  }
0x7: {  	s25 =	sshll.u32 s18, $0xE;
	s8 =	sshll.u32 s7, $0x4;
	_ =	strace $0x8000004A  }
0x8: {  	s11 =	ssub.s32 $0x2, s7;
	s14 =	sor.u32 s18, s8;
	s19 =	sadd.s32 s8, s0  }
0x9: {  	s8 =	sand.u32 $0x70, s23;
	s24 =	sshrl.u32 s11, $0x1;
	s23 =	simm.s32 $0x0  }
0xa: {  	s22 =	sshll.u32 s14, $0x6;
	s9 =	smul.u32 $0x9, s14;
	s10 =	smin.u32 s14, $0xC  }
0xb: {  	s20 =	ssub.s32 s11, s24;
	p0 =	slt.u32 s14, $0xC;
	s16 =	sshll.u32 s14, $0x4  }
0xc: {  	s31 =	sadd.s32 s21, s19;
	s17 =	sadd.s32 s22, s0;
	s0 =	sadd.s32 s8, s0  }
0xd: {  	s8 =	simm.s32 $0xA;
	s18 =	sand.u32 $0x180, s16;
	s19 =	sadd.s32 $0x12C00, s31  }
0xe: {  	s20 =	smax.u32 s20, $0x1;
	s22 =	simm.s32 $0x3;
	s7 =	sadd.s32 s10, s9  }
0xf: {  	s9 =	sadd.s32 s25, s3;
	s8 =	simm.s32 @!p0 $0x9;
	s12 =	smul.u32 $0x50, s7  }
0x10: {  	s0 =	sadd.s32 s18, s0;
	s17 =	sadd.s32 $0x12400, s17;
	s16 =	sadd.s32 $0xFFFFFFFF, s8  }
.Ltmp0:
0x11: {  	s18 =	sadd.s32 $0x12200, s0;
	s13 =	sadd.s32 $0x6590, s12;
	(pc) =	sbr.rel .LBB2_1-.Ltmp0, $4  }
0x12: {  	s28 =	sshrl.u32 s12, $0x3;
	s15 =	sadd.s32 $0x65E0, s12;
	s26 =	sshll.u32 s13, $0x5  }
0x13: {  	s11 =	sadd.s32 s6, s28;
	s29 =	sshrl.u32 s13, $0x3;
	s30 =	sshll.u32 s15, $0x5  }
0x14: {  	v0 =	vimm.f32 $0.0e+00;
	s15 =	sshrl.u32 s15, $0x3;
	s10 =	sadd.s32 s1, s26;
	s12 =	sadd.s32 s2, s29  }
0x15: {  	v1 =	vimm.s32 $0x0;
	vm0 =	vcmask $0x704;
	v2 =	vlaneseq.u32;
	s13 =	sadd.s32 s1, s30;
	s14 =	sadd.s32 $0xA, s11;
	s15 =	sadd.s32 s2, s15  }
.LBB2_17:
0x16: {  	v3 =	vld [tilespmem:$0xA500];
	_ =	sdelay $0x3  }
0x17: {  	vm1 =	veq.s32 v2, $0x0  }
0x18: {  	v3 =	vsel vm1, s25, v3  }
0x19: {  	s0 =	simm.s32 $0x0;
	s4 =	simm.s32 $0xA300;
	[tilespmem:$0xA500] =	vst v3  }
0x1a: {  	[hbm4b:s17+s0] =	stream.linear.scatter [tilespmem:s4], [sflag:$0x3], $0x200, $0x38;
	[tilespmem:$0x12580] =	vst v63  }
0x1b: {  	_ =	swait.ge [sflag:s22], $0x200  }
0x1c: {  	s29 =	simm.s32 $0xA500;
	[sflag:s22] =	ssyncset.done $0x0  }
0x1d: {  	s30 =	stileid.u32;
	s31 =	sshrl.u32 s9, $0x3;
	[sflag:s22] =	ssyncadd.s32 $0xFFFFFE00  }
0x1e: {  	[hbm4b:s18+s0] =	stream.linear.scatter [tilespmem:s29], [sflag:$0x3], $0x80, $0x38;
	[tilespmem:$0x12580] =	vst v63  }
0x1f: {  	s5 =	simm.s32 $0x1;
	s21 =	simm.s32 $0x20;
	_ =	swait.ge [sflag:s22], $0x80  }
0x20: {  	s24 =	simm.s32 $0x10;
	s23 =	sadd.s32 $0x1, s23;
	[sflag:s22] =	ssyncset.done $0x0  }
0x21: {  	p0 =	sne.s32 s23, s20;
	s0 =	sshll.u32 s30, $0x6;
	[sflag:s22] =	ssyncadd.s32 $0xFFFFFF80  }
.Ltmp1:
0x22: {  	s0 =	sor.u32 $0x1C03, s0;
	[bflag:$0x0] =	sbarrier.arrive $0xFFFF;
	(pc) =	sbr.rel @!p0 .LBB2_18-.Ltmp1, $4  }
0x23: {  	[hbm:s19@s21], [sflag:s0] =	dma.strided [spmem:s31@s24], $0x800, s5, $0x10   }
0x24: {  	_ =	swait.ge [sflag:s22], $0x800  }
0x25: {  	[sflag:s22] =	ssyncset.done $0x0  }
0x26: {  	[sflag:s22] =	ssyncadd.s32 $0xFFFFF800  }
.LBB2_1:
0x27: {  	s0 =	simm.s32 $0x40;
	s21 =	simm.s32 $0x0  }
.LBB2_2:
0x28: {  	p0 =	sne.s32 s0, $0xFFC0;
	[tilespmem:s21+$0xA580] =	vst v0;
	s21 =	smov.u32 s0;
	s0 =	sadd.s32 $0x40, s0  }
.Ltmp2:
0x29: {  	(pc) =	sbr.rel @p0 .LBB2_2-.Ltmp2, $2  }
0x2a: {  	_ =	sdelay $0x2  }
0x2b: {  	s21 =	sshra.s32 s21, $0x2  }
0x2c: {  	[tilespmem:s21+$0xA580] =	vst v0;
	v3 =	vimm.f32 $0.0e+00  }
0x2d: {  	[tilespmem:$0xA300] =	vst v3  }
0x2e: {  	[tilespmem:$0xA310] =	vst v3  }
0x2f: {  	[tilespmem:$0xA320] =	vst v3  }
0x30: {  	[tilespmem:$0xA330] =	vst v3  }
0x31: {  	[tilespmem:$0xA340] =	vst v3  }
0x32: {  	[tilespmem:$0xA350] =	vst v3  }
0x33: {  	[tilespmem:$0xA360] =	vst v3  }
0x34: {  	[tilespmem:$0xA370] =	vst v3  }
0x35: {  	[tilespmem:$0xA380] =	vst v3  }
0x36: {  	[tilespmem:$0xA390] =	vst v3  }
0x37: {  	[tilespmem:$0xA3A0] =	vst v3  }
0x38: {  	[tilespmem:$0xA3B0] =	vst v3  }
0x39: {  	[tilespmem:$0xA3C0] =	vst v3  }
0x3a: {  	[tilespmem:$0xA3D0] =	vst v3  }
0x3b: {  	[tilespmem:$0xA3E0] =	vst v3  }
0x3c: {  	[tilespmem:$0xA3F0] =	vst v3  }
0x3d: {  	[tilespmem:$0xA400] =	vst v3  }
0x3e: {  	[tilespmem:$0xA410] =	vst v3  }
0x3f: {  	[tilespmem:$0xA420] =	vst v3  }
0x40: {  	[tilespmem:$0xA430] =	vst v3  }
0x41: {  	[tilespmem:$0xA440] =	vst v3  }
0x42: {  	[tilespmem:$0xA450] =	vst v3  }
0x43: {  	[tilespmem:$0xA460] =	vst v3  }
0x44: {  	[tilespmem:$0xA470] =	vst v3  }
0x45: {  	[tilespmem:$0xA480] =	vst v3  }
0x46: {  	[tilespmem:$0xA490] =	vst v3  }
0x47: {  	[tilespmem:$0xA4A0] =	vst v3  }
0x48: {  	[tilespmem:$0xA4B0] =	vst v3  }
0x49: {  	[tilespmem:$0xA4C0] =	vst v3  }
0x4a: {  	[tilespmem:$0xA4D0] =	vst v3  }
0x4b: {  	[tilespmem:$0xA4E0] =	vst v3  }
0x4c: {  	s0 =	simm.s32 $0xA580;
	[tilespmem:$0xA4F0] =	vst v3  }
0x4d: {  	[spmem:s9] =	stream.linear.scatter [tilespmem:s0], [sflag:$0x3], $0x4000, $0x38;
	[tilespmem:$0x12580] =	vst v63  }
0x4e: {  	_ =	swait.ge [sflag:s22], $0x4000  }
0x4f: {  	[sflag:s22] =	ssyncset.done $0x0  }
0x50: {  	[sflag:s22] =	ssyncadd.s32 $0xFFFFC000  }
0x51: {  	[bflag:$0x0] =	sbarrier.arrive $0xFFFF  }
0x52: {  	s24 =	simm.s32 $0x0;
	[tilespmem:$0xA500] =	vst v1  }
0x53: {  	[tilespmem:s24], [sflag:$0x1] =	stream.linear.gather [hbm4b:s10+s24], $0x5000, $0x38;
	[tilespmem:$0x12580] =	vst v63  }
0x54: {  	s26 =	simm.s32 $0xA000  }
0x55: {  	[tilespmem:s26], [sflag:$0x1] =	stream.linear.gather [hbm4b:s11+s24], $0x50, $0x38;
	[tilespmem:$0x12580] =	vst v63  }
0x56: {  	s28 =	simm.s32 $0xA100  }
0x57: {  	[tilespmem:s28], [sflag:$0x1] =	stream.linear.gather [hbm4b:s12+s24], $0x50, $0x38;
	[tilespmem:$0x12580] =	vst v63  }
0x58: {  	s29 =	simm.s32 $0x5000  }
0x59: {  	[tilespmem:s29], [sflag:$0x2] =	stream.linear.gather [hbm4b:s13+s24], $0x5000, $0x38;
	[tilespmem:$0x12580] =	vst v63  }
.Ltmp3:
0x5a: {  	v4 =	vimm.f32 $0.0e+00;
	v5 =	vimm.f32 $0.0e+00;
	v7 =	vimm.f32 $0.0e+00;
	(pc) =	sbr.rel .LBB2_4-.Ltmp3, $4  }
0x5b: {  	s30 =	simm.s32 $0xA080;
	v6 =	vimm.f32 $0.0e+00;
	v8 =	vimm.f32 $0.0e+00;
	v9 =	vimm.f32 $0.0e+00  }
0x5c: {  	v10 =	vimm.f32 $0.0e+00;
	v11 =	vimm.f32 $0.0e+00;
	v12 =	vimm.f32 $0.0e+00;
	[tilespmem:s30], [sflag:$0x2] =	stream.linear.gather [hbm4b:s14+s24], $0x50, $0x38;
	[tilespmem:$0x12580] =	vst v63  }
0x5d: {  	s31 =	simm.s32 $0xA180;
	v13 =	vimm.f32 $0.0e+00;
	v15 =	vimm.f32 $0.0e+00;
	v17 =	vimm.f32 $0.0e+00;
	s21 =	simm.s32 $0xFFFFFFFF;
	s25 =	simm.s32 $0xFFFFFFFF  }
0x5e: {  	v18 =	vimm.f32 $0.0e+00;
	v16 =	vimm.f32 $0.0e+00;
	v14 =	vimm.f32 $0.0e+00;
	[tilespmem:s31], [sflag:$0x2] =	stream.linear.gather [hbm4b:s15+s24], $0x50, $0x38;
	[tilespmem:$0x12580] =	vst v63  }
.LBB2_16:
0x5f: {  	s0 =	sadd.s32 $0x3, s28  }
0x60: {  	p0 =	sge.u32 s0, s8  }
0x61: {  	s0 =	sadd.s32 @!p0 s7, s0  }
0x62: {  	s0 =	smul.u32 @!p0 $0x50, s0;
	_ =	sdelay $0x1  }
0x63: {  	s4 =	sadd.s32 @!p0 $0x6590, s0  }
0x64: {  	s26 =	simm.s32 @!p0 $0x0;
	s5 =	sshll.u32 @!p0 s4, $0x5  }
0x65: {  	s28 =	simm.s32 @!p0 $0x5000;
	s0 =	sshrl.u32 @!p0 s0, $0x3;
	s5 =	sadd.s32 @!p0 s1, s5  }
0x66: {  	[tilespmem:s28], [sflag:$0x2] =	stream.linear.gather @!p0 [hbm4b:s5+s26], $0x5000, $0x38;
	[tilespmem:$0x12580] =	vst v63  }
0x67: {  	s0 =	sadd.s32 @!p0 s6, s0;
	s5 =	simm.s32 @!p0 $0xA080  }
0x68: {  	[tilespmem:s5], [sflag:$0x2] =	stream.linear.gather @!p0 [hbm4b:s0+s26], $0x50, $0x38;
	[tilespmem:$0x12580] =	vst v63  }
0x69: {  	s0 =	sshrl.u32 @!p0 s4, $0x3  }
0x6a: {  	s24 =	sadd.s32 $0x1, s24;
	s4 =	simm.s32 @!p0 $0xA180;
	s0 =	sadd.s32 @!p0 s2, s0  }
0x6b: {  	[tilespmem:s4], [sflag:$0x2] =	stream.linear.gather @!p0 [hbm4b:s0+s26], $0x50, $0x38;
	[tilespmem:$0x12580] =	vst v63  }
0x6c: {  	p0 =	sne.s32 s24, $0x6  }
.Ltmp4:
0x6d: {  	_ = 	snop;
	(pc) =	sbr.rel @!p0 .LBB2_17-.Ltmp4, $1  }
0x6e: {  	_ =	sdelay $0x3  }
.LBB2_4:
0x6f: {  	s28 =	sshll.u32 s24, $0x1  }
0x70: {  	p0 =	sge.u32 s28, s8  }
0x71: {  	v19 =	vimm.f32 @p0 $0.0e+00  }
0x72: {  	v20 =	vimm.s32 @p0 $0x400;
	[tilespmem:$0xA000] =	vst @p0 v19  }
0x73: {  	[tilespmem:$0xA100] =	vst @p0 v20  }
0x74: {  	[tilespmem:$0xA010] =	vst @p0 v19  }
0x75: {  	[tilespmem:$0xA110] =	vst @p0 v20  }
0x76: {  	[tilespmem:$0xA020] =	vst @p0 v19  }
0x77: {  	[tilespmem:$0xA120] =	vst @p0 v20  }
0x78: {  	[tilespmem:$0xA030] =	vst @p0 v19  }
0x79: {  	[tilespmem:$0xA130] =	vst @p0 v20  }
0x7a: {  	[tilespmem:$0xA040] =	vst @p0 v19  }
0x7b: {  	[tilespmem:$0xA140] =	vst @p0 v20  }
0x7c: {  	[tilespmem:$0xA050] =	vst @p0 v19  }
0x7d: {  	s0 =	simm.s32 @!p0 $0x1;
	[tilespmem:$0xA150] =	vst @p0 v20  }
0x7e: {  	_ =	swait.ge @!p0 [sflag:s0], $0x5000  }
0x7f: {  	[sflag:s0] =	ssyncset.done @!p0 $0x0  }
0x80: {  	[sflag:s0] =	ssyncadd.s32 @!p0 $0xFFFFB000  }
0x81: {  	_ =	swait.ge @!p0 [sflag:s0], $0x50  }
.Ltmp5:
0x82: {  	[sflag:s0] =	ssyncset.done @!p0 $0x0;
	(pc) =	sbr.rel .LBB2_5-.Ltmp5, $4  }
0x83: {  	[sflag:s0] =	ssyncadd.s32 @!p0 $0xFFFFFFB0  }
0x84: {  	_ =	swait.ge @!p0 [sflag:s0], $0x50  }
0x85: {  	s29 =	simm.s32 $0xA100;
	s30 =	simm.s32 $0xA000;
	[sflag:s0] =	ssyncset.done @!p0 $0x0  }
0x86: {  	s31 =	simm.s32 $0x0;
	[sflag:s0] =	ssyncadd.s32 @!p0 $0xFFFFFFB0;
	s0 =	simm.s32 $0x0  }
.LBB2_8:
0x87: {  	p1 =	sgt.s32 @!p2 s21, $0x3FF  }
0x88: {  	p1 =	por p1, p2  }
0x89: {  	[tilespmem:$0xA200] =	vst @!p1 v14  }
0x8a: {  	[tilespmem:$0xA210] =	vst @!p1 v16  }
0x8b: {  	[tilespmem:$0xA220] =	vst @!p1 v18  }
0x8c: {  	[tilespmem:$0xA230] =	vst @!p1 v17  }
0x8d: {  	[tilespmem:$0xA240] =	vst @!p1 v15  }
0x8e: {  	[tilespmem:$0xA250] =	vst @!p1 v13  }
0x8f: {  	[tilespmem:$0xA260] =	vst @!p1 v12  }
0x90: {  	[tilespmem:$0xA270] =	vst @!p1 v11  }
0x91: {  	[tilespmem:$0xA280] =	vst @!p1 v10  }
0x92: {  	[tilespmem:$0xA290] =	vst @!p1 v9  }
0x93: {  	[tilespmem:$0xA2A0] =	vst @!p1 v8  }
0x94: {  	[tilespmem:$0xA2B0] =	vst @!p1 v6  }
0x95: {  	[tilespmem:$0xA2C0] =	vst @!p1 v7  }
0x96: {  	[tilespmem:$0xA2D0] =	vst @!p1 v5;
	s4 =	sshll.u32 @!p1 s26, $0xA  }
0x97: {  	[tilespmem:$0xA2E0] =	vst @!p1 v4;
	s4 =	sshra.s32 @!p1 s4, $0x2  }
0x98: {  	[tilespmem:$0xA2F0] =	vst @!p1 v3;
	s5 =	simm.s32 @!p1 $0xA200;
	s4 =	sadd.s32 @!p1 s4, s3  }
0x99: {  	[spmem:s4] =	stream.linear.scatter @!p1 [tilespmem:s5], [sflag:$0x3], $0x100, $0x38;
	[tilespmem:$0x12580] =	vst v63  }
0x9a: {  	s4 =	simm.s32 @!p1 $0x3  }
0x9b: {  	_ =	swait.ge @!p1 [sflag:s4], $0x100  }
0x9c: {  	[sflag:s4] =	ssyncset.done @!p1 $0x0  }
0x9d: {  	[sflag:s4] =	ssyncadd.s32 @!p1 $0xFFFFFF00  }
.LBB2_9:
0x9e: {  	v35 =	vmul.f32 v35, v19;
	v34 =	vmul.f32 v34, v19  }
0x9f: {  	v33 =	vmul.f32 v33, v19;
	v32 =	vmul.f32 v32, v19  }
0xa0: {  	v31 =	vmul.f32 v31, v19;
	v30 =	vmul.f32 v30, v19  }
0xa1: {  	v29 =	vmul.f32 v29, v19;
	v28 =	vmul.f32 v28, v19  }
0xa2: {  	v27 =	vmul.f32 v27, v19;
	v26 =	vmul.f32 v26, v19  }
0xa3: {  	v25 =	vmul.f32 v25, v19;
	v24 =	vmul.f32 v24, v19  }
0xa4: {  	p1 =	seq.s32 s21, s26;
	s4 =	simm.f32 $1.000000000e+00;
	v23 =	vmul.f32 v23, v19;
	v22 =	vmul.f32 v22, v19  }
0xa5: {  	v21 =	vmul.f32 v21, v19;
	v19 =	vmul.f32 v20, v19;
	s4 =	simm.s32 @!p1 $0x0  }
0xa6: {  	v14 =	vmul.f32 s4, v14;
	v16 =	vmul.f32 s4, v16  }
0xa7: {  	v18 =	vmul.f32 s4, v18;
	v17 =	vmul.f32 s4, v17  }
0xa8: {  	v15 =	vmul.f32 s4, v15;
	v13 =	vmul.f32 s4, v13  }
0xa9: {  	v12 =	vmul.f32 s4, v12;
	v11 =	vmul.f32 s4, v11  }
0xaa: {  	v10 =	vmul.f32 s4, v10;
	v9 =	vmul.f32 s4, v9  }
0xab: {  	v8 =	vmul.f32 s4, v8;
	v14 =	vadd.f32 v14, v35;
	v16 =	vadd.f32 v16, v34  }
0xac: {  	s0 =	sadd.s32 $0x100, s0;
	v6 =	vmul.f32 s4, v6;
	v18 =	vadd.f32 v18, v33;
	v17 =	vadd.f32 v17, v32  }
0xad: {  	s25 =	smov.u32 @p0 s21;
	p0 =	sne.s32 s0, $0x5000;
	v7 =	vmul.f32 s4, v7;
	v15 =	vadd.f32 v31, v15;
	v13 =	vadd.f32 v30, v13  }
.Ltmp6:
0xae: {  	v5 =	vmul.f32 s4, v5;
	v12 =	vadd.f32 v29, v12;
	v11 =	vadd.f32 v28, v11;
	(pc) =	sbr.rel @!p0 .LBB2_10-.Ltmp6, $4  }
0xaf: {  	v4 =	vmul.f32 s4, v4;
	v10 =	vadd.f32 v27, v10;
	v9 =	vadd.f32 v26, v9  }
0xb0: {  	v3 =	vmul.f32 s4, v3;
	v8 =	vadd.f32 v25, v8;
	v6 =	vadd.f32 v24, v6  }
0xb1: {  	v7 =	vadd.f32 v23, v7;
	v5 =	vadd.f32 v22, v5  }
0xb2: {  	s31 =	sadd.s32 $0x80, s31;
	s29 =	sadd.s32 $0x1, s29;
	s30 =	sadd.s32 $0x1, s30;
	v4 =	vadd.f32 v21, v4;
	v3 =	vadd.f32 v19, v3  }
.LBB2_5:
0xb3: {  	v19 =	vld [tilespmem:s29+$0x0];
	_ =	sdelay $0x4  }
0xb4: {  	(v2sf) =	vpush v19, $0x0;
	_ =	sdelay $0x3  }
0xb5: {  	s26 =	sand.u32 $0x7800, s0;
	s4 =	sand.u32 $0x380, s31  }
0xb6: {  	s4 =	sor.u32 s4, s26  }
0xb7: {  	v35 =	vld [tilespmem:s4+$0x0]  }
0xb8: {  	v34 =	vld [tilespmem:s4+$0x10]  }
0xb9: {  	v33 =	vld [tilespmem:s4+$0x20]  }
0xba: {  	v32 =	vld [tilespmem:s4+$0x30]  }
0xbb: {  	v31 =	vld [tilespmem:s4+$0x40]  }
0xbc: {  	v30 =	vld [tilespmem:s4+$0x50]  }
0xbd: {  	v29 =	vld [tilespmem:s4+$0x60]  }
0xbe: {  	v28 =	vld [tilespmem:s4+$0x70]  }
0xbf: {  	s26 =	smov.u32 s21;
	v27 =	vld [tilespmem:s4+$0x400]  }
0xc0: {  	v26 =	vld [tilespmem:s4+$0x410];
	p0 =	slt.s32 s26, $0x0;
	s21 =	spop (v2sf)  }
0xc1: {  	v25 =	vld [tilespmem:s4+$0x420];
	p1 =	seq.s32 @!p0 s21, s26  }
0xc2: {  	v24 =	vld [tilespmem:s4+$0x430];
	p1 =	por p0, p1  }
.Ltmp7:
0xc3: {  	v19 =	vld.msk [tilespmem:s30+$0x0 ss:$0x0], $0xffff;
	(pc) =	sbr.rel @p1 .LBB2_9-.Ltmp7, $4  }
0xc4: {  	v23 =	vld [tilespmem:s4+$0x440]  }
0xc5: {  	v22 =	vld [tilespmem:s4+$0x450]  }
0xc6: {  	v21 =	vld [tilespmem:s4+$0x460]  }
0xc7: {  	v20 =	vld [tilespmem:s4+$0x470]  }
0xc8: {  	p1 =	sne.s32 s26, s25  }
0xc9: {  	[tilespmem:$0xA300] =	vst @!p1 v14  }
0xca: {  	[tilespmem:$0xA310] =	vst @!p1 v16  }
0xcb: {  	[tilespmem:$0xA320] =	vst @!p1 v18  }
0xcc: {  	[tilespmem:$0xA330] =	vst @!p1 v17  }
0xcd: {  	[tilespmem:$0xA340] =	vst @!p1 v15  }
0xce: {  	[tilespmem:$0xA350] =	vst @!p1 v13  }
0xcf: {  	[tilespmem:$0xA360] =	vst @!p1 v12  }
0xd0: {  	[tilespmem:$0xA370] =	vst @!p1 v11  }
0xd1: {  	p2 =	seq.s32 s26, s25;
	[tilespmem:$0xA380] =	vst @!p1 v10  }
0xd2: {  	[tilespmem:$0xA390] =	vst @!p1 v9;
	p3 =	slt.s32 @!p2 s21, $0x400  }
0xd3: {  	[tilespmem:$0xA3A0] =	vst @!p1 v8;
	p3 =	por p2, p3  }
.Ltmp8:
0xd4: {  	[tilespmem:$0xA3B0] =	vst @!p1 v6;
	(pc) =	sbr.rel @p3 .LBB2_8-.Ltmp8, $4  }
0xd5: {  	[tilespmem:$0xA3C0] =	vst @!p1 v7  }
0xd6: {  	[tilespmem:$0xA3D0] =	vst @!p1 v5  }
0xd7: {  	[tilespmem:$0xA3E0] =	vst @!p1 v4  }
0xd8: {  	[tilespmem:$0xA3F0] =	vst @!p1 v3  }
0xd9: {  	[tilespmem:$0xA400] =	vst v14  }
0xda: {  	[tilespmem:$0xA410] =	vst v16  }
0xdb: {  	[tilespmem:$0xA420] =	vst v18  }
0xdc: {  	[tilespmem:$0xA430] =	vst v17  }
0xdd: {  	[tilespmem:$0xA440] =	vst v15  }
0xde: {  	[tilespmem:$0xA450] =	vst v13  }
0xdf: {  	[tilespmem:$0xA460] =	vst v12  }
0xe0: {  	[tilespmem:$0xA470] =	vst v11  }
0xe1: {  	[tilespmem:$0xA480] =	vst v10  }
0xe2: {  	[tilespmem:$0xA490] =	vst v9  }
0xe3: {  	[tilespmem:$0xA4A0] =	vst v8  }
0xe4: {  	[tilespmem:$0xA4B0] =	vst v6  }
.Ltmp9:
0xe5: {  	[tilespmem:$0xA4C0] =	vst v7;
	(pc) =	sbr.rel .LBB2_9-.Ltmp9, $4  }
0xe6: {  	[tilespmem:$0xA4D0] =	vst v5  }
0xe7: {  	[tilespmem:$0xA4E0] =	vst v4;
	v36 =	vmov s26  }
0xe8: {  	[tilespmem:$0xA4F0] =	vst v3;
	v36 =	vnsel vm0, $0x0, v36  }
0xe9: {  	[tilespmem:$0xA500] =	vst v36  }
.LBB2_10:
0xea: {  	s0 =	sadd.s32 $0x2, s28  }
0xeb: {  	p1 =	sge.u32 s0, s8  }
0xec: {  	s0 =	sadd.s32 @!p1 s7, s0  }
0xed: {  	s0 =	smul.u32 @!p1 $0x50, s0;
	_ =	sdelay $0x1  }
0xee: {  	s4 =	sadd.s32 @!p1 $0x6590, s0  }
0xef: {  	s5 =	sshll.u32 @!p1 s4, $0x5  }
0xf0: {  	s26 =	simm.s32 @!p1 $0x0;
	s0 =	sshrl.u32 @!p1 s0, $0x3;
	s5 =	sadd.s32 @!p1 s1, s5  }
0xf1: {  	[tilespmem:s26], [sflag:$0x1] =	stream.linear.gather @!p1 [hbm4b:s5+s26], $0x5000, $0x38;
	[tilespmem:$0x12580] =	vst v63  }
0xf2: {  	s0 =	sadd.s32 @!p1 s6, s0;
	s5 =	simm.s32 @!p1 $0xA000  }
0xf3: {  	[tilespmem:s5], [sflag:$0x1] =	stream.linear.gather @!p1 [hbm4b:s0+s26], $0x50, $0x38;
	[tilespmem:$0x12580] =	vst v63  }
0xf4: {  	s0 =	sshrl.u32 @!p1 s4, $0x3  }
0xf5: {  	p0 =	sge.u32 s28, s16;
	s4 =	simm.s32 @!p1 $0xA100;
	s0 =	sadd.s32 @!p1 s2, s0  }
0xf6: {  	v19 =	vimm.f32 @p0 $0.0e+00;
	[tilespmem:s4], [sflag:$0x1] =	stream.linear.gather @!p1 [hbm4b:s0+s26], $0x50, $0x38;
	[tilespmem:$0x12580] =	vst v63  }
0xf7: {  	v20 =	vimm.s32 @p0 $0x400;
	[tilespmem:$0xA080] =	vst @p0 v19  }
0xf8: {  	[tilespmem:$0xA180] =	vst @p0 v20  }
0xf9: {  	[tilespmem:$0xA090] =	vst @p0 v19  }
0xfa: {  	[tilespmem:$0xA190] =	vst @p0 v20  }
0xfb: {  	[tilespmem:$0xA0A0] =	vst @p0 v19  }
0xfc: {  	[tilespmem:$0xA1A0] =	vst @p0 v20  }
0xfd: {  	[tilespmem:$0xA0B0] =	vst @p0 v19  }
0xfe: {  	[tilespmem:$0xA1B0] =	vst @p0 v20  }
0xff: {  	[tilespmem:$0xA0C0] =	vst @p0 v19  }
0x100: {  	[tilespmem:$0xA1C0] =	vst @p0 v20  }
0x101: {  	[tilespmem:$0xA0D0] =	vst @p0 v19  }
0x102: {  	s0 =	simm.s32 @!p0 $0x2;
	[tilespmem:$0xA1D0] =	vst @p0 v20  }
0x103: {  	_ =	swait.ge @!p0 [sflag:s0], $0x5000  }
0x104: {  	[sflag:s0] =	ssyncset.done @!p0 $0x0  }
0x105: {  	[sflag:s0] =	ssyncadd.s32 @!p0 $0xFFFFB000  }
0x106: {  	_ =	swait.ge @!p0 [sflag:s0], $0x50  }
.Ltmp10:
0x107: {  	[sflag:s0] =	ssyncset.done @!p0 $0x0;
	(pc) =	sbr.rel .LBB2_11-.Ltmp10, $4  }
0x108: {  	[sflag:s0] =	ssyncadd.s32 @!p0 $0xFFFFFFB0  }
0x109: {  	_ =	swait.ge @!p0 [sflag:s0], $0x50  }
0x10a: {  	s29 =	simm.s32 $0x0;
	s30 =	simm.s32 $0xA180;
	[sflag:s0] =	ssyncset.done @!p0 $0x0  }
0x10b: {  	s31 =	simm.s32 $0xA080;
	[sflag:s0] =	ssyncadd.s32 @!p0 $0xFFFFFFB0;
	s0 =	simm.s32 $0x0  }
.LBB2_14:
0x10c: {  	p1 =	sgt.s32 @!p2 s21, $0x3FF  }
0x10d: {  	p1 =	por p1, p2  }
0x10e: {  	[tilespmem:$0xA200] =	vst @!p1 v14  }
0x10f: {  	[tilespmem:$0xA210] =	vst @!p1 v16  }
0x110: {  	[tilespmem:$0xA220] =	vst @!p1 v18  }
0x111: {  	[tilespmem:$0xA230] =	vst @!p1 v17  }
0x112: {  	[tilespmem:$0xA240] =	vst @!p1 v15  }
0x113: {  	[tilespmem:$0xA250] =	vst @!p1 v13  }
0x114: {  	[tilespmem:$0xA260] =	vst @!p1 v12  }
0x115: {  	[tilespmem:$0xA270] =	vst @!p1 v11  }
0x116: {  	[tilespmem:$0xA280] =	vst @!p1 v10  }
0x117: {  	[tilespmem:$0xA290] =	vst @!p1 v9  }
0x118: {  	[tilespmem:$0xA2A0] =	vst @!p1 v8  }
0x119: {  	[tilespmem:$0xA2B0] =	vst @!p1 v6  }
0x11a: {  	[tilespmem:$0xA2C0] =	vst @!p1 v7  }
0x11b: {  	[tilespmem:$0xA2D0] =	vst @!p1 v5;
	s4 =	sshll.u32 @!p1 s26, $0xA  }
0x11c: {  	[tilespmem:$0xA2E0] =	vst @!p1 v4;
	s4 =	sshra.s32 @!p1 s4, $0x2  }
0x11d: {  	[tilespmem:$0xA2F0] =	vst @!p1 v3;
	s5 =	simm.s32 @!p1 $0xA200;
	s4 =	sadd.s32 @!p1 s4, s3  }
0x11e: {  	[spmem:s4] =	stream.linear.scatter @!p1 [tilespmem:s5], [sflag:$0x3], $0x100, $0x38;
	[tilespmem:$0x12580] =	vst v63  }
0x11f: {  	s4 =	simm.s32 @!p1 $0x3  }
0x120: {  	_ =	swait.ge @!p1 [sflag:s4], $0x100  }
0x121: {  	[sflag:s4] =	ssyncset.done @!p1 $0x0  }
0x122: {  	[sflag:s4] =	ssyncadd.s32 @!p1 $0xFFFFFF00  }
.LBB2_15:
0x123: {  	v35 =	vmul.f32 v35, v19;
	v34 =	vmul.f32 v34, v19  }
0x124: {  	v33 =	vmul.f32 v33, v19;
	v32 =	vmul.f32 v32, v19  }
0x125: {  	v31 =	vmul.f32 v31, v19;
	v30 =	vmul.f32 v30, v19  }
0x126: {  	v29 =	vmul.f32 v29, v19;
	v28 =	vmul.f32 v28, v19  }
0x127: {  	v27 =	vmul.f32 v27, v19;
	v26 =	vmul.f32 v26, v19  }
0x128: {  	v25 =	vmul.f32 v25, v19;
	v24 =	vmul.f32 v24, v19  }
0x129: {  	p1 =	seq.s32 s21, s26;
	s4 =	simm.f32 $1.000000000e+00;
	v23 =	vmul.f32 v23, v19;
	v22 =	vmul.f32 v22, v19  }
0x12a: {  	v21 =	vmul.f32 v21, v19;
	v19 =	vmul.f32 v20, v19;
	s4 =	simm.s32 @!p1 $0x0  }
0x12b: {  	v14 =	vmul.f32 s4, v14;
	v16 =	vmul.f32 s4, v16  }
0x12c: {  	v18 =	vmul.f32 s4, v18;
	v17 =	vmul.f32 s4, v17  }
0x12d: {  	v15 =	vmul.f32 s4, v15;
	v13 =	vmul.f32 s4, v13  }
0x12e: {  	v12 =	vmul.f32 s4, v12;
	v11 =	vmul.f32 s4, v11  }
0x12f: {  	v10 =	vmul.f32 s4, v10;
	v9 =	vmul.f32 s4, v9  }
0x130: {  	v8 =	vmul.f32 s4, v8;
	v14 =	vadd.f32 v14, v35;
	v16 =	vadd.f32 v16, v34  }
0x131: {  	s0 =	sadd.s32 $0x100, s0;
	v6 =	vmul.f32 s4, v6;
	v18 =	vadd.f32 v18, v33;
	v17 =	vadd.f32 v17, v32  }
0x132: {  	s25 =	smov.u32 @p0 s21;
	p0 =	sne.s32 s0, $0x5000;
	v7 =	vmul.f32 s4, v7;
	v15 =	vadd.f32 v31, v15;
	v13 =	vadd.f32 v30, v13  }
.Ltmp11:
0x133: {  	v5 =	vmul.f32 s4, v5;
	v12 =	vadd.f32 v29, v12;
	v11 =	vadd.f32 v28, v11;
	(pc) =	sbr.rel @!p0 .LBB2_16-.Ltmp11, $4  }
0x134: {  	v4 =	vmul.f32 s4, v4;
	v10 =	vadd.f32 v27, v10;
	v9 =	vadd.f32 v26, v9  }
0x135: {  	v3 =	vmul.f32 s4, v3;
	v8 =	vadd.f32 v25, v8;
	v6 =	vadd.f32 v24, v6  }
0x136: {  	v7 =	vadd.f32 v23, v7;
	v5 =	vadd.f32 v22, v5  }
0x137: {  	s29 =	sadd.s32 $0x80, s29;
	s30 =	sadd.s32 $0x1, s30;
	s31 =	sadd.s32 $0x1, s31;
	v4 =	vadd.f32 v21, v4;
	v3 =	vadd.f32 v19, v3  }
.LBB2_11:
0x138: {  	v19 =	vld [tilespmem:s30+$0x0];
	_ =	sdelay $0x4  }
0x139: {  	(v2sf) =	vpush v19, $0x0;
	_ =	sdelay $0x3  }
0x13a: {  	s4 =	sand.u32 $0x7800, s0;
	s5 =	sand.u32 $0x380, s29  }
0x13b: {  	s4 =	sor.u32 s5, s4  }
0x13c: {  	v35 =	vld [tilespmem:s4+$0x5000]  }
0x13d: {  	v34 =	vld [tilespmem:s4+$0x5010]  }
0x13e: {  	v33 =	vld [tilespmem:s4+$0x5020]  }
0x13f: {  	v32 =	vld [tilespmem:s4+$0x5030]  }
0x140: {  	v31 =	vld [tilespmem:s4+$0x5040]  }
0x141: {  	v30 =	vld [tilespmem:s4+$0x5050]  }
0x142: {  	v29 =	vld [tilespmem:s4+$0x5060]  }
0x143: {  	v28 =	vld [tilespmem:s4+$0x5070]  }
0x144: {  	s26 =	smov.u32 s21;
	v27 =	vld [tilespmem:s4+$0x5400]  }
0x145: {  	p0 =	slt.s32 s26, $0x0;
	v26 =	vld [tilespmem:s4+$0x5410];
	s21 =	spop (v2sf)  }
0x146: {  	v25 =	vld [tilespmem:s4+$0x5420];
	p1 =	seq.s32 @!p0 s21, s26  }
0x147: {  	v24 =	vld [tilespmem:s4+$0x5430];
	p1 =	por p0, p1  }
.Ltmp12:
0x148: {  	v19 =	vld.msk [tilespmem:s31+$0x0 ss:$0x0], $0xffff;
	(pc) =	sbr.rel @p1 .LBB2_15-.Ltmp12, $4  }
0x149: {  	v23 =	vld [tilespmem:s4+$0x5440]  }
0x14a: {  	v22 =	vld [tilespmem:s4+$0x5450]  }
0x14b: {  	v21 =	vld [tilespmem:s4+$0x5460]  }
0x14c: {  	v20 =	vld [tilespmem:s4+$0x5470]  }
0x14d: {  	p1 =	sne.s32 s26, s25  }
0x14e: {  	[tilespmem:$0xA300] =	vst @!p1 v14  }
0x14f: {  	[tilespmem:$0xA310] =	vst @!p1 v16  }
0x150: {  	[tilespmem:$0xA320] =	vst @!p1 v18  }
0x151: {  	[tilespmem:$0xA330] =	vst @!p1 v17  }
0x152: {  	[tilespmem:$0xA340] =	vst @!p1 v15  }
0x153: {  	[tilespmem:$0xA350] =	vst @!p1 v13  }
0x154: {  	[tilespmem:$0xA360] =	vst @!p1 v12  }
0x155: {  	[tilespmem:$0xA370] =	vst @!p1 v11  }
0x156: {  	p2 =	seq.s32 s26, s25;
	[tilespmem:$0xA380] =	vst @!p1 v10  }
0x157: {  	[tilespmem:$0xA390] =	vst @!p1 v9;
	p3 =	slt.s32 @!p2 s21, $0x400  }
0x158: {  	[tilespmem:$0xA3A0] =	vst @!p1 v8;
	p3 =	por p2, p3  }
.Ltmp13:
0x159: {  	[tilespmem:$0xA3B0] =	vst @!p1 v6;
	(pc) =	sbr.rel @p3 .LBB2_14-.Ltmp13, $4  }
0x15a: {  	[tilespmem:$0xA3C0] =	vst @!p1 v7  }
0x15b: {  	[tilespmem:$0xA3D0] =	vst @!p1 v5  }
0x15c: {  	[tilespmem:$0xA3E0] =	vst @!p1 v4  }
0x15d: {  	[tilespmem:$0xA3F0] =	vst @!p1 v3  }
0x15e: {  	[tilespmem:$0xA400] =	vst v14  }
0x15f: {  	[tilespmem:$0xA410] =	vst v16  }
0x160: {  	[tilespmem:$0xA420] =	vst v18  }
0x161: {  	[tilespmem:$0xA430] =	vst v17  }
0x162: {  	[tilespmem:$0xA440] =	vst v15  }
0x163: {  	[tilespmem:$0xA450] =	vst v13  }
0x164: {  	[tilespmem:$0xA460] =	vst v12  }
0x165: {  	[tilespmem:$0xA470] =	vst v11  }
0x166: {  	[tilespmem:$0xA480] =	vst v10  }
0x167: {  	[tilespmem:$0xA490] =	vst v9  }
0x168: {  	[tilespmem:$0xA4A0] =	vst v8  }
0x169: {  	[tilespmem:$0xA4B0] =	vst v6  }
.Ltmp14:
0x16a: {  	[tilespmem:$0xA4C0] =	vst v7;
	(pc) =	sbr.rel .LBB2_15-.Ltmp14, $4  }
0x16b: {  	[tilespmem:$0xA4D0] =	vst v5  }
0x16c: {  	[tilespmem:$0xA4E0] =	vst v4;
	v36 =	vmov s26  }
0x16d: {  	[tilespmem:$0xA4F0] =	vst v3;
	v36 =	vnsel vm0, $0x0, v36  }
0x16e: {  	[tilespmem:$0xA500] =	vst v36  }
.LBB2_18:
0x16f: {  	_ =	sfence.sel $0x180000  }
0x170: {  	[bflag:$0x0] =	sbarrier.arrive $0xFFFF  }
0x171: {  	_ =	strace $0x9000004A  }
0x172: {  	s0 =	stileid.u32;
	[bflag:$0x2] =	sbarrier.arrive $0xFFFF  }
0x173: {  	p0 =	sne.s32 s0, $0x0;
	s0 =	rddreg [dreg:$0x4]  }
0x174: {  	s0 =	sadd.s32 @!p0 $0x100000, s0  }
0x175: {  	[sflag:s0] =	ssyncadd.tile.s32 @!p0 $0x1;
	_ =	shalt  }
.Lfunc_end2:
_tile_overlayer_lowered:
.L_overlay_start_2:
0x176: {  	(tag) =	ssettag $0x2  }
0x177: {  	s0 =	rddreg [dreg:$0x0];
	s2 =	stileid.u32  }
0x178: {  	s1 =	rddreg [dreg:$0x1];
	p0 =	sne.s32 s2, $0x0  }
0x179: {  	s3 =	rddreg [dreg:$0x2];
	[bflag:$0x3] =	sbarrier.arrive $0xFFFF;
	s2 =	simm.s32 @!p0 $0x1C03  }
0x17a: {  	[timem:s3], [sflag:s2] =	dma.local @!p0 [hbm:s0], s1  }
0x17b: {  	s0 =	simm.s32 @!p0 $0x3  }
0x17c: {  	_ =	swait.ge @!p0 [sflag:s0], s1  }
0x17d: {  	s1 =	ssub.s32 @!p0 $0x0, s1;
	[sflag:s0] =	ssyncset.done @!p0 $0x0  }
0x17e: {  	[sflag:s0] =	ssyncadd.s32 @!p0 s1  }
0x17f: {  	[bflag:$0x3] =	sbarrier.arrive $0xFFFF  }
0x180: {  	_ =	shalt  }

// kernel: kernel.7.cloned.1.call-start
scs
__scs_entry_jumppad:
0x0: {  	(pc) =	sbr.rel $0x88, $3  }
0x1: {  	(tag) =	ssettag $0x0;
	lr =	simm.s32 $0x1  }
0x2: {  	[smem:$0x3F9D] =	sst lr;
	_ =	strace $0xD0000000  }
0x3: {  	_ = 	snop  }
0x4: {  	_ = 	snop  }
0x5: {  	_ = 	snop  }
0x6: {  	_ = 	snop  }
0x7: {  	_ = 	snop  }
__scs_overlays_trampoline_lowered:
0x8: {  	[smem:$0x3FAC] =	sst s0  }
0x9: {  	[smem:$0x3FAD] =	sst s1  }
0xa: {  	[smem:$0x3FAE] =	sst s2  }
0xb: {  	[smem:$0x3FAF] =	sst s3  }
0xc: {  	[smem:$0x3FB0] =	sst s4  }
0xd: {  	[smem:$0x3FB1] =	sst s5  }
0xe: {  	[smem:$0x3FB2] =	sst s6  }
0xf: {  	[smem:$0x3FB3] =	sst s7  }
0x10: {  	[smem:$0x3FB4] =	sst s8  }
0x11: {  	[smem:$0x3FB5] =	sst s9;
	s0 =	simm.s32 @!p0 $0x0  }
0x12: {  	s1 =	sld [smem:$0x3F9B];
	s0 =	simm.s32 @p0 $0x1  }
0x13: {  	[smem:$0x3FB6] =	sst s0;
	s0 =	simm.s32 @!p1 $0x0  }
0x14: {  	s2 =	sld [smem:$0x3F9A];
	s0 =	simm.s32 @p1 $0x1  }
0x15: {  	[smem:$0x3FB7] =	sst s0;
	s0 =	simm.s32 @!p2 $0x0  }
0x16: {  	s3 =	sld [smem:$0x3FDB];
	s0 =	simm.s32 @p2 $0x1  }
0x17: {  	s4 =	simm.s32 $0x1BF5;
	[smem:$0x3FB9] =	sst s0  }
0x18: {  	s0 =	sld [smem:$0x3F9C];
	_ =	swait.ge [sflag:s4], $0x0  }
0x19: {  	s7 =	sld [smem:$0x3F9D]  }
0x1a: {  	s8 =	sadd.s32 $0xFFFFE003, lr  }
0x1b: {  	s9 =	sadd.s32 $0xFFFFFEF7, lr;
	s5 =	simm.s32 $0xFFFFFFFF;
	p2 =	slt.u32 s8, $0xFFFFF086  }
0x1c: {  	p1 =	slt.u32 s9, $0xF7A;
	s5 =	simm.s32 @!p2 $0x0  }
0x1d: {  	s5 =	simm.s32 @p1 $0x1;
	p0 =	seq.s32 s7, s2  }
0x1e: {  	s7 =	smul.u32 @!p0 $0xF7A, s2;
	p2 =	seq.s32 @!p0 s5, $0x0  }
0x1f: {  	s9 =	smul.u32 $0xF7A, s1;
	s8 =	simm.s32 @!p0 $0x1BF5;
	p2 =	por !p2, p0  }
0x20: {  	[sflag:s8] =	ssyncset.s32 @!p0 $0xFFFFF086;
	s6 =	sadd.s32 @!p0 s3, s7;
	s7 =	simm.s32 @!p0 $0x108  }
0x21: {  	s3 =	sadd.s32 s3, s9;
	s6 =	sadd.s32 @!p0 $0x88, s6;
	s7 =	simm.s32 @p2 $0x1082  }
0x22: {  	[simem:s7], [sflag:s8] =	dma.local @!p0 [hbm:s6], $0xF7A  }
0x23: {  	s9 =	sor.u32 $0xD0000000, s2;
	s6 =	simm.s32 $0x108;
	_ =	swait.ge @!p0 [sflag:s8], $0x0  }
0x24: {  	s3 =	sadd.s32 $0x88, s3;
	s6 =	simm.s32 @!p1 $0x1082;
	[sflag:s4] =	ssyncset.s32 $0xFFFFF086  }
0x25: {  	[simem:s6], [sflag:s4] =	dma.local [hbm:s3], $0xF7A  }
0x26: {  	[smem:$0x3F9D] =	sst s1;
	(tag) =	ssettag s2;
	_ =	strace s9  }
0x27: {  	s1 =	sld [smem:$0x3FAD]  }
0x28: {  	s2 =	sld [smem:$0x3FAE]  }
0x29: {  	s4 =	sld [smem:$0x3FB0]  }
0x2a: {  	p0 =	seq.s32 s5, $0x0;
	s5 =	sld [smem:$0x3FB1]  }
0x2b: {  	s6 =	sld [smem:$0x3FB2]  }
0x2c: {  	s7 =	sld [smem:$0x3FB3]  }
0x2d: {  	s3 =	simm.s32 $0x108;
	s8 =	sld [smem:$0x3FB4]  }
0x2e: {  	s3 =	simm.s32 @!p0 $0x1082;
	s9 =	sld [smem:$0x3FB5]  }
0x2f: {  	lr =	sadd.s32 s0, s3;
	s0 =	sld [smem:$0x3FAC]  }
0x30: {  	s3 =	sld [smem:$0x3FAF]  }
0x31: {  	[smem:$0x3FB8] =	sst s10  }
0x32: {  	s10 =	sld [smem:$0x3FB6];
	_ =	sdelay $0x3  }
0x33: {  	p0 =	seq.s32 s10, $0x1;
	s10 =	sld [smem:$0x3FB8];
	_ =	sdelay $0x3  }
0x34: {  	[smem:$0x3FB8] =	sst s10  }
0x35: {  	s10 =	sld [smem:$0x3FB7];
	_ =	sdelay $0x3  }
0x36: {  	p1 =	seq.s32 s10, $0x1;
	s10 =	sld [smem:$0x3FB8];
	_ =	sdelay $0x3  }
0x37: {  	[smem:$0x3FB8] =	sst s10  }
0x38: {  	s10 =	sld [smem:$0x3FB9]  }
0x39: {  	_ = 	snop;
	(pc) =	sbr.ind lr, $3  }
0x3a: {  	_ = 	snop  }
0x3b: {  	_ = 	snop  }
0x3c: {  	p2 =	seq.s32 s10, $0x1;
	s10 =	sld [smem:$0x3FB8]  }
0x3d: {  	_ =	shalt  }
0x3e: {  	_ =	shalt  }
0x3f: {  	_ =	shalt  }
0x40: {  	_ =	shalt  }
0x41: {  	_ =	shalt  }
0x42: {  	_ =	shalt  }
0x43: {  	_ =	shalt  }
0x44: {  	_ =	shalt  }
0x45: {  	_ =	shalt  }
0x46: {  	_ =	shalt  }
0x47: {  	_ =	shalt  }
0x48: {  	_ =	shalt  }
0x49: {  	_ =	shalt  }
0x4a: {  	_ =	shalt  }
0x4b: {  	_ =	shalt  }
0x4c: {  	_ =	shalt  }
0x4d: {  	_ =	shalt  }
0x4e: {  	_ =	shalt  }
0x4f: {  	_ =	shalt  }
0x50: {  	_ =	shalt  }
0x51: {  	_ =	shalt  }
0x52: {  	_ =	shalt  }
0x53: {  	_ =	shalt  }
0x54: {  	_ =	shalt  }
0x55: {  	_ =	shalt  }
0x56: {  	_ =	shalt  }
0x57: {  	_ =	shalt  }
0x58: {  	_ =	shalt  }
0x59: {  	_ =	shalt  }
0x5a: {  	_ =	shalt  }
0x5b: {  	_ =	shalt  }
0x5c: {  	_ =	shalt  }
0x5d: {  	_ =	shalt  }
0x5e: {  	_ =	shalt  }
0x5f: {  	_ =	shalt  }
0x60: {  	_ =	shalt  }
0x61: {  	_ =	shalt  }
0x62: {  	_ =	shalt  }
0x63: {  	_ =	shalt  }
0x64: {  	_ =	shalt  }
0x65: {  	_ =	shalt  }
0x66: {  	_ =	shalt  }
0x67: {  	_ =	shalt  }
0x68: {  	_ =	shalt  }
0x69: {  	_ =	shalt  }
0x6a: {  	_ =	shalt  }
0x6b: {  	_ =	shalt  }
0x6c: {  	_ =	shalt  }
0x6d: {  	_ =	shalt  }
0x6e: {  	_ =	shalt  }
0x6f: {  	_ =	shalt  }
0x70: {  	_ =	shalt  }
0x71: {  	_ =	shalt  }
0x72: {  	_ =	shalt  }
0x73: {  	_ =	shalt  }
0x74: {  	_ =	shalt  }
0x75: {  	_ =	shalt  }
0x76: {  	_ =	shalt  }
0x77: {  	_ =	shalt  }
0x78: {  	_ =	shalt  }
0x79: {  	_ =	shalt  }
0x7a: {  	_ =	shalt  }
0x7b: {  	_ =	shalt  }
0x7c: {  	_ =	shalt  }
0x7d: {  	_ =	shalt  }
0x7e: {  	_ =	shalt  }
0x7f: {  	_ =	shalt  }
0x80: {  	_ =	shalt  }
0x81: {  	_ =	shalt  }
0x82: {  	_ =	shalt  }
0x83: {  	_ =	shalt  }
0x84: {  	_ =	shalt  }
0x85: {  	_ =	shalt  }
0x86: {  	_ =	shalt  }
0x87: {  	_ =	shalt  }
.Lfunc_end0:
.L_simem_size_0:
called_computation_lowered:
.L_overlay_start_0:
0x88: {  	s2 =	sld [smem:$0x3FD9]  }
0x89: {  	s3 =	sld [smem:$0x3FFE];
	_ =	sdelay $0x1  }
0x8a: {  	s1 =	srdreg.scid  }
0x8b: {  	s0 =	sand.u32 $0x1, s1  }
0x8c: {  	s17 =	sshll.u32 s0, $0xA;
	s2 =	sadd.s32 s3, s2  }
0x8d: {  	s2 =	sadd.s32 s2, s17  }
0x8e: {  	[smem:$0x3FC4] =	sst s2  }
0x8f: {  	_ = 	snop  }
0x90: {  	s2 =	sld [smem:$0x3FC9]  }
0x91: {  	s18 =	sld [smem:$0x3FC8]  }
0x92: {  	s4 =	sld [smem:$0x3FD0];
	(tm) =	ssettm $0x1  }
0x93: {  	s5 =	sld [smem:$0x3FFB];
	_ =	sdelay $0x3  }
0x94: {  	_ =	strace s5  }
0x95: {  	s5 =	sld [smem:$0x3FFC];
	_ =	sdelay $0x3  }
0x96: {  	_ =	strace s5  }
0x97: {  	s5 =	sld [smem:$0x3FFD];
	_ =	sdelay $0x3  }
0x98: {  	_ =	strace s5  }
0x99: {  	_ =	strace $0x8FFFFFFF  }
0x9a: {  	s19 =	sld [smem:$0x3FDB];
	_ =	sdelay $0x1  }
0x9b: {  	s6 =	simm.s32 $_scs_section_size  }
0x9c: {  	s7 =	simm.s32 $_size__tile_overlayer_lowered;
	s8 =	simm.s32 $_tile_overlayer_lowered  }
0x9d: {  	s22 =	simm.s32 $0x1BFF;
	s21 =	sshll.u32 s8, $0x1;
	s5 =	sadd.s32 s6, s19  }
0x9e: {  	s9 =	simm.s32 $0x0;
	s20 =	sshll.u32 s7, $0x1;
	s7 =	sadd.s32 s21, s5  }
0x9f: {  	[timem:s9], [sflag:s22] =	dma.local [hbm:s7], s20  }
0xa0: {  	_ =	swait.ge [sflag:s22], s20  }
0xa1: {  	s6 =	ssub.s32 $0x0, s20;
	[sflag:s22] =	ssyncset.done $0x0  }
0xa2: {  	[sflag:s22] =	ssyncadd.s32 s6;
	_ =	sdelay $0x1  }
0xa3: {  	s23 =	simm.s32 $0x1B8B  }
0xa4: {  	_ =	swait.ge [sflag:s23], $0x1  }
0xa5: {  	[sflag:s23] =	ssyncset.done $0x0  }
0xa6: {  	s25 =	simm.s32 $0x1B8E;
	s24 =	sld [smem:$0x3FFE];
	[sflag:s23] =	ssyncadd.s32 $0xFFFFFFFF  }
0xa7: {  	s26 =	simm.s32 $execute0_lowered;
	[smem:$0x3FD2] =	sst s25  }
0xa8: {  	s7 =	sshll.u32 s26, $0x1;
	_ =	strace $0x80000046;
	[dreg:$0x1] =	wrdreg $0xFFFFFFFF  }
0xa9: {  	s28 =	simm.s32 $_size_execute0_lowered;
	s5 =	sadd.s32 s5, s7;
	[dreg:$0x0] =	wrdreg $0x0  }
0xaa: {  	s7 =	sshll.u32 s28, $0x1;
	[dreg:$0x2] =	wrdreg s5  }
0xab: {  	[dreg:$0x3] =	wrdreg s7  }
0xac: {  	[dreg:$0x4] =	wrdreg $0xC0  }
0xad: {  	_ =	task [dreg:s9], $0x5FFFF  }
0xae: {  	[dreg:$0x1] =	wrdreg $0xFFFFFFFF  }
0xaf: {  	[dreg:$0x0] =	wrdreg $0x60  }
0xb0: {  	[dreg:$0x2] =	wrdreg s2  }
0xb1: {  	[dreg:$0x3] =	wrdreg s4  }
0xb2: {  	[dreg:$0x4] =	wrdreg s18  }
0xb3: {  	[dreg:$0x5] =	wrdreg s24  }
0xb4: {  	[dreg:$0x6] =	wrdreg $0xE5800  }
0xb5: {  	[dreg:$0x7] =	wrdreg $0x9  }
0xb6: {  	_ =	task.clear_ibuf [dreg:s9], $0x8FFFF;
	_ =	strace $0x90000046  }
0xb7: {  	s29 =	simm.s32 $0x9;
	_ =	strace $0x80000048  }
0xb8: {  	_ =	swait.ge [sflag:s29], $0x1  }
0xb9: {  	[sflag:s29] =	ssyncadd.s32 $0xFFFFFFFF  }
0xba: {  	_ =	strace $0x90000048  }
0xbb: {  	_ =	sfence  }
0xbc: {  	s30 =	sld [smem:$0x0];
	_ =	sdelay $0x2  }
0xbd: {  	s31 =	sshll.u32 s1, $0xD;
	s1 =	sshrl.u32 s1, $0x2  }
0xbe: {  	s3 =	sand.u32 $0x4000, s31;
	s1 =	sadd.s32 s1, s30  }
0xbf: {  	s0 =	sor.u32 s3, s0;
	s1 =	sshll.u32 s1, $0x11  }
0xc0: {  	s0 =	sor.u32 s1, s0  }
0xc1: {  	s0 =	sadd.s32 $0x8F2B, s0  }
0xc2: {  	[sflag:s0] =	ssyncadd.remote.s32 $0x1  }
0xc3: {  	_ =	sfence.sel $0xFFFF  }
0xc4: {  	[dreg:$0x0] =	wrdreg $0xFFFFFFFF;
	(pc) =	sbr.abs _section_cstart, $3  }
0xc5: {  	[dreg:$0x1] =	wrdreg $0xFFFFFFFF  }
0xc6: {  	_ =	task.clear_ibuf [dreg:s9], $0x2FFFF;
	_ =	strace $0x9FFFFFFF  }
0xc7: {  	(tm) =	ssettm $0x7FFFFFFF  }
tec
execute0_lowered:
.L_overlay_start_1:
0x0: {  	(tag) =	ssettag $0x1  }
0x1: {  	s1 =	rddreg [dreg:$0x0]  }
0x2: {  	s2 =	rddreg [dreg:$0x1]  }
0x3: {  	s3 =	rddreg [dreg:$0x2]  }
0x4: {  	s0 =	rddreg [dreg:$0x3]  }
0x5: {  	s4 =	rddreg [dreg:$0x4];
	s5 =	srdreg.scid;
	s6 =	simm.s32 $0x0  }
0x6: {  	s24 =	stileid.u32;
	s22 =	simm.s32 $0x3;
	s23 =	simm.s32 $0x0  }
0x7: {  	s7 =	sand.u32 $0x1, s5;
	[smem:$0x7FF] =	sst s6;
	s26 =	sshll.u32 s24, $0x4  }
0x8: {  	s21 =	sshll.u32 s24, $0xC;
	s30 =	sshll.u32 s24, $0xE;
	s8 =	sshll.u32 s7, $0x4  }
0x9: {  	_ =	strace $0x80000047;
	s10 =	ssub.s32 $0x2, s7;
	s13 =	sor.u32 s24, s8  }
0xa: {  	s19 =	sadd.s32 s8, s0;
	s11 =	sshrl.u32 s10, $0x1;
	s8 =	simm.s32 $0xB  }
0xb: {  	s9 =	sshll.u32 s13, $0x6;
	s25 =	smul.u32 $0xA, s13;
	s28 =	smin.u32 s13, $0x5  }
0xc: {  	s20 =	ssub.s32 s10, s11;
	p0 =	slt.u32 s13, $0x5;
	s18 =	sshll.u32 s13, $0x4  }
0xd: {  	s31 =	sadd.s32 s21, s19;
	s17 =	sadd.s32 s9, s0;
	s7 =	sadd.s32 s28, s25  }
0xe: {  	s9 =	sand.u32 $0x70, s26;
	s8 =	simm.s32 @!p0 $0xA;
	s29 =	smul.u32 $0xA00, s7  }
0xf: {  	s18 =	sand.u32 $0x180, s18;
	s19 =	sadd.s32 $0x1600, s31;
	s12 =	smul.u32 $0xA, s7  }
0x10: {  	s20 =	smax.u32 s20, $0x1;
	s0 =	sadd.s32 s9, s0;
	s14 =	smul.u32 $0x50, s7  }
.Ltmp0:
0x11: {  	s9 =	sadd.s32 s30, s4;
	s0 =	sadd.s32 s18, s0;
	(pc) =	sbr.rel .LBB2_1-.Ltmp0, $4  }
0x12: {  	s17 =	sadd.s32 $0xE00, s17;
	s18 =	sadd.s32 $0xC00, s0;
	s14 =	sadd.s32 $0x50, s14  }
0x13: {  	s10 =	sadd.s32 s1, s29;
	s11 =	sadd.s32 s2, s12;
	s15 =	sshll.u32 s14, $0x5  }
0x14: {  	v0 =	vimm.f32 $0.0e+00;
	s12 =	sadd.s32 s3, s12;
	s16 =	sshrl.u32 s14, $0x3;
	s13 =	sadd.s32 s1, s15  }
0x15: {  	v1 =	vimm.s32 $0x0;
	vm0 =	vcmask $0x704;
	v2 =	vlaneseq.u32;
	s14 =	sadd.s32 s2, s16;
	s15 =	sadd.s32 s3, s16;
	s16 =	sadd.s32 $0xFFFFFFFF, s8  }
.LBB2_17:
0x16: {  	v3 =	vld [tilespmem:$0xA500];
	_ =	sdelay $0x3  }
0x17: {  	vm1 =	veq.s32 v2, $0x0  }
0x18: {  	v3 =	vsel vm1, s25, v3  }
0x19: {  	s0 =	simm.s32 $0x0;
	s5 =	simm.s32 $0xA300;
	[tilespmem:$0xA500] =	vst v3  }
0x1a: {  	[hbm4b:s17+s0] =	stream.linear.scatter [tilespmem:s5], [sflag:$0x3], $0x200, $0x38;
	[tilespmem:$0x12580] =	vst v63  }
0x1b: {  	_ =	swait.ge [sflag:s22], $0x200  }
0x1c: {  	s29 =	simm.s32 $0xA500;
	[sflag:s22] =	ssyncset.done $0x0  }
0x1d: {  	s30 =	stileid.u32;
	s31 =	sshrl.u32 s9, $0x3;
	[sflag:s22] =	ssyncadd.s32 $0xFFFFFE00  }
0x1e: {  	[hbm4b:s18+s0] =	stream.linear.scatter [tilespmem:s29], [sflag:$0x3], $0x80, $0x38;
	[tilespmem:$0x12580] =	vst v63  }
0x1f: {  	s6 =	simm.s32 $0x1;
	s21 =	simm.s32 $0x20;
	_ =	swait.ge [sflag:s22], $0x80  }
0x20: {  	s24 =	simm.s32 $0x10;
	s23 =	sadd.s32 $0x1, s23;
	[sflag:s22] =	ssyncset.done $0x0  }
0x21: {  	p0 =	sne.s32 s23, s20;
	s0 =	sshll.u32 s30, $0x6;
	[sflag:s22] =	ssyncadd.s32 $0xFFFFFF80  }
.Ltmp1:
0x22: {  	s0 =	sor.u32 $0x1C03, s0;
	[bflag:$0x0] =	sbarrier.arrive $0xFFFF;
	(pc) =	sbr.rel @!p0 .LBB2_18-.Ltmp1, $4  }
0x23: {  	[hbm:s19@s21], [sflag:s0] =	dma.strided [spmem:s31@s24], $0x800, s6, $0x10   }
0x24: {  	_ =	swait.ge [sflag:s22], $0x800  }
0x25: {  	[sflag:s22] =	ssyncset.done $0x0  }
0x26: {  	[sflag:s22] =	ssyncadd.s32 $0xFFFFF800  }
.LBB2_1:
0x27: {  	s0 =	simm.s32 $0x40;
	s21 =	simm.s32 $0x0  }
.LBB2_2:
0x28: {  	p0 =	sne.s32 s0, $0xFFC0;
	[tilespmem:s21+$0xA580] =	vst v0;
	s21 =	smov.u32 s0;
	s0 =	sadd.s32 $0x40, s0  }
.Ltmp2:
0x29: {  	(pc) =	sbr.rel @p0 .LBB2_2-.Ltmp2, $2  }
0x2a: {  	_ =	sdelay $0x2  }
0x2b: {  	s21 =	sshra.s32 s21, $0x2  }
0x2c: {  	[tilespmem:s21+$0xA580] =	vst v0;
	v3 =	vimm.f32 $0.0e+00  }
0x2d: {  	[tilespmem:$0xA300] =	vst v3  }
0x2e: {  	[tilespmem:$0xA310] =	vst v3  }
0x2f: {  	[tilespmem:$0xA320] =	vst v3  }
0x30: {  	[tilespmem:$0xA330] =	vst v3  }
0x31: {  	[tilespmem:$0xA340] =	vst v3  }
0x32: {  	[tilespmem:$0xA350] =	vst v3  }
0x33: {  	[tilespmem:$0xA360] =	vst v3  }
0x34: {  	[tilespmem:$0xA370] =	vst v3  }
0x35: {  	[tilespmem:$0xA380] =	vst v3  }
0x36: {  	[tilespmem:$0xA390] =	vst v3  }
0x37: {  	[tilespmem:$0xA3A0] =	vst v3  }
0x38: {  	[tilespmem:$0xA3B0] =	vst v3  }
0x39: {  	[tilespmem:$0xA3C0] =	vst v3  }
0x3a: {  	[tilespmem:$0xA3D0] =	vst v3  }
0x3b: {  	[tilespmem:$0xA3E0] =	vst v3  }
0x3c: {  	[tilespmem:$0xA3F0] =	vst v3  }
0x3d: {  	[tilespmem:$0xA400] =	vst v3  }
0x3e: {  	[tilespmem:$0xA410] =	vst v3  }
0x3f: {  	[tilespmem:$0xA420] =	vst v3  }
0x40: {  	[tilespmem:$0xA430] =	vst v3  }
0x41: {  	[tilespmem:$0xA440] =	vst v3  }
0x42: {  	[tilespmem:$0xA450] =	vst v3  }
0x43: {  	[tilespmem:$0xA460] =	vst v3  }
0x44: {  	[tilespmem:$0xA470] =	vst v3  }
0x45: {  	[tilespmem:$0xA480] =	vst v3  }
0x46: {  	[tilespmem:$0xA490] =	vst v3  }
0x47: {  	[tilespmem:$0xA4A0] =	vst v3  }
0x48: {  	[tilespmem:$0xA4B0] =	vst v3  }
0x49: {  	[tilespmem:$0xA4C0] =	vst v3  }
0x4a: {  	[tilespmem:$0xA4D0] =	vst v3  }
0x4b: {  	[tilespmem:$0xA4E0] =	vst v3  }
0x4c: {  	s0 =	simm.s32 $0xA580;
	[tilespmem:$0xA4F0] =	vst v3  }
0x4d: {  	[spmem:s9] =	stream.linear.scatter [tilespmem:s0], [sflag:$0x3], $0x4000, $0x38;
	[tilespmem:$0x12580] =	vst v63  }
0x4e: {  	_ =	swait.ge [sflag:s22], $0x4000  }
0x4f: {  	[sflag:s22] =	ssyncset.done $0x0  }
0x50: {  	[sflag:s22] =	ssyncadd.s32 $0xFFFFC000  }
0x51: {  	[bflag:$0x0] =	sbarrier.arrive $0xFFFF  }
0x52: {  	s24 =	simm.s32 $0x0;
	[tilespmem:$0xA500] =	vst v1  }
0x53: {  	[tilespmem:s24], [sflag:$0x1] =	stream.linear.gather [hbm4b:s10+s24], $0x5000, $0x38;
	[tilespmem:$0x12580] =	vst v63  }
0x54: {  	s26 =	simm.s32 $0xA000  }
0x55: {  	[tilespmem:s26], [sflag:$0x1] =	stream.linear.gather [hbm4b:s11+s24], $0x50, $0x38;
	[tilespmem:$0x12580] =	vst v63  }
0x56: {  	s28 =	simm.s32 $0xA100  }
0x57: {  	[tilespmem:s28], [sflag:$0x1] =	stream.linear.gather [hbm4b:s12+s24], $0x50, $0x38;
	[tilespmem:$0x12580] =	vst v63  }
0x58: {  	s29 =	simm.s32 $0x5000  }
0x59: {  	[tilespmem:s29], [sflag:$0x2] =	stream.linear.gather [hbm4b:s13+s24], $0x5000, $0x38;
	[tilespmem:$0x12580] =	vst v63  }
.Ltmp3:
0x5a: {  	v4 =	vimm.f32 $0.0e+00;
	v5 =	vimm.f32 $0.0e+00;
	v7 =	vimm.f32 $0.0e+00;
	(pc) =	sbr.rel .LBB2_4-.Ltmp3, $4  }
0x5b: {  	s30 =	simm.s32 $0xA080;
	v6 =	vimm.f32 $0.0e+00;
	v8 =	vimm.f32 $0.0e+00;
	v9 =	vimm.f32 $0.0e+00  }
0x5c: {  	v10 =	vimm.f32 $0.0e+00;
	v11 =	vimm.f32 $0.0e+00;
	v12 =	vimm.f32 $0.0e+00;
	[tilespmem:s30], [sflag:$0x2] =	stream.linear.gather [hbm4b:s14+s24], $0x50, $0x38;
	[tilespmem:$0x12580] =	vst v63  }
0x5d: {  	s31 =	simm.s32 $0xA180;
	v13 =	vimm.f32 $0.0e+00;
	v15 =	vimm.f32 $0.0e+00;
	v17 =	vimm.f32 $0.0e+00;
	s21 =	simm.s32 $0xFFFFFFFF;
	s25 =	simm.s32 $0xFFFFFFFF  }
0x5e: {  	v18 =	vimm.f32 $0.0e+00;
	v16 =	vimm.f32 $0.0e+00;
	v14 =	vimm.f32 $0.0e+00;
	[tilespmem:s31], [sflag:$0x2] =	stream.linear.gather [hbm4b:s15+s24], $0x50, $0x38;
	[tilespmem:$0x12580] =	vst v63  }
.LBB2_16:
0x5f: {  	s0 =	sadd.s32 $0x3, s28  }
0x60: {  	p0 =	sge.u32 s0, s8  }
0x61: {  	s0 =	sadd.s32 @!p0 s7, s0  }
0x62: {  	s5 =	smul.u32 @!p0 $0xA00, s0  }
0x63: {  	s6 =	simm.s32 @!p0 $0x0  }
0x64: {  	s26 =	simm.s32 @!p0 $0x5000;
	s0 =	smul.u32 @!p0 $0xA, s0;
	s5 =	sadd.s32 @!p0 s1, s5  }
0x65: {  	[tilespmem:s26], [sflag:$0x2] =	stream.linear.gather @!p0 [hbm4b:s5+s6], $0x5000, $0x38;
	[tilespmem:$0x12580] =	vst v63  }
0x66: {  	s5 =	sadd.s32 @!p0 s2, s0;
	s26 =	simm.s32 @!p0 $0xA080  }
0x67: {  	[tilespmem:s26], [sflag:$0x2] =	stream.linear.gather @!p0 [hbm4b:s5+s6], $0x50, $0x38;
	[tilespmem:$0x12580] =	vst v63  }
0x68: {  	s24 =	sadd.s32 $0x1, s24;
	s0 =	sadd.s32 @!p0 s3, s0;
	s5 =	simm.s32 @!p0 $0xA180  }
0x69: {  	[tilespmem:s5], [sflag:$0x2] =	stream.linear.gather @!p0 [hbm4b:s0+s6], $0x50, $0x38;
	[tilespmem:$0x12580] =	vst v63  }
0x6a: {  	p0 =	sne.s32 s24, $0x7  }
.Ltmp4:
0x6b: {  	_ = 	snop;
	(pc) =	sbr.rel @!p0 .LBB2_17-.Ltmp4, $1  }
0x6c: {  	_ =	sdelay $0x3  }
.LBB2_4:
0x6d: {  	s28 =	sshll.u32 s24, $0x1  }
0x6e: {  	p0 =	sge.u32 s28, s8  }
0x6f: {  	v19 =	vimm.f32 @p0 $0.0e+00  }
0x70: {  	v20 =	vimm.s32 @p0 $0x400;
	[tilespmem:$0xA000] =	vst @p0 v19  }
0x71: {  	[tilespmem:$0xA100] =	vst @p0 v20  }
0x72: {  	[tilespmem:$0xA010] =	vst @p0 v19  }
0x73: {  	[tilespmem:$0xA110] =	vst @p0 v20  }
0x74: {  	[tilespmem:$0xA020] =	vst @p0 v19  }
0x75: {  	[tilespmem:$0xA120] =	vst @p0 v20  }
0x76: {  	[tilespmem:$0xA030] =	vst @p0 v19  }
0x77: {  	[tilespmem:$0xA130] =	vst @p0 v20  }
0x78: {  	[tilespmem:$0xA040] =	vst @p0 v19  }
0x79: {  	[tilespmem:$0xA140] =	vst @p0 v20  }
0x7a: {  	[tilespmem:$0xA050] =	vst @p0 v19  }
0x7b: {  	s0 =	simm.s32 @!p0 $0x1;
	[tilespmem:$0xA150] =	vst @p0 v20  }
0x7c: {  	_ =	swait.ge @!p0 [sflag:s0], $0x5000  }
0x7d: {  	[sflag:s0] =	ssyncset.done @!p0 $0x0  }
0x7e: {  	[sflag:s0] =	ssyncadd.s32 @!p0 $0xFFFFB000  }
0x7f: {  	_ =	swait.ge @!p0 [sflag:s0], $0x50  }
.Ltmp5:
0x80: {  	[sflag:s0] =	ssyncset.done @!p0 $0x0;
	(pc) =	sbr.rel .LBB2_5-.Ltmp5, $4  }
0x81: {  	[sflag:s0] =	ssyncadd.s32 @!p0 $0xFFFFFFB0  }
0x82: {  	_ =	swait.ge @!p0 [sflag:s0], $0x50  }
0x83: {  	s29 =	simm.s32 $0xA100;
	s30 =	simm.s32 $0xA000;
	[sflag:s0] =	ssyncset.done @!p0 $0x0  }
0x84: {  	s31 =	simm.s32 $0x0;
	[sflag:s0] =	ssyncadd.s32 @!p0 $0xFFFFFFB0;
	s0 =	simm.s32 $0x0  }
.LBB2_8:
0x85: {  	p1 =	sgt.s32 @!p2 s21, $0x3FF  }
0x86: {  	p1 =	por p1, p2  }
0x87: {  	[tilespmem:$0xA200] =	vst @!p1 v14  }
0x88: {  	[tilespmem:$0xA210] =	vst @!p1 v16  }
0x89: {  	[tilespmem:$0xA220] =	vst @!p1 v18  }
0x8a: {  	[tilespmem:$0xA230] =	vst @!p1 v17  }
0x8b: {  	[tilespmem:$0xA240] =	vst @!p1 v15  }
0x8c: {  	[tilespmem:$0xA250] =	vst @!p1 v13  }
0x8d: {  	[tilespmem:$0xA260] =	vst @!p1 v12  }
0x8e: {  	[tilespmem:$0xA270] =	vst @!p1 v11  }
0x8f: {  	[tilespmem:$0xA280] =	vst @!p1 v10  }
0x90: {  	[tilespmem:$0xA290] =	vst @!p1 v9  }
0x91: {  	[tilespmem:$0xA2A0] =	vst @!p1 v8  }
0x92: {  	[tilespmem:$0xA2B0] =	vst @!p1 v6  }
0x93: {  	[tilespmem:$0xA2C0] =	vst @!p1 v7  }
0x94: {  	[tilespmem:$0xA2D0] =	vst @!p1 v5;
	s5 =	sshll.u32 @!p1 s26, $0xA  }
0x95: {  	[tilespmem:$0xA2E0] =	vst @!p1 v4;
	s5 =	sshra.s32 @!p1 s5, $0x2  }
0x96: {  	[tilespmem:$0xA2F0] =	vst @!p1 v3;
	s6 =	simm.s32 @!p1 $0xA200;
	s5 =	sadd.s32 @!p1 s5, s4  }
0x97: {  	[spmem:s5] =	stream.linear.scatter @!p1 [tilespmem:s6], [sflag:$0x3], $0x100, $0x38;
	[tilespmem:$0x12580] =	vst v63  }
0x98: {  	s5 =	simm.s32 @!p1 $0x3  }
0x99: {  	_ =	swait.ge @!p1 [sflag:s5], $0x100  }
0x9a: {  	[sflag:s5] =	ssyncset.done @!p1 $0x0  }
0x9b: {  	[sflag:s5] =	ssyncadd.s32 @!p1 $0xFFFFFF00  }
.LBB2_9:
0x9c: {  	v35 =	vmul.f32 v35, v19;
	v34 =	vmul.f32 v34, v19  }
0x9d: {  	v33 =	vmul.f32 v33, v19;
	v32 =	vmul.f32 v32, v19  }
0x9e: {  	v31 =	vmul.f32 v31, v19;
	v30 =	vmul.f32 v30, v19  }
0x9f: {  	v29 =	vmul.f32 v29, v19;
	v28 =	vmul.f32 v28, v19  }
0xa0: {  	v27 =	vmul.f32 v27, v19;
	v26 =	vmul.f32 v26, v19  }
0xa1: {  	v25 =	vmul.f32 v25, v19;
	v24 =	vmul.f32 v24, v19  }
0xa2: {  	p1 =	seq.s32 s21, s26;
	s5 =	simm.f32 $1.000000000e+00;
	v23 =	vmul.f32 v23, v19;
	v22 =	vmul.f32 v22, v19  }
0xa3: {  	v21 =	vmul.f32 v21, v19;
	v19 =	vmul.f32 v20, v19;
	s5 =	simm.s32 @!p1 $0x0  }
0xa4: {  	v14 =	vmul.f32 s5, v14;
	v16 =	vmul.f32 s5, v16  }
0xa5: {  	v18 =	vmul.f32 s5, v18;
	v17 =	vmul.f32 s5, v17  }
0xa6: {  	v15 =	vmul.f32 s5, v15;
	v13 =	vmul.f32 s5, v13  }
0xa7: {  	v12 =	vmul.f32 s5, v12;
	v11 =	vmul.f32 s5, v11  }
0xa8: {  	v10 =	vmul.f32 s5, v10;
	v9 =	vmul.f32 s5, v9  }
0xa9: {  	v8 =	vmul.f32 s5, v8;
	v14 =	vadd.f32 v14, v35;
	v16 =	vadd.f32 v16, v34  }
0xaa: {  	s0 =	sadd.s32 $0x100, s0;
	v6 =	vmul.f32 s5, v6;
	v18 =	vadd.f32 v18, v33;
	v17 =	vadd.f32 v17, v32  }
0xab: {  	s25 =	smov.u32 @p0 s21;
	p0 =	sne.s32 s0, $0x5000;
	v7 =	vmul.f32 s5, v7;
	v15 =	vadd.f32 v31, v15;
	v13 =	vadd.f32 v30, v13  }
.Ltmp6:
0xac: {  	v5 =	vmul.f32 s5, v5;
	v12 =	vadd.f32 v29, v12;
	v11 =	vadd.f32 v28, v11;
	(pc) =	sbr.rel @!p0 .LBB2_10-.Ltmp6, $4  }
0xad: {  	v4 =	vmul.f32 s5, v4;
	v10 =	vadd.f32 v27, v10;
	v9 =	vadd.f32 v26, v9  }
0xae: {  	v3 =	vmul.f32 s5, v3;
	v8 =	vadd.f32 v25, v8;
	v6 =	vadd.f32 v24, v6  }
0xaf: {  	v7 =	vadd.f32 v23, v7;
	v5 =	vadd.f32 v22, v5  }
0xb0: {  	s31 =	sadd.s32 $0x80, s31;
	s29 =	sadd.s32 $0x1, s29;
	s30 =	sadd.s32 $0x1, s30;
	v4 =	vadd.f32 v21, v4;
	v3 =	vadd.f32 v19, v3  }
.LBB2_5:
0xb1: {  	v19 =	vld [tilespmem:s29+$0x0];
	_ =	sdelay $0x4  }
0xb2: {  	(v2sf) =	vpush v19, $0x0;
	_ =	sdelay $0x3  }
0xb3: {  	s26 =	sand.u32 $0x7800, s0;
	s5 =	sand.u32 $0x380, s31  }
0xb4: {  	s5 =	sor.u32 s5, s26  }
0xb5: {  	v35 =	vld [tilespmem:s5+$0x0]  }
0xb6: {  	v34 =	vld [tilespmem:s5+$0x10]  }
0xb7: {  	v33 =	vld [tilespmem:s5+$0x20]  }
0xb8: {  	v32 =	vld [tilespmem:s5+$0x30]  }
0xb9: {  	v31 =	vld [tilespmem:s5+$0x40]  }
0xba: {  	v30 =	vld [tilespmem:s5+$0x50]  }
0xbb: {  	v29 =	vld [tilespmem:s5+$0x60]  }
0xbc: {  	v28 =	vld [tilespmem:s5+$0x70]  }
0xbd: {  	s26 =	smov.u32 s21;
	v27 =	vld [tilespmem:s5+$0x400]  }
0xbe: {  	v26 =	vld [tilespmem:s5+$0x410];
	p0 =	slt.s32 s26, $0x0;
	s21 =	spop (v2sf)  }
0xbf: {  	v25 =	vld [tilespmem:s5+$0x420];
	p1 =	seq.s32 @!p0 s21, s26  }
0xc0: {  	v24 =	vld [tilespmem:s5+$0x430];
	p1 =	por p0, p1  }
.Ltmp7:
0xc1: {  	v19 =	vld.msk [tilespmem:s30+$0x0 ss:$0x0], $0xffff;
	(pc) =	sbr.rel @p1 .LBB2_9-.Ltmp7, $4  }
0xc2: {  	v23 =	vld [tilespmem:s5+$0x440]  }
0xc3: {  	v22 =	vld [tilespmem:s5+$0x450]  }
0xc4: {  	v21 =	vld [tilespmem:s5+$0x460]  }
0xc5: {  	v20 =	vld [tilespmem:s5+$0x470]  }
0xc6: {  	p1 =	sne.s32 s26, s25  }
0xc7: {  	[tilespmem:$0xA300] =	vst @!p1 v14  }
0xc8: {  	[tilespmem:$0xA310] =	vst @!p1 v16  }
0xc9: {  	[tilespmem:$0xA320] =	vst @!p1 v18  }
0xca: {  	[tilespmem:$0xA330] =	vst @!p1 v17  }
0xcb: {  	[tilespmem:$0xA340] =	vst @!p1 v15  }
0xcc: {  	[tilespmem:$0xA350] =	vst @!p1 v13  }
0xcd: {  	[tilespmem:$0xA360] =	vst @!p1 v12  }
0xce: {  	[tilespmem:$0xA370] =	vst @!p1 v11  }
0xcf: {  	p2 =	seq.s32 s26, s25;
	[tilespmem:$0xA380] =	vst @!p1 v10  }
0xd0: {  	[tilespmem:$0xA390] =	vst @!p1 v9;
	p3 =	slt.s32 @!p2 s21, $0x400  }
0xd1: {  	[tilespmem:$0xA3A0] =	vst @!p1 v8;
	p3 =	por p2, p3  }
.Ltmp8:
0xd2: {  	[tilespmem:$0xA3B0] =	vst @!p1 v6;
	(pc) =	sbr.rel @p3 .LBB2_8-.Ltmp8, $4  }
0xd3: {  	[tilespmem:$0xA3C0] =	vst @!p1 v7  }
0xd4: {  	[tilespmem:$0xA3D0] =	vst @!p1 v5  }
0xd5: {  	[tilespmem:$0xA3E0] =	vst @!p1 v4  }
0xd6: {  	[tilespmem:$0xA3F0] =	vst @!p1 v3  }
0xd7: {  	[tilespmem:$0xA400] =	vst v14  }
0xd8: {  	[tilespmem:$0xA410] =	vst v16  }
0xd9: {  	[tilespmem:$0xA420] =	vst v18  }
0xda: {  	[tilespmem:$0xA430] =	vst v17  }
0xdb: {  	[tilespmem:$0xA440] =	vst v15  }
0xdc: {  	[tilespmem:$0xA450] =	vst v13  }
0xdd: {  	[tilespmem:$0xA460] =	vst v12  }
0xde: {  	[tilespmem:$0xA470] =	vst v11  }
0xdf: {  	[tilespmem:$0xA480] =	vst v10  }
0xe0: {  	[tilespmem:$0xA490] =	vst v9  }
0xe1: {  	[tilespmem:$0xA4A0] =	vst v8  }
0xe2: {  	[tilespmem:$0xA4B0] =	vst v6  }
.Ltmp9:
0xe3: {  	[tilespmem:$0xA4C0] =	vst v7;
	(pc) =	sbr.rel .LBB2_9-.Ltmp9, $4  }
0xe4: {  	[tilespmem:$0xA4D0] =	vst v5  }
0xe5: {  	[tilespmem:$0xA4E0] =	vst v4;
	v36 =	vmov s26  }
0xe6: {  	[tilespmem:$0xA4F0] =	vst v3;
	v36 =	vnsel vm0, $0x0, v36  }
0xe7: {  	[tilespmem:$0xA500] =	vst v36  }
.LBB2_10:
0xe8: {  	s0 =	sadd.s32 $0x2, s28  }
0xe9: {  	p1 =	sge.u32 s0, s8  }
0xea: {  	s0 =	sadd.s32 @!p1 s7, s0  }
0xeb: {  	s5 =	smul.u32 @!p1 $0xA00, s0;
	_ =	sdelay $0x1  }
0xec: {  	s6 =	simm.s32 @!p1 $0x0;
	s0 =	smul.u32 @!p1 $0xA, s0;
	s5 =	sadd.s32 @!p1 s1, s5  }
0xed: {  	[tilespmem:s6], [sflag:$0x1] =	stream.linear.gather @!p1 [hbm4b:s5+s6], $0x5000, $0x38;
	[tilespmem:$0x12580] =	vst v63  }
0xee: {  	s26 =	simm.s32 @!p1 $0xA000;
	s5 =	sadd.s32 @!p1 s2, s0  }
0xef: {  	[tilespmem:s26], [sflag:$0x1] =	stream.linear.gather @!p1 [hbm4b:s5+s6], $0x50, $0x38;
	[tilespmem:$0x12580] =	vst v63  }
0xf0: {  	p0 =	sge.u32 s28, s16;
	s0 =	sadd.s32 @!p1 s3, s0;
	s5 =	simm.s32 @!p1 $0xA100  }
0xf1: {  	v19 =	vimm.f32 @p0 $0.0e+00;
	[tilespmem:s5], [sflag:$0x1] =	stream.linear.gather @!p1 [hbm4b:s0+s6], $0x50, $0x38;
	[tilespmem:$0x12580] =	vst v63  }
0xf2: {  	v20 =	vimm.s32 @p0 $0x400;
	[tilespmem:$0xA080] =	vst @p0 v19  }
0xf3: {  	[tilespmem:$0xA180] =	vst @p0 v20  }
0xf4: {  	[tilespmem:$0xA090] =	vst @p0 v19  }
0xf5: {  	[tilespmem:$0xA190] =	vst @p0 v20  }
0xf6: {  	[tilespmem:$0xA0A0] =	vst @p0 v19  }
0xf7: {  	[tilespmem:$0xA1A0] =	vst @p0 v20  }
0xf8: {  	[tilespmem:$0xA0B0] =	vst @p0 v19  }
0xf9: {  	[tilespmem:$0xA1B0] =	vst @p0 v20  }
0xfa: {  	[tilespmem:$0xA0C0] =	vst @p0 v19  }
0xfb: {  	[tilespmem:$0xA1C0] =	vst @p0 v20  }
0xfc: {  	[tilespmem:$0xA0D0] =	vst @p0 v19  }
0xfd: {  	s0 =	simm.s32 @!p0 $0x2;
	[tilespmem:$0xA1D0] =	vst @p0 v20  }
0xfe: {  	_ =	swait.ge @!p0 [sflag:s0], $0x5000  }
0xff: {  	[sflag:s0] =	ssyncset.done @!p0 $0x0  }
0x100: {  	[sflag:s0] =	ssyncadd.s32 @!p0 $0xFFFFB000  }
0x101: {  	_ =	swait.ge @!p0 [sflag:s0], $0x50  }
.Ltmp10:
0x102: {  	[sflag:s0] =	ssyncset.done @!p0 $0x0;
	(pc) =	sbr.rel .LBB2_11-.Ltmp10, $4  }
0x103: {  	[sflag:s0] =	ssyncadd.s32 @!p0 $0xFFFFFFB0  }
0x104: {  	_ =	swait.ge @!p0 [sflag:s0], $0x50  }
0x105: {  	s29 =	simm.s32 $0x0;
	s30 =	simm.s32 $0xA180;
	[sflag:s0] =	ssyncset.done @!p0 $0x0  }
0x106: {  	s31 =	simm.s32 $0xA080;
	[sflag:s0] =	ssyncadd.s32 @!p0 $0xFFFFFFB0;
	s0 =	simm.s32 $0x0  }
.LBB2_14:
0x107: {  	p1 =	sgt.s32 @!p2 s21, $0x3FF  }
0x108: {  	p1 =	por p1, p2  }
0x109: {  	[tilespmem:$0xA200] =	vst @!p1 v14  }
0x10a: {  	[tilespmem:$0xA210] =	vst @!p1 v16  }
0x10b: {  	[tilespmem:$0xA220] =	vst @!p1 v18  }
0x10c: {  	[tilespmem:$0xA230] =	vst @!p1 v17  }
0x10d: {  	[tilespmem:$0xA240] =	vst @!p1 v15  }
0x10e: {  	[tilespmem:$0xA250] =	vst @!p1 v13  }
0x10f: {  	[tilespmem:$0xA260] =	vst @!p1 v12  }
0x110: {  	[tilespmem:$0xA270] =	vst @!p1 v11  }
0x111: {  	[tilespmem:$0xA280] =	vst @!p1 v10  }
0x112: {  	[tilespmem:$0xA290] =	vst @!p1 v9  }
0x113: {  	[tilespmem:$0xA2A0] =	vst @!p1 v8  }
0x114: {  	[tilespmem:$0xA2B0] =	vst @!p1 v6  }
0x115: {  	[tilespmem:$0xA2C0] =	vst @!p1 v7  }
0x116: {  	[tilespmem:$0xA2D0] =	vst @!p1 v5;
	s5 =	sshll.u32 @!p1 s26, $0xA  }
0x117: {  	[tilespmem:$0xA2E0] =	vst @!p1 v4;
	s5 =	sshra.s32 @!p1 s5, $0x2  }
0x118: {  	[tilespmem:$0xA2F0] =	vst @!p1 v3;
	s6 =	simm.s32 @!p1 $0xA200;
	s5 =	sadd.s32 @!p1 s5, s4  }
0x119: {  	[spmem:s5] =	stream.linear.scatter @!p1 [tilespmem:s6], [sflag:$0x3], $0x100, $0x38;
	[tilespmem:$0x12580] =	vst v63  }
0x11a: {  	s5 =	simm.s32 @!p1 $0x3  }
0x11b: {  	_ =	swait.ge @!p1 [sflag:s5], $0x100  }
0x11c: {  	[sflag:s5] =	ssyncset.done @!p1 $0x0  }
0x11d: {  	[sflag:s5] =	ssyncadd.s32 @!p1 $0xFFFFFF00  }
.LBB2_15:
0x11e: {  	v35 =	vmul.f32 v35, v19;
	v34 =	vmul.f32 v34, v19  }
0x11f: {  	v33 =	vmul.f32 v33, v19;
	v32 =	vmul.f32 v32, v19  }
0x120: {  	v31 =	vmul.f32 v31, v19;
	v30 =	vmul.f32 v30, v19  }
0x121: {  	v29 =	vmul.f32 v29, v19;
	v28 =	vmul.f32 v28, v19  }
0x122: {  	v27 =	vmul.f32 v27, v19;
	v26 =	vmul.f32 v26, v19  }
0x123: {  	v25 =	vmul.f32 v25, v19;
	v24 =	vmul.f32 v24, v19  }
0x124: {  	p1 =	seq.s32 s21, s26;
	s5 =	simm.f32 $1.000000000e+00;
	v23 =	vmul.f32 v23, v19;
	v22 =	vmul.f32 v22, v19  }
0x125: {  	v21 =	vmul.f32 v21, v19;
	v19 =	vmul.f32 v20, v19;
	s5 =	simm.s32 @!p1 $0x0  }
0x126: {  	v14 =	vmul.f32 s5, v14;
	v16 =	vmul.f32 s5, v16  }
0x127: {  	v18 =	vmul.f32 s5, v18;
	v17 =	vmul.f32 s5, v17  }
0x128: {  	v15 =	vmul.f32 s5, v15;
	v13 =	vmul.f32 s5, v13  }
0x129: {  	v12 =	vmul.f32 s5, v12;
	v11 =	vmul.f32 s5, v11  }
0x12a: {  	v10 =	vmul.f32 s5, v10;
	v9 =	vmul.f32 s5, v9  }
0x12b: {  	v8 =	vmul.f32 s5, v8;
	v14 =	vadd.f32 v14, v35;
	v16 =	vadd.f32 v16, v34  }
0x12c: {  	s0 =	sadd.s32 $0x100, s0;
	v6 =	vmul.f32 s5, v6;
	v18 =	vadd.f32 v18, v33;
	v17 =	vadd.f32 v17, v32  }
0x12d: {  	s25 =	smov.u32 @p0 s21;
	p0 =	sne.s32 s0, $0x5000;
	v7 =	vmul.f32 s5, v7;
	v15 =	vadd.f32 v31, v15;
	v13 =	vadd.f32 v30, v13  }
.Ltmp11:
0x12e: {  	v5 =	vmul.f32 s5, v5;
	v12 =	vadd.f32 v29, v12;
	v11 =	vadd.f32 v28, v11;
	(pc) =	sbr.rel @!p0 .LBB2_16-.Ltmp11, $4  }
0x12f: {  	v4 =	vmul.f32 s5, v4;
	v10 =	vadd.f32 v27, v10;
	v9 =	vadd.f32 v26, v9  }
0x130: {  	v3 =	vmul.f32 s5, v3;
	v8 =	vadd.f32 v25, v8;
	v6 =	vadd.f32 v24, v6  }
0x131: {  	v7 =	vadd.f32 v23, v7;
	v5 =	vadd.f32 v22, v5  }
0x132: {  	s29 =	sadd.s32 $0x80, s29;
	s30 =	sadd.s32 $0x1, s30;
	s31 =	sadd.s32 $0x1, s31;
	v4 =	vadd.f32 v21, v4;
	v3 =	vadd.f32 v19, v3  }
.LBB2_11:
0x133: {  	v19 =	vld [tilespmem:s30+$0x0];
	_ =	sdelay $0x4  }
0x134: {  	(v2sf) =	vpush v19, $0x0;
	_ =	sdelay $0x3  }
0x135: {  	s5 =	sand.u32 $0x7800, s0;
	s6 =	sand.u32 $0x380, s29  }
0x136: {  	s5 =	sor.u32 s6, s5  }
0x137: {  	v35 =	vld [tilespmem:s5+$0x5000]  }
0x138: {  	v34 =	vld [tilespmem:s5+$0x5010]  }
0x139: {  	v33 =	vld [tilespmem:s5+$0x5020]  }
0x13a: {  	v32 =	vld [tilespmem:s5+$0x5030]  }
0x13b: {  	v31 =	vld [tilespmem:s5+$0x5040]  }
0x13c: {  	v30 =	vld [tilespmem:s5+$0x5050]  }
0x13d: {  	v29 =	vld [tilespmem:s5+$0x5060]  }
0x13e: {  	v28 =	vld [tilespmem:s5+$0x5070]  }
0x13f: {  	s26 =	smov.u32 s21;
	v27 =	vld [tilespmem:s5+$0x5400]  }
0x140: {  	p0 =	slt.s32 s26, $0x0;
	v26 =	vld [tilespmem:s5+$0x5410];
	s21 =	spop (v2sf)  }
0x141: {  	v25 =	vld [tilespmem:s5+$0x5420];
	p1 =	seq.s32 @!p0 s21, s26  }
0x142: {  	v24 =	vld [tilespmem:s5+$0x5430];
	p1 =	por p0, p1  }
.Ltmp12:
0x143: {  	v19 =	vld.msk [tilespmem:s31+$0x0 ss:$0x0], $0xffff;
	(pc) =	sbr.rel @p1 .LBB2_15-.Ltmp12, $4  }
0x144: {  	v23 =	vld [tilespmem:s5+$0x5440]  }
0x145: {  	v22 =	vld [tilespmem:s5+$0x5450]  }
0x146: {  	v21 =	vld [tilespmem:s5+$0x5460]  }
0x147: {  	v20 =	vld [tilespmem:s5+$0x5470]  }
0x148: {  	p1 =	sne.s32 s26, s25  }
0x149: {  	[tilespmem:$0xA300] =	vst @!p1 v14  }
0x14a: {  	[tilespmem:$0xA310] =	vst @!p1 v16  }
0x14b: {  	[tilespmem:$0xA320] =	vst @!p1 v18  }
0x14c: {  	[tilespmem:$0xA330] =	vst @!p1 v17  }
0x14d: {  	[tilespmem:$0xA340] =	vst @!p1 v15  }
0x14e: {  	[tilespmem:$0xA350] =	vst @!p1 v13  }
0x14f: {  	[tilespmem:$0xA360] =	vst @!p1 v12  }
0x150: {  	[tilespmem:$0xA370] =	vst @!p1 v11  }
0x151: {  	p2 =	seq.s32 s26, s25;
	[tilespmem:$0xA380] =	vst @!p1 v10  }
0x152: {  	[tilespmem:$0xA390] =	vst @!p1 v9;
	p3 =	slt.s32 @!p2 s21, $0x400  }
0x153: {  	[tilespmem:$0xA3A0] =	vst @!p1 v8;
	p3 =	por p2, p3  }
.Ltmp13:
0x154: {  	[tilespmem:$0xA3B0] =	vst @!p1 v6;
	(pc) =	sbr.rel @p3 .LBB2_14-.Ltmp13, $4  }
0x155: {  	[tilespmem:$0xA3C0] =	vst @!p1 v7  }
0x156: {  	[tilespmem:$0xA3D0] =	vst @!p1 v5  }
0x157: {  	[tilespmem:$0xA3E0] =	vst @!p1 v4  }
0x158: {  	[tilespmem:$0xA3F0] =	vst @!p1 v3  }
0x159: {  	[tilespmem:$0xA400] =	vst v14  }
0x15a: {  	[tilespmem:$0xA410] =	vst v16  }
0x15b: {  	[tilespmem:$0xA420] =	vst v18  }
0x15c: {  	[tilespmem:$0xA430] =	vst v17  }
0x15d: {  	[tilespmem:$0xA440] =	vst v15  }
0x15e: {  	[tilespmem:$0xA450] =	vst v13  }
0x15f: {  	[tilespmem:$0xA460] =	vst v12  }
0x160: {  	[tilespmem:$0xA470] =	vst v11  }
0x161: {  	[tilespmem:$0xA480] =	vst v10  }
0x162: {  	[tilespmem:$0xA490] =	vst v9  }
0x163: {  	[tilespmem:$0xA4A0] =	vst v8  }
0x164: {  	[tilespmem:$0xA4B0] =	vst v6  }
.Ltmp14:
0x165: {  	[tilespmem:$0xA4C0] =	vst v7;
	(pc) =	sbr.rel .LBB2_15-.Ltmp14, $4  }
0x166: {  	[tilespmem:$0xA4D0] =	vst v5  }
0x167: {  	[tilespmem:$0xA4E0] =	vst v4;
	v36 =	vmov s26  }
0x168: {  	[tilespmem:$0xA4F0] =	vst v3;
	v36 =	vnsel vm0, $0x0, v36  }
0x169: {  	[tilespmem:$0xA500] =	vst v36  }
.LBB2_18:
0x16a: {  	_ =	sfence.sel $0x180000  }
0x16b: {  	[bflag:$0x0] =	sbarrier.arrive $0xFFFF  }
0x16c: {  	_ =	strace $0x90000047  }
0x16d: {  	s0 =	stileid.u32;
	[bflag:$0x2] =	sbarrier.arrive $0xFFFF  }
0x16e: {  	p0 =	sne.s32 s0, $0x0;
	s0 =	rddreg [dreg:$0x5]  }
0x16f: {  	s0 =	sadd.s32 @!p0 $0x100000, s0  }
0x170: {  	[sflag:s0] =	ssyncadd.tile.s32 @!p0 $0x1;
	_ =	shalt  }
.Lfunc_end2:
_tile_overlayer_lowered:
.L_overlay_start_2:
0x171: {  	(tag) =	ssettag $0x2  }
0x172: {  	s0 =	rddreg [dreg:$0x0];
	s2 =	stileid.u32  }
0x173: {  	s1 =	rddreg [dreg:$0x1];
	p0 =	sne.s32 s2, $0x0  }
0x174: {  	s3 =	rddreg [dreg:$0x2];
	[bflag:$0x3] =	sbarrier.arrive $0xFFFF;
	s2 =	simm.s32 @!p0 $0x1C03  }
0x175: {  	[timem:s3], [sflag:s2] =	dma.local @!p0 [hbm:s0], s1  }
0x176: {  	s0 =	simm.s32 @!p0 $0x3  }
0x177: {  	_ =	swait.ge @!p0 [sflag:s0], s1  }
0x178: {  	s1 =	ssub.s32 @!p0 $0x0, s1;
	[sflag:s0] =	ssyncset.done @!p0 $0x0  }
0x179: {  	[sflag:s0] =	ssyncadd.s32 @!p0 s1  }
0x17a: {  	[bflag:$0x3] =	sbarrier.arrive $0xFFFF  }
0x17b: {  	_ =	shalt  }

</sc_bundles>
